<compile_context>
chip_gen: v7x
topology: tpu7x:2x2x1
jax: 0.10.2.dev20260603
libtpu: 0.0.44.dev20260713+nightly
codegen_flags: <defaults>
</compile_context>

<pallas_src>
import functools

import jax
import jax.numpy as jnp
from jax import lax
from jax.experimental import pallas as pl
from jax.experimental.pallas import tpu as pltpu
from jax.experimental.pallas import tpu_sc as plsc

_IN_H = 512
_IN_W = 512
_HW = _IN_H * _IN_W
_O = _HW
_K = 16
_B = 64
_L = 16

_NC = 2
_NS = 16
_NW = _NC * _NS
_OPW = _O // _NW
_T = 64
_STEPS = _OPW // _T
_R = _T * _K
_NG = _R // 128


def _sc_body(table, conn, w, out, connbufs, cflats, wbufs, rowsbufs, outbufs,
             gsems, csems, wsems, osems):
    wid = lax.axis_index("s") * _NC + lax.axis_index("c")
    o0 = wid * _OPW

    def flatten_conn(par):
        for k in range(_K):
            for c in range(_T // _L):
                cflats[par][pl.ds(k * _T + c * _L, _L)] = \
                    connbufs[par][k, pl.ds(c * _L, _L)]

    def issue_gathers(par):
        for j in range(_NG):
            pltpu.async_copy(
                table.at[cflats[par].at[pl.ds(j * 128, 128)]],
                rowsbufs[par].at[pl.ds(j * 128, 128)],
                gsems[par],
            )

    def start_conn(s, par):
        pltpu.async_copy(conn.at[:, pl.ds(o0 + s * _T, _T)],
                         connbufs[par], csems[par])

    def start_w(s, par):
        pltpu.async_copy(w.at[:, pl.ds(o0 + s * _T, _T)],
                         wbufs[par], wsems[par])

    def wait_conn(par):
        pltpu.make_async_copy(conn.at[:, pl.ds(0, _T)], connbufs[par],
                              csems[par]).wait()

    def wait_w(par):
        pltpu.make_async_copy(w.at[:, pl.ds(0, _T)], wbufs[par],
                              wsems[par]).wait()

    def wait_gathers(par):
        pltpu.make_async_copy(table.at[pl.ds(0, _R)], rowsbufs[par],
                              gsems[par]).wait()

    def wait_out(par):
        pltpu.make_async_copy(out.at[:, pl.ds(0, _T)], outbufs[par],
                              osems[par]).wait()

    pltpu.sync_copy(conn.at[:, pl.ds(o0, _T)], connbufs[0])
    flatten_conn(0)
    issue_gathers(0)
    start_conn(1, 1)
    start_w(0, 0)
    start_w(1, 1)

    kiota = lax.iota(jnp.int32, _L)
    eidx = [lax.iota(jnp.int32, _L) * 2 + j * 32 for j in range(_B // 32)]
    oidx = [lax.iota(jnp.int32, _L) * 2 + j * 32 + 1 for j in range(_B // 32)]

    def pair(s2, carry):
        for par in range(2):
            s = s2 * 2 + par
            parn = par ^ 1
            ob = o0 + s * _T

            wait_gathers(par)

            @pl.when(s + 2 < _STEPS)
            def _():
                start_conn(s + 2, par)

            @pl.when(s + 1 < _STEPS)
            def _():
                wait_conn(parn)
                flatten_conn(parn)
                issue_gathers(parn)

            wait_w(par)

            @pl.when(s >= 2)
            def _():
                wait_out(par)

            def emit_out(o):
                wrow = plsc.load_gather(
                    wbufs[par], [kiota, jnp.full((_L,), o, jnp.int32)])
                col = jnp.full((_L,), o, jnp.int32)
                accs = [[None] * 4 for _ in range(_B // 32)]
                for k in range(_K):
                    wk = lax.gather(
                        wrow, jnp.full((_L, 1), k, jnp.int32),
                        lax.GatherDimensionNumbers(
                            offset_dims=(), collapsed_slice_dims=(0,),
                            start_index_map=(0,)),
                        slice_sizes=(1,),
                        mode=lax.GatherScatterMode.PROMISE_IN_BOUNDS)
                    wkb = plsc.pack(wk, wk,
                                    format=plsc.PackFormat.INTERLEAVED)
                    g = k // 4
                    for j in range(_B // 32):
                        x = rowsbufs[par][k * _T + o, pl.ds(j * 32, 32)]
                        p = x * wkb
                        accs[j][g] = p if accs[j][g] is None \
                            else accs[j][g] + p
                for j in range(_B // 32):
                    a = accs[j]
                    t = (a[0] + a[1]) + (a[2] + a[3])
                    xe, xo = plsc.unpack(
                        t, format=plsc.PackFormat.INTERLEAVED)
                    plsc.store_scatter(outbufs[par], [eidx[j], col], xe)
                    plsc.store_scatter(outbufs[par], [oidx[j], col], xo)

            def four_out(i, carry2):
                for u in range(4):
                    emit_out(i * 4 + u)
                return carry2

            lax.fori_loop(0, _T // 4, four_out, 0)

            @pl.when(s + 2 < _STEPS)
            def _():
                start_w(s + 2, par)

            pltpu.async_copy(outbufs[par], out.at[:, pl.ds(ob, _T)],
                             osems[par])
        return carry

    lax.fori_loop(0, _STEPS // 2, pair, 0)
    wait_out(0)
    wait_out(1)


def kernel(input, connections, weights):
    table = input.reshape(_B, _HW).T.astype(jnp.bfloat16)

    mesh = plsc.VectorSubcoreMesh(core_axis_name="c", subcore_axis_name="s")
    fn = functools.partial(
        pl.kernel,
        mesh=mesh,
        out_type=jax.ShapeDtypeStruct((_B, _O), jnp.float32),
        scratch_types=[
            [pltpu.VMEM((_K, _T), jnp.int32) for _ in range(2)],
            [pltpu.VMEM((_R,), jnp.int32) for _ in range(2)],
            [pltpu.VMEM((_K, _T), jnp.float32) for _ in range(2)],
            [pltpu.VMEM((_R, _B), jnp.bfloat16) for _ in range(2)],
            [pltpu.VMEM((_B, _T), jnp.float32) for _ in range(2)],
            [pltpu.SemaphoreType.DMA for _ in range(2)],
            [pltpu.SemaphoreType.DMA for _ in range(2)],
            [pltpu.SemaphoreType.DMA for _ in range(2)],
            [pltpu.SemaphoreType.DMA for _ in range(2)],
        ],
        compiler_params=pltpu.CompilerParams(
            use_tc_tiling_on_sc=False,
            needs_layout_passes=False,
        ),
    )(_sc_body)
    out = fn(table, connections.T, weights.T)
    return out.reshape(_B, _IN_H, _IN_W)

# --- scband reference (transcript-rebuilt; emitter-appended) ---
"""Pipeline reference for scband-positional-sparse-linear2d-79121887527367 (READ-ONLY COPY).

The authoritative reference and input builder live on the scoring server;
editing this copy changes nothing except your own understanding.
"""

import jax, jax.numpy as jnp
import numpy as np

IN_H, IN_W = 512, 512
OUT_H, OUT_W = 512, 512
K = 16
B = 64


def setup_inputs(seed: int = 0) -> dict:
    key = jax.random.key(seed)
    k1, k2, k3 = jax.random.split(key, 3)
    inp = jax.random.normal(k1, (B, IN_H, IN_W), dtype=jnp.float32)
    # no_position_influence=True -> connections are uniform random indices into the flat input
    connections = jax.random.randint(k2, (OUT_H * OUT_W, K), 0, IN_H * IN_W, dtype=jnp.int32)
    bound = 1.0 / np.sqrt(K)
    weights = jax.random.uniform(k3, (OUT_H * OUT_W, K), minval=-bound, maxval=bound, dtype=jnp.float32)
    return {"input": inp, "connections": connections, "weights": weights}


def reference(input, connections, weights):
    # output[b, o] = sum_k input_flat[b, connections[o, k]] * weights[o, k]
    Bsz = input.shape[0]
    inp_flat = input.reshape(Bsz, -1)
    O = connections.shape[0]

    def step(acc, cw):
        ck, wk = cw  # ck: (O,) int32 gather indices; wk: (O,) float32 weights
        gathered = jnp.take(inp_flat, ck, axis=1)  # (B, O) gather
        return acc + gathered * wk[None, :], None

    init = jnp.zeros((Bsz, O), dtype=input.dtype)
    acc, _ = jax.lax.scan(step, init, (connections.T, weights.T))
    return acc.reshape(Bsz, OUT_H, OUT_W)

if __name__ == "__main__":
    import jax
    _d = setup_inputs()
    print(jax.jit(kernel)(*tuple(_d.values())))

</pallas_src>

<mosaic_0001>
#map = affine_map<(d0, d1) -> (0, 0)>
module attributes {stable_mosaic.version = 14 : i64} {
  func.func @_sc_body(%arg0: i32, %arg1: i32, %arg2: memref<262144x64xbf16, #tpu.memory_space<hbm>>, %arg3: memref<16x262144xi32, #tpu.memory_space<hbm>>, %arg4: memref<16x262144xf32, #tpu.memory_space<hbm>>, %arg5: memref<64x262144xf32, #tpu.memory_space<hbm>>, %arg6: memref<16x64xi32, #tpu.memory_space<vmem>>, %arg7: memref<16x64xi32, #tpu.memory_space<vmem>>, %arg8: memref<1024xi32, #tpu.memory_space<vmem>>, %arg9: memref<1024xi32, #tpu.memory_space<vmem>>, %arg10: memref<16x64xf32, #tpu.memory_space<vmem>>, %arg11: memref<16x64xf32, #tpu.memory_space<vmem>>, %arg12: memref<1024x64xbf16, #tpu.memory_space<vmem>>, %arg13: memref<1024x64xbf16, #tpu.memory_space<vmem>>, %arg14: memref<64x64xf32, #tpu.memory_space<vmem>>, %arg15: memref<64x64xf32, #tpu.memory_space<vmem>>, %arg16: memref<!tpu.dma_semaphore, #tpu.memory_space<semaphore_mem>>, %arg17: memref<!tpu.dma_semaphore, #tpu.memory_space<semaphore_mem>>, %arg18: memref<!tpu.dma_semaphore, #tpu.memory_space<semaphore_mem>>, %arg19: memref<!tpu.dma_semaphore, #tpu.memory_space<semaphore_mem>>, %arg20: memref<!tpu.dma_semaphore, #tpu.memory_space<semaphore_mem>>, %arg21: memref<!tpu.dma_semaphore, #tpu.memory_space<semaphore_mem>>, %arg22: memref<!tpu.dma_semaphore, #tpu.memory_space<semaphore_mem>>, %arg23: memref<!tpu.dma_semaphore, #tpu.memory_space<semaphore_mem>>) attributes {dimension_semantics = [#tpu.dimension_semantics<core_parallel>, #tpu.dimension_semantics<subcore_parallel>], iteration_bounds = array<i64: 2, 16>, scalar_prefetch = 0 : i64, scratch_operands = 18 : i64, tpu.core_type = #tpu.core_type<sc_vector_subcore>, window_params = [{transform_indices = #map}, {transform_indices = #map}, {transform_indices = #map}, {transform_indices = #map}]} {
    %mul3A = arith.constant 2 : i32
    %mul3A_0 = arith.muli %arg1, %mul3A : i32
    %add3A = arith.addi %mul3A_0, %arg0 : i32
    %mul3A_1 = arith.constant 8192 : i32
    %mul3A_2 = arith.muli %add3A, %mul3A_1 : i32
    "tpu.region"() ({
      %run_scoped3A = tpu.sem_alloc : memref<!tpu.dma_semaphore, #tpu.memory_space<semaphore_mem>>
      %dma_start3A_516 = arith.constant 0 : i32
      %dma_start3A_517 = tpu.memref_slice %arg3[%dma_start3A_516, %mul3A_2] : memref<16x262144xi32, #tpu.memory_space<hbm>> -> memref<16x64xi32, #tpu.memory_space<hbm>>
      %dma_start3A_518 = arith.constant 0 : i32
      %dma_start3A_519 = tpu.memref_slice %arg3[%dma_start3A_518, %mul3A_2] : memref<16x262144xi32, #tpu.memory_space<hbm>> -> memref<16x64xi32, #tpu.memory_space<hbm>>
      tpu.enqueue_dma source(%dma_start3A_519 : memref<16x64xi32, #tpu.memory_space<hbm>>) target(%arg6 : memref<16x64xi32, #tpu.memory_space<vmem>>) target_semaphore(%run_scoped3A : memref<!tpu.dma_semaphore, #tpu.memory_space<semaphore_mem>>)
      %dma_wait3A_520 = arith.constant 0 : i32
      %dma_wait3A_521 = tpu.memref_slice %arg3[%dma_wait3A_520, %mul3A_2] : memref<16x262144xi32, #tpu.memory_space<hbm>> -> memref<16x64xi32, #tpu.memory_space<hbm>>
      %dma_wait3A_522 = arith.constant 0 : i32
      %dma_wait3A_523 = tpu.memref_slice %arg3[%dma_wait3A_522, %mul3A_2] : memref<16x262144xi32, #tpu.memory_space<hbm>> -> memref<16x64xi32, #tpu.memory_space<hbm>>
      tpu.wait_dma2 semaphore(%run_scoped3A : memref<!tpu.dma_semaphore, #tpu.memory_space<semaphore_mem>>) src(%dma_wait3A_523 : memref<16x64xi32, #tpu.memory_space<hbm>>) dst(%arg6 : memref<16x64xi32, #tpu.memory_space<vmem>>)
      tpu.yield
    }) : () -> ()
    %get3A = arith.constant 0 : i32
    %get3A_3 = arith.index_cast %get3A : i32 to index
    %get3A_4 = arith.constant 0 : index
    %get3A_5 = tpu.vector_load %arg6[%get3A_3, %get3A_4] {strides = array<i32>} : memref<16x64xi32, #tpu.memory_space<vmem>>, vector<16xi32>,
    %swap3A = arith.constant 0 : index
    %swap3A_6 = tpu.vector_load %arg8[%swap3A] {strides = array<i32>} : memref<1024xi32, #tpu.memory_space<vmem>>, vector<16xi32>,
    tpu.vector_store %arg8[%swap3A], %get3A_5 {strides = array<i32>} : memref<1024xi32, #tpu.memory_space<vmem>>, vector<16xi32>,
    %get3A_7 = arith.constant 0 : i32
    %get3A_8 = arith.index_cast %get3A_7 : i32 to index
    %get3A_9 = arith.constant 16 : index
    %get3A_10 = tpu.vector_load %arg6[%get3A_8, %get3A_9] {strides = array<i32>} : memref<16x64xi32, #tpu.memory_space<vmem>>, vector<16xi32>,
    %swap3A_11 = arith.constant 16 : index
    %swap3A_12 = tpu.vector_load %arg8[%swap3A_11] {strides = array<i32>} : memref<1024xi32, #tpu.memory_space<vmem>>, vector<16xi32>,
    tpu.vector_store %arg8[%swap3A_11], %get3A_10 {strides = array<i32>} : memref<1024xi32, #tpu.memory_space<vmem>>, vector<16xi32>,
    %get3A_13 = arith.constant 0 : i32
    %get3A_14 = arith.index_cast %get3A_13 : i32 to index
    %get3A_15 = arith.constant 32 : index
    %get3A_16 = tpu.vector_load %arg6[%get3A_14, %get3A_15] {strides = array<i32>} : memref<16x64xi32, #tpu.memory_space<vmem>>, vector<16xi32>,
    %swap3A_17 = arith.constant 32 : index
    %swap3A_18 = tpu.vector_load %arg8[%swap3A_17] {strides = array<i32>} : memref<1024xi32, #tpu.memory_space<vmem>>, vector<16xi32>,
    tpu.vector_store %arg8[%swap3A_17], %get3A_16 {strides = array<i32>} : memref<1024xi32, #tpu.memory_space<vmem>>, vector<16xi32>,
    %get3A_19 = arith.constant 0 : i32
    %get3A_20 = arith.index_cast %get3A_19 : i32 to index
    %get3A_21 = arith.constant 48 : index
    %get3A_22 = tpu.vector_load %arg6[%get3A_20, %get3A_21] {strides = array<i32>} : memref<16x64xi32, #tpu.memory_space<vmem>>, vector<16xi32>,
    %swap3A_23 = arith.constant 48 : index
    %swap3A_24 = tpu.vector_load %arg8[%swap3A_23] {strides = array<i32>} : memref<1024xi32, #tpu.memory_space<vmem>>, vector<16xi32>,
    tpu.vector_store %arg8[%swap3A_23], %get3A_22 {strides = array<i32>} : memref<1024xi32, #tpu.memory_space<vmem>>, vector<16xi32>,
    %get3A_25 = arith.constant 1 : i32
    %get3A_26 = arith.index_cast %get3A_25 : i32 to index
    %get3A_27 = arith.constant 0 : index
    %get3A_28 = tpu.vector_load %arg6[%get3A_26, %get3A_27] {strides = array<i32>} : memref<16x64xi32, #tpu.memory_space<vmem>>, vector<16xi32>,
    %swap3A_29 = arith.constant 64 : index
    %swap3A_30 = tpu.vector_load %arg8[%swap3A_29] {strides = array<i32>} : memref<1024xi32, #tpu.memory_space<vmem>>, vector<16xi32>,
    tpu.vector_store %arg8[%swap3A_29], %get3A_28 {strides = array<i32>} : memref<1024xi32, #tpu.memory_space<vmem>>, vector<16xi32>,
    %get3A_31 = arith.constant 1 : i32
    %get3A_32 = arith.index_cast %get3A_31 : i32 to index
    %get3A_33 = arith.constant 16 : index
    %get3A_34 = tpu.vector_load %arg6[%get3A_32, %get3A_33] {strides = array<i32>} : memref<16x64xi32, #tpu.memory_space<vmem>>, vector<16xi32>,
    %swap3A_35 = arith.constant 80 : index
    %swap3A_36 = tpu.vector_load %arg8[%swap3A_35] {strides = array<i32>} : memref<1024xi32, #tpu.memory_space<vmem>>, vector<16xi32>,
    tpu.vector_store %arg8[%swap3A_35], %get3A_34 {strides = array<i32>} : memref<1024xi32, #tpu.memory_space<vmem>>, vector<16xi32>,
    %get3A_37 = arith.constant 1 : i32
    %get3A_38 = arith.index_cast %get3A_37 : i32 to index
    %get3A_39 = arith.constant 32 : index
    %get3A_40 = tpu.vector_load %arg6[%get3A_38, %get3A_39] {strides = array<i32>} : memref<16x64xi32, #tpu.memory_space<vmem>>, vector<16xi32>,
    %swap3A_41 = arith.constant 96 : index
    %swap3A_42 = tpu.vector_load %arg8[%swap3A_41] {strides = array<i32>} : memref<1024xi32, #tpu.memory_space<vmem>>, vector<16xi32>,
    tpu.vector_store %arg8[%swap3A_41], %get3A_40 {strides = array<i32>} : memref<1024xi32, #tpu.memory_space<vmem>>, vector<16xi32>,
    %get3A_43 = arith.constant 1 : i32
    %get3A_44 = arith.index_cast %get3A_43 : i32 to index
    %get3A_45 = arith.constant 48 : index
    %get3A_46 = tpu.vector_load %arg6[%get3A_44, %get3A_45] {strides = array<i32>} : memref<16x64xi32, #tpu.memory_space<vmem>>, vector<16xi32>,
    %swap3A_47 = arith.constant 112 : index
    %swap3A_48 = tpu.vector_load %arg8[%swap3A_47] {strides = array<i32>} : memref<1024xi32, #tpu.memory_space<vmem>>, vector<16xi32>,
    tpu.vector_store %arg8[%swap3A_47], %get3A_46 {strides = array<i32>} : memref<1024xi32, #tpu.memory_space<vmem>>, vector<16xi32>,
    %get3A_49 = arith.constant 2 : i32
    %get3A_50 = arith.index_cast %get3A_49 : i32 to index
    %get3A_51 = arith.constant 0 : index
    %get3A_52 = tpu.vector_load %arg6[%get3A_50, %get3A_51] {strides = array<i32>} : memref<16x64xi32, #tpu.memory_space<vmem>>, vector<16xi32>,
    %swap3A_53 = arith.constant 128 : index
    %swap3A_54 = tpu.vector_load %arg8[%swap3A_53] {strides = array<i32>} : memref<1024xi32, #tpu.memory_space<vmem>>, vector<16xi32>,
    tpu.vector_store %arg8[%swap3A_53], %get3A_52 {strides = array<i32>} : memref<1024xi32, #tpu.memory_space<vmem>>, vector<16xi32>,
    %get3A_55 = arith.constant 2 : i32
    %get3A_56 = arith.index_cast %get3A_55 : i32 to index
    %get3A_57 = arith.constant 16 : index
    %get3A_58 = tpu.vector_load %arg6[%get3A_56, %get3A_57] {strides = array<i32>} : memref<16x64xi32, #tpu.memory_space<vmem>>, vector<16xi32>,
    %swap3A_59 = arith.constant 144 : index
    %swap3A_60 = tpu.vector_load %arg8[%swap3A_59] {strides = array<i32>} : memref<1024xi32, #tpu.memory_space<vmem>>, vector<16xi32>,
    tpu.vector_store %arg8[%swap3A_59], %get3A_58 {strides = array<i32>} : memref<1024xi32, #tpu.memory_space<vmem>>, vector<16xi32>,
    %get3A_61 = arith.constant 2 : i32
    %get3A_62 = arith.index_cast %get3A_61 : i32 to index
    %get3A_63 = arith.constant 32 : index
    %get3A_64 = tpu.vector_load %arg6[%get3A_62, %get3A_63] {strides = array<i32>} : memref<16x64xi32, #tpu.memory_space<vmem>>, vector<16xi32>,
    %swap3A_65 = arith.constant 160 : index
    %swap3A_66 = tpu.vector_load %arg8[%swap3A_65] {strides = array<i32>} : memref<1024xi32, #tpu.memory_space<vmem>>, vector<16xi32>,
    tpu.vector_store %arg8[%swap3A_65], %get3A_64 {strides = array<i32>} : memref<1024xi32, #tpu.memory_space<vmem>>, vector<16xi32>,
    %get3A_67 = arith.constant 2 : i32
    %get3A_68 = arith.index_cast %get3A_67 : i32 to index
    %get3A_69 = arith.constant 48 : index
    %get3A_70 = tpu.vector_load %arg6[%get3A_68, %get3A_69] {strides = array<i32>} : memref<16x64xi32, #tpu.memory_space<vmem>>, vector<16xi32>,
    %swap3A_71 = arith.constant 176 : index
    %swap3A_72 = tpu.vector_load %arg8[%swap3A_71] {strides = array<i32>} : memref<1024xi32, #tpu.memory_space<vmem>>, vector<16xi32>,
    tpu.vector_store %arg8[%swap3A_71], %get3A_70 {strides = array<i32>} : memref<1024xi32, #tpu.memory_space<vmem>>, vector<16xi32>,
    %get3A_73 = arith.constant 3 : i32
    %get3A_74 = arith.index_cast %get3A_73 : i32 to index
    %get3A_75 = arith.constant 0 : index
    %get3A_76 = tpu.vector_load %arg6[%get3A_74, %get3A_75] {strides = array<i32>} : memref<16x64xi32, #tpu.memory_space<vmem>>, vector<16xi32>,
    %swap3A_77 = arith.constant 192 : index
    %swap3A_78 = tpu.vector_load %arg8[%swap3A_77] {strides = array<i32>} : memref<1024xi32, #tpu.memory_space<vmem>>, vector<16xi32>,
    tpu.vector_store %arg8[%swap3A_77], %get3A_76 {strides = array<i32>} : memref<1024xi32, #tpu.memory_space<vmem>>, vector<16xi32>,
    %get3A_79 = arith.constant 3 : i32
    %get3A_80 = arith.index_cast %get3A_79 : i32 to index
    %get3A_81 = arith.constant 16 : index
    %get3A_82 = tpu.vector_load %arg6[%get3A_80, %get3A_81] {strides = array<i32>} : memref<16x64xi32, #tpu.memory_space<vmem>>, vector<16xi32>,
    %swap3A_83 = arith.constant 208 : index
    %swap3A_84 = tpu.vector_load %arg8[%swap3A_83] {strides = array<i32>} : memref<1024xi32, #tpu.memory_space<vmem>>, vector<16xi32>,
    tpu.vector_store %arg8[%swap3A_83], %get3A_82 {strides = array<i32>} : memref<1024xi32, #tpu.memory_space<vmem>>, vector<16xi32>,
    %get3A_85 = arith.constant 3 : i32
    %get3A_86 = arith.index_cast %get3A_85 : i32 to index
    %get3A_87 = arith.constant 32 : index
    %get3A_88 = tpu.vector_load %arg6[%get3A_86, %get3A_87] {strides = array<i32>} : memref<16x64xi32, #tpu.memory_space<vmem>>, vector<16xi32>,
    %swap3A_89 = arith.constant 224 : index
    %swap3A_90 = tpu.vector_load %arg8[%swap3A_89] {strides = array<i32>} : memref<1024xi32, #tpu.memory_space<vmem>>, vector<16xi32>,
    tpu.vector_store %arg8[%swap3A_89], %get3A_88 {strides = array<i32>} : memref<1024xi32, #tpu.memory_space<vmem>>, vector<16xi32>,
    %get3A_91 = arith.constant 3 : i32
    %get3A_92 = arith.index_cast %get3A_91 : i32 to index
    %get3A_93 = arith.constant 48 : index
    %get3A_94 = tpu.vector_load %arg6[%get3A_92, %get3A_93] {strides = array<i32>} : memref<16x64xi32, #tpu.memory_space<vmem>>, vector<16xi32>,
    %swap3A_95 = arith.constant 240 : index
    %swap3A_96 = tpu.vector_load %arg8[%swap3A_95] {strides = array<i32>} : memref<1024xi32, #tpu.memory_space<vmem>>, vector<16xi32>,
    tpu.vector_store %arg8[%swap3A_95], %get3A_94 {strides = array<i32>} : memref<1024xi32, #tpu.memory_space<vmem>>, vector<16xi32>,
    %get3A_97 = arith.constant 4 : i32
    %get3A_98 = arith.index_cast %get3A_97 : i32 to index
    %get3A_99 = arith.constant 0 : index
    %get3A_100 = tpu.vector_load %arg6[%get3A_98, %get3A_99] {strides = array<i32>} : memref<16x64xi32, #tpu.memory_space<vmem>>, vector<16xi32>,
    %swap3A_101 = arith.constant 256 : index
    %swap3A_102 = tpu.vector_load %arg8[%swap3A_101] {strides = array<i32>} : memref<1024xi32, #tpu.memory_space<vmem>>, vector<16xi32>,
    tpu.vector_store %arg8[%swap3A_101], %get3A_100 {strides = array<i32>} : memref<1024xi32, #tpu.memory_space<vmem>>, vector<16xi32>,
    %get3A_103 = arith.constant 4 : i32
    %get3A_104 = arith.index_cast %get3A_103 : i32 to index
    %get3A_105 = arith.constant 16 : index
    %get3A_106 = tpu.vector_load %arg6[%get3A_104, %get3A_105] {strides = array<i32>} : memref<16x64xi32, #tpu.memory_space<vmem>>, vector<16xi32>,
    %swap3A_107 = arith.constant 272 : index
    %swap3A_108 = tpu.vector_load %arg8[%swap3A_107] {strides = array<i32>} : memref<1024xi32, #tpu.memory_space<vmem>>, vector<16xi32>,
    tpu.vector_store %arg8[%swap3A_107], %get3A_106 {strides = array<i32>} : memref<1024xi32, #tpu.memory_space<vmem>>, vector<16xi32>,
    %get3A_109 = arith.constant 4 : i32
    %get3A_110 = arith.index_cast %get3A_109 : i32 to index
    %get3A_111 = arith.constant 32 : index
    %get3A_112 = tpu.vector_load %arg6[%get3A_110, %get3A_111] {strides = array<i32>} : memref<16x64xi32, #tpu.memory_space<vmem>>, vector<16xi32>,
    %swap3A_113 = arith.constant 288 : index
    %swap3A_114 = tpu.vector_load %arg8[%swap3A_113] {strides = array<i32>} : memref<1024xi32, #tpu.memory_space<vmem>>, vector<16xi32>,
    tpu.vector_store %arg8[%swap3A_113], %get3A_112 {strides = array<i32>} : memref<1024xi32, #tpu.memory_space<vmem>>, vector<16xi32>,
    %get3A_115 = arith.constant 4 : i32
    %get3A_116 = arith.index_cast %get3A_115 : i32 to index
    %get3A_117 = arith.constant 48 : index
    %get3A_118 = tpu.vector_load %arg6[%get3A_116, %get3A_117] {strides = array<i32>} : memref<16x64xi32, #tpu.memory_space<vmem>>, vector<16xi32>,
    %swap3A_119 = arith.constant 304 : index
    %swap3A_120 = tpu.vector_load %arg8[%swap3A_119] {strides = array<i32>} : memref<1024xi32, #tpu.memory_space<vmem>>, vector<16xi32>,
    tpu.vector_store %arg8[%swap3A_119], %get3A_118 {strides = array<i32>} : memref<1024xi32, #tpu.memory_space<vmem>>, vector<16xi32>,
    %get3A_121 = arith.constant 5 : i32
    %get3A_122 = arith.index_cast %get3A_121 : i32 to index
    %get3A_123 = arith.constant 0 : index
    %get3A_124 = tpu.vector_load %arg6[%get3A_122, %get3A_123] {strides = array<i32>} : memref<16x64xi32, #tpu.memory_space<vmem>>, vector<16xi32>,
    %swap3A_125 = arith.constant 320 : index
    %swap3A_126 = tpu.vector_load %arg8[%swap3A_125] {strides = array<i32>} : memref<1024xi32, #tpu.memory_space<vmem>>, vector<16xi32>,
    tpu.vector_store %arg8[%swap3A_125], %get3A_124 {strides = array<i32>} : memref<1024xi32, #tpu.memory_space<vmem>>, vector<16xi32>,
    %get3A_127 = arith.constant 5 : i32
    %get3A_128 = arith.index_cast %get3A_127 : i32 to index
    %get3A_129 = arith.constant 16 : index
    %get3A_130 = tpu.vector_load %arg6[%get3A_128, %get3A_129] {strides = array<i32>} : memref<16x64xi32, #tpu.memory_space<vmem>>, vector<16xi32>,
    %swap3A_131 = arith.constant 336 : index
    %swap3A_132 = tpu.vector_load %arg8[%swap3A_131] {strides = array<i32>} : memref<1024xi32, #tpu.memory_space<vmem>>, vector<16xi32>,
    tpu.vector_store %arg8[%swap3A_131], %get3A_130 {strides = array<i32>} : memref<1024xi32, #tpu.memory_space<vmem>>, vector<16xi32>,
    %get3A_133 = arith.constant 5 : i32
    %get3A_134 = arith.index_cast %get3A_133 : i32 to index
    %get3A_135 = arith.constant 32 : index
    %get3A_136 = tpu.vector_load %arg6[%get3A_134, %get3A_135] {strides = array<i32>} : memref<16x64xi32, #tpu.memory_space<vmem>>, vector<16xi32>,
    %swap3A_137 = arith.constant 352 : index
    %swap3A_138 = tpu.vector_load %arg8[%swap3A_137] {strides = array<i32>} : memref<1024xi32, #tpu.memory_space<vmem>>, vector<16xi32>,
    tpu.vector_store %arg8[%swap3A_137], %get3A_136 {strides = array<i32>} : memref<1024xi32, #tpu.memory_space<vmem>>, vector<16xi32>,
    %get3A_139 = arith.constant 5 : i32
    %get3A_140 = arith.index_cast %get3A_139 : i32 to index
    %get3A_141 = arith.constant 48 : index
    %get3A_142 = tpu.vector_load %arg6[%get3A_140, %get3A_141] {strides = array<i32>} : memref<16x64xi32, #tpu.memory_space<vmem>>, vector<16xi32>,
    %swap3A_143 = arith.constant 368 : index
    %swap3A_144 = tpu.vector_load %arg8[%swap3A_143] {strides = array<i32>} : memref<1024xi32, #tpu.memory_space<vmem>>, vector<16xi32>,
    tpu.vector_store %arg8[%swap3A_143], %get3A_142 {strides = array<i32>} : memref<1024xi32, #tpu.memory_space<vmem>>, vector<16xi32>,
    %get3A_145 = arith.constant 6 : i32
    %get3A_146 = arith.index_cast %get3A_145 : i32 to index
    %get3A_147 = arith.constant 0 : index
    %get3A_148 = tpu.vector_load %arg6[%get3A_146, %get3A_147] {strides = array<i32>} : memref<16x64xi32, #tpu.memory_space<vmem>>, vector<16xi32>,
    %swap3A_149 = arith.constant 384 : index
    %swap3A_150 = tpu.vector_load %arg8[%swap3A_149] {strides = array<i32>} : memref<1024xi32, #tpu.memory_space<vmem>>, vector<16xi32>,
    tpu.vector_store %arg8[%swap3A_149], %get3A_148 {strides = array<i32>} : memref<1024xi32, #tpu.memory_space<vmem>>, vector<16xi32>,
    %get3A_151 = arith.constant 6 : i32
    %get3A_152 = arith.index_cast %get3A_151 : i32 to index
    %get3A_153 = arith.constant 16 : index
    %get3A_154 = tpu.vector_load %arg6[%get3A_152, %get3A_153] {strides = array<i32>} : memref<16x64xi32, #tpu.memory_space<vmem>>, vector<16xi32>,
    %swap3A_155 = arith.constant 400 : index
    %swap3A_156 = tpu.vector_load %arg8[%swap3A_155] {strides = array<i32>} : memref<1024xi32, #tpu.memory_space<vmem>>, vector<16xi32>,
    tpu.vector_store %arg8[%swap3A_155], %get3A_154 {strides = array<i32>} : memref<1024xi32, #tpu.memory_space<vmem>>, vector<16xi32>,
    %get3A_157 = arith.constant 6 : i32
    %get3A_158 = arith.index_cast %get3A_157 : i32 to index
    %get3A_159 = arith.constant 32 : index
    %get3A_160 = tpu.vector_load %arg6[%get3A_158, %get3A_159] {strides = array<i32>} : memref<16x64xi32, #tpu.memory_space<vmem>>, vector<16xi32>,
    %swap3A_161 = arith.constant 416 : index
    %swap3A_162 = tpu.vector_load %arg8[%swap3A_161] {strides = array<i32>} : memref<1024xi32, #tpu.memory_space<vmem>>, vector<16xi32>,
    tpu.vector_store %arg8[%swap3A_161], %get3A_160 {strides = array<i32>} : memref<1024xi32, #tpu.memory_space<vmem>>, vector<16xi32>,
    %get3A_163 = arith.constant 6 : i32
    %get3A_164 = arith.index_cast %get3A_163 : i32 to index
    %get3A_165 = arith.constant 48 : index
    %get3A_166 = tpu.vector_load %arg6[%get3A_164, %get3A_165] {strides = array<i32>} : memref<16x64xi32, #tpu.memory_space<vmem>>, vector<16xi32>,
    %swap3A_167 = arith.constant 432 : index
    %swap3A_168 = tpu.vector_load %arg8[%swap3A_167] {strides = array<i32>} : memref<1024xi32, #tpu.memory_space<vmem>>, vector<16xi32>,
    tpu.vector_store %arg8[%swap3A_167], %get3A_166 {strides = array<i32>} : memref<1024xi32, #tpu.memory_space<vmem>>, vector<16xi32>,
    %get3A_169 = arith.constant 7 : i32
    %get3A_170 = arith.index_cast %get3A_169 : i32 to index
    %get3A_171 = arith.constant 0 : index
    %get3A_172 = tpu.vector_load %arg6[%get3A_170, %get3A_171] {strides = array<i32>} : memref<16x64xi32, #tpu.memory_space<vmem>>, vector<16xi32>,
    %swap3A_173 = arith.constant 448 : index
    %swap3A_174 = tpu.vector_load %arg8[%swap3A_173] {strides = array<i32>} : memref<1024xi32, #tpu.memory_space<vmem>>, vector<16xi32>,
    tpu.vector_store %arg8[%swap3A_173], %get3A_172 {strides = array<i32>} : memref<1024xi32, #tpu.memory_space<vmem>>, vector<16xi32>,
    %get3A_175 = arith.constant 7 : i32
    %get3A_176 = arith.index_cast %get3A_175 : i32 to index
    %get3A_177 = arith.constant 16 : index
    %get3A_178 = tpu.vector_load %arg6[%get3A_176, %get3A_177] {strides = array<i32>} : memref<16x64xi32, #tpu.memory_space<vmem>>, vector<16xi32>,
    %swap3A_179 = arith.constant 464 : index
    %swap3A_180 = tpu.vector_load %arg8[%swap3A_179] {strides = array<i32>} : memref<1024xi32, #tpu.memory_space<vmem>>, vector<16xi32>,
    tpu.vector_store %arg8[%swap3A_179], %get3A_178 {strides = array<i32>} : memref<1024xi32, #tpu.memory_space<vmem>>, vector<16xi32>,
    %get3A_181 = arith.constant 7 : i32
    %get3A_182 = arith.index_cast %get3A_181 : i32 to index
    %get3A_183 = arith.constant 32 : index
    %get3A_184 = tpu.vector_load %arg6[%get3A_182, %get3A_183] {strides = array<i32>} : memref<16x64xi32, #tpu.memory_space<vmem>>, vector<16xi32>,
    %swap3A_185 = arith.constant 480 : index
    %swap3A_186 = tpu.vector_load %arg8[%swap3A_185] {strides = array<i32>} : memref<1024xi32, #tpu.memory_space<vmem>>, vector<16xi32>,
    tpu.vector_store %arg8[%swap3A_185], %get3A_184 {strides = array<i32>} : memref<1024xi32, #tpu.memory_space<vmem>>, vector<16xi32>,
    %get3A_187 = arith.constant 7 : i32
    %get3A_188 = arith.index_cast %get3A_187 : i32 to index
    %get3A_189 = arith.constant 48 : index
    %get3A_190 = tpu.vector_load %arg6[%get3A_188, %get3A_189] {strides = array<i32>} : memref<16x64xi32, #tpu.memory_space<vmem>>, vector<16xi32>,
    %swap3A_191 = arith.constant 496 : index
    %swap3A_192 = tpu.vector_load %arg8[%swap3A_191] {strides = array<i32>} : memref<1024xi32, #tpu.memory_space<vmem>>, vector<16xi32>,
    tpu.vector_store %arg8[%swap3A_191], %get3A_190 {strides = array<i32>} : memref<1024xi32, #tpu.memory_space<vmem>>, vector<16xi32>,
    %get3A_193 = arith.constant 8 : i32
    %get3A_194 = arith.index_cast %get3A_193 : i32 to index
    %get3A_195 = arith.constant 0 : index
    %get3A_196 = tpu.vector_load %arg6[%get3A_194, %get3A_195] {strides = array<i32>} : memref<16x64xi32, #tpu.memory_space<vmem>>, vector<16xi32>,
    %swap3A_197 = arith.constant 512 : index
    %swap3A_198 = tpu.vector_load %arg8[%swap3A_197] {strides = array<i32>} : memref<1024xi32, #tpu.memory_space<vmem>>, vector<16xi32>,
    tpu.vector_store %arg8[%swap3A_197], %get3A_196 {strides = array<i32>} : memref<1024xi32, #tpu.memory_space<vmem>>, vector<16xi32>,
    %get3A_199 = arith.constant 8 : i32
    %get3A_200 = arith.index_cast %get3A_199 : i32 to index
    %get3A_201 = arith.constant 16 : index
    %get3A_202 = tpu.vector_load %arg6[%get3A_200, %get3A_201] {strides = array<i32>} : memref<16x64xi32, #tpu.memory_space<vmem>>, vector<16xi32>,
    %swap3A_203 = arith.constant 528 : index
    %swap3A_204 = tpu.vector_load %arg8[%swap3A_203] {strides = array<i32>} : memref<1024xi32, #tpu.memory_space<vmem>>, vector<16xi32>,
    tpu.vector_store %arg8[%swap3A_203], %get3A_202 {strides = array<i32>} : memref<1024xi32, #tpu.memory_space<vmem>>, vector<16xi32>,
    %get3A_205 = arith.constant 8 : i32
    %get3A_206 = arith.index_cast %get3A_205 : i32 to index
    %get3A_207 = arith.constant 32 : index
    %get3A_208 = tpu.vector_load %arg6[%get3A_206, %get3A_207] {strides = array<i32>} : memref<16x64xi32, #tpu.memory_space<vmem>>, vector<16xi32>,
    %swap3A_209 = arith.constant 544 : index
    %swap3A_210 = tpu.vector_load %arg8[%swap3A_209] {strides = array<i32>} : memref<1024xi32, #tpu.memory_space<vmem>>, vector<16xi32>,
    tpu.vector_store %arg8[%swap3A_209], %get3A_208 {strides = array<i32>} : memref<1024xi32, #tpu.memory_space<vmem>>, vector<16xi32>,
    %get3A_211 = arith.constant 8 : i32
    %get3A_212 = arith.index_cast %get3A_211 : i32 to index
    %get3A_213 = arith.constant 48 : index
    %get3A_214 = tpu.vector_load %arg6[%get3A_212, %get3A_213] {strides = array<i32>} : memref<16x64xi32, #tpu.memory_space<vmem>>, vector<16xi32>,
    %swap3A_215 = arith.constant 560 : index
    %swap3A_216 = tpu.vector_load %arg8[%swap3A_215] {strides = array<i32>} : memref<1024xi32, #tpu.memory_space<vmem>>, vector<16xi32>,
    tpu.vector_store %arg8[%swap3A_215], %get3A_214 {strides = array<i32>} : memref<1024xi32, #tpu.memory_space<vmem>>, vector<16xi32>,
    %get3A_217 = arith.constant 9 : i32
    %get3A_218 = arith.index_cast %get3A_217 : i32 to index
    %get3A_219 = arith.constant 0 : index
    %get3A_220 = tpu.vector_load %arg6[%get3A_218, %get3A_219] {strides = array<i32>} : memref<16x64xi32, #tpu.memory_space<vmem>>, vector<16xi32>,
    %swap3A_221 = arith.constant 576 : index
    %swap3A_222 = tpu.vector_load %arg8[%swap3A_221] {strides = array<i32>} : memref<1024xi32, #tpu.memory_space<vmem>>, vector<16xi32>,
    tpu.vector_store %arg8[%swap3A_221], %get3A_220 {strides = array<i32>} : memref<1024xi32, #tpu.memory_space<vmem>>, vector<16xi32>,
    %get3A_223 = arith.constant 9 : i32
    %get3A_224 = arith.index_cast %get3A_223 : i32 to index
    %get3A_225 = arith.constant 16 : index
    %get3A_226 = tpu.vector_load %arg6[%get3A_224, %get3A_225] {strides = array<i32>} : memref<16x64xi32, #tpu.memory_space<vmem>>, vector<16xi32>,
    %swap3A_227 = arith.constant 592 : index
    %swap3A_228 = tpu.vector_load %arg8[%swap3A_227] {strides = array<i32>} : memref<1024xi32, #tpu.memory_space<vmem>>, vector<16xi32>,
    tpu.vector_store %arg8[%swap3A_227], %get3A_226 {strides = array<i32>} : memref<1024xi32, #tpu.memory_space<vmem>>, vector<16xi32>,
    %get3A_229 = arith.constant 9 : i32
    %get3A_230 = arith.index_cast %get3A_229 : i32 to index
    %get3A_231 = arith.constant 32 : index
    %get3A_232 = tpu.vector_load %arg6[%get3A_230, %get3A_231] {strides = array<i32>} : memref<16x64xi32, #tpu.memory_space<vmem>>, vector<16xi32>,
    %swap3A_233 = arith.constant 608 : index
    %swap3A_234 = tpu.vector_load %arg8[%swap3A_233] {strides = array<i32>} : memref<1024xi32, #tpu.memory_space<vmem>>, vector<16xi32>,
    tpu.vector_store %arg8[%swap3A_233], %get3A_232 {strides = array<i32>} : memref<1024xi32, #tpu.memory_space<vmem>>, vector<16xi32>,
    %get3A_235 = arith.constant 9 : i32
    %get3A_236 = arith.index_cast %get3A_235 : i32 to index
    %get3A_237 = arith.constant 48 : index
    %get3A_238 = tpu.vector_load %arg6[%get3A_236, %get3A_237] {strides = array<i32>} : memref<16x64xi32, #tpu.memory_space<vmem>>, vector<16xi32>,
    %swap3A_239 = arith.constant 624 : index
    %swap3A_240 = tpu.vector_load %arg8[%swap3A_239] {strides = array<i32>} : memref<1024xi32, #tpu.memory_space<vmem>>, vector<16xi32>,
    tpu.vector_store %arg8[%swap3A_239], %get3A_238 {strides = array<i32>} : memref<1024xi32, #tpu.memory_space<vmem>>, vector<16xi32>,
    %get3A_241 = arith.constant 10 : i32
    %get3A_242 = arith.index_cast %get3A_241 : i32 to index
    %get3A_243 = arith.constant 0 : index
    %get3A_244 = tpu.vector_load %arg6[%get3A_242, %get3A_243] {strides = array<i32>} : memref<16x64xi32, #tpu.memory_space<vmem>>, vector<16xi32>,
    %swap3A_245 = arith.constant 640 : index
    %swap3A_246 = tpu.vector_load %arg8[%swap3A_245] {strides = array<i32>} : memref<1024xi32, #tpu.memory_space<vmem>>, vector<16xi32>,
    tpu.vector_store %arg8[%swap3A_245], %get3A_244 {strides = array<i32>} : memref<1024xi32, #tpu.memory_space<vmem>>, vector<16xi32>,
    %get3A_247 = arith.constant 10 : i32
    %get3A_248 = arith.index_cast %get3A_247 : i32 to index
    %get3A_249 = arith.constant 16 : index
    %get3A_250 = tpu.vector_load %arg6[%get3A_248, %get3A_249] {strides = array<i32>} : memref<16x64xi32, #tpu.memory_space<vmem>>, vector<16xi32>,
    %swap3A_251 = arith.constant 656 : index
    %swap3A_252 = tpu.vector_load %arg8[%swap3A_251] {strides = array<i32>} : memref<1024xi32, #tpu.memory_space<vmem>>, vector<16xi32>,
    tpu.vector_store %arg8[%swap3A_251], %get3A_250 {strides = array<i32>} : memref<1024xi32, #tpu.memory_space<vmem>>, vector<16xi32>,
    %get3A_253 = arith.constant 10 : i32
    %get3A_254 = arith.index_cast %get3A_253 : i32 to index
    %get3A_255 = arith.constant 32 : index
    %get3A_256 = tpu.vector_load %arg6[%get3A_254, %get3A_255] {strides = array<i32>} : memref<16x64xi32, #tpu.memory_space<vmem>>, vector<16xi32>,
    %swap3A_257 = arith.constant 672 : index
    %swap3A_258 = tpu.vector_load %arg8[%swap3A_257] {strides = array<i32>} : memref<1024xi32, #tpu.memory_space<vmem>>, vector<16xi32>,
    tpu.vector_store %arg8[%swap3A_257], %get3A_256 {strides = array<i32>} : memref<1024xi32, #tpu.memory_space<vmem>>, vector<16xi32>,
    %get3A_259 = arith.constant 10 : i32
    %get3A_260 = arith.index_cast %get3A_259 : i32 to index
    %get3A_261 = arith.constant 48 : index
    %get3A_262 = tpu.vector_load %arg6[%get3A_260, %get3A_261] {strides = array<i32>} : memref<16x64xi32, #tpu.memory_space<vmem>>, vector<16xi32>,
    %swap3A_263 = arith.constant 688 : index
    %swap3A_264 = tpu.vector_load %arg8[%swap3A_263] {strides = array<i32>} : memref<1024xi32, #tpu.memory_space<vmem>>, vector<16xi32>,
    tpu.vector_store %arg8[%swap3A_263], %get3A_262 {strides = array<i32>} : memref<1024xi32, #tpu.memory_space<vmem>>, vector<16xi32>,
    %get3A_265 = arith.constant 11 : i32
    %get3A_266 = arith.index_cast %get3A_265 : i32 to index
    %get3A_267 = arith.constant 0 : index
    %get3A_268 = tpu.vector_load %arg6[%get3A_266, %get3A_267] {strides = array<i32>} : memref<16x64xi32, #tpu.memory_space<vmem>>, vector<16xi32>,
    %swap3A_269 = arith.constant 704 : index
    %swap3A_270 = tpu.vector_load %arg8[%swap3A_269] {strides = array<i32>} : memref<1024xi32, #tpu.memory_space<vmem>>, vector<16xi32>,
    tpu.vector_store %arg8[%swap3A_269], %get3A_268 {strides = array<i32>} : memref<1024xi32, #tpu.memory_space<vmem>>, vector<16xi32>,
    %get3A_271 = arith.constant 11 : i32
    %get3A_272 = arith.index_cast %get3A_271 : i32 to index
    %get3A_273 = arith.constant 16 : index
    %get3A_274 = tpu.vector_load %arg6[%get3A_272, %get3A_273] {strides = array<i32>} : memref<16x64xi32, #tpu.memory_space<vmem>>, vector<16xi32>,
    %swap3A_275 = arith.constant 720 : index
    %swap3A_276 = tpu.vector_load %arg8[%swap3A_275] {strides = array<i32>} : memref<1024xi32, #tpu.memory_space<vmem>>, vector<16xi32>,
    tpu.vector_store %arg8[%swap3A_275], %get3A_274 {strides = array<i32>} : memref<1024xi32, #tpu.memory_space<vmem>>, vector<16xi32>,
    %get3A_277 = arith.constant 11 : i32
    %get3A_278 = arith.index_cast %get3A_277 : i32 to index
    %get3A_279 = arith.constant 32 : index
    %get3A_280 = tpu.vector_load %arg6[%get3A_278, %get3A_279] {strides = array<i32>} : memref<16x64xi32, #tpu.memory_space<vmem>>, vector<16xi32>,
    %swap3A_281 = arith.constant 736 : index
    %swap3A_282 = tpu.vector_load %arg8[%swap3A_281] {strides = array<i32>} : memref<1024xi32, #tpu.memory_space<vmem>>, vector<16xi32>,
    tpu.vector_store %arg8[%swap3A_281], %get3A_280 {strides = array<i32>} : memref<1024xi32, #tpu.memory_space<vmem>>, vector<16xi32>,
    %get3A_283 = arith.constant 11 : i32
    %get3A_284 = arith.index_cast %get3A_283 : i32 to index
    %get3A_285 = arith.constant 48 : index
    %get3A_286 = tpu.vector_load %arg6[%get3A_284, %get3A_285] {strides = array<i32>} : memref<16x64xi32, #tpu.memory_space<vmem>>, vector<16xi32>,
    %swap3A_287 = arith.constant 752 : index
    %swap3A_288 = tpu.vector_load %arg8[%swap3A_287] {strides = array<i32>} : memref<1024xi32, #tpu.memory_space<vmem>>, vector<16xi32>,
    tpu.vector_store %arg8[%swap3A_287], %get3A_286 {strides = array<i32>} : memref<1024xi32, #tpu.memory_space<vmem>>, vector<16xi32>,
    %get3A_289 = arith.constant 12 : i32
    %get3A_290 = arith.index_cast %get3A_289 : i32 to index
    %get3A_291 = arith.constant 0 : index
    %get3A_292 = tpu.vector_load %arg6[%get3A_290, %get3A_291] {strides = array<i32>} : memref<16x64xi32, #tpu.memory_space<vmem>>, vector<16xi32>,
    %swap3A_293 = arith.constant 768 : index
    %swap3A_294 = tpu.vector_load %arg8[%swap3A_293] {strides = array<i32>} : memref<1024xi32, #tpu.memory_space<vmem>>, vector<16xi32>,
    tpu.vector_store %arg8[%swap3A_293], %get3A_292 {strides = array<i32>} : memref<1024xi32, #tpu.memory_space<vmem>>, vector<16xi32>,
    %get3A_295 = arith.constant 12 : i32
    %get3A_296 = arith.index_cast %get3A_295 : i32 to index
    %get3A_297 = arith.constant 16 : index
    %get3A_298 = tpu.vector_load %arg6[%get3A_296, %get3A_297] {strides = array<i32>} : memref<16x64xi32, #tpu.memory_space<vmem>>, vector<16xi32>,
    %swap3A_299 = arith.constant 784 : index
    %swap3A_300 = tpu.vector_load %arg8[%swap3A_299] {strides = array<i32>} : memref<1024xi32, #tpu.memory_space<vmem>>, vector<16xi32>,
    tpu.vector_store %arg8[%swap3A_299], %get3A_298 {strides = array<i32>} : memref<1024xi32, #tpu.memory_space<vmem>>, vector<16xi32>,
    %get3A_301 = arith.constant 12 : i32
    %get3A_302 = arith.index_cast %get3A_301 : i32 to index
    %get3A_303 = arith.constant 32 : index
    %get3A_304 = tpu.vector_load %arg6[%get3A_302, %get3A_303] {strides = array<i32>} : memref<16x64xi32, #tpu.memory_space<vmem>>, vector<16xi32>,
    %swap3A_305 = arith.constant 800 : index
    %swap3A_306 = tpu.vector_load %arg8[%swap3A_305] {strides = array<i32>} : memref<1024xi32, #tpu.memory_space<vmem>>, vector<16xi32>,
    tpu.vector_store %arg8[%swap3A_305], %get3A_304 {strides = array<i32>} : memref<1024xi32, #tpu.memory_space<vmem>>, vector<16xi32>,
    %get3A_307 = arith.constant 12 : i32
    %get3A_308 = arith.index_cast %get3A_307 : i32 to index
    %get3A_309 = arith.constant 48 : index
    %get3A_310 = tpu.vector_load %arg6[%get3A_308, %get3A_309] {strides = array<i32>} : memref<16x64xi32, #tpu.memory_space<vmem>>, vector<16xi32>,
    %swap3A_311 = arith.constant 816 : index
    %swap3A_312 = tpu.vector_load %arg8[%swap3A_311] {strides = array<i32>} : memref<1024xi32, #tpu.memory_space<vmem>>, vector<16xi32>,
    tpu.vector_store %arg8[%swap3A_311], %get3A_310 {strides = array<i32>} : memref<1024xi32, #tpu.memory_space<vmem>>, vector<16xi32>,
    %get3A_313 = arith.constant 13 : i32
    %get3A_314 = arith.index_cast %get3A_313 : i32 to index
    %get3A_315 = arith.constant 0 : index
    %get3A_316 = tpu.vector_load %arg6[%get3A_314, %get3A_315] {strides = array<i32>} : memref<16x64xi32, #tpu.memory_space<vmem>>, vector<16xi32>,
    %swap3A_317 = arith.constant 832 : index
    %swap3A_318 = tpu.vector_load %arg8[%swap3A_317] {strides = array<i32>} : memref<1024xi32, #tpu.memory_space<vmem>>, vector<16xi32>,
    tpu.vector_store %arg8[%swap3A_317], %get3A_316 {strides = array<i32>} : memref<1024xi32, #tpu.memory_space<vmem>>, vector<16xi32>,
    %get3A_319 = arith.constant 13 : i32
    %get3A_320 = arith.index_cast %get3A_319 : i32 to index
    %get3A_321 = arith.constant 16 : index
    %get3A_322 = tpu.vector_load %arg6[%get3A_320, %get3A_321] {strides = array<i32>} : memref<16x64xi32, #tpu.memory_space<vmem>>, vector<16xi32>,
    %swap3A_323 = arith.constant 848 : index
    %swap3A_324 = tpu.vector_load %arg8[%swap3A_323] {strides = array<i32>} : memref<1024xi32, #tpu.memory_space<vmem>>, vector<16xi32>,
    tpu.vector_store %arg8[%swap3A_323], %get3A_322 {strides = array<i32>} : memref<1024xi32, #tpu.memory_space<vmem>>, vector<16xi32>,
    %get3A_325 = arith.constant 13 : i32
    %get3A_326 = arith.index_cast %get3A_325 : i32 to index
    %get3A_327 = arith.constant 32 : index
    %get3A_328 = tpu.vector_load %arg6[%get3A_326, %get3A_327] {strides = array<i32>} : memref<16x64xi32, #tpu.memory_space<vmem>>, vector<16xi32>,
    %swap3A_329 = arith.constant 864 : index
    %swap3A_330 = tpu.vector_load %arg8[%swap3A_329] {strides = array<i32>} : memref<1024xi32, #tpu.memory_space<vmem>>, vector<16xi32>,
    tpu.vector_store %arg8[%swap3A_329], %get3A_328 {strides = array<i32>} : memref<1024xi32, #tpu.memory_space<vmem>>, vector<16xi32>,
    %get3A_331 = arith.constant 13 : i32
    %get3A_332 = arith.index_cast %get3A_331 : i32 to index
    %get3A_333 = arith.constant 48 : index
    %get3A_334 = tpu.vector_load %arg6[%get3A_332, %get3A_333] {strides = array<i32>} : memref<16x64xi32, #tpu.memory_space<vmem>>, vector<16xi32>,
    %swap3A_335 = arith.constant 880 : index
    %swap3A_336 = tpu.vector_load %arg8[%swap3A_335] {strides = array<i32>} : memref<1024xi32, #tpu.memory_space<vmem>>, vector<16xi32>,
    tpu.vector_store %arg8[%swap3A_335], %get3A_334 {strides = array<i32>} : memref<1024xi32, #tpu.memory_space<vmem>>, vector<16xi32>,
    %get3A_337 = arith.constant 14 : i32
    %get3A_338 = arith.index_cast %get3A_337 : i32 to index
    %get3A_339 = arith.constant 0 : index
    %get3A_340 = tpu.vector_load %arg6[%get3A_338, %get3A_339] {strides = array<i32>} : memref<16x64xi32, #tpu.memory_space<vmem>>, vector<16xi32>,
    %swap3A_341 = arith.constant 896 : index
    %swap3A_342 = tpu.vector_load %arg8[%swap3A_341] {strides = array<i32>} : memref<1024xi32, #tpu.memory_space<vmem>>, vector<16xi32>,
    tpu.vector_store %arg8[%swap3A_341], %get3A_340 {strides = array<i32>} : memref<1024xi32, #tpu.memory_space<vmem>>, vector<16xi32>,
    %get3A_343 = arith.constant 14 : i32
    %get3A_344 = arith.index_cast %get3A_343 : i32 to index
    %get3A_345 = arith.constant 16 : index
    %get3A_346 = tpu.vector_load %arg6[%get3A_344, %get3A_345] {strides = array<i32>} : memref<16x64xi32, #tpu.memory_space<vmem>>, vector<16xi32>,
    %swap3A_347 = arith.constant 912 : index
    %swap3A_348 = tpu.vector_load %arg8[%swap3A_347] {strides = array<i32>} : memref<1024xi32, #tpu.memory_space<vmem>>, vector<16xi32>,
    tpu.vector_store %arg8[%swap3A_347], %get3A_346 {strides = array<i32>} : memref<1024xi32, #tpu.memory_space<vmem>>, vector<16xi32>,
    %get3A_349 = arith.constant 14 : i32
    %get3A_350 = arith.index_cast %get3A_349 : i32 to index
    %get3A_351 = arith.constant 32 : index
    %get3A_352 = tpu.vector_load %arg6[%get3A_350, %get3A_351] {strides = array<i32>} : memref<16x64xi32, #tpu.memory_space<vmem>>, vector<16xi32>,
    %swap3A_353 = arith.constant 928 : index
    %swap3A_354 = tpu.vector_load %arg8[%swap3A_353] {strides = array<i32>} : memref<1024xi32, #tpu.memory_space<vmem>>, vector<16xi32>,
    tpu.vector_store %arg8[%swap3A_353], %get3A_352 {strides = array<i32>} : memref<1024xi32, #tpu.memory_space<vmem>>, vector<16xi32>,
    %get3A_355 = arith.constant 14 : i32
    %get3A_356 = arith.index_cast %get3A_355 : i32 to index
    %get3A_357 = arith.constant 48 : index
    %get3A_358 = tpu.vector_load %arg6[%get3A_356, %get3A_357] {strides = array<i32>} : memref<16x64xi32, #tpu.memory_space<vmem>>, vector<16xi32>,
    %swap3A_359 = arith.constant 944 : index
    %swap3A_360 = tpu.vector_load %arg8[%swap3A_359] {strides = array<i32>} : memref<1024xi32, #tpu.memory_space<vmem>>, vector<16xi32>,
    tpu.vector_store %arg8[%swap3A_359], %get3A_358 {strides = array<i32>} : memref<1024xi32, #tpu.memory_space<vmem>>, vector<16xi32>,
    %get3A_361 = arith.constant 15 : i32
    %get3A_362 = arith.index_cast %get3A_361 : i32 to index
    %get3A_363 = arith.constant 0 : index
    %get3A_364 = tpu.vector_load %arg6[%get3A_362, %get3A_363] {strides = array<i32>} : memref<16x64xi32, #tpu.memory_space<vmem>>, vector<16xi32>,
    %swap3A_365 = arith.constant 960 : index
    %swap3A_366 = tpu.vector_load %arg8[%swap3A_365] {strides = array<i32>} : memref<1024xi32, #tpu.memory_space<vmem>>, vector<16xi32>,
    tpu.vector_store %arg8[%swap3A_365], %get3A_364 {strides = array<i32>} : memref<1024xi32, #tpu.memory_space<vmem>>, vector<16xi32>,
    %get3A_367 = arith.constant 15 : i32
    %get3A_368 = arith.index_cast %get3A_367 : i32 to index
    %get3A_369 = arith.constant 16 : index
    %get3A_370 = tpu.vector_load %arg6[%get3A_368, %get3A_369] {strides = array<i32>} : memref<16x64xi32, #tpu.memory_space<vmem>>, vector<16xi32>,
    %swap3A_371 = arith.constant 976 : index
    %swap3A_372 = tpu.vector_load %arg8[%swap3A_371] {strides = array<i32>} : memref<1024xi32, #tpu.memory_space<vmem>>, vector<16xi32>,
    tpu.vector_store %arg8[%swap3A_371], %get3A_370 {strides = array<i32>} : memref<1024xi32, #tpu.memory_space<vmem>>, vector<16xi32>,
    %get3A_373 = arith.constant 15 : i32
    %get3A_374 = arith.index_cast %get3A_373 : i32 to index
    %get3A_375 = arith.constant 32 : index
    %get3A_376 = tpu.vector_load %arg6[%get3A_374, %get3A_375] {strides = array<i32>} : memref<16x64xi32, #tpu.memory_space<vmem>>, vector<16xi32>,
    %swap3A_377 = arith.constant 992 : index
    %swap3A_378 = tpu.vector_load %arg8[%swap3A_377] {strides = array<i32>} : memref<1024xi32, #tpu.memory_space<vmem>>, vector<16xi32>,
    tpu.vector_store %arg8[%swap3A_377], %get3A_376 {strides = array<i32>} : memref<1024xi32, #tpu.memory_space<vmem>>, vector<16xi32>,
    %get3A_379 = arith.constant 15 : i32
    %get3A_380 = arith.index_cast %get3A_379 : i32 to index
    %get3A_381 = arith.constant 48 : index
    %get3A_382 = tpu.vector_load %arg6[%get3A_380, %get3A_381] {strides = array<i32>} : memref<16x64xi32, #tpu.memory_space<vmem>>, vector<16xi32>,
    %swap3A_383 = arith.constant 1008 : index
    %swap3A_384 = tpu.vector_load %arg8[%swap3A_383] {strides = array<i32>} : memref<1024xi32, #tpu.memory_space<vmem>>, vector<16xi32>,
    tpu.vector_store %arg8[%swap3A_383], %get3A_382 {strides = array<i32>} : memref<1024xi32, #tpu.memory_space<vmem>>, vector<16xi32>,
    %dma_start3A = arith.constant 0 : i32
    %dma_start3A_385 = arith.constant 0 : i32
    %dma_start3A_386 = tpu.memref_slice %arg12[%dma_start3A, %dma_start3A_385] : memref<1024x64xbf16, #tpu.memory_space<vmem>> -> memref<128x64xbf16, #tpu.memory_space<vmem>>
    %dma_start3A_387 = arith.constant 0 : i32
    %dma_start3A_388 = tpu.memref_slice %arg8[%dma_start3A_387] : memref<1024xi32, #tpu.memory_space<vmem>> -> memref<128xi32, #tpu.memory_space<vmem>>
    %dma_start3A_389 = arith.constant 0 : i32
    %dma_start3A_390 = arith.constant 0 : i32
    %dma_start3A_391 = tpu.memref_slice %arg2[%dma_start3A_389, %dma_start3A_390] : memref<262144x64xbf16, #tpu.memory_space<hbm>> -> memref<262144x64xbf16, #tpu.memory_space<hbm>>
    tpu.enqueue_indirect_dma source(%dma_start3A_391 : memref<262144x64xbf16, #tpu.memory_space<hbm>>) target(%dma_start3A_386 : memref<128x64xbf16, #tpu.memory_space<vmem>>) offsets(%dma_start3A_388 : memref<128xi32, #tpu.memory_space<vmem>>) semaphore(%arg16 : memref<!tpu.dma_semaphore, #tpu.memory_space<semaphore_mem>>)
    %dma_start3A_392 = arith.constant 128 : i32
    %dma_start3A_393 = arith.constant 0 : i32
    %dma_start3A_394 = tpu.memref_slice %arg12[%dma_start3A_392, %dma_start3A_393] : memref<1024x64xbf16, #tpu.memory_space<vmem>> -> memref<128x64xbf16, #tpu.memory_space<vmem>>
    %dma_start3A_395 = arith.constant 128 : i32
    %dma_start3A_396 = tpu.memref_slice %arg8[%dma_start3A_395] : memref<1024xi32, #tpu.memory_space<vmem>> -> memref<128xi32, #tpu.memory_space<vmem>>
    %dma_start3A_397 = arith.constant 0 : i32
    %dma_start3A_398 = arith.constant 0 : i32
    %dma_start3A_399 = tpu.memref_slice %arg2[%dma_start3A_397, %dma_start3A_398] : memref<262144x64xbf16, #tpu.memory_space<hbm>> -> memref<262144x64xbf16, #tpu.memory_space<hbm>>
    tpu.enqueue_indirect_dma source(%dma_start3A_399 : memref<262144x64xbf16, #tpu.memory_space<hbm>>) target(%dma_start3A_394 : memref<128x64xbf16, #tpu.memory_space<vmem>>) offsets(%dma_start3A_396 : memref<128xi32, #tpu.memory_space<vmem>>) semaphore(%arg16 : memref<!tpu.dma_semaphore, #tpu.memory_space<semaphore_mem>>)
    %dma_start3A_400 = arith.constant 256 : i32
    %dma_start3A_401 = arith.constant 0 : i32
    %dma_start3A_402 = tpu.memref_slice %arg12[%dma_start3A_400, %dma_start3A_401] : memref<1024x64xbf16, #tpu.memory_space<vmem>> -> memref<128x64xbf16, #tpu.memory_space<vmem>>
    %dma_start3A_403 = arith.constant 256 : i32
    %dma_start3A_404 = tpu.memref_slice %arg8[%dma_start3A_403] : memref<1024xi32, #tpu.memory_space<vmem>> -> memref<128xi32, #tpu.memory_space<vmem>>
    %dma_start3A_405 = arith.constant 0 : i32
    %dma_start3A_406 = arith.constant 0 : i32
    %dma_start3A_407 = tpu.memref_slice %arg2[%dma_start3A_405, %dma_start3A_406] : memref<262144x64xbf16, #tpu.memory_space<hbm>> -> memref<262144x64xbf16, #tpu.memory_space<hbm>>
    tpu.enqueue_indirect_dma source(%dma_start3A_407 : memref<262144x64xbf16, #tpu.memory_space<hbm>>) target(%dma_start3A_402 : memref<128x64xbf16, #tpu.memory_space<vmem>>) offsets(%dma_start3A_404 : memref<128xi32, #tpu.memory_space<vmem>>) semaphore(%arg16 : memref<!tpu.dma_semaphore, #tpu.memory_space<semaphore_mem>>)
    %dma_start3A_408 = arith.constant 384 : i32
    %dma_start3A_409 = arith.constant 0 : i32
    %dma_start3A_410 = tpu.memref_slice %arg12[%dma_start3A_408, %dma_start3A_409] : memref<1024x64xbf16, #tpu.memory_space<vmem>> -> memref<128x64xbf16, #tpu.memory_space<vmem>>
    %dma_start3A_411 = arith.constant 384 : i32
    %dma_start3A_412 = tpu.memref_slice %arg8[%dma_start3A_411] : memref<1024xi32, #tpu.memory_space<vmem>> -> memref<128xi32, #tpu.memory_space<vmem>>
    %dma_start3A_413 = arith.constant 0 : i32
    %dma_start3A_414 = arith.constant 0 : i32
    %dma_start3A_415 = tpu.memref_slice %arg2[%dma_start3A_413, %dma_start3A_414] : memref<262144x64xbf16, #tpu.memory_space<hbm>> -> memref<262144x64xbf16, #tpu.memory_space<hbm>>
    tpu.enqueue_indirect_dma source(%dma_start3A_415 : memref<262144x64xbf16, #tpu.memory_space<hbm>>) target(%dma_start3A_410 : memref<128x64xbf16, #tpu.memory_space<vmem>>) offsets(%dma_start3A_412 : memref<128xi32, #tpu.memory_space<vmem>>) semaphore(%arg16 : memref<!tpu.dma_semaphore, #tpu.memory_space<semaphore_mem>>)
    %dma_start3A_416 = arith.constant 512 : i32
    %dma_start3A_417 = arith.constant 0 : i32
    %dma_start3A_418 = tpu.memref_slice %arg12[%dma_start3A_416, %dma_start3A_417] : memref<1024x64xbf16, #tpu.memory_space<vmem>> -> memref<128x64xbf16, #tpu.memory_space<vmem>>
    %dma_start3A_419 = arith.constant 512 : i32
    %dma_start3A_420 = tpu.memref_slice %arg8[%dma_start3A_419] : memref<1024xi32, #tpu.memory_space<vmem>> -> memref<128xi32, #tpu.memory_space<vmem>>
    %dma_start3A_421 = arith.constant 0 : i32
    %dma_start3A_422 = arith.constant 0 : i32
    %dma_start3A_423 = tpu.memref_slice %arg2[%dma_start3A_421, %dma_start3A_422] : memref<262144x64xbf16, #tpu.memory_space<hbm>> -> memref<262144x64xbf16, #tpu.memory_space<hbm>>
    tpu.enqueue_indirect_dma source(%dma_start3A_423 : memref<262144x64xbf16, #tpu.memory_space<hbm>>) target(%dma_start3A_418 : memref<128x64xbf16, #tpu.memory_space<vmem>>) offsets(%dma_start3A_420 : memref<128xi32, #tpu.memory_space<vmem>>) semaphore(%arg16 : memref<!tpu.dma_semaphore, #tpu.memory_space<semaphore_mem>>)
    %dma_start3A_424 = arith.constant 640 : i32
    %dma_start3A_425 = arith.constant 0 : i32
    %dma_start3A_426 = tpu.memref_slice %arg12[%dma_start3A_424, %dma_start3A_425] : memref<1024x64xbf16, #tpu.memory_space<vmem>> -> memref<128x64xbf16, #tpu.memory_space<vmem>>
    %dma_start3A_427 = arith.constant 640 : i32
    %dma_start3A_428 = tpu.memref_slice %arg8[%dma_start3A_427] : memref<1024xi32, #tpu.memory_space<vmem>> -> memref<128xi32, #tpu.memory_space<vmem>>
    %dma_start3A_429 = arith.constant 0 : i32
    %dma_start3A_430 = arith.constant 0 : i32
    %dma_start3A_431 = tpu.memref_slice %arg2[%dma_start3A_429, %dma_start3A_430] : memref<262144x64xbf16, #tpu.memory_space<hbm>> -> memref<262144x64xbf16, #tpu.memory_space<hbm>>
    tpu.enqueue_indirect_dma source(%dma_start3A_431 : memref<262144x64xbf16, #tpu.memory_space<hbm>>) target(%dma_start3A_426 : memref<128x64xbf16, #tpu.memory_space<vmem>>) offsets(%dma_start3A_428 : memref<128xi32, #tpu.memory_space<vmem>>) semaphore(%arg16 : memref<!tpu.dma_semaphore, #tpu.memory_space<semaphore_mem>>)
    %dma_start3A_432 = arith.constant 768 : i32
    %dma_start3A_433 = arith.constant 0 : i32
    %dma_start3A_434 = tpu.memref_slice %arg12[%dma_start3A_432, %dma_start3A_433] : memref<1024x64xbf16, #tpu.memory_space<vmem>> -> memref<128x64xbf16, #tpu.memory_space<vmem>>
    %dma_start3A_435 = arith.constant 768 : i32
    %dma_start3A_436 = tpu.memref_slice %arg8[%dma_start3A_435] : memref<1024xi32, #tpu.memory_space<vmem>> -> memref<128xi32, #tpu.memory_space<vmem>>
    %dma_start3A_437 = arith.constant 0 : i32
    %dma_start3A_438 = arith.constant 0 : i32
    %dma_start3A_439 = tpu.memref_slice %arg2[%dma_start3A_437, %dma_start3A_438] : memref<262144x64xbf16, #tpu.memory_space<hbm>> -> memref<262144x64xbf16, #tpu.memory_space<hbm>>
    tpu.enqueue_indirect_dma source(%dma_start3A_439 : memref<262144x64xbf16, #tpu.memory_space<hbm>>) target(%dma_start3A_434 : memref<128x64xbf16, #tpu.memory_space<vmem>>) offsets(%dma_start3A_436 : memref<128xi32, #tpu.memory_space<vmem>>) semaphore(%arg16 : memref<!tpu.dma_semaphore, #tpu.memory_space<semaphore_mem>>)
    %dma_start3A_440 = arith.constant 896 : i32
    %dma_start3A_441 = arith.constant 0 : i32
    %dma_start3A_442 = tpu.memref_slice %arg12[%dma_start3A_440, %dma_start3A_441] : memref<1024x64xbf16, #tpu.memory_space<vmem>> -> memref<128x64xbf16, #tpu.memory_space<vmem>>
    %dma_start3A_443 = arith.constant 896 : i32
    %dma_start3A_444 = tpu.memref_slice %arg8[%dma_start3A_443] : memref<1024xi32, #tpu.memory_space<vmem>> -> memref<128xi32, #tpu.memory_space<vmem>>
    %dma_start3A_445 = arith.constant 0 : i32
    %dma_start3A_446 = arith.constant 0 : i32
    %dma_start3A_447 = tpu.memref_slice %arg2[%dma_start3A_445, %dma_start3A_446] : memref<262144x64xbf16, #tpu.memory_space<hbm>> -> memref<262144x64xbf16, #tpu.memory_space<hbm>>
    tpu.enqueue_indirect_dma source(%dma_start3A_447 : memref<262144x64xbf16, #tpu.memory_space<hbm>>) target(%dma_start3A_442 : memref<128x64xbf16, #tpu.memory_space<vmem>>) offsets(%dma_start3A_444 : memref<128xi32, #tpu.memory_space<vmem>>) semaphore(%arg16 : memref<!tpu.dma_semaphore, #tpu.memory_space<semaphore_mem>>)
    %add3A_448 = arith.constant 64 : i32
    %add3A_449 = arith.addi %mul3A_2, %add3A_448 : i32
    %dma_start3A_450 = arith.constant 0 : i32
    %dma_start3A_451 = tpu.memref_slice %arg3[%dma_start3A_450, %add3A_449] : memref<16x262144xi32, #tpu.memory_space<hbm>> -> memref<16x64xi32, #tpu.memory_space<hbm>>
    %dma_start3A_452 = arith.constant 0 : i32
    %dma_start3A_453 = tpu.memref_slice %arg3[%dma_start3A_452, %add3A_449] : memref<16x262144xi32, #tpu.memory_space<hbm>> -> memref<16x64xi32, #tpu.memory_space<hbm>>
    tpu.enqueue_dma source(%dma_start3A_453 : memref<16x64xi32, #tpu.memory_space<hbm>>) target(%arg7 : memref<16x64xi32, #tpu.memory_space<vmem>>) target_semaphore(%arg19 : memref<!tpu.dma_semaphore, #tpu.memory_space<semaphore_mem>>)
    %add3A_454 = arith.constant 0 : i32
    %add3A_455 = arith.addi %mul3A_2, %add3A_454 : i32
    %dma_start3A_456 = arith.constant 0 : i32
    %dma_start3A_457 = tpu.memref_slice %arg4[%dma_start3A_456, %add3A_455] : memref<16x262144xf32, #tpu.memory_space<hbm>> -> memref<16x64xf32, #tpu.memory_space<hbm>>
    %dma_start3A_458 = arith.constant 0 : i32
    %dma_start3A_459 = tpu.memref_slice %arg4[%dma_start3A_458, %add3A_455] : memref<16x262144xf32, #tpu.memory_space<hbm>> -> memref<16x64xf32, #tpu.memory_space<hbm>>
    tpu.enqueue_dma source(%dma_start3A_459 : memref<16x64xf32, #tpu.memory_space<hbm>>) target(%arg10 : memref<16x64xf32, #tpu.memory_space<vmem>>) target_semaphore(%arg20 : memref<!tpu.dma_semaphore, #tpu.memory_space<semaphore_mem>>)
    %add3A_460 = arith.constant 64 : i32
    %add3A_461 = arith.addi %mul3A_2, %add3A_460 : i32
    %dma_start3A_462 = arith.constant 0 : i32
    %dma_start3A_463 = tpu.memref_slice %arg4[%dma_start3A_462, %add3A_461] : memref<16x262144xf32, #tpu.memory_space<hbm>> -> memref<16x64xf32, #tpu.memory_space<hbm>>
    %dma_start3A_464 = arith.constant 0 : i32
    %dma_start3A_465 = tpu.memref_slice %arg4[%dma_start3A_464, %add3A_461] : memref<16x262144xf32, #tpu.memory_space<hbm>> -> memref<16x64xf32, #tpu.memory_space<hbm>>
    tpu.enqueue_dma source(%dma_start3A_465 : memref<16x64xf32, #tpu.memory_space<hbm>>) target(%arg11 : memref<16x64xf32, #tpu.memory_space<vmem>>) target_semaphore(%arg21 : memref<!tpu.dma_semaphore, #tpu.memory_space<semaphore_mem>>)
    %iota3A = tpu.iota {dimensions = array<i32: 0>} : vector<16xi32>
    %iota3A_466 = tpu.iota {dimensions = array<i32: 0>} : vector<16xi32>
    %mul3A_467 = arith.constant 2 : i32
    %mul3A_468 = vector.broadcast %mul3A_467 : i32 to vector<16xi32>
    %mul3A_469 = arith.muli %iota3A_466, %mul3A_468 : vector<16xi32>
    %add3A_470 = arith.constant 0 : i32
    %add3A_471 = vector.broadcast %add3A_470 : i32 to vector<16xi32>
    %add3A_472 = arith.addi %mul3A_469, %add3A_471 : vector<16xi32>
    %iota3A_473 = tpu.iota {dimensions = array<i32: 0>} : vector<16xi32>
    %mul3A_474 = arith.constant 2 : i32
    %mul3A_475 = vector.broadcast %mul3A_474 : i32 to vector<16xi32>
    %mul3A_476 = arith.muli %iota3A_473, %mul3A_475 : vector<16xi32>
    %add3A_477 = arith.constant 32 : i32
    %add3A_478 = vector.broadcast %add3A_477 : i32 to vector<16xi32>
    %add3A_479 = arith.addi %mul3A_476, %add3A_478 : vector<16xi32>
    %iota3A_480 = tpu.iota {dimensions = array<i32: 0>} : vector<16xi32>
    %mul3A_481 = arith.constant 2 : i32
    %mul3A_482 = vector.broadcast %mul3A_481 : i32 to vector<16xi32>
    %mul3A_483 = arith.muli %iota3A_480, %mul3A_482 : vector<16xi32>
    %add3A_484 = arith.constant 0 : i32
    %add3A_485 = vector.broadcast %add3A_484 : i32 to vector<16xi32>
    %add3A_486 = arith.addi %mul3A_483, %add3A_485 : vector<16xi32>
    %add3A_487 = arith.constant 1 : i32
    %add3A_488 = vector.broadcast %add3A_487 : i32 to vector<16xi32>
    %add3A_489 = arith.addi %add3A_486, %add3A_488 : vector<16xi32>
    %iota3A_490 = tpu.iota {dimensions = array<i32: 0>} : vector<16xi32>
    %mul3A_491 = arith.constant 2 : i32
    %mul3A_492 = vector.broadcast %mul3A_491 : i32 to vector<16xi32>
    %mul3A_493 = arith.muli %iota3A_490, %mul3A_492 : vector<16xi32>
    %add3A_494 = arith.constant 32 : i32
    %add3A_495 = vector.broadcast %add3A_494 : i32 to vector<16xi32>
    %add3A_496 = arith.addi %mul3A_493, %add3A_495 : vector<16xi32>
    %add3A_497 = arith.constant 1 : i32
    %add3A_498 = vector.broadcast %add3A_497 : i32 to vector<16xi32>
    %add3A_499 = arith.addi %add3A_496, %add3A_498 : vector<16xi32>
    %scan3A = arith.constant 0 : i32
    %scan3A_500 = arith.constant 0 : i32
    %scan3A_501 = arith.constant 64 : i32
    %scan3A_502 = arith.addi %scan3A_500, %scan3A_501 : i32
    %scan3A_503 = arith.constant 1 : i32
    scf.for %scan3A_516 = %scan3A_500 to %scan3A_502 step %scan3A_503  : i32 {
      %mul3A_517 = arith.constant 2 : i32
      %mul3A_518 = arith.muli %scan3A_516, %mul3A_517 : i32
      %add3A_519 = arith.constant 0 : i32
      %add3A_520 = arith.addi %mul3A_518, %add3A_519 : i32
      %mul3A_521 = arith.constant 64 : i32
      %mul3A_522 = arith.muli %add3A_520, %mul3A_521 : i32
      %add3A_523 = arith.addi %mul3A_2, %mul3A_522 : i32
      %dma_wait3A_524 = arith.constant 0 : i32
      %dma_wait3A_525 = arith.constant 0 : i32
      %dma_wait3A_526 = tpu.memref_slice %arg2[%dma_wait3A_524, %dma_wait3A_525] : memref<262144x64xbf16, #tpu.memory_space<hbm>> -> memref<1024x64xbf16, #tpu.memory_space<hbm>>
      %dma_wait3A_527 = arith.constant 0 : i32
      %dma_wait3A_528 = arith.constant 0 : i32
      %dma_wait3A_529 = tpu.memref_slice %arg2[%dma_wait3A_527, %dma_wait3A_528] : memref<262144x64xbf16, #tpu.memory_space<hbm>> -> memref<1024x64xbf16, #tpu.memory_space<hbm>>
      tpu.wait_dma2 semaphore(%arg16 : memref<!tpu.dma_semaphore, #tpu.memory_space<semaphore_mem>>) src(%dma_wait3A_529 : memref<1024x64xbf16, #tpu.memory_space<hbm>>) dst(%arg12 : memref<1024x64xbf16, #tpu.memory_space<vmem>>)
      %add3A_530 = arith.constant 2 : i32
      %add3A_531 = arith.addi %add3A_520, %add3A_530 : i32
      %lt3A = arith.constant 128 : i32
      %lt3A_532 = arith.cmpi slt, %add3A_531, %lt3A : i32
      %convert_element_type3A = arith.extui %lt3A_532 : i1 to i32
      %cond3A = arith.constant 0 : i32
      %cond3A_533 = arith.cmpi ne, %convert_element_type3A, %cond3A : i32
      scf.if %cond3A_533 {
        %add3A_623 = arith.constant 2 : i32
        %add3A_624 = arith.addi %add3A_520, %add3A_623 : i32
        %mul3A_625 = arith.constant 64 : i32
        %mul3A_626 = arith.muli %add3A_624, %mul3A_625 : i32
        %add3A_627 = arith.addi %mul3A_2, %mul3A_626 : i32
        %dma_start3A_628 = arith.constant 0 : i32
        %dma_start3A_629 = tpu.memref_slice %arg3[%dma_start3A_628, %add3A_627] : memref<16x262144xi32, #tpu.memory_space<hbm>> -> memref<16x64xi32, #tpu.memory_space<hbm>>
        %dma_start3A_630 = arith.constant 0 : i32
        %dma_start3A_631 = tpu.memref_slice %arg3[%dma_start3A_630, %add3A_627] : memref<16x262144xi32, #tpu.memory_space<hbm>> -> memref<16x64xi32, #tpu.memory_space<hbm>>
        tpu.enqueue_dma source(%dma_start3A_631 : memref<16x64xi32, #tpu.memory_space<hbm>>) target(%arg6 : memref<16x64xi32, #tpu.memory_space<vmem>>) target_semaphore(%arg18 : memref<!tpu.dma_semaphore, #tpu.memory_space<semaphore_mem>>)
      } else {
      }
      %add3A_534 = arith.constant 1 : i32
      %add3A_535 = arith.addi %add3A_520, %add3A_534 : i32
      %lt3A_536 = arith.constant 128 : i32
      %lt3A_537 = arith.cmpi slt, %add3A_535, %lt3A_536 : i32
      %convert_element_type3A_538 = arith.extui %lt3A_537 : i1 to i32
      %cond3A_539 = arith.constant 0 : i32
      %cond3A_540 = arith.cmpi ne, %convert_element_type3A_538, %cond3A_539 : i32
      scf.if %cond3A_540 {
        %dma_wait3A_623 = arith.constant 0 : i32
        %dma_wait3A_624 = arith.constant 0 : i32
        %dma_wait3A_625 = tpu.memref_slice %arg3[%dma_wait3A_623, %dma_wait3A_624] : memref<16x262144xi32, #tpu.memory_space<hbm>> -> memref<16x64xi32, #tpu.memory_space<hbm>>
        %dma_wait3A_626 = arith.constant 0 : i32
        %dma_wait3A_627 = arith.constant 0 : i32
        %dma_wait3A_628 = tpu.memref_slice %arg3[%dma_wait3A_626, %dma_wait3A_627] : memref<16x262144xi32, #tpu.memory_space<hbm>> -> memref<16x64xi32, #tpu.memory_space<hbm>>
        tpu.wait_dma2 semaphore(%arg19 : memref<!tpu.dma_semaphore, #tpu.memory_space<semaphore_mem>>) src(%dma_wait3A_628 : memref<16x64xi32, #tpu.memory_space<hbm>>) dst(%arg7 : memref<16x64xi32, #tpu.memory_space<vmem>>)
        %get3A_629 = arith.constant 0 : i32
        %get3A_630 = arith.index_cast %get3A_629 : i32 to index
        %get3A_631 = arith.constant 0 : index
        %get3A_632 = tpu.vector_load %arg7[%get3A_630, %get3A_631] {strides = array<i32>} : memref<16x64xi32, #tpu.memory_space<vmem>>, vector<16xi32>,
        %swap3A_633 = arith.constant 0 : index
        %swap3A_634 = tpu.vector_load %arg9[%swap3A_633] {strides = array<i32>} : memref<1024xi32, #tpu.memory_space<vmem>>, vector<16xi32>,
        tpu.vector_store %arg9[%swap3A_633], %get3A_632 {strides = array<i32>} : memref<1024xi32, #tpu.memory_space<vmem>>, vector<16xi32>,
        %get3A_635 = arith.constant 0 : i32
        %get3A_636 = arith.index_cast %get3A_635 : i32 to index
        %get3A_637 = arith.constant 16 : index
        %get3A_638 = tpu.vector_load %arg7[%get3A_636, %get3A_637] {strides = array<i32>} : memref<16x64xi32, #tpu.memory_space<vmem>>, vector<16xi32>,
        %swap3A_639 = arith.constant 16 : index
        %swap3A_640 = tpu.vector_load %arg9[%swap3A_639] {strides = array<i32>} : memref<1024xi32, #tpu.memory_space<vmem>>, vector<16xi32>,
        tpu.vector_store %arg9[%swap3A_639], %get3A_638 {strides = array<i32>} : memref<1024xi32, #tpu.memory_space<vmem>>, vector<16xi32>,
        %get3A_641 = arith.constant 0 : i32
        %get3A_642 = arith.index_cast %get3A_641 : i32 to index
        %get3A_643 = arith.constant 32 : index
        %get3A_644 = tpu.vector_load %arg7[%get3A_642, %get3A_643] {strides = array<i32>} : memref<16x64xi32, #tpu.memory_space<vmem>>, vector<16xi32>,
        %swap3A_645 = arith.constant 32 : index
        %swap3A_646 = tpu.vector_load %arg9[%swap3A_645] {strides = array<i32>} : memref<1024xi32, #tpu.memory_space<vmem>>, vector<16xi32>,
        tpu.vector_store %arg9[%swap3A_645], %get3A_644 {strides = array<i32>} : memref<1024xi32, #tpu.memory_space<vmem>>, vector<16xi32>,
        %get3A_647 = arith.constant 0 : i32
        %get3A_648 = arith.index_cast %get3A_647 : i32 to index
        %get3A_649 = arith.constant 48 : index
        %get3A_650 = tpu.vector_load %arg7[%get3A_648, %get3A_649] {strides = array<i32>} : memref<16x64xi32, #tpu.memory_space<vmem>>, vector<16xi32>,
        %swap3A_651 = arith.constant 48 : index
        %swap3A_652 = tpu.vector_load %arg9[%swap3A_651] {strides = array<i32>} : memref<1024xi32, #tpu.memory_space<vmem>>, vector<16xi32>,
        tpu.vector_store %arg9[%swap3A_651], %get3A_650 {strides = array<i32>} : memref<1024xi32, #tpu.memory_space<vmem>>, vector<16xi32>,
        %get3A_653 = arith.constant 1 : i32
        %get3A_654 = arith.index_cast %get3A_653 : i32 to index
        %get3A_655 = arith.constant 0 : index
        %get3A_656 = tpu.vector_load %arg7[%get3A_654, %get3A_655] {strides = array<i32>} : memref<16x64xi32, #tpu.memory_space<vmem>>, vector<16xi32>,
        %swap3A_657 = arith.constant 64 : index
        %swap3A_658 = tpu.vector_load %arg9[%swap3A_657] {strides = array<i32>} : memref<1024xi32, #tpu.memory_space<vmem>>, vector<16xi32>,
        tpu.vector_store %arg9[%swap3A_657], %get3A_656 {strides = array<i32>} : memref<1024xi32, #tpu.memory_space<vmem>>, vector<16xi32>,
        %get3A_659 = arith.constant 1 : i32
        %get3A_660 = arith.index_cast %get3A_659 : i32 to index
        %get3A_661 = arith.constant 16 : index
        %get3A_662 = tpu.vector_load %arg7[%get3A_660, %get3A_661] {strides = array<i32>} : memref<16x64xi32, #tpu.memory_space<vmem>>, vector<16xi32>,
        %swap3A_663 = arith.constant 80 : index
        %swap3A_664 = tpu.vector_load %arg9[%swap3A_663] {strides = array<i32>} : memref<1024xi32, #tpu.memory_space<vmem>>, vector<16xi32>,
        tpu.vector_store %arg9[%swap3A_663], %get3A_662 {strides = array<i32>} : memref<1024xi32, #tpu.memory_space<vmem>>, vector<16xi32>,
        %get3A_665 = arith.constant 1 : i32
        %get3A_666 = arith.index_cast %get3A_665 : i32 to index
        %get3A_667 = arith.constant 32 : index
        %get3A_668 = tpu.vector_load %arg7[%get3A_666, %get3A_667] {strides = array<i32>} : memref<16x64xi32, #tpu.memory_space<vmem>>, vector<16xi32>,
        %swap3A_669 = arith.constant 96 : index
        %swap3A_670 = tpu.vector_load %arg9[%swap3A_669] {strides = array<i32>} : memref<1024xi32, #tpu.memory_space<vmem>>, vector<16xi32>,
        tpu.vector_store %arg9[%swap3A_669], %get3A_668 {strides = array<i32>} : memref<1024xi32, #tpu.memory_space<vmem>>, vector<16xi32>,
        %get3A_671 = arith.constant 1 : i32
        %get3A_672 = arith.index_cast %get3A_671 : i32 to index
        %get3A_673 = arith.constant 48 : index
        %get3A_674 = tpu.vector_load %arg7[%get3A_672, %get3A_673] {strides = array<i32>} : memref<16x64xi32, #tpu.memory_space<vmem>>, vector<16xi32>,
        %swap3A_675 = arith.constant 112 : index
        %swap3A_676 = tpu.vector_load %arg9[%swap3A_675] {strides = array<i32>} : memref<1024xi32, #tpu.memory_space<vmem>>, vector<16xi32>,
        tpu.vector_store %arg9[%swap3A_675], %get3A_674 {strides = array<i32>} : memref<1024xi32, #tpu.memory_space<vmem>>, vector<16xi32>,
        %get3A_677 = arith.constant 2 : i32
        %get3A_678 = arith.index_cast %get3A_677 : i32 to index
        %get3A_679 = arith.constant 0 : index
        %get3A_680 = tpu.vector_load %arg7[%get3A_678, %get3A_679] {strides = array<i32>} : memref<16x64xi32, #tpu.memory_space<vmem>>, vector<16xi32>,
        %swap3A_681 = arith.constant 128 : index
        %swap3A_682 = tpu.vector_load %arg9[%swap3A_681] {strides = array<i32>} : memref<1024xi32, #tpu.memory_space<vmem>>, vector<16xi32>,
        tpu.vector_store %arg9[%swap3A_681], %get3A_680 {strides = array<i32>} : memref<1024xi32, #tpu.memory_space<vmem>>, vector<16xi32>,
        %get3A_683 = arith.constant 2 : i32
        %get3A_684 = arith.index_cast %get3A_683 : i32 to index
        %get3A_685 = arith.constant 16 : index
        %get3A_686 = tpu.vector_load %arg7[%get3A_684, %get3A_685] {strides = array<i32>} : memref<16x64xi32, #tpu.memory_space<vmem>>, vector<16xi32>,
        %swap3A_687 = arith.constant 144 : index
        %swap3A_688 = tpu.vector_load %arg9[%swap3A_687] {strides = array<i32>} : memref<1024xi32, #tpu.memory_space<vmem>>, vector<16xi32>,
        tpu.vector_store %arg9[%swap3A_687], %get3A_686 {strides = array<i32>} : memref<1024xi32, #tpu.memory_space<vmem>>, vector<16xi32>,
        %get3A_689 = arith.constant 2 : i32
        %get3A_690 = arith.index_cast %get3A_689 : i32 to index
        %get3A_691 = arith.constant 32 : index
        %get3A_692 = tpu.vector_load %arg7[%get3A_690, %get3A_691] {strides = array<i32>} : memref<16x64xi32, #tpu.memory_space<vmem>>, vector<16xi32>,
        %swap3A_693 = arith.constant 160 : index
        %swap3A_694 = tpu.vector_load %arg9[%swap3A_693] {strides = array<i32>} : memref<1024xi32, #tpu.memory_space<vmem>>, vector<16xi32>,
        tpu.vector_store %arg9[%swap3A_693], %get3A_692 {strides = array<i32>} : memref<1024xi32, #tpu.memory_space<vmem>>, vector<16xi32>,
        %get3A_695 = arith.constant 2 : i32
        %get3A_696 = arith.index_cast %get3A_695 : i32 to index
        %get3A_697 = arith.constant 48 : index
        %get3A_698 = tpu.vector_load %arg7[%get3A_696, %get3A_697] {strides = array<i32>} : memref<16x64xi32, #tpu.memory_space<vmem>>, vector<16xi32>,
        %swap3A_699 = arith.constant 176 : index
        %swap3A_700 = tpu.vector_load %arg9[%swap3A_699] {strides = array<i32>} : memref<1024xi32, #tpu.memory_space<vmem>>, vector<16xi32>,
        tpu.vector_store %arg9[%swap3A_699], %get3A_698 {strides = array<i32>} : memref<1024xi32, #tpu.memory_space<vmem>>, vector<16xi32>,
        %get3A_701 = arith.constant 3 : i32
        %get3A_702 = arith.index_cast %get3A_701 : i32 to index
        %get3A_703 = arith.constant 0 : index
        %get3A_704 = tpu.vector_load %arg7[%get3A_702, %get3A_703] {strides = array<i32>} : memref<16x64xi32, #tpu.memory_space<vmem>>, vector<16xi32>,
        %swap3A_705 = arith.constant 192 : index
        %swap3A_706 = tpu.vector_load %arg9[%swap3A_705] {strides = array<i32>} : memref<1024xi32, #tpu.memory_space<vmem>>, vector<16xi32>,
        tpu.vector_store %arg9[%swap3A_705], %get3A_704 {strides = array<i32>} : memref<1024xi32, #tpu.memory_space<vmem>>, vector<16xi32>,
        %get3A_707 = arith.constant 3 : i32
        %get3A_708 = arith.index_cast %get3A_707 : i32 to index
        %get3A_709 = arith.constant 16 : index
        %get3A_710 = tpu.vector_load %arg7[%get3A_708, %get3A_709] {strides = array<i32>} : memref<16x64xi32, #tpu.memory_space<vmem>>, vector<16xi32>,
        %swap3A_711 = arith.constant 208 : index
        %swap3A_712 = tpu.vector_load %arg9[%swap3A_711] {strides = array<i32>} : memref<1024xi32, #tpu.memory_space<vmem>>, vector<16xi32>,
        tpu.vector_store %arg9[%swap3A_711], %get3A_710 {strides = array<i32>} : memref<1024xi32, #tpu.memory_space<vmem>>, vector<16xi32>,
        %get3A_713 = arith.constant 3 : i32
        %get3A_714 = arith.index_cast %get3A_713 : i32 to index
        %get3A_715 = arith.constant 32 : index
        %get3A_716 = tpu.vector_load %arg7[%get3A_714, %get3A_715] {strides = array<i32>} : memref<16x64xi32, #tpu.memory_space<vmem>>, vector<16xi32>,
        %swap3A_717 = arith.constant 224 : index
        %swap3A_718 = tpu.vector_load %arg9[%swap3A_717] {strides = array<i32>} : memref<1024xi32, #tpu.memory_space<vmem>>, vector<16xi32>,
        tpu.vector_store %arg9[%swap3A_717], %get3A_716 {strides = array<i32>} : memref<1024xi32, #tpu.memory_space<vmem>>, vector<16xi32>,
        %get3A_719 = arith.constant 3 : i32
        %get3A_720 = arith.index_cast %get3A_719 : i32 to index
        %get3A_721 = arith.constant 48 : index
        %get3A_722 = tpu.vector_load %arg7[%get3A_720, %get3A_721] {strides = array<i32>} : memref<16x64xi32, #tpu.memory_space<vmem>>, vector<16xi32>,
        %swap3A_723 = arith.constant 240 : index
        %swap3A_724 = tpu.vector_load %arg9[%swap3A_723] {strides = array<i32>} : memref<1024xi32, #tpu.memory_space<vmem>>, vector<16xi32>,
        tpu.vector_store %arg9[%swap3A_723], %get3A_722 {strides = array<i32>} : memref<1024xi32, #tpu.memory_space<vmem>>, vector<16xi32>,
        %get3A_725 = arith.constant 4 : i32
        %get3A_726 = arith.index_cast %get3A_725 : i32 to index
        %get3A_727 = arith.constant 0 : index
        %get3A_728 = tpu.vector_load %arg7[%get3A_726, %get3A_727] {strides = array<i32>} : memref<16x64xi32, #tpu.memory_space<vmem>>, vector<16xi32>,
        %swap3A_729 = arith.constant 256 : index
        %swap3A_730 = tpu.vector_load %arg9[%swap3A_729] {strides = array<i32>} : memref<1024xi32, #tpu.memory_space<vmem>>, vector<16xi32>,
        tpu.vector_store %arg9[%swap3A_729], %get3A_728 {strides = array<i32>} : memref<1024xi32, #tpu.memory_space<vmem>>, vector<16xi32>,
        %get3A_731 = arith.constant 4 : i32
        %get3A_732 = arith.index_cast %get3A_731 : i32 to index
        %get3A_733 = arith.constant 16 : index
        %get3A_734 = tpu.vector_load %arg7[%get3A_732, %get3A_733] {strides = array<i32>} : memref<16x64xi32, #tpu.memory_space<vmem>>, vector<16xi32>,
        %swap3A_735 = arith.constant 272 : index
        %swap3A_736 = tpu.vector_load %arg9[%swap3A_735] {strides = array<i32>} : memref<1024xi32, #tpu.memory_space<vmem>>, vector<16xi32>,
        tpu.vector_store %arg9[%swap3A_735], %get3A_734 {strides = array<i32>} : memref<1024xi32, #tpu.memory_space<vmem>>, vector<16xi32>,
        %get3A_737 = arith.constant 4 : i32
        %get3A_738 = arith.index_cast %get3A_737 : i32 to index
        %get3A_739 = arith.constant 32 : index
        %get3A_740 = tpu.vector_load %arg7[%get3A_738, %get3A_739] {strides = array<i32>} : memref<16x64xi32, #tpu.memory_space<vmem>>, vector<16xi32>,
        %swap3A_741 = arith.constant 288 : index
        %swap3A_742 = tpu.vector_load %arg9[%swap3A_741] {strides = array<i32>} : memref<1024xi32, #tpu.memory_space<vmem>>, vector<16xi32>,
        tpu.vector_store %arg9[%swap3A_741], %get3A_740 {strides = array<i32>} : memref<1024xi32, #tpu.memory_space<vmem>>, vector<16xi32>,
        %get3A_743 = arith.constant 4 : i32
        %get3A_744 = arith.index_cast %get3A_743 : i32 to index
        %get3A_745 = arith.constant 48 : index
        %get3A_746 = tpu.vector_load %arg7[%get3A_744, %get3A_745] {strides = array<i32>} : memref<16x64xi32, #tpu.memory_space<vmem>>, vector<16xi32>,
        %swap3A_747 = arith.constant 304 : index
        %swap3A_748 = tpu.vector_load %arg9[%swap3A_747] {strides = array<i32>} : memref<1024xi32, #tpu.memory_space<vmem>>, vector<16xi32>,
        tpu.vector_store %arg9[%swap3A_747], %get3A_746 {strides = array<i32>} : memref<1024xi32, #tpu.memory_space<vmem>>, vector<16xi32>,
        %get3A_749 = arith.constant 5 : i32
        %get3A_750 = arith.index_cast %get3A_749 : i32 to index
        %get3A_751 = arith.constant 0 : index
        %get3A_752 = tpu.vector_load %arg7[%get3A_750, %get3A_751] {strides = array<i32>} : memref<16x64xi32, #tpu.memory_space<vmem>>, vector<16xi32>,
        %swap3A_753 = arith.constant 320 : index
        %swap3A_754 = tpu.vector_load %arg9[%swap3A_753] {strides = array<i32>} : memref<1024xi32, #tpu.memory_space<vmem>>, vector<16xi32>,
        tpu.vector_store %arg9[%swap3A_753], %get3A_752 {strides = array<i32>} : memref<1024xi32, #tpu.memory_space<vmem>>, vector<16xi32>,
        %get3A_755 = arith.constant 5 : i32
        %get3A_756 = arith.index_cast %get3A_755 : i32 to index
        %get3A_757 = arith.constant 16 : index
        %get3A_758 = tpu.vector_load %arg7[%get3A_756, %get3A_757] {strides = array<i32>} : memref<16x64xi32, #tpu.memory_space<vmem>>, vector<16xi32>,
        %swap3A_759 = arith.constant 336 : index
        %swap3A_760 = tpu.vector_load %arg9[%swap3A_759] {strides = array<i32>} : memref<1024xi32, #tpu.memory_space<vmem>>, vector<16xi32>,
        tpu.vector_store %arg9[%swap3A_759], %get3A_758 {strides = array<i32>} : memref<1024xi32, #tpu.memory_space<vmem>>, vector<16xi32>,
        %get3A_761 = arith.constant 5 : i32
        %get3A_762 = arith.index_cast %get3A_761 : i32 to index
        %get3A_763 = arith.constant 32 : index
        %get3A_764 = tpu.vector_load %arg7[%get3A_762, %get3A_763] {strides = array<i32>} : memref<16x64xi32, #tpu.memory_space<vmem>>, vector<16xi32>,
        %swap3A_765 = arith.constant 352 : index
        %swap3A_766 = tpu.vector_load %arg9[%swap3A_765] {strides = array<i32>} : memref<1024xi32, #tpu.memory_space<vmem>>, vector<16xi32>,
        tpu.vector_store %arg9[%swap3A_765], %get3A_764 {strides = array<i32>} : memref<1024xi32, #tpu.memory_space<vmem>>, vector<16xi32>,
        %get3A_767 = arith.constant 5 : i32
        %get3A_768 = arith.index_cast %get3A_767 : i32 to index
        %get3A_769 = arith.constant 48 : index
        %get3A_770 = tpu.vector_load %arg7[%get3A_768, %get3A_769] {strides = array<i32>} : memref<16x64xi32, #tpu.memory_space<vmem>>, vector<16xi32>,
        %swap3A_771 = arith.constant 368 : index
        %swap3A_772 = tpu.vector_load %arg9[%swap3A_771] {strides = array<i32>} : memref<1024xi32, #tpu.memory_space<vmem>>, vector<16xi32>,
        tpu.vector_store %arg9[%swap3A_771], %get3A_770 {strides = array<i32>} : memref<1024xi32, #tpu.memory_space<vmem>>, vector<16xi32>,
        %get3A_773 = arith.constant 6 : i32
        %get3A_774 = arith.index_cast %get3A_773 : i32 to index
        %get3A_775 = arith.constant 0 : index
        %get3A_776 = tpu.vector_load %arg7[%get3A_774, %get3A_775] {strides = array<i32>} : memref<16x64xi32, #tpu.memory_space<vmem>>, vector<16xi32>,
        %swap3A_777 = arith.constant 384 : index
        %swap3A_778 = tpu.vector_load %arg9[%swap3A_777] {strides = array<i32>} : memref<1024xi32, #tpu.memory_space<vmem>>, vector<16xi32>,
        tpu.vector_store %arg9[%swap3A_777], %get3A_776 {strides = array<i32>} : memref<1024xi32, #tpu.memory_space<vmem>>, vector<16xi32>,
        %get3A_779 = arith.constant 6 : i32
        %get3A_780 = arith.index_cast %get3A_779 : i32 to index
        %get3A_781 = arith.constant 16 : index
        %get3A_782 = tpu.vector_load %arg7[%get3A_780, %get3A_781] {strides = array<i32>} : memref<16x64xi32, #tpu.memory_space<vmem>>, vector<16xi32>,
        %swap3A_783 = arith.constant 400 : index
        %swap3A_784 = tpu.vector_load %arg9[%swap3A_783] {strides = array<i32>} : memref<1024xi32, #tpu.memory_space<vmem>>, vector<16xi32>,
        tpu.vector_store %arg9[%swap3A_783], %get3A_782 {strides = array<i32>} : memref<1024xi32, #tpu.memory_space<vmem>>, vector<16xi32>,
        %get3A_785 = arith.constant 6 : i32
        %get3A_786 = arith.index_cast %get3A_785 : i32 to index
        %get3A_787 = arith.constant 32 : index
        %get3A_788 = tpu.vector_load %arg7[%get3A_786, %get3A_787] {strides = array<i32>} : memref<16x64xi32, #tpu.memory_space<vmem>>, vector<16xi32>,
        %swap3A_789 = arith.constant 416 : index
        %swap3A_790 = tpu.vector_load %arg9[%swap3A_789] {strides = array<i32>} : memref<1024xi32, #tpu.memory_space<vmem>>, vector<16xi32>,
        tpu.vector_store %arg9[%swap3A_789], %get3A_788 {strides = array<i32>} : memref<1024xi32, #tpu.memory_space<vmem>>, vector<16xi32>,
        %get3A_791 = arith.constant 6 : i32
        %get3A_792 = arith.index_cast %get3A_791 : i32 to index
        %get3A_793 = arith.constant 48 : index
        %get3A_794 = tpu.vector_load %arg7[%get3A_792, %get3A_793] {strides = array<i32>} : memref<16x64xi32, #tpu.memory_space<vmem>>, vector<16xi32>,
        %swap3A_795 = arith.constant 432 : index
        %swap3A_796 = tpu.vector_load %arg9[%swap3A_795] {strides = array<i32>} : memref<1024xi32, #tpu.memory_space<vmem>>, vector<16xi32>,
        tpu.vector_store %arg9[%swap3A_795], %get3A_794 {strides = array<i32>} : memref<1024xi32, #tpu.memory_space<vmem>>, vector<16xi32>,
        %get3A_797 = arith.constant 7 : i32
        %get3A_798 = arith.index_cast %get3A_797 : i32 to index
        %get3A_799 = arith.constant 0 : index
        %get3A_800 = tpu.vector_load %arg7[%get3A_798, %get3A_799] {strides = array<i32>} : memref<16x64xi32, #tpu.memory_space<vmem>>, vector<16xi32>,
        %swap3A_801 = arith.constant 448 : index
        %swap3A_802 = tpu.vector_load %arg9[%swap3A_801] {strides = array<i32>} : memref<1024xi32, #tpu.memory_space<vmem>>, vector<16xi32>,
        tpu.vector_store %arg9[%swap3A_801], %get3A_800 {strides = array<i32>} : memref<1024xi32, #tpu.memory_space<vmem>>, vector<16xi32>,
        %get3A_803 = arith.constant 7 : i32
        %get3A_804 = arith.index_cast %get3A_803 : i32 to index
        %get3A_805 = arith.constant 16 : index
        %get3A_806 = tpu.vector_load %arg7[%get3A_804, %get3A_805] {strides = array<i32>} : memref<16x64xi32, #tpu.memory_space<vmem>>, vector<16xi32>,
        %swap3A_807 = arith.constant 464 : index
        %swap3A_808 = tpu.vector_load %arg9[%swap3A_807] {strides = array<i32>} : memref<1024xi32, #tpu.memory_space<vmem>>, vector<16xi32>,
        tpu.vector_store %arg9[%swap3A_807], %get3A_806 {strides = array<i32>} : memref<1024xi32, #tpu.memory_space<vmem>>, vector<16xi32>,
        %get3A_809 = arith.constant 7 : i32
        %get3A_810 = arith.index_cast %get3A_809 : i32 to index
        %get3A_811 = arith.constant 32 : index
        %get3A_812 = tpu.vector_load %arg7[%get3A_810, %get3A_811] {strides = array<i32>} : memref<16x64xi32, #tpu.memory_space<vmem>>, vector<16xi32>,
        %swap3A_813 = arith.constant 480 : index
        %swap3A_814 = tpu.vector_load %arg9[%swap3A_813] {strides = array<i32>} : memref<1024xi32, #tpu.memory_space<vmem>>, vector<16xi32>,
        tpu.vector_store %arg9[%swap3A_813], %get3A_812 {strides = array<i32>} : memref<1024xi32, #tpu.memory_space<vmem>>, vector<16xi32>,
        %get3A_815 = arith.constant 7 : i32
        %get3A_816 = arith.index_cast %get3A_815 : i32 to index
        %get3A_817 = arith.constant 48 : index
        %get3A_818 = tpu.vector_load %arg7[%get3A_816, %get3A_817] {strides = array<i32>} : memref<16x64xi32, #tpu.memory_space<vmem>>, vector<16xi32>,
        %swap3A_819 = arith.constant 496 : index
        %swap3A_820 = tpu.vector_load %arg9[%swap3A_819] {strides = array<i32>} : memref<1024xi32, #tpu.memory_space<vmem>>, vector<16xi32>,
        tpu.vector_store %arg9[%swap3A_819], %get3A_818 {strides = array<i32>} : memref<1024xi32, #tpu.memory_space<vmem>>, vector<16xi32>,
        %get3A_821 = arith.constant 8 : i32
        %get3A_822 = arith.index_cast %get3A_821 : i32 to index
        %get3A_823 = arith.constant 0 : index
        %get3A_824 = tpu.vector_load %arg7[%get3A_822, %get3A_823] {strides = array<i32>} : memref<16x64xi32, #tpu.memory_space<vmem>>, vector<16xi32>,
        %swap3A_825 = arith.constant 512 : index
        %swap3A_826 = tpu.vector_load %arg9[%swap3A_825] {strides = array<i32>} : memref<1024xi32, #tpu.memory_space<vmem>>, vector<16xi32>,
        tpu.vector_store %arg9[%swap3A_825], %get3A_824 {strides = array<i32>} : memref<1024xi32, #tpu.memory_space<vmem>>, vector<16xi32>,
        %get3A_827 = arith.constant 8 : i32
        %get3A_828 = arith.index_cast %get3A_827 : i32 to index
        %get3A_829 = arith.constant 16 : index
        %get3A_830 = tpu.vector_load %arg7[%get3A_828, %get3A_829] {strides = array<i32>} : memref<16x64xi32, #tpu.memory_space<vmem>>, vector<16xi32>,
        %swap3A_831 = arith.constant 528 : index
        %swap3A_832 = tpu.vector_load %arg9[%swap3A_831] {strides = array<i32>} : memref<1024xi32, #tpu.memory_space<vmem>>, vector<16xi32>,
        tpu.vector_store %arg9[%swap3A_831], %get3A_830 {strides = array<i32>} : memref<1024xi32, #tpu.memory_space<vmem>>, vector<16xi32>,
        %get3A_833 = arith.constant 8 : i32
        %get3A_834 = arith.index_cast %get3A_833 : i32 to index
        %get3A_835 = arith.constant 32 : index
        %get3A_836 = tpu.vector_load %arg7[%get3A_834, %get3A_835] {strides = array<i32>} : memref<16x64xi32, #tpu.memory_space<vmem>>, vector<16xi32>,
        %swap3A_837 = arith.constant 544 : index
        %swap3A_838 = tpu.vector_load %arg9[%swap3A_837] {strides = array<i32>} : memref<1024xi32, #tpu.memory_space<vmem>>, vector<16xi32>,
        tpu.vector_store %arg9[%swap3A_837], %get3A_836 {strides = array<i32>} : memref<1024xi32, #tpu.memory_space<vmem>>, vector<16xi32>,
        %get3A_839 = arith.constant 8 : i32
        %get3A_840 = arith.index_cast %get3A_839 : i32 to index
        %get3A_841 = arith.constant 48 : index
        %get3A_842 = tpu.vector_load %arg7[%get3A_840, %get3A_841] {strides = array<i32>} : memref<16x64xi32, #tpu.memory_space<vmem>>, vector<16xi32>,
        %swap3A_843 = arith.constant 560 : index
        %swap3A_844 = tpu.vector_load %arg9[%swap3A_843] {strides = array<i32>} : memref<1024xi32, #tpu.memory_space<vmem>>, vector<16xi32>,
        tpu.vector_store %arg9[%swap3A_843], %get3A_842 {strides = array<i32>} : memref<1024xi32, #tpu.memory_space<vmem>>, vector<16xi32>,
        %get3A_845 = arith.constant 9 : i32
        %get3A_846 = arith.index_cast %get3A_845 : i32 to index
        %get3A_847 = arith.constant 0 : index
        %get3A_848 = tpu.vector_load %arg7[%get3A_846, %get3A_847] {strides = array<i32>} : memref<16x64xi32, #tpu.memory_space<vmem>>, vector<16xi32>,
        %swap3A_849 = arith.constant 576 : index
        %swap3A_850 = tpu.vector_load %arg9[%swap3A_849] {strides = array<i32>} : memref<1024xi32, #tpu.memory_space<vmem>>, vector<16xi32>,
        tpu.vector_store %arg9[%swap3A_849], %get3A_848 {strides = array<i32>} : memref<1024xi32, #tpu.memory_space<vmem>>, vector<16xi32>,
        %get3A_851 = arith.constant 9 : i32
        %get3A_852 = arith.index_cast %get3A_851 : i32 to index
        %get3A_853 = arith.constant 16 : index
        %get3A_854 = tpu.vector_load %arg7[%get3A_852, %get3A_853] {strides = array<i32>} : memref<16x64xi32, #tpu.memory_space<vmem>>, vector<16xi32>,
        %swap3A_855 = arith.constant 592 : index
        %swap3A_856 = tpu.vector_load %arg9[%swap3A_855] {strides = array<i32>} : memref<1024xi32, #tpu.memory_space<vmem>>, vector<16xi32>,
        tpu.vector_store %arg9[%swap3A_855], %get3A_854 {strides = array<i32>} : memref<1024xi32, #tpu.memory_space<vmem>>, vector<16xi32>,
        %get3A_857 = arith.constant 9 : i32
        %get3A_858 = arith.index_cast %get3A_857 : i32 to index
        %get3A_859 = arith.constant 32 : index
        %get3A_860 = tpu.vector_load %arg7[%get3A_858, %get3A_859] {strides = array<i32>} : memref<16x64xi32, #tpu.memory_space<vmem>>, vector<16xi32>,
        %swap3A_861 = arith.constant 608 : index
        %swap3A_862 = tpu.vector_load %arg9[%swap3A_861] {strides = array<i32>} : memref<1024xi32, #tpu.memory_space<vmem>>, vector<16xi32>,
        tpu.vector_store %arg9[%swap3A_861], %get3A_860 {strides = array<i32>} : memref<1024xi32, #tpu.memory_space<vmem>>, vector<16xi32>,
        %get3A_863 = arith.constant 9 : i32
        %get3A_864 = arith.index_cast %get3A_863 : i32 to index
        %get3A_865 = arith.constant 48 : index
        %get3A_866 = tpu.vector_load %arg7[%get3A_864, %get3A_865] {strides = array<i32>} : memref<16x64xi32, #tpu.memory_space<vmem>>, vector<16xi32>,
        %swap3A_867 = arith.constant 624 : index
        %swap3A_868 = tpu.vector_load %arg9[%swap3A_867] {strides = array<i32>} : memref<1024xi32, #tpu.memory_space<vmem>>, vector<16xi32>,
        tpu.vector_store %arg9[%swap3A_867], %get3A_866 {strides = array<i32>} : memref<1024xi32, #tpu.memory_space<vmem>>, vector<16xi32>,
        %get3A_869 = arith.constant 10 : i32
        %get3A_870 = arith.index_cast %get3A_869 : i32 to index
        %get3A_871 = arith.constant 0 : index
        %get3A_872 = tpu.vector_load %arg7[%get3A_870, %get3A_871] {strides = array<i32>} : memref<16x64xi32, #tpu.memory_space<vmem>>, vector<16xi32>,
        %swap3A_873 = arith.constant 640 : index
        %swap3A_874 = tpu.vector_load %arg9[%swap3A_873] {strides = array<i32>} : memref<1024xi32, #tpu.memory_space<vmem>>, vector<16xi32>,
        tpu.vector_store %arg9[%swap3A_873], %get3A_872 {strides = array<i32>} : memref<1024xi32, #tpu.memory_space<vmem>>, vector<16xi32>,
        %get3A_875 = arith.constant 10 : i32
        %get3A_876 = arith.index_cast %get3A_875 : i32 to index
        %get3A_877 = arith.constant 16 : index
        %get3A_878 = tpu.vector_load %arg7[%get3A_876, %get3A_877] {strides = array<i32>} : memref<16x64xi32, #tpu.memory_space<vmem>>, vector<16xi32>,
        %swap3A_879 = arith.constant 656 : index
        %swap3A_880 = tpu.vector_load %arg9[%swap3A_879] {strides = array<i32>} : memref<1024xi32, #tpu.memory_space<vmem>>, vector<16xi32>,
        tpu.vector_store %arg9[%swap3A_879], %get3A_878 {strides = array<i32>} : memref<1024xi32, #tpu.memory_space<vmem>>, vector<16xi32>,
        %get3A_881 = arith.constant 10 : i32
        %get3A_882 = arith.index_cast %get3A_881 : i32 to index
        %get3A_883 = arith.constant 32 : index
        %get3A_884 = tpu.vector_load %arg7[%get3A_882, %get3A_883] {strides = array<i32>} : memref<16x64xi32, #tpu.memory_space<vmem>>, vector<16xi32>,
        %swap3A_885 = arith.constant 672 : index
        %swap3A_886 = tpu.vector_load %arg9[%swap3A_885] {strides = array<i32>} : memref<1024xi32, #tpu.memory_space<vmem>>, vector<16xi32>,
        tpu.vector_store %arg9[%swap3A_885], %get3A_884 {strides = array<i32>} : memref<1024xi32, #tpu.memory_space<vmem>>, vector<16xi32>,
        %get3A_887 = arith.constant 10 : i32
        %get3A_888 = arith.index_cast %get3A_887 : i32 to index
        %get3A_889 = arith.constant 48 : index
        %get3A_890 = tpu.vector_load %arg7[%get3A_888, %get3A_889] {strides = array<i32>} : memref<16x64xi32, #tpu.memory_space<vmem>>, vector<16xi32>,
        %swap3A_891 = arith.constant 688 : index
        %swap3A_892 = tpu.vector_load %arg9[%swap3A_891] {strides = array<i32>} : memref<1024xi32, #tpu.memory_space<vmem>>, vector<16xi32>,
        tpu.vector_store %arg9[%swap3A_891], %get3A_890 {strides = array<i32>} : memref<1024xi32, #tpu.memory_space<vmem>>, vector<16xi32>,
        %get3A_893 = arith.constant 11 : i32
        %get3A_894 = arith.index_cast %get3A_893 : i32 to index
        %get3A_895 = arith.constant 0 : index
        %get3A_896 = tpu.vector_load %arg7[%get3A_894, %get3A_895] {strides = array<i32>} : memref<16x64xi32, #tpu.memory_space<vmem>>, vector<16xi32>,
        %swap3A_897 = arith.constant 704 : index
        %swap3A_898 = tpu.vector_load %arg9[%swap3A_897] {strides = array<i32>} : memref<1024xi32, #tpu.memory_space<vmem>>, vector<16xi32>,
        tpu.vector_store %arg9[%swap3A_897], %get3A_896 {strides = array<i32>} : memref<1024xi32, #tpu.memory_space<vmem>>, vector<16xi32>,
        %get3A_899 = arith.constant 11 : i32
        %get3A_900 = arith.index_cast %get3A_899 : i32 to index
        %get3A_901 = arith.constant 16 : index
        %get3A_902 = tpu.vector_load %arg7[%get3A_900, %get3A_901] {strides = array<i32>} : memref<16x64xi32, #tpu.memory_space<vmem>>, vector<16xi32>,
        %swap3A_903 = arith.constant 720 : index
        %swap3A_904 = tpu.vector_load %arg9[%swap3A_903] {strides = array<i32>} : memref<1024xi32, #tpu.memory_space<vmem>>, vector<16xi32>,
        tpu.vector_store %arg9[%swap3A_903], %get3A_902 {strides = array<i32>} : memref<1024xi32, #tpu.memory_space<vmem>>, vector<16xi32>,
        %get3A_905 = arith.constant 11 : i32
        %get3A_906 = arith.index_cast %get3A_905 : i32 to index
        %get3A_907 = arith.constant 32 : index
        %get3A_908 = tpu.vector_load %arg7[%get3A_906, %get3A_907] {strides = array<i32>} : memref<16x64xi32, #tpu.memory_space<vmem>>, vector<16xi32>,
        %swap3A_909 = arith.constant 736 : index
        %swap3A_910 = tpu.vector_load %arg9[%swap3A_909] {strides = array<i32>} : memref<1024xi32, #tpu.memory_space<vmem>>, vector<16xi32>,
        tpu.vector_store %arg9[%swap3A_909], %get3A_908 {strides = array<i32>} : memref<1024xi32, #tpu.memory_space<vmem>>, vector<16xi32>,
        %get3A_911 = arith.constant 11 : i32
        %get3A_912 = arith.index_cast %get3A_911 : i32 to index
        %get3A_913 = arith.constant 48 : index
        %get3A_914 = tpu.vector_load %arg7[%get3A_912, %get3A_913] {strides = array<i32>} : memref<16x64xi32, #tpu.memory_space<vmem>>, vector<16xi32>,
        %swap3A_915 = arith.constant 752 : index
        %swap3A_916 = tpu.vector_load %arg9[%swap3A_915] {strides = array<i32>} : memref<1024xi32, #tpu.memory_space<vmem>>, vector<16xi32>,
        tpu.vector_store %arg9[%swap3A_915], %get3A_914 {strides = array<i32>} : memref<1024xi32, #tpu.memory_space<vmem>>, vector<16xi32>,
        %get3A_917 = arith.constant 12 : i32
        %get3A_918 = arith.index_cast %get3A_917 : i32 to index
        %get3A_919 = arith.constant 0 : index
        %get3A_920 = tpu.vector_load %arg7[%get3A_918, %get3A_919] {strides = array<i32>} : memref<16x64xi32, #tpu.memory_space<vmem>>, vector<16xi32>,
        %swap3A_921 = arith.constant 768 : index
        %swap3A_922 = tpu.vector_load %arg9[%swap3A_921] {strides = array<i32>} : memref<1024xi32, #tpu.memory_space<vmem>>, vector<16xi32>,
        tpu.vector_store %arg9[%swap3A_921], %get3A_920 {strides = array<i32>} : memref<1024xi32, #tpu.memory_space<vmem>>, vector<16xi32>,
        %get3A_923 = arith.constant 12 : i32
        %get3A_924 = arith.index_cast %get3A_923 : i32 to index
        %get3A_925 = arith.constant 16 : index
        %get3A_926 = tpu.vector_load %arg7[%get3A_924, %get3A_925] {strides = array<i32>} : memref<16x64xi32, #tpu.memory_space<vmem>>, vector<16xi32>,
        %swap3A_927 = arith.constant 784 : index
        %swap3A_928 = tpu.vector_load %arg9[%swap3A_927] {strides = array<i32>} : memref<1024xi32, #tpu.memory_space<vmem>>, vector<16xi32>,
        tpu.vector_store %arg9[%swap3A_927], %get3A_926 {strides = array<i32>} : memref<1024xi32, #tpu.memory_space<vmem>>, vector<16xi32>,
        %get3A_929 = arith.constant 12 : i32
        %get3A_930 = arith.index_cast %get3A_929 : i32 to index
        %get3A_931 = arith.constant 32 : index
        %get3A_932 = tpu.vector_load %arg7[%get3A_930, %get3A_931] {strides = array<i32>} : memref<16x64xi32, #tpu.memory_space<vmem>>, vector<16xi32>,
        %swap3A_933 = arith.constant 800 : index
        %swap3A_934 = tpu.vector_load %arg9[%swap3A_933] {strides = array<i32>} : memref<1024xi32, #tpu.memory_space<vmem>>, vector<16xi32>,
        tpu.vector_store %arg9[%swap3A_933], %get3A_932 {strides = array<i32>} : memref<1024xi32, #tpu.memory_space<vmem>>, vector<16xi32>,
        %get3A_935 = arith.constant 12 : i32
        %get3A_936 = arith.index_cast %get3A_935 : i32 to index
        %get3A_937 = arith.constant 48 : index
        %get3A_938 = tpu.vector_load %arg7[%get3A_936, %get3A_937] {strides = array<i32>} : memref<16x64xi32, #tpu.memory_space<vmem>>, vector<16xi32>,
        %swap3A_939 = arith.constant 816 : index
        %swap3A_940 = tpu.vector_load %arg9[%swap3A_939] {strides = array<i32>} : memref<1024xi32, #tpu.memory_space<vmem>>, vector<16xi32>,
        tpu.vector_store %arg9[%swap3A_939], %get3A_938 {strides = array<i32>} : memref<1024xi32, #tpu.memory_space<vmem>>, vector<16xi32>,
        %get3A_941 = arith.constant 13 : i32
        %get3A_942 = arith.index_cast %get3A_941 : i32 to index
        %get3A_943 = arith.constant 0 : index
        %get3A_944 = tpu.vector_load %arg7[%get3A_942, %get3A_943] {strides = array<i32>} : memref<16x64xi32, #tpu.memory_space<vmem>>, vector<16xi32>,
        %swap3A_945 = arith.constant 832 : index
        %swap3A_946 = tpu.vector_load %arg9[%swap3A_945] {strides = array<i32>} : memref<1024xi32, #tpu.memory_space<vmem>>, vector<16xi32>,
        tpu.vector_store %arg9[%swap3A_945], %get3A_944 {strides = array<i32>} : memref<1024xi32, #tpu.memory_space<vmem>>, vector<16xi32>,
        %get3A_947 = arith.constant 13 : i32
        %get3A_948 = arith.index_cast %get3A_947 : i32 to index
        %get3A_949 = arith.constant 16 : index
        %get3A_950 = tpu.vector_load %arg7[%get3A_948, %get3A_949] {strides = array<i32>} : memref<16x64xi32, #tpu.memory_space<vmem>>, vector<16xi32>,
        %swap3A_951 = arith.constant 848 : index
        %swap3A_952 = tpu.vector_load %arg9[%swap3A_951] {strides = array<i32>} : memref<1024xi32, #tpu.memory_space<vmem>>, vector<16xi32>,
        tpu.vector_store %arg9[%swap3A_951], %get3A_950 {strides = array<i32>} : memref<1024xi32, #tpu.memory_space<vmem>>, vector<16xi32>,
        %get3A_953 = arith.constant 13 : i32
        %get3A_954 = arith.index_cast %get3A_953 : i32 to index
        %get3A_955 = arith.constant 32 : index
        %get3A_956 = tpu.vector_load %arg7[%get3A_954, %get3A_955] {strides = array<i32>} : memref<16x64xi32, #tpu.memory_space<vmem>>, vector<16xi32>,
        %swap3A_957 = arith.constant 864 : index
        %swap3A_958 = tpu.vector_load %arg9[%swap3A_957] {strides = array<i32>} : memref<1024xi32, #tpu.memory_space<vmem>>, vector<16xi32>,
        tpu.vector_store %arg9[%swap3A_957], %get3A_956 {strides = array<i32>} : memref<1024xi32, #tpu.memory_space<vmem>>, vector<16xi32>,
        %get3A_959 = arith.constant 13 : i32
        %get3A_960 = arith.index_cast %get3A_959 : i32 to index
        %get3A_961 = arith.constant 48 : index
        %get3A_962 = tpu.vector_load %arg7[%get3A_960, %get3A_961] {strides = array<i32>} : memref<16x64xi32, #tpu.memory_space<vmem>>, vector<16xi32>,
        %swap3A_963 = arith.constant 880 : index
        %swap3A_964 = tpu.vector_load %arg9[%swap3A_963] {strides = array<i32>} : memref<1024xi32, #tpu.memory_space<vmem>>, vector<16xi32>,
        tpu.vector_store %arg9[%swap3A_963], %get3A_962 {strides = array<i32>} : memref<1024xi32, #tpu.memory_space<vmem>>, vector<16xi32>,
        %get3A_965 = arith.constant 14 : i32
        %get3A_966 = arith.index_cast %get3A_965 : i32 to index
        %get3A_967 = arith.constant 0 : index
        %get3A_968 = tpu.vector_load %arg7[%get3A_966, %get3A_967] {strides = array<i32>} : memref<16x64xi32, #tpu.memory_space<vmem>>, vector<16xi32>,
        %swap3A_969 = arith.constant 896 : index
        %swap3A_970 = tpu.vector_load %arg9[%swap3A_969] {strides = array<i32>} : memref<1024xi32, #tpu.memory_space<vmem>>, vector<16xi32>,
        tpu.vector_store %arg9[%swap3A_969], %get3A_968 {strides = array<i32>} : memref<1024xi32, #tpu.memory_space<vmem>>, vector<16xi32>,
        %get3A_971 = arith.constant 14 : i32
        %get3A_972 = arith.index_cast %get3A_971 : i32 to index
        %get3A_973 = arith.constant 16 : index
        %get3A_974 = tpu.vector_load %arg7[%get3A_972, %get3A_973] {strides = array<i32>} : memref<16x64xi32, #tpu.memory_space<vmem>>, vector<16xi32>,
        %swap3A_975 = arith.constant 912 : index
        %swap3A_976 = tpu.vector_load %arg9[%swap3A_975] {strides = array<i32>} : memref<1024xi32, #tpu.memory_space<vmem>>, vector<16xi32>,
        tpu.vector_store %arg9[%swap3A_975], %get3A_974 {strides = array<i32>} : memref<1024xi32, #tpu.memory_space<vmem>>, vector<16xi32>,
        %get3A_977 = arith.constant 14 : i32
        %get3A_978 = arith.index_cast %get3A_977 : i32 to index
        %get3A_979 = arith.constant 32 : index
        %get3A_980 = tpu.vector_load %arg7[%get3A_978, %get3A_979] {strides = array<i32>} : memref<16x64xi32, #tpu.memory_space<vmem>>, vector<16xi32>,
        %swap3A_981 = arith.constant 928 : index
        %swap3A_982 = tpu.vector_load %arg9[%swap3A_981] {strides = array<i32>} : memref<1024xi32, #tpu.memory_space<vmem>>, vector<16xi32>,
        tpu.vector_store %arg9[%swap3A_981], %get3A_980 {strides = array<i32>} : memref<1024xi32, #tpu.memory_space<vmem>>, vector<16xi32>,
        %get3A_983 = arith.constant 14 : i32
        %get3A_984 = arith.index_cast %get3A_983 : i32 to index
        %get3A_985 = arith.constant 48 : index
        %get3A_986 = tpu.vector_load %arg7[%get3A_984, %get3A_985] {strides = array<i32>} : memref<16x64xi32, #tpu.memory_space<vmem>>, vector<16xi32>,
        %swap3A_987 = arith.constant 944 : index
        %swap3A_988 = tpu.vector_load %arg9[%swap3A_987] {strides = array<i32>} : memref<1024xi32, #tpu.memory_space<vmem>>, vector<16xi32>,
        tpu.vector_store %arg9[%swap3A_987], %get3A_986 {strides = array<i32>} : memref<1024xi32, #tpu.memory_space<vmem>>, vector<16xi32>,
        %get3A_989 = arith.constant 15 : i32
        %get3A_990 = arith.index_cast %get3A_989 : i32 to index
        %get3A_991 = arith.constant 0 : index
        %get3A_992 = tpu.vector_load %arg7[%get3A_990, %get3A_991] {strides = array<i32>} : memref<16x64xi32, #tpu.memory_space<vmem>>, vector<16xi32>,
        %swap3A_993 = arith.constant 960 : index
        %swap3A_994 = tpu.vector_load %arg9[%swap3A_993] {strides = array<i32>} : memref<1024xi32, #tpu.memory_space<vmem>>, vector<16xi32>,
        tpu.vector_store %arg9[%swap3A_993], %get3A_992 {strides = array<i32>} : memref<1024xi32, #tpu.memory_space<vmem>>, vector<16xi32>,
        %get3A_995 = arith.constant 15 : i32
        %get3A_996 = arith.index_cast %get3A_995 : i32 to index
        %get3A_997 = arith.constant 16 : index
        %get3A_998 = tpu.vector_load %arg7[%get3A_996, %get3A_997] {strides = array<i32>} : memref<16x64xi32, #tpu.memory_space<vmem>>, vector<16xi32>,
        %swap3A_999 = arith.constant 976 : index
        %swap3A_1000 = tpu.vector_load %arg9[%swap3A_999] {strides = array<i32>} : memref<1024xi32, #tpu.memory_space<vmem>>, vector<16xi32>,
        tpu.vector_store %arg9[%swap3A_999], %get3A_998 {strides = array<i32>} : memref<1024xi32, #tpu.memory_space<vmem>>, vector<16xi32>,
        %get3A_1001 = arith.constant 15 : i32
        %get3A_1002 = arith.index_cast %get3A_1001 : i32 to index
        %get3A_1003 = arith.constant 32 : index
        %get3A_1004 = tpu.vector_load %arg7[%get3A_1002, %get3A_1003] {strides = array<i32>} : memref<16x64xi32, #tpu.memory_space<vmem>>, vector<16xi32>,
        %swap3A_1005 = arith.constant 992 : index
        %swap3A_1006 = tpu.vector_load %arg9[%swap3A_1005] {strides = array<i32>} : memref<1024xi32, #tpu.memory_space<vmem>>, vector<16xi32>,
        tpu.vector_store %arg9[%swap3A_1005], %get3A_1004 {strides = array<i32>} : memref<1024xi32, #tpu.memory_space<vmem>>, vector<16xi32>,
        %get3A_1007 = arith.constant 15 : i32
        %get3A_1008 = arith.index_cast %get3A_1007 : i32 to index
        %get3A_1009 = arith.constant 48 : index
        %get3A_1010 = tpu.vector_load %arg7[%get3A_1008, %get3A_1009] {strides = array<i32>} : memref<16x64xi32, #tpu.memory_space<vmem>>, vector<16xi32>,
        %swap3A_1011 = arith.constant 1008 : index
        %swap3A_1012 = tpu.vector_load %arg9[%swap3A_1011] {strides = array<i32>} : memref<1024xi32, #tpu.memory_space<vmem>>, vector<16xi32>,
        tpu.vector_store %arg9[%swap3A_1011], %get3A_1010 {strides = array<i32>} : memref<1024xi32, #tpu.memory_space<vmem>>, vector<16xi32>,
        %dma_start3A_1013 = arith.constant 0 : i32
        %dma_start3A_1014 = arith.constant 0 : i32
        %dma_start3A_1015 = tpu.memref_slice %arg13[%dma_start3A_1013, %dma_start3A_1014] : memref<1024x64xbf16, #tpu.memory_space<vmem>> -> memref<128x64xbf16, #tpu.memory_space<vmem>>
        %dma_start3A_1016 = arith.constant 0 : i32
        %dma_start3A_1017 = tpu.memref_slice %arg9[%dma_start3A_1016] : memref<1024xi32, #tpu.memory_space<vmem>> -> memref<128xi32, #tpu.memory_space<vmem>>
        %dma_start3A_1018 = arith.constant 0 : i32
        %dma_start3A_1019 = arith.constant 0 : i32
        %dma_start3A_1020 = tpu.memref_slice %arg2[%dma_start3A_1018, %dma_start3A_1019] : memref<262144x64xbf16, #tpu.memory_space<hbm>> -> memref<262144x64xbf16, #tpu.memory_space<hbm>>
        tpu.enqueue_indirect_dma source(%dma_start3A_1020 : memref<262144x64xbf16, #tpu.memory_space<hbm>>) target(%dma_start3A_1015 : memref<128x64xbf16, #tpu.memory_space<vmem>>) offsets(%dma_start3A_1017 : memref<128xi32, #tpu.memory_space<vmem>>) semaphore(%arg17 : memref<!tpu.dma_semaphore, #tpu.memory_space<semaphore_mem>>)
        %dma_start3A_1021 = arith.constant 128 : i32
        %dma_start3A_1022 = arith.constant 0 : i32
        %dma_start3A_1023 = tpu.memref_slice %arg13[%dma_start3A_1021, %dma_start3A_1022] : memref<1024x64xbf16, #tpu.memory_space<vmem>> -> memref<128x64xbf16, #tpu.memory_space<vmem>>
        %dma_start3A_1024 = arith.constant 128 : i32
        %dma_start3A_1025 = tpu.memref_slice %arg9[%dma_start3A_1024] : memref<1024xi32, #tpu.memory_space<vmem>> -> memref<128xi32, #tpu.memory_space<vmem>>
        %dma_start3A_1026 = arith.constant 0 : i32
        %dma_start3A_1027 = arith.constant 0 : i32
        %dma_start3A_1028 = tpu.memref_slice %arg2[%dma_start3A_1026, %dma_start3A_1027] : memref<262144x64xbf16, #tpu.memory_space<hbm>> -> memref<262144x64xbf16, #tpu.memory_space<hbm>>
        tpu.enqueue_indirect_dma source(%dma_start3A_1028 : memref<262144x64xbf16, #tpu.memory_space<hbm>>) target(%dma_start3A_1023 : memref<128x64xbf16, #tpu.memory_space<vmem>>) offsets(%dma_start3A_1025 : memref<128xi32, #tpu.memory_space<vmem>>) semaphore(%arg17 : memref<!tpu.dma_semaphore, #tpu.memory_space<semaphore_mem>>)
        %dma_start3A_1029 = arith.constant 256 : i32
        %dma_start3A_1030 = arith.constant 0 : i32
        %dma_start3A_1031 = tpu.memref_slice %arg13[%dma_start3A_1029, %dma_start3A_1030] : memref<1024x64xbf16, #tpu.memory_space<vmem>> -> memref<128x64xbf16, #tpu.memory_space<vmem>>
        %dma_start3A_1032 = arith.constant 256 : i32
        %dma_start3A_1033 = tpu.memref_slice %arg9[%dma_start3A_1032] : memref<1024xi32, #tpu.memory_space<vmem>> -> memref<128xi32, #tpu.memory_space<vmem>>
        %dma_start3A_1034 = arith.constant 0 : i32
        %dma_start3A_1035 = arith.constant 0 : i32
        %dma_start3A_1036 = tpu.memref_slice %arg2[%dma_start3A_1034, %dma_start3A_1035] : memref<262144x64xbf16, #tpu.memory_space<hbm>> -> memref<262144x64xbf16, #tpu.memory_space<hbm>>
        tpu.enqueue_indirect_dma source(%dma_start3A_1036 : memref<262144x64xbf16, #tpu.memory_space<hbm>>) target(%dma_start3A_1031 : memref<128x64xbf16, #tpu.memory_space<vmem>>) offsets(%dma_start3A_1033 : memref<128xi32, #tpu.memory_space<vmem>>) semaphore(%arg17 : memref<!tpu.dma_semaphore, #tpu.memory_space<semaphore_mem>>)
        %dma_start3A_1037 = arith.constant 384 : i32
        %dma_start3A_1038 = arith.constant 0 : i32
        %dma_start3A_1039 = tpu.memref_slice %arg13[%dma_start3A_1037, %dma_start3A_1038] : memref<1024x64xbf16, #tpu.memory_space<vmem>> -> memref<128x64xbf16, #tpu.memory_space<vmem>>
        %dma_start3A_1040 = arith.constant 384 : i32
        %dma_start3A_1041 = tpu.memref_slice %arg9[%dma_start3A_1040] : memref<1024xi32, #tpu.memory_space<vmem>> -> memref<128xi32, #tpu.memory_space<vmem>>
        %dma_start3A_1042 = arith.constant 0 : i32
        %dma_start3A_1043 = arith.constant 0 : i32
        %dma_start3A_1044 = tpu.memref_slice %arg2[%dma_start3A_1042, %dma_start3A_1043] : memref<262144x64xbf16, #tpu.memory_space<hbm>> -> memref<262144x64xbf16, #tpu.memory_space<hbm>>
        tpu.enqueue_indirect_dma source(%dma_start3A_1044 : memref<262144x64xbf16, #tpu.memory_space<hbm>>) target(%dma_start3A_1039 : memref<128x64xbf16, #tpu.memory_space<vmem>>) offsets(%dma_start3A_1041 : memref<128xi32, #tpu.memory_space<vmem>>) semaphore(%arg17 : memref<!tpu.dma_semaphore, #tpu.memory_space<semaphore_mem>>)
        %dma_start3A_1045 = arith.constant 512 : i32
        %dma_start3A_1046 = arith.constant 0 : i32
        %dma_start3A_1047 = tpu.memref_slice %arg13[%dma_start3A_1045, %dma_start3A_1046] : memref<1024x64xbf16, #tpu.memory_space<vmem>> -> memref<128x64xbf16, #tpu.memory_space<vmem>>
        %dma_start3A_1048 = arith.constant 512 : i32
        %dma_start3A_1049 = tpu.memref_slice %arg9[%dma_start3A_1048] : memref<1024xi32, #tpu.memory_space<vmem>> -> memref<128xi32, #tpu.memory_space<vmem>>
        %dma_start3A_1050 = arith.constant 0 : i32
        %dma_start3A_1051 = arith.constant 0 : i32
        %dma_start3A_1052 = tpu.memref_slice %arg2[%dma_start3A_1050, %dma_start3A_1051] : memref<262144x64xbf16, #tpu.memory_space<hbm>> -> memref<262144x64xbf16, #tpu.memory_space<hbm>>
        tpu.enqueue_indirect_dma source(%dma_start3A_1052 : memref<262144x64xbf16, #tpu.memory_space<hbm>>) target(%dma_start3A_1047 : memref<128x64xbf16, #tpu.memory_space<vmem>>) offsets(%dma_start3A_1049 : memref<128xi32, #tpu.memory_space<vmem>>) semaphore(%arg17 : memref<!tpu.dma_semaphore, #tpu.memory_space<semaphore_mem>>)
        %dma_start3A_1053 = arith.constant 640 : i32
        %dma_start3A_1054 = arith.constant 0 : i32
        %dma_start3A_1055 = tpu.memref_slice %arg13[%dma_start3A_1053, %dma_start3A_1054] : memref<1024x64xbf16, #tpu.memory_space<vmem>> -> memref<128x64xbf16, #tpu.memory_space<vmem>>
        %dma_start3A_1056 = arith.constant 640 : i32
        %dma_start3A_1057 = tpu.memref_slice %arg9[%dma_start3A_1056] : memref<1024xi32, #tpu.memory_space<vmem>> -> memref<128xi32, #tpu.memory_space<vmem>>
        %dma_start3A_1058 = arith.constant 0 : i32
        %dma_start3A_1059 = arith.constant 0 : i32
        %dma_start3A_1060 = tpu.memref_slice %arg2[%dma_start3A_1058, %dma_start3A_1059] : memref<262144x64xbf16, #tpu.memory_space<hbm>> -> memref<262144x64xbf16, #tpu.memory_space<hbm>>
        tpu.enqueue_indirect_dma source(%dma_start3A_1060 : memref<262144x64xbf16, #tpu.memory_space<hbm>>) target(%dma_start3A_1055 : memref<128x64xbf16, #tpu.memory_space<vmem>>) offsets(%dma_start3A_1057 : memref<128xi32, #tpu.memory_space<vmem>>) semaphore(%arg17 : memref<!tpu.dma_semaphore, #tpu.memory_space<semaphore_mem>>)
        %dma_start3A_1061 = arith.constant 768 : i32
        %dma_start3A_1062 = arith.constant 0 : i32
        %dma_start3A_1063 = tpu.memref_slice %arg13[%dma_start3A_1061, %dma_start3A_1062] : memref<1024x64xbf16, #tpu.memory_space<vmem>> -> memref<128x64xbf16, #tpu.memory_space<vmem>>
        %dma_start3A_1064 = arith.constant 768 : i32
        %dma_start3A_1065 = tpu.memref_slice %arg9[%dma_start3A_1064] : memref<1024xi32, #tpu.memory_space<vmem>> -> memref<128xi32, #tpu.memory_space<vmem>>
        %dma_start3A_1066 = arith.constant 0 : i32
        %dma_start3A_1067 = arith.constant 0 : i32
        %dma_start3A_1068 = tpu.memref_slice %arg2[%dma_start3A_1066, %dma_start3A_1067] : memref<262144x64xbf16, #tpu.memory_space<hbm>> -> memref<262144x64xbf16, #tpu.memory_space<hbm>>
        tpu.enqueue_indirect_dma source(%dma_start3A_1068 : memref<262144x64xbf16, #tpu.memory_space<hbm>>) target(%dma_start3A_1063 : memref<128x64xbf16, #tpu.memory_space<vmem>>) offsets(%dma_start3A_1065 : memref<128xi32, #tpu.memory_space<vmem>>) semaphore(%arg17 : memref<!tpu.dma_semaphore, #tpu.memory_space<semaphore_mem>>)
        %dma_start3A_1069 = arith.constant 896 : i32
        %dma_start3A_1070 = arith.constant 0 : i32
        %dma_start3A_1071 = tpu.memref_slice %arg13[%dma_start3A_1069, %dma_start3A_1070] : memref<1024x64xbf16, #tpu.memory_space<vmem>> -> memref<128x64xbf16, #tpu.memory_space<vmem>>
        %dma_start3A_1072 = arith.constant 896 : i32
        %dma_start3A_1073 = tpu.memref_slice %arg9[%dma_start3A_1072] : memref<1024xi32, #tpu.memory_space<vmem>> -> memref<128xi32, #tpu.memory_space<vmem>>
        %dma_start3A_1074 = arith.constant 0 : i32
        %dma_start3A_1075 = arith.constant 0 : i32
        %dma_start3A_1076 = tpu.memref_slice %arg2[%dma_start3A_1074, %dma_start3A_1075] : memref<262144x64xbf16, #tpu.memory_space<hbm>> -> memref<262144x64xbf16, #tpu.memory_space<hbm>>
        tpu.enqueue_indirect_dma source(%dma_start3A_1076 : memref<262144x64xbf16, #tpu.memory_space<hbm>>) target(%dma_start3A_1071 : memref<128x64xbf16, #tpu.memory_space<vmem>>) offsets(%dma_start3A_1073 : memref<128xi32, #tpu.memory_space<vmem>>) semaphore(%arg17 : memref<!tpu.dma_semaphore, #tpu.memory_space<semaphore_mem>>)
      } else {
      }
      %dma_wait3A_541 = arith.constant 0 : i32
      %dma_wait3A_542 = arith.constant 0 : i32
      %dma_wait3A_543 = tpu.memref_slice %arg4[%dma_wait3A_541, %dma_wait3A_542] : memref<16x262144xf32, #tpu.memory_space<hbm>> -> memref<16x64xf32, #tpu.memory_space<hbm>>
      %dma_wait3A_544 = arith.constant 0 : i32
      %dma_wait3A_545 = arith.constant 0 : i32
      %dma_wait3A_546 = tpu.memref_slice %arg4[%dma_wait3A_544, %dma_wait3A_545] : memref<16x262144xf32, #tpu.memory_space<hbm>> -> memref<16x64xf32, #tpu.memory_space<hbm>>
      tpu.wait_dma2 semaphore(%arg20 : memref<!tpu.dma_semaphore, #tpu.memory_space<semaphore_mem>>) src(%dma_wait3A_546 : memref<16x64xf32, #tpu.memory_space<hbm>>) dst(%arg10 : memref<16x64xf32, #tpu.memory_space<vmem>>)
      %ge3A = arith.constant 2 : i32
      %ge3A_547 = arith.cmpi sge, %add3A_520, %ge3A : i32
      %convert_element_type3A_548 = arith.extui %ge3A_547 : i1 to i32
      %cond3A_549 = arith.constant 0 : i32
      %cond3A_550 = arith.cmpi ne, %convert_element_type3A_548, %cond3A_549 : i32
      scf.if %cond3A_550 {
        %dma_wait3A_623 = arith.constant 0 : i32
        %dma_wait3A_624 = arith.constant 0 : i32
        %dma_wait3A_625 = tpu.memref_slice %arg5[%dma_wait3A_623, %dma_wait3A_624] : memref<64x262144xf32, #tpu.memory_space<hbm>> -> memref<64x64xf32, #tpu.memory_space<hbm>>
        %dma_wait3A_626 = arith.constant 0 : i32
        %dma_wait3A_627 = arith.constant 0 : i32
        %dma_wait3A_628 = tpu.memref_slice %arg5[%dma_wait3A_626, %dma_wait3A_627] : memref<64x262144xf32, #tpu.memory_space<hbm>> -> memref<64x64xf32, #tpu.memory_space<hbm>>
        tpu.wait_dma2 semaphore(%arg22 : memref<!tpu.dma_semaphore, #tpu.memory_space<semaphore_mem>>) src(%dma_wait3A_628 : memref<64x64xf32, #tpu.memory_space<hbm>>) dst(%arg14 : memref<64x64xf32, #tpu.memory_space<vmem>>)
      } else {
      }
      %scan3A_551 = arith.constant 0 : i32
      %scan3A_552 = arith.constant 0 : i32
      %scan3A_553 = arith.constant 16 : i32
      %scan3A_554 = arith.addi %scan3A_552, %scan3A_553 : i32
      %scan3A_555 = arith.constant 1 : i32
      scf.for %scan3A_623 = %scan3A_552 to %scan3A_554 step %scan3A_555  : i32 {
        %mul3A_624 = arith.constant 4 : i32
        %mul3A_625 = arith.muli %scan3A_623, %mul3A_624 : i32
        %add3A_626 = arith.constant 0 : i32
        %add3A_627 = arith.addi %mul3A_625, %add3A_626 : i32
        %broadcast_in_dim3A = vector.broadcast %add3A_627 : i32 to vector<16xi32>
        %gather3A = tpu.vector_load_idx %arg10[%iota3A, %broadcast_in_dim3A] : memref<16x64xf32, #tpu.memory_space<vmem>>[vector<16xi32>, vector<16xi32>], vector<16xf32>,
        %broadcast_in_dim3A_628 = vector.broadcast %add3A_627 : i32 to vector<16xi32>
        %broadcast_in_dim3A_629 = arith.constant 0 : i32
        %broadcast_in_dim3A_630 = vector.broadcast %broadcast_in_dim3A_629 : i32 to vector<16x1xi32>
        %gather3A_631 = vector.shape_cast %broadcast_in_dim3A_630 : vector<16x1xi32> to vector<16xi32>
        %gather3A_632 = tpu.dynamic_gather %gather3A[%gather3A_631] in [0] : vector<16xf32>, vector<16xi32> -> vector<16xf32>
        %pack3A = tpu.pack_subelements %gather3A_632, %gather3A_632 {pack_format = #tpu.pack_format<interleaved>, positions = array<i32: 0, 1>} : vector<16xf32>, vector<16xf32> -> vector<32xbf16>
        %add3A_633 = arith.constant 0 : i32
        %add3A_634 = arith.addi %add3A_633, %add3A_627 : i32
        %get3A_635 = arith.index_cast %add3A_634 : i32 to index
        %get3A_636 = arith.constant 0 : index
        %get3A_637 = tpu.vector_load %arg12[%get3A_635, %get3A_636] {strides = array<i32>} : memref<1024x64xbf16, #tpu.memory_space<vmem>>, vector<32xbf16>,
        %mul3A_638 = arith.mulf %get3A_637, %pack3A : vector<32xbf16>
        %add3A_639 = arith.constant 0 : i32
        %add3A_640 = arith.addi %add3A_639, %add3A_627 : i32
        %get3A_641 = arith.index_cast %add3A_640 : i32 to index
        %get3A_642 = arith.constant 32 : index
        %get3A_643 = tpu.vector_load %arg12[%get3A_641, %get3A_642] {strides = array<i32>} : memref<1024x64xbf16, #tpu.memory_space<vmem>>, vector<32xbf16>,
        %mul3A_644 = arith.mulf %get3A_643, %pack3A : vector<32xbf16>
        %broadcast_in_dim3A_645 = arith.constant 1 : i32
        %broadcast_in_dim3A_646 = vector.broadcast %broadcast_in_dim3A_645 : i32 to vector<16x1xi32>
        %gather3A_647 = vector.shape_cast %broadcast_in_dim3A_646 : vector<16x1xi32> to vector<16xi32>
        %gather3A_648 = tpu.dynamic_gather %gather3A[%gather3A_647] in [0] : vector<16xf32>, vector<16xi32> -> vector<16xf32>
        %pack3A_649 = tpu.pack_subelements %gather3A_648, %gather3A_648 {pack_format = #tpu.pack_format<interleaved>, positions = array<i32: 0, 1>} : vector<16xf32>, vector<16xf32> -> vector<32xbf16>
        %add3A_650 = arith.constant 64 : i32
        %add3A_651 = arith.addi %add3A_650, %add3A_627 : i32
        %get3A_652 = arith.index_cast %add3A_651 : i32 to index
        %get3A_653 = arith.constant 0 : index
        %get3A_654 = tpu.vector_load %arg12[%get3A_652, %get3A_653] {strides = array<i32>} : memref<1024x64xbf16, #tpu.memory_space<vmem>>, vector<32xbf16>,
        %mul3A_655 = arith.mulf %get3A_654, %pack3A_649 : vector<32xbf16>
        %add3A_656 = arith.addf %mul3A_638, %mul3A_655 : vector<32xbf16>
        %add3A_657 = arith.constant 64 : i32
        %add3A_658 = arith.addi %add3A_657, %add3A_627 : i32
        %get3A_659 = arith.index_cast %add3A_658 : i32 to index
        %get3A_660 = arith.constant 32 : index
        %get3A_661 = tpu.vector_load %arg12[%get3A_659, %get3A_660] {strides = array<i32>} : memref<1024x64xbf16, #tpu.memory_space<vmem>>, vector<32xbf16>,
        %mul3A_662 = arith.mulf %get3A_661, %pack3A_649 : vector<32xbf16>
        %add3A_663 = arith.addf %mul3A_644, %mul3A_662 : vector<32xbf16>
        %broadcast_in_dim3A_664 = arith.constant 2 : i32
        %broadcast_in_dim3A_665 = vector.broadcast %broadcast_in_dim3A_664 : i32 to vector<16x1xi32>
        %gather3A_666 = vector.shape_cast %broadcast_in_dim3A_665 : vector<16x1xi32> to vector<16xi32>
        %gather3A_667 = tpu.dynamic_gather %gather3A[%gather3A_666] in [0] : vector<16xf32>, vector<16xi32> -> vector<16xf32>
        %pack3A_668 = tpu.pack_subelements %gather3A_667, %gather3A_667 {pack_format = #tpu.pack_format<interleaved>, positions = array<i32: 0, 1>} : vector<16xf32>, vector<16xf32> -> vector<32xbf16>
        %add3A_669 = arith.constant 128 : i32
        %add3A_670 = arith.addi %add3A_669, %add3A_627 : i32
        %get3A_671 = arith.index_cast %add3A_670 : i32 to index
        %get3A_672 = arith.constant 0 : index
        %get3A_673 = tpu.vector_load %arg12[%get3A_671, %get3A_672] {strides = array<i32>} : memref<1024x64xbf16, #tpu.memory_space<vmem>>, vector<32xbf16>,
        %mul3A_674 = arith.mulf %get3A_673, %pack3A_668 : vector<32xbf16>
        %add3A_675 = arith.addf %add3A_656, %mul3A_674 : vector<32xbf16>
        %add3A_676 = arith.constant 128 : i32
        %add3A_677 = arith.addi %add3A_676, %add3A_627 : i32
        %get3A_678 = arith.index_cast %add3A_677 : i32 to index
        %get3A_679 = arith.constant 32 : index
        %get3A_680 = tpu.vector_load %arg12[%get3A_678, %get3A_679] {strides = array<i32>} : memref<1024x64xbf16, #tpu.memory_space<vmem>>, vector<32xbf16>,
        %mul3A_681 = arith.mulf %get3A_680, %pack3A_668 : vector<32xbf16>
        %add3A_682 = arith.addf %add3A_663, %mul3A_681 : vector<32xbf16>
        %broadcast_in_dim3A_683 = arith.constant 3 : i32
        %broadcast_in_dim3A_684 = vector.broadcast %broadcast_in_dim3A_683 : i32 to vector<16x1xi32>
        %gather3A_685 = vector.shape_cast %broadcast_in_dim3A_684 : vector<16x1xi32> to vector<16xi32>
        %gather3A_686 = tpu.dynamic_gather %gather3A[%gather3A_685] in [0] : vector<16xf32>, vector<16xi32> -> vector<16xf32>
        %pack3A_687 = tpu.pack_subelements %gather3A_686, %gather3A_686 {pack_format = #tpu.pack_format<interleaved>, positions = array<i32: 0, 1>} : vector<16xf32>, vector<16xf32> -> vector<32xbf16>
        %add3A_688 = arith.constant 192 : i32
        %add3A_689 = arith.addi %add3A_688, %add3A_627 : i32
        %get3A_690 = arith.index_cast %add3A_689 : i32 to index
        %get3A_691 = arith.constant 0 : index
        %get3A_692 = tpu.vector_load %arg12[%get3A_690, %get3A_691] {strides = array<i32>} : memref<1024x64xbf16, #tpu.memory_space<vmem>>, vector<32xbf16>,
        %mul3A_693 = arith.mulf %get3A_692, %pack3A_687 : vector<32xbf16>
        %add3A_694 = arith.addf %add3A_675, %mul3A_693 : vector<32xbf16>
        %add3A_695 = arith.constant 192 : i32
        %add3A_696 = arith.addi %add3A_695, %add3A_627 : i32
        %get3A_697 = arith.index_cast %add3A_696 : i32 to index
        %get3A_698 = arith.constant 32 : index
        %get3A_699 = tpu.vector_load %arg12[%get3A_697, %get3A_698] {strides = array<i32>} : memref<1024x64xbf16, #tpu.memory_space<vmem>>, vector<32xbf16>,
        %mul3A_700 = arith.mulf %get3A_699, %pack3A_687 : vector<32xbf16>
        %add3A_701 = arith.addf %add3A_682, %mul3A_700 : vector<32xbf16>
        %broadcast_in_dim3A_702 = arith.constant 4 : i32
        %broadcast_in_dim3A_703 = vector.broadcast %broadcast_in_dim3A_702 : i32 to vector<16x1xi32>
        %gather3A_704 = vector.shape_cast %broadcast_in_dim3A_703 : vector<16x1xi32> to vector<16xi32>
        %gather3A_705 = tpu.dynamic_gather %gather3A[%gather3A_704] in [0] : vector<16xf32>, vector<16xi32> -> vector<16xf32>
        %pack3A_706 = tpu.pack_subelements %gather3A_705, %gather3A_705 {pack_format = #tpu.pack_format<interleaved>, positions = array<i32: 0, 1>} : vector<16xf32>, vector<16xf32> -> vector<32xbf16>
        %add3A_707 = arith.constant 256 : i32
        %add3A_708 = arith.addi %add3A_707, %add3A_627 : i32
        %get3A_709 = arith.index_cast %add3A_708 : i32 to index
        %get3A_710 = arith.constant 0 : index
        %get3A_711 = tpu.vector_load %arg12[%get3A_709, %get3A_710] {strides = array<i32>} : memref<1024x64xbf16, #tpu.memory_space<vmem>>, vector<32xbf16>,
        %mul3A_712 = arith.mulf %get3A_711, %pack3A_706 : vector<32xbf16>
        %add3A_713 = arith.constant 256 : i32
        %add3A_714 = arith.addi %add3A_713, %add3A_627 : i32
        %get3A_715 = arith.index_cast %add3A_714 : i32 to index
        %get3A_716 = arith.constant 32 : index
        %get3A_717 = tpu.vector_load %arg12[%get3A_715, %get3A_716] {strides = array<i32>} : memref<1024x64xbf16, #tpu.memory_space<vmem>>, vector<32xbf16>,
        %mul3A_718 = arith.mulf %get3A_717, %pack3A_706 : vector<32xbf16>
        %broadcast_in_dim3A_719 = arith.constant 5 : i32
        %broadcast_in_dim3A_720 = vector.broadcast %broadcast_in_dim3A_719 : i32 to vector<16x1xi32>
        %gather3A_721 = vector.shape_cast %broadcast_in_dim3A_720 : vector<16x1xi32> to vector<16xi32>
        %gather3A_722 = tpu.dynamic_gather %gather3A[%gather3A_721] in [0] : vector<16xf32>, vector<16xi32> -> vector<16xf32>
        %pack3A_723 = tpu.pack_subelements %gather3A_722, %gather3A_722 {pack_format = #tpu.pack_format<interleaved>, positions = array<i32: 0, 1>} : vector<16xf32>, vector<16xf32> -> vector<32xbf16>
        %add3A_724 = arith.constant 320 : i32
        %add3A_725 = arith.addi %add3A_724, %add3A_627 : i32
        %get3A_726 = arith.index_cast %add3A_725 : i32 to index
        %get3A_727 = arith.constant 0 : index
        %get3A_728 = tpu.vector_load %arg12[%get3A_726, %get3A_727] {strides = array<i32>} : memref<1024x64xbf16, #tpu.memory_space<vmem>>, vector<32xbf16>,
        %mul3A_729 = arith.mulf %get3A_728, %pack3A_723 : vector<32xbf16>
        %add3A_730 = arith.addf %mul3A_712, %mul3A_729 : vector<32xbf16>
        %add3A_731 = arith.constant 320 : i32
        %add3A_732 = arith.addi %add3A_731, %add3A_627 : i32
        %get3A_733 = arith.index_cast %add3A_732 : i32 to index
        %get3A_734 = arith.constant 32 : index
        %get3A_735 = tpu.vector_load %arg12[%get3A_733, %get3A_734] {strides = array<i32>} : memref<1024x64xbf16, #tpu.memory_space<vmem>>, vector<32xbf16>,
        %mul3A_736 = arith.mulf %get3A_735, %pack3A_723 : vector<32xbf16>
        %add3A_737 = arith.addf %mul3A_718, %mul3A_736 : vector<32xbf16>
        %broadcast_in_dim3A_738 = arith.constant 6 : i32
        %broadcast_in_dim3A_739 = vector.broadcast %broadcast_in_dim3A_738 : i32 to vector<16x1xi32>
        %gather3A_740 = vector.shape_cast %broadcast_in_dim3A_739 : vector<16x1xi32> to vector<16xi32>
        %gather3A_741 = tpu.dynamic_gather %gather3A[%gather3A_740] in [0] : vector<16xf32>, vector<16xi32> -> vector<16xf32>
        %pack3A_742 = tpu.pack_subelements %gather3A_741, %gather3A_741 {pack_format = #tpu.pack_format<interleaved>, positions = array<i32: 0, 1>} : vector<16xf32>, vector<16xf32> -> vector<32xbf16>
        %add3A_743 = arith.constant 384 : i32
        %add3A_744 = arith.addi %add3A_743, %add3A_627 : i32
        %get3A_745 = arith.index_cast %add3A_744 : i32 to index
        %get3A_746 = arith.constant 0 : index
        %get3A_747 = tpu.vector_load %arg12[%get3A_745, %get3A_746] {strides = array<i32>} : memref<1024x64xbf16, #tpu.memory_space<vmem>>, vector<32xbf16>,
        %mul3A_748 = arith.mulf %get3A_747, %pack3A_742 : vector<32xbf16>
        %add3A_749 = arith.addf %add3A_730, %mul3A_748 : vector<32xbf16>
        %add3A_750 = arith.constant 384 : i32
        %add3A_751 = arith.addi %add3A_750, %add3A_627 : i32
        %get3A_752 = arith.index_cast %add3A_751 : i32 to index
        %get3A_753 = arith.constant 32 : index
        %get3A_754 = tpu.vector_load %arg12[%get3A_752, %get3A_753] {strides = array<i32>} : memref<1024x64xbf16, #tpu.memory_space<vmem>>, vector<32xbf16>,
        %mul3A_755 = arith.mulf %get3A_754, %pack3A_742 : vector<32xbf16>
        %add3A_756 = arith.addf %add3A_737, %mul3A_755 : vector<32xbf16>
        %broadcast_in_dim3A_757 = arith.constant 7 : i32
        %broadcast_in_dim3A_758 = vector.broadcast %broadcast_in_dim3A_757 : i32 to vector<16x1xi32>
        %gather3A_759 = vector.shape_cast %broadcast_in_dim3A_758 : vector<16x1xi32> to vector<16xi32>
        %gather3A_760 = tpu.dynamic_gather %gather3A[%gather3A_759] in [0] : vector<16xf32>, vector<16xi32> -> vector<16xf32>
        %pack3A_761 = tpu.pack_subelements %gather3A_760, %gather3A_760 {pack_format = #tpu.pack_format<interleaved>, positions = array<i32: 0, 1>} : vector<16xf32>, vector<16xf32> -> vector<32xbf16>
        %add3A_762 = arith.constant 448 : i32
        %add3A_763 = arith.addi %add3A_762, %add3A_627 : i32
        %get3A_764 = arith.index_cast %add3A_763 : i32 to index
        %get3A_765 = arith.constant 0 : index
        %get3A_766 = tpu.vector_load %arg12[%get3A_764, %get3A_765] {strides = array<i32>} : memref<1024x64xbf16, #tpu.memory_space<vmem>>, vector<32xbf16>,
        %mul3A_767 = arith.mulf %get3A_766, %pack3A_761 : vector<32xbf16>
        %add3A_768 = arith.addf %add3A_749, %mul3A_767 : vector<32xbf16>
        %add3A_769 = arith.constant 448 : i32
        %add3A_770 = arith.addi %add3A_769, %add3A_627 : i32
        %get3A_771 = arith.index_cast %add3A_770 : i32 to index
        %get3A_772 = arith.constant 32 : index
        %get3A_773 = tpu.vector_load %arg12[%get3A_771, %get3A_772] {strides = array<i32>} : memref<1024x64xbf16, #tpu.memory_space<vmem>>, vector<32xbf16>,
        %mul3A_774 = arith.mulf %get3A_773, %pack3A_761 : vector<32xbf16>
        %add3A_775 = arith.addf %add3A_756, %mul3A_774 : vector<32xbf16>
        %broadcast_in_dim3A_776 = arith.constant 8 : i32
        %broadcast_in_dim3A_777 = vector.broadcast %broadcast_in_dim3A_776 : i32 to vector<16x1xi32>
        %gather3A_778 = vector.shape_cast %broadcast_in_dim3A_777 : vector<16x1xi32> to vector<16xi32>
        %gather3A_779 = tpu.dynamic_gather %gather3A[%gather3A_778] in [0] : vector<16xf32>, vector<16xi32> -> vector<16xf32>
        %pack3A_780 = tpu.pack_subelements %gather3A_779, %gather3A_779 {pack_format = #tpu.pack_format<interleaved>, positions = array<i32: 0, 1>} : vector<16xf32>, vector<16xf32> -> vector<32xbf16>
        %add3A_781 = arith.constant 512 : i32
        %add3A_782 = arith.addi %add3A_781, %add3A_627 : i32
        %get3A_783 = arith.index_cast %add3A_782 : i32 to index
        %get3A_784 = arith.constant 0 : index
        %get3A_785 = tpu.vector_load %arg12[%get3A_783, %get3A_784] {strides = array<i32>} : memref<1024x64xbf16, #tpu.memory_space<vmem>>, vector<32xbf16>,
        %mul3A_786 = arith.mulf %get3A_785, %pack3A_780 : vector<32xbf16>
        %add3A_787 = arith.constant 512 : i32
        %add3A_788 = arith.addi %add3A_787, %add3A_627 : i32
        %get3A_789 = arith.index_cast %add3A_788 : i32 to index
        %get3A_790 = arith.constant 32 : index
        %get3A_791 = tpu.vector_load %arg12[%get3A_789, %get3A_790] {strides = array<i32>} : memref<1024x64xbf16, #tpu.memory_space<vmem>>, vector<32xbf16>,
        %mul3A_792 = arith.mulf %get3A_791, %pack3A_780 : vector<32xbf16>
        %broadcast_in_dim3A_793 = arith.constant 9 : i32
        %broadcast_in_dim3A_794 = vector.broadcast %broadcast_in_dim3A_793 : i32 to vector<16x1xi32>
        %gather3A_795 = vector.shape_cast %broadcast_in_dim3A_794 : vector<16x1xi32> to vector<16xi32>
        %gather3A_796 = tpu.dynamic_gather %gather3A[%gather3A_795] in [0] : vector<16xf32>, vector<16xi32> -> vector<16xf32>
        %pack3A_797 = tpu.pack_subelements %gather3A_796, %gather3A_796 {pack_format = #tpu.pack_format<interleaved>, positions = array<i32: 0, 1>} : vector<16xf32>, vector<16xf32> -> vector<32xbf16>
        %add3A_798 = arith.constant 576 : i32
        %add3A_799 = arith.addi %add3A_798, %add3A_627 : i32
        %get3A_800 = arith.index_cast %add3A_799 : i32 to index
        %get3A_801 = arith.constant 0 : index
        %get3A_802 = tpu.vector_load %arg12[%get3A_800, %get3A_801] {strides = array<i32>} : memref<1024x64xbf16, #tpu.memory_space<vmem>>, vector<32xbf16>,
        %mul3A_803 = arith.mulf %get3A_802, %pack3A_797 : vector<32xbf16>
        %add3A_804 = arith.addf %mul3A_786, %mul3A_803 : vector<32xbf16>
        %add3A_805 = arith.constant 576 : i32
        %add3A_806 = arith.addi %add3A_805, %add3A_627 : i32
        %get3A_807 = arith.index_cast %add3A_806 : i32 to index
        %get3A_808 = arith.constant 32 : index
        %get3A_809 = tpu.vector_load %arg12[%get3A_807, %get3A_808] {strides = array<i32>} : memref<1024x64xbf16, #tpu.memory_space<vmem>>, vector<32xbf16>,
        %mul3A_810 = arith.mulf %get3A_809, %pack3A_797 : vector<32xbf16>
        %add3A_811 = arith.addf %mul3A_792, %mul3A_810 : vector<32xbf16>
        %broadcast_in_dim3A_812 = arith.constant 10 : i32
        %broadcast_in_dim3A_813 = vector.broadcast %broadcast_in_dim3A_812 : i32 to vector<16x1xi32>
        %gather3A_814 = vector.shape_cast %broadcast_in_dim3A_813 : vector<16x1xi32> to vector<16xi32>
        %gather3A_815 = tpu.dynamic_gather %gather3A[%gather3A_814] in [0] : vector<16xf32>, vector<16xi32> -> vector<16xf32>
        %pack3A_816 = tpu.pack_subelements %gather3A_815, %gather3A_815 {pack_format = #tpu.pack_format<interleaved>, positions = array<i32: 0, 1>} : vector<16xf32>, vector<16xf32> -> vector<32xbf16>
        %add3A_817 = arith.constant 640 : i32
        %add3A_818 = arith.addi %add3A_817, %add3A_627 : i32
        %get3A_819 = arith.index_cast %add3A_818 : i32 to index
        %get3A_820 = arith.constant 0 : index
        %get3A_821 = tpu.vector_load %arg12[%get3A_819, %get3A_820] {strides = array<i32>} : memref<1024x64xbf16, #tpu.memory_space<vmem>>, vector<32xbf16>,
        %mul3A_822 = arith.mulf %get3A_821, %pack3A_816 : vector<32xbf16>
        %add3A_823 = arith.addf %add3A_804, %mul3A_822 : vector<32xbf16>
        %add3A_824 = arith.constant 640 : i32
        %add3A_825 = arith.addi %add3A_824, %add3A_627 : i32
        %get3A_826 = arith.index_cast %add3A_825 : i32 to index
        %get3A_827 = arith.constant 32 : index
        %get3A_828 = tpu.vector_load %arg12[%get3A_826, %get3A_827] {strides = array<i32>} : memref<1024x64xbf16, #tpu.memory_space<vmem>>, vector<32xbf16>,
        %mul3A_829 = arith.mulf %get3A_828, %pack3A_816 : vector<32xbf16>
        %add3A_830 = arith.addf %add3A_811, %mul3A_829 : vector<32xbf16>
        %broadcast_in_dim3A_831 = arith.constant 11 : i32
        %broadcast_in_dim3A_832 = vector.broadcast %broadcast_in_dim3A_831 : i32 to vector<16x1xi32>
        %gather3A_833 = vector.shape_cast %broadcast_in_dim3A_832 : vector<16x1xi32> to vector<16xi32>
        %gather3A_834 = tpu.dynamic_gather %gather3A[%gather3A_833] in [0] : vector<16xf32>, vector<16xi32> -> vector<16xf32>
        %pack3A_835 = tpu.pack_subelements %gather3A_834, %gather3A_834 {pack_format = #tpu.pack_format<interleaved>, positions = array<i32: 0, 1>} : vector<16xf32>, vector<16xf32> -> vector<32xbf16>
        %add3A_836 = arith.constant 704 : i32
        %add3A_837 = arith.addi %add3A_836, %add3A_627 : i32
        %get3A_838 = arith.index_cast %add3A_837 : i32 to index
        %get3A_839 = arith.constant 0 : index
        %get3A_840 = tpu.vector_load %arg12[%get3A_838, %get3A_839] {strides = array<i32>} : memref<1024x64xbf16, #tpu.memory_space<vmem>>, vector<32xbf16>,
        %mul3A_841 = arith.mulf %get3A_840, %pack3A_835 : vector<32xbf16>
        %add3A_842 = arith.addf %add3A_823, %mul3A_841 : vector<32xbf16>
        %add3A_843 = arith.constant 704 : i32
        %add3A_844 = arith.addi %add3A_843, %add3A_627 : i32
        %get3A_845 = arith.index_cast %add3A_844 : i32 to index
        %get3A_846 = arith.constant 32 : index
        %get3A_847 = tpu.vector_load %arg12[%get3A_845, %get3A_846] {strides = array<i32>} : memref<1024x64xbf16, #tpu.memory_space<vmem>>, vector<32xbf16>,
        %mul3A_848 = arith.mulf %get3A_847, %pack3A_835 : vector<32xbf16>
        %add3A_849 = arith.addf %add3A_830, %mul3A_848 : vector<32xbf16>
        %broadcast_in_dim3A_850 = arith.constant 12 : i32
        %broadcast_in_dim3A_851 = vector.broadcast %broadcast_in_dim3A_850 : i32 to vector<16x1xi32>
        %gather3A_852 = vector.shape_cast %broadcast_in_dim3A_851 : vector<16x1xi32> to vector<16xi32>
        %gather3A_853 = tpu.dynamic_gather %gather3A[%gather3A_852] in [0] : vector<16xf32>, vector<16xi32> -> vector<16xf32>
        %pack3A_854 = tpu.pack_subelements %gather3A_853, %gather3A_853 {pack_format = #tpu.pack_format<interleaved>, positions = array<i32: 0, 1>} : vector<16xf32>, vector<16xf32> -> vector<32xbf16>
        %add3A_855 = arith.constant 768 : i32
        %add3A_856 = arith.addi %add3A_855, %add3A_627 : i32
        %get3A_857 = arith.index_cast %add3A_856 : i32 to index
        %get3A_858 = arith.constant 0 : index
        %get3A_859 = tpu.vector_load %arg12[%get3A_857, %get3A_858] {strides = array<i32>} : memref<1024x64xbf16, #tpu.memory_space<vmem>>, vector<32xbf16>,
        %mul3A_860 = arith.mulf %get3A_859, %pack3A_854 : vector<32xbf16>
        %add3A_861 = arith.constant 768 : i32
        %add3A_862 = arith.addi %add3A_861, %add3A_627 : i32
        %get3A_863 = arith.index_cast %add3A_862 : i32 to index
        %get3A_864 = arith.constant 32 : index
        %get3A_865 = tpu.vector_load %arg12[%get3A_863, %get3A_864] {strides = array<i32>} : memref<1024x64xbf16, #tpu.memory_space<vmem>>, vector<32xbf16>,
        %mul3A_866 = arith.mulf %get3A_865, %pack3A_854 : vector<32xbf16>
        %broadcast_in_dim3A_867 = arith.constant 13 : i32
        %broadcast_in_dim3A_868 = vector.broadcast %broadcast_in_dim3A_867 : i32 to vector<16x1xi32>
        %gather3A_869 = vector.shape_cast %broadcast_in_dim3A_868 : vector<16x1xi32> to vector<16xi32>
        %gather3A_870 = tpu.dynamic_gather %gather3A[%gather3A_869] in [0] : vector<16xf32>, vector<16xi32> -> vector<16xf32>
        %pack3A_871 = tpu.pack_subelements %gather3A_870, %gather3A_870 {pack_format = #tpu.pack_format<interleaved>, positions = array<i32: 0, 1>} : vector<16xf32>, vector<16xf32> -> vector<32xbf16>
        %add3A_872 = arith.constant 832 : i32
        %add3A_873 = arith.addi %add3A_872, %add3A_627 : i32
        %get3A_874 = arith.index_cast %add3A_873 : i32 to index
        %get3A_875 = arith.constant 0 : index
        %get3A_876 = tpu.vector_load %arg12[%get3A_874, %get3A_875] {strides = array<i32>} : memref<1024x64xbf16, #tpu.memory_space<vmem>>, vector<32xbf16>,
        %mul3A_877 = arith.mulf %get3A_876, %pack3A_871 : vector<32xbf16>
        %add3A_878 = arith.addf %mul3A_860, %mul3A_877 : vector<32xbf16>
        %add3A_879 = arith.constant 832 : i32
        %add3A_880 = arith.addi %add3A_879, %add3A_627 : i32
        %get3A_881 = arith.index_cast %add3A_880 : i32 to index
        %get3A_882 = arith.constant 32 : index
        %get3A_883 = tpu.vector_load %arg12[%get3A_881, %get3A_882] {strides = array<i32>} : memref<1024x64xbf16, #tpu.memory_space<vmem>>, vector<32xbf16>,
        %mul3A_884 = arith.mulf %get3A_883, %pack3A_871 : vector<32xbf16>
        %add3A_885 = arith.addf %mul3A_866, %mul3A_884 : vector<32xbf16>
        %broadcast_in_dim3A_886 = arith.constant 14 : i32
        %broadcast_in_dim3A_887 = vector.broadcast %broadcast_in_dim3A_886 : i32 to vector<16x1xi32>
        %gather3A_888 = vector.shape_cast %broadcast_in_dim3A_887 : vector<16x1xi32> to vector<16xi32>
        %gather3A_889 = tpu.dynamic_gather %gather3A[%gather3A_888] in [0] : vector<16xf32>, vector<16xi32> -> vector<16xf32>
        %pack3A_890 = tpu.pack_subelements %gather3A_889, %gather3A_889 {pack_format = #tpu.pack_format<interleaved>, positions = array<i32: 0, 1>} : vector<16xf32>, vector<16xf32> -> vector<32xbf16>
        %add3A_891 = arith.constant 896 : i32
        %add3A_892 = arith.addi %add3A_891, %add3A_627 : i32
        %get3A_893 = arith.index_cast %add3A_892 : i32 to index
        %get3A_894 = arith.constant 0 : index
        %get3A_895 = tpu.vector_load %arg12[%get3A_893, %get3A_894] {strides = array<i32>} : memref<1024x64xbf16, #tpu.memory_space<vmem>>, vector<32xbf16>,
        %mul3A_896 = arith.mulf %get3A_895, %pack3A_890 : vector<32xbf16>
        %add3A_897 = arith.addf %add3A_878, %mul3A_896 : vector<32xbf16>
        %add3A_898 = arith.constant 896 : i32
        %add3A_899 = arith.addi %add3A_898, %add3A_627 : i32
        %get3A_900 = arith.index_cast %add3A_899 : i32 to index
        %get3A_901 = arith.constant 32 : index
        %get3A_902 = tpu.vector_load %arg12[%get3A_900, %get3A_901] {strides = array<i32>} : memref<1024x64xbf16, #tpu.memory_space<vmem>>, vector<32xbf16>,
        %mul3A_903 = arith.mulf %get3A_902, %pack3A_890 : vector<32xbf16>
        %add3A_904 = arith.addf %add3A_885, %mul3A_903 : vector<32xbf16>
        %broadcast_in_dim3A_905 = arith.constant 15 : i32
        %broadcast_in_dim3A_906 = vector.broadcast %broadcast_in_dim3A_905 : i32 to vector<16x1xi32>
        %gather3A_907 = vector.shape_cast %broadcast_in_dim3A_906 : vector<16x1xi32> to vector<16xi32>
        %gather3A_908 = tpu.dynamic_gather %gather3A[%gather3A_907] in [0] : vector<16xf32>, vector<16xi32> -> vector<16xf32>
        %pack3A_909 = tpu.pack_subelements %gather3A_908, %gather3A_908 {pack_format = #tpu.pack_format<interleaved>, positions = array<i32: 0, 1>} : vector<16xf32>, vector<16xf32> -> vector<32xbf16>
        %add3A_910 = arith.constant 960 : i32
        %add3A_911 = arith.addi %add3A_910, %add3A_627 : i32
        %get3A_912 = arith.index_cast %add3A_911 : i32 to index
        %get3A_913 = arith.constant 0 : index
        %get3A_914 = tpu.vector_load %arg12[%get3A_912, %get3A_913] {strides = array<i32>} : memref<1024x64xbf16, #tpu.memory_space<vmem>>, vector<32xbf16>,
        %mul3A_915 = arith.mulf %get3A_914, %pack3A_909 : vector<32xbf16>
        %add3A_916 = arith.addf %add3A_897, %mul3A_915 : vector<32xbf16>
        %add3A_917 = arith.constant 960 : i32
        %add3A_918 = arith.addi %add3A_917, %add3A_627 : i32
        %get3A_919 = arith.index_cast %add3A_918 : i32 to index
        %get3A_920 = arith.constant 32 : index
        %get3A_921 = tpu.vector_load %arg12[%get3A_919, %get3A_920] {strides = array<i32>} : memref<1024x64xbf16, #tpu.memory_space<vmem>>, vector<32xbf16>,
        %mul3A_922 = arith.mulf %get3A_921, %pack3A_909 : vector<32xbf16>
        %add3A_923 = arith.addf %add3A_904, %mul3A_922 : vector<32xbf16>
        %add3A_924 = arith.addf %add3A_694, %add3A_768 : vector<32xbf16>
        %add3A_925 = arith.addf %add3A_842, %add3A_916 : vector<32xbf16>
        %add3A_926 = arith.addf %add3A_924, %add3A_925 : vector<32xbf16>
        %unpack3A = tpu.unpack_subelements %add3A_926, 0 {pack_format = #tpu.pack_format<interleaved>} : vector<32xbf16> -> vector<16xf32>
        %unpack3A_927 = tpu.unpack_subelements %add3A_926, 1 {pack_format = #tpu.pack_format<interleaved>} : vector<32xbf16> -> vector<16xf32>
        tpu.vector_store_idx %arg14[%add3A_472, %broadcast_in_dim3A_628], %unpack3A : memref<64x64xf32, #tpu.memory_space<vmem>>[vector<16xi32>, vector<16xi32>], vector<16xf32>,
        tpu.vector_store_idx %arg14[%add3A_489, %broadcast_in_dim3A_628], %unpack3A_927 : memref<64x64xf32, #tpu.memory_space<vmem>>[vector<16xi32>, vector<16xi32>], vector<16xf32>,
        %add3A_928 = arith.addf %add3A_701, %add3A_775 : vector<32xbf16>
        %add3A_929 = arith.addf %add3A_849, %add3A_923 : vector<32xbf16>
        %add3A_930 = arith.addf %add3A_928, %add3A_929 : vector<32xbf16>
        %unpack3A_931 = tpu.unpack_subelements %add3A_930, 0 {pack_format = #tpu.pack_format<interleaved>} : vector<32xbf16> -> vector<16xf32>
        %unpack3A_932 = tpu.unpack_subelements %add3A_930, 1 {pack_format = #tpu.pack_format<interleaved>} : vector<32xbf16> -> vector<16xf32>
        tpu.vector_store_idx %arg14[%add3A_479, %broadcast_in_dim3A_628], %unpack3A_931 : memref<64x64xf32, #tpu.memory_space<vmem>>[vector<16xi32>, vector<16xi32>], vector<16xf32>,
        tpu.vector_store_idx %arg14[%add3A_499, %broadcast_in_dim3A_628], %unpack3A_932 : memref<64x64xf32, #tpu.memory_space<vmem>>[vector<16xi32>, vector<16xi32>], vector<16xf32>,
        %mul3A_933 = arith.constant 4 : i32
        %mul3A_934 = arith.muli %scan3A_623, %mul3A_933 : i32
        %add3A_935 = arith.constant 1 : i32
        %add3A_936 = arith.addi %mul3A_934, %add3A_935 : i32
        %broadcast_in_dim3A_937 = vector.broadcast %add3A_936 : i32 to vector<16xi32>
        %gather3A_938 = tpu.vector_load_idx %arg10[%iota3A, %broadcast_in_dim3A_937] : memref<16x64xf32, #tpu.memory_space<vmem>>[vector<16xi32>, vector<16xi32>], vector<16xf32>,
        %broadcast_in_dim3A_939 = vector.broadcast %add3A_936 : i32 to vector<16xi32>
        %broadcast_in_dim3A_940 = arith.constant 0 : i32
        %broadcast_in_dim3A_941 = vector.broadcast %broadcast_in_dim3A_940 : i32 to vector<16x1xi32>
        %gather3A_942 = vector.shape_cast %broadcast_in_dim3A_941 : vector<16x1xi32> to vector<16xi32>
        %gather3A_943 = tpu.dynamic_gather %gather3A_938[%gather3A_942] in [0] : vector<16xf32>, vector<16xi32> -> vector<16xf32>
        %pack3A_944 = tpu.pack_subelements %gather3A_943, %gather3A_943 {pack_format = #tpu.pack_format<interleaved>, positions = array<i32: 0, 1>} : vector<16xf32>, vector<16xf32> -> vector<32xbf16>
        %add3A_945 = arith.constant 0 : i32
        %add3A_946 = arith.addi %add3A_945, %add3A_936 : i32
        %get3A_947 = arith.index_cast %add3A_946 : i32 to index
        %get3A_948 = arith.constant 0 : index
        %get3A_949 = tpu.vector_load %arg12[%get3A_947, %get3A_948] {strides = array<i32>} : memref<1024x64xbf16, #tpu.memory_space<vmem>>, vector<32xbf16>,
        %mul3A_950 = arith.mulf %get3A_949, %pack3A_944 : vector<32xbf16>
        %add3A_951 = arith.constant 0 : i32
        %add3A_952 = arith.addi %add3A_951, %add3A_936 : i32
        %get3A_953 = arith.index_cast %add3A_952 : i32 to index
        %get3A_954 = arith.constant 32 : index
        %get3A_955 = tpu.vector_load %arg12[%get3A_953, %get3A_954] {strides = array<i32>} : memref<1024x64xbf16, #tpu.memory_space<vmem>>, vector<32xbf16>,
        %mul3A_956 = arith.mulf %get3A_955, %pack3A_944 : vector<32xbf16>
        %broadcast_in_dim3A_957 = arith.constant 1 : i32
        %broadcast_in_dim3A_958 = vector.broadcast %broadcast_in_dim3A_957 : i32 to vector<16x1xi32>
        %gather3A_959 = vector.shape_cast %broadcast_in_dim3A_958 : vector<16x1xi32> to vector<16xi32>
        %gather3A_960 = tpu.dynamic_gather %gather3A_938[%gather3A_959] in [0] : vector<16xf32>, vector<16xi32> -> vector<16xf32>
        %pack3A_961 = tpu.pack_subelements %gather3A_960, %gather3A_960 {pack_format = #tpu.pack_format<interleaved>, positions = array<i32: 0, 1>} : vector<16xf32>, vector<16xf32> -> vector<32xbf16>
        %add3A_962 = arith.constant 64 : i32
        %add3A_963 = arith.addi %add3A_962, %add3A_936 : i32
        %get3A_964 = arith.index_cast %add3A_963 : i32 to index
        %get3A_965 = arith.constant 0 : index
        %get3A_966 = tpu.vector_load %arg12[%get3A_964, %get3A_965] {strides = array<i32>} : memref<1024x64xbf16, #tpu.memory_space<vmem>>, vector<32xbf16>,
        %mul3A_967 = arith.mulf %get3A_966, %pack3A_961 : vector<32xbf16>
        %add3A_968 = arith.addf %mul3A_950, %mul3A_967 : vector<32xbf16>
        %add3A_969 = arith.constant 64 : i32
        %add3A_970 = arith.addi %add3A_969, %add3A_936 : i32
        %get3A_971 = arith.index_cast %add3A_970 : i32 to index
        %get3A_972 = arith.constant 32 : index
        %get3A_973 = tpu.vector_load %arg12[%get3A_971, %get3A_972] {strides = array<i32>} : memref<1024x64xbf16, #tpu.memory_space<vmem>>, vector<32xbf16>,
        %mul3A_974 = arith.mulf %get3A_973, %pack3A_961 : vector<32xbf16>
        %add3A_975 = arith.addf %mul3A_956, %mul3A_974 : vector<32xbf16>
        %broadcast_in_dim3A_976 = arith.constant 2 : i32
        %broadcast_in_dim3A_977 = vector.broadcast %broadcast_in_dim3A_976 : i32 to vector<16x1xi32>
        %gather3A_978 = vector.shape_cast %broadcast_in_dim3A_977 : vector<16x1xi32> to vector<16xi32>
        %gather3A_979 = tpu.dynamic_gather %gather3A_938[%gather3A_978] in [0] : vector<16xf32>, vector<16xi32> -> vector<16xf32>
        %pack3A_980 = tpu.pack_subelements %gather3A_979, %gather3A_979 {pack_format = #tpu.pack_format<interleaved>, positions = array<i32: 0, 1>} : vector<16xf32>, vector<16xf32> -> vector<32xbf16>
        %add3A_981 = arith.constant 128 : i32
        %add3A_982 = arith.addi %add3A_981, %add3A_936 : i32
        %get3A_983 = arith.index_cast %add3A_982 : i32 to index
        %get3A_984 = arith.constant 0 : index
        %get3A_985 = tpu.vector_load %arg12[%get3A_983, %get3A_984] {strides = array<i32>} : memref<1024x64xbf16, #tpu.memory_space<vmem>>, vector<32xbf16>,
        %mul3A_986 = arith.mulf %get3A_985, %pack3A_980 : vector<32xbf16>
        %add3A_987 = arith.addf %add3A_968, %mul3A_986 : vector<32xbf16>
        %add3A_988 = arith.constant 128 : i32
        %add3A_989 = arith.addi %add3A_988, %add3A_936 : i32
        %get3A_990 = arith.index_cast %add3A_989 : i32 to index
        %get3A_991 = arith.constant 32 : index
        %get3A_992 = tpu.vector_load %arg12[%get3A_990, %get3A_991] {strides = array<i32>} : memref<1024x64xbf16, #tpu.memory_space<vmem>>, vector<32xbf16>,
        %mul3A_993 = arith.mulf %get3A_992, %pack3A_980 : vector<32xbf16>
        %add3A_994 = arith.addf %add3A_975, %mul3A_993 : vector<32xbf16>
        %broadcast_in_dim3A_995 = arith.constant 3 : i32
        %broadcast_in_dim3A_996 = vector.broadcast %broadcast_in_dim3A_995 : i32 to vector<16x1xi32>
        %gather3A_997 = vector.shape_cast %broadcast_in_dim3A_996 : vector<16x1xi32> to vector<16xi32>
        %gather3A_998 = tpu.dynamic_gather %gather3A_938[%gather3A_997] in [0] : vector<16xf32>, vector<16xi32> -> vector<16xf32>
        %pack3A_999 = tpu.pack_subelements %gather3A_998, %gather3A_998 {pack_format = #tpu.pack_format<interleaved>, positions = array<i32: 0, 1>} : vector<16xf32>, vector<16xf32> -> vector<32xbf16>
        %add3A_1000 = arith.constant 192 : i32
        %add3A_1001 = arith.addi %add3A_1000, %add3A_936 : i32
        %get3A_1002 = arith.index_cast %add3A_1001 : i32 to index
        %get3A_1003 = arith.constant 0 : index
        %get3A_1004 = tpu.vector_load %arg12[%get3A_1002, %get3A_1003] {strides = array<i32>} : memref<1024x64xbf16, #tpu.memory_space<vmem>>, vector<32xbf16>,
        %mul3A_1005 = arith.mulf %get3A_1004, %pack3A_999 : vector<32xbf16>
        %add3A_1006 = arith.addf %add3A_987, %mul3A_1005 : vector<32xbf16>
        %add3A_1007 = arith.constant 192 : i32
        %add3A_1008 = arith.addi %add3A_1007, %add3A_936 : i32
        %get3A_1009 = arith.index_cast %add3A_1008 : i32 to index
        %get3A_1010 = arith.constant 32 : index
        %get3A_1011 = tpu.vector_load %arg12[%get3A_1009, %get3A_1010] {strides = array<i32>} : memref<1024x64xbf16, #tpu.memory_space<vmem>>, vector<32xbf16>,
        %mul3A_1012 = arith.mulf %get3A_1011, %pack3A_999 : vector<32xbf16>
        %add3A_1013 = arith.addf %add3A_994, %mul3A_1012 : vector<32xbf16>
        %broadcast_in_dim3A_1014 = arith.constant 4 : i32
        %broadcast_in_dim3A_1015 = vector.broadcast %broadcast_in_dim3A_1014 : i32 to vector<16x1xi32>
        %gather3A_1016 = vector.shape_cast %broadcast_in_dim3A_1015 : vector<16x1xi32> to vector<16xi32>
        %gather3A_1017 = tpu.dynamic_gather %gather3A_938[%gather3A_1016] in [0] : vector<16xf32>, vector<16xi32> -> vector<16xf32>
        %pack3A_1018 = tpu.pack_subelements %gather3A_1017, %gather3A_1017 {pack_format = #tpu.pack_format<interleaved>, positions = array<i32: 0, 1>} : vector<16xf32>, vector<16xf32> -> vector<32xbf16>
        %add3A_1019 = arith.constant 256 : i32
        %add3A_1020 = arith.addi %add3A_1019, %add3A_936 : i32
        %get3A_1021 = arith.index_cast %add3A_1020 : i32 to index
        %get3A_1022 = arith.constant 0 : index
        %get3A_1023 = tpu.vector_load %arg12[%get3A_1021, %get3A_1022] {strides = array<i32>} : memref<1024x64xbf16, #tpu.memory_space<vmem>>, vector<32xbf16>,
        %mul3A_1024 = arith.mulf %get3A_1023, %pack3A_1018 : vector<32xbf16>
        %add3A_1025 = arith.constant 256 : i32
        %add3A_1026 = arith.addi %add3A_1025, %add3A_936 : i32
        %get3A_1027 = arith.index_cast %add3A_1026 : i32 to index
        %get3A_1028 = arith.constant 32 : index
        %get3A_1029 = tpu.vector_load %arg12[%get3A_1027, %get3A_1028] {strides = array<i32>} : memref<1024x64xbf16, #tpu.memory_space<vmem>>, vector<32xbf16>,
        %mul3A_1030 = arith.mulf %get3A_1029, %pack3A_1018 : vector<32xbf16>
        %broadcast_in_dim3A_1031 = arith.constant 5 : i32
        %broadcast_in_dim3A_1032 = vector.broadcast %broadcast_in_dim3A_1031 : i32 to vector<16x1xi32>
        %gather3A_1033 = vector.shape_cast %broadcast_in_dim3A_1032 : vector<16x1xi32> to vector<16xi32>
        %gather3A_1034 = tpu.dynamic_gather %gather3A_938[%gather3A_1033] in [0] : vector<16xf32>, vector<16xi32> -> vector<16xf32>
        %pack3A_1035 = tpu.pack_subelements %gather3A_1034, %gather3A_1034 {pack_format = #tpu.pack_format<interleaved>, positions = array<i32: 0, 1>} : vector<16xf32>, vector<16xf32> -> vector<32xbf16>
        %add3A_1036 = arith.constant 320 : i32
        %add3A_1037 = arith.addi %add3A_1036, %add3A_936 : i32
        %get3A_1038 = arith.index_cast %add3A_1037 : i32 to index
        %get3A_1039 = arith.constant 0 : index
        %get3A_1040 = tpu.vector_load %arg12[%get3A_1038, %get3A_1039] {strides = array<i32>} : memref<1024x64xbf16, #tpu.memory_space<vmem>>, vector<32xbf16>,
        %mul3A_1041 = arith.mulf %get3A_1040, %pack3A_1035 : vector<32xbf16>
        %add3A_1042 = arith.addf %mul3A_1024, %mul3A_1041 : vector<32xbf16>
        %add3A_1043 = arith.constant 320 : i32
        %add3A_1044 = arith.addi %add3A_1043, %add3A_936 : i32
        %get3A_1045 = arith.index_cast %add3A_1044 : i32 to index
        %get3A_1046 = arith.constant 32 : index
        %get3A_1047 = tpu.vector_load %arg12[%get3A_1045, %get3A_1046] {strides = array<i32>} : memref<1024x64xbf16, #tpu.memory_space<vmem>>, vector<32xbf16>,
        %mul3A_1048 = arith.mulf %get3A_1047, %pack3A_1035 : vector<32xbf16>
        %add3A_1049 = arith.addf %mul3A_1030, %mul3A_1048 : vector<32xbf16>
        %broadcast_in_dim3A_1050 = arith.constant 6 : i32
        %broadcast_in_dim3A_1051 = vector.broadcast %broadcast_in_dim3A_1050 : i32 to vector<16x1xi32>
        %gather3A_1052 = vector.shape_cast %broadcast_in_dim3A_1051 : vector<16x1xi32> to vector<16xi32>
        %gather3A_1053 = tpu.dynamic_gather %gather3A_938[%gather3A_1052] in [0] : vector<16xf32>, vector<16xi32> -> vector<16xf32>
        %pack3A_1054 = tpu.pack_subelements %gather3A_1053, %gather3A_1053 {pack_format = #tpu.pack_format<interleaved>, positions = array<i32: 0, 1>} : vector<16xf32>, vector<16xf32> -> vector<32xbf16>
        %add3A_1055 = arith.constant 384 : i32
        %add3A_1056 = arith.addi %add3A_1055, %add3A_936 : i32
        %get3A_1057 = arith.index_cast %add3A_1056 : i32 to index
        %get3A_1058 = arith.constant 0 : index
        %get3A_1059 = tpu.vector_load %arg12[%get3A_1057, %get3A_1058] {strides = array<i32>} : memref<1024x64xbf16, #tpu.memory_space<vmem>>, vector<32xbf16>,
        %mul3A_1060 = arith.mulf %get3A_1059, %pack3A_1054 : vector<32xbf16>
        %add3A_1061 = arith.addf %add3A_1042, %mul3A_1060 : vector<32xbf16>
        %add3A_1062 = arith.constant 384 : i32
        %add3A_1063 = arith.addi %add3A_1062, %add3A_936 : i32
        %get3A_1064 = arith.index_cast %add3A_1063 : i32 to index
        %get3A_1065 = arith.constant 32 : index
        %get3A_1066 = tpu.vector_load %arg12[%get3A_1064, %get3A_1065] {strides = array<i32>} : memref<1024x64xbf16, #tpu.memory_space<vmem>>, vector<32xbf16>,
        %mul3A_1067 = arith.mulf %get3A_1066, %pack3A_1054 : vector<32xbf16>
        %add3A_1068 = arith.addf %add3A_1049, %mul3A_1067 : vector<32xbf16>
        %broadcast_in_dim3A_1069 = arith.constant 7 : i32
        %broadcast_in_dim3A_1070 = vector.broadcast %broadcast_in_dim3A_1069 : i32 to vector<16x1xi32>
        %gather3A_1071 = vector.shape_cast %broadcast_in_dim3A_1070 : vector<16x1xi32> to vector<16xi32>
        %gather3A_1072 = tpu.dynamic_gather %gather3A_938[%gather3A_1071] in [0] : vector<16xf32>, vector<16xi32> -> vector<16xf32>
        %pack3A_1073 = tpu.pack_subelements %gather3A_1072, %gather3A_1072 {pack_format = #tpu.pack_format<interleaved>, positions = array<i32: 0, 1>} : vector<16xf32>, vector<16xf32> -> vector<32xbf16>
        %add3A_1074 = arith.constant 448 : i32
        %add3A_1075 = arith.addi %add3A_1074, %add3A_936 : i32
        %get3A_1076 = arith.index_cast %add3A_1075 : i32 to index
        %get3A_1077 = arith.constant 0 : index
        %get3A_1078 = tpu.vector_load %arg12[%get3A_1076, %get3A_1077] {strides = array<i32>} : memref<1024x64xbf16, #tpu.memory_space<vmem>>, vector<32xbf16>,
        %mul3A_1079 = arith.mulf %get3A_1078, %pack3A_1073 : vector<32xbf16>
        %add3A_1080 = arith.addf %add3A_1061, %mul3A_1079 : vector<32xbf16>
        %add3A_1081 = arith.constant 448 : i32
        %add3A_1082 = arith.addi %add3A_1081, %add3A_936 : i32
        %get3A_1083 = arith.index_cast %add3A_1082 : i32 to index
        %get3A_1084 = arith.constant 32 : index
        %get3A_1085 = tpu.vector_load %arg12[%get3A_1083, %get3A_1084] {strides = array<i32>} : memref<1024x64xbf16, #tpu.memory_space<vmem>>, vector<32xbf16>,
        %mul3A_1086 = arith.mulf %get3A_1085, %pack3A_1073 : vector<32xbf16>
        %add3A_1087 = arith.addf %add3A_1068, %mul3A_1086 : vector<32xbf16>
        %broadcast_in_dim3A_1088 = arith.constant 8 : i32
        %broadcast_in_dim3A_1089 = vector.broadcast %broadcast_in_dim3A_1088 : i32 to vector<16x1xi32>
        %gather3A_1090 = vector.shape_cast %broadcast_in_dim3A_1089 : vector<16x1xi32> to vector<16xi32>
        %gather3A_1091 = tpu.dynamic_gather %gather3A_938[%gather3A_1090] in [0] : vector<16xf32>, vector<16xi32> -> vector<16xf32>
        %pack3A_1092 = tpu.pack_subelements %gather3A_1091, %gather3A_1091 {pack_format = #tpu.pack_format<interleaved>, positions = array<i32: 0, 1>} : vector<16xf32>, vector<16xf32> -> vector<32xbf16>
        %add3A_1093 = arith.constant 512 : i32
        %add3A_1094 = arith.addi %add3A_1093, %add3A_936 : i32
        %get3A_1095 = arith.index_cast %add3A_1094 : i32 to index
        %get3A_1096 = arith.constant 0 : index
        %get3A_1097 = tpu.vector_load %arg12[%get3A_1095, %get3A_1096] {strides = array<i32>} : memref<1024x64xbf16, #tpu.memory_space<vmem>>, vector<32xbf16>,
        %mul3A_1098 = arith.mulf %get3A_1097, %pack3A_1092 : vector<32xbf16>
        %add3A_1099 = arith.constant 512 : i32
        %add3A_1100 = arith.addi %add3A_1099, %add3A_936 : i32
        %get3A_1101 = arith.index_cast %add3A_1100 : i32 to index
        %get3A_1102 = arith.constant 32 : index
        %get3A_1103 = tpu.vector_load %arg12[%get3A_1101, %get3A_1102] {strides = array<i32>} : memref<1024x64xbf16, #tpu.memory_space<vmem>>, vector<32xbf16>,
        %mul3A_1104 = arith.mulf %get3A_1103, %pack3A_1092 : vector<32xbf16>
        %broadcast_in_dim3A_1105 = arith.constant 9 : i32
        %broadcast_in_dim3A_1106 = vector.broadcast %broadcast_in_dim3A_1105 : i32 to vector<16x1xi32>
        %gather3A_1107 = vector.shape_cast %broadcast_in_dim3A_1106 : vector<16x1xi32> to vector<16xi32>
        %gather3A_1108 = tpu.dynamic_gather %gather3A_938[%gather3A_1107] in [0] : vector<16xf32>, vector<16xi32> -> vector<16xf32>
        %pack3A_1109 = tpu.pack_subelements %gather3A_1108, %gather3A_1108 {pack_format = #tpu.pack_format<interleaved>, positions = array<i32: 0, 1>} : vector<16xf32>, vector<16xf32> -> vector<32xbf16>
        %add3A_1110 = arith.constant 576 : i32
        %add3A_1111 = arith.addi %add3A_1110, %add3A_936 : i32
        %get3A_1112 = arith.index_cast %add3A_1111 : i32 to index
        %get3A_1113 = arith.constant 0 : index
        %get3A_1114 = tpu.vector_load %arg12[%get3A_1112, %get3A_1113] {strides = array<i32>} : memref<1024x64xbf16, #tpu.memory_space<vmem>>, vector<32xbf16>,
        %mul3A_1115 = arith.mulf %get3A_1114, %pack3A_1109 : vector<32xbf16>
        %add3A_1116 = arith.addf %mul3A_1098, %mul3A_1115 : vector<32xbf16>
        %add3A_1117 = arith.constant 576 : i32
        %add3A_1118 = arith.addi %add3A_1117, %add3A_936 : i32
        %get3A_1119 = arith.index_cast %add3A_1118 : i32 to index
        %get3A_1120 = arith.constant 32 : index
        %get3A_1121 = tpu.vector_load %arg12[%get3A_1119, %get3A_1120] {strides = array<i32>} : memref<1024x64xbf16, #tpu.memory_space<vmem>>, vector<32xbf16>,
        %mul3A_1122 = arith.mulf %get3A_1121, %pack3A_1109 : vector<32xbf16>
        %add3A_1123 = arith.addf %mul3A_1104, %mul3A_1122 : vector<32xbf16>
        %broadcast_in_dim3A_1124 = arith.constant 10 : i32
        %broadcast_in_dim3A_1125 = vector.broadcast %broadcast_in_dim3A_1124 : i32 to vector<16x1xi32>
        %gather3A_1126 = vector.shape_cast %broadcast_in_dim3A_1125 : vector<16x1xi32> to vector<16xi32>
        %gather3A_1127 = tpu.dynamic_gather %gather3A_938[%gather3A_1126] in [0] : vector<16xf32>, vector<16xi32> -> vector<16xf32>
        %pack3A_1128 = tpu.pack_subelements %gather3A_1127, %gather3A_1127 {pack_format = #tpu.pack_format<interleaved>, positions = array<i32: 0, 1>} : vector<16xf32>, vector<16xf32> -> vector<32xbf16>
        %add3A_1129 = arith.constant 640 : i32
        %add3A_1130 = arith.addi %add3A_1129, %add3A_936 : i32
        %get3A_1131 = arith.index_cast %add3A_1130 : i32 to index
        %get3A_1132 = arith.constant 0 : index
        %get3A_1133 = tpu.vector_load %arg12[%get3A_1131, %get3A_1132] {strides = array<i32>} : memref<1024x64xbf16, #tpu.memory_space<vmem>>, vector<32xbf16>,
        %mul3A_1134 = arith.mulf %get3A_1133, %pack3A_1128 : vector<32xbf16>
        %add3A_1135 = arith.addf %add3A_1116, %mul3A_1134 : vector<32xbf16>
        %add3A_1136 = arith.constant 640 : i32
        %add3A_1137 = arith.addi %add3A_1136, %add3A_936 : i32
        %get3A_1138 = arith.index_cast %add3A_1137 : i32 to index
        %get3A_1139 = arith.constant 32 : index
        %get3A_1140 = tpu.vector_load %arg12[%get3A_1138, %get3A_1139] {strides = array<i32>} : memref<1024x64xbf16, #tpu.memory_space<vmem>>, vector<32xbf16>,
        %mul3A_1141 = arith.mulf %get3A_1140, %pack3A_1128 : vector<32xbf16>
        %add3A_1142 = arith.addf %add3A_1123, %mul3A_1141 : vector<32xbf16>
        %broadcast_in_dim3A_1143 = arith.constant 11 : i32
        %broadcast_in_dim3A_1144 = vector.broadcast %broadcast_in_dim3A_1143 : i32 to vector<16x1xi32>
        %gather3A_1145 = vector.shape_cast %broadcast_in_dim3A_1144 : vector<16x1xi32> to vector<16xi32>
        %gather3A_1146 = tpu.dynamic_gather %gather3A_938[%gather3A_1145] in [0] : vector<16xf32>, vector<16xi32> -> vector<16xf32>
        %pack3A_1147 = tpu.pack_subelements %gather3A_1146, %gather3A_1146 {pack_format = #tpu.pack_format<interleaved>, positions = array<i32: 0, 1>} : vector<16xf32>, vector<16xf32> -> vector<32xbf16>
        %add3A_1148 = arith.constant 704 : i32
        %add3A_1149 = arith.addi %add3A_1148, %add3A_936 : i32
        %get3A_1150 = arith.index_cast %add3A_1149 : i32 to index
        %get3A_1151 = arith.constant 0 : index
        %get3A_1152 = tpu.vector_load %arg12[%get3A_1150, %get3A_1151] {strides = array<i32>} : memref<1024x64xbf16, #tpu.memory_space<vmem>>, vector<32xbf16>,
        %mul3A_1153 = arith.mulf %get3A_1152, %pack3A_1147 : vector<32xbf16>
        %add3A_1154 = arith.addf %add3A_1135, %mul3A_1153 : vector<32xbf16>
        %add3A_1155 = arith.constant 704 : i32
        %add3A_1156 = arith.addi %add3A_1155, %add3A_936 : i32
        %get3A_1157 = arith.index_cast %add3A_1156 : i32 to index
        %get3A_1158 = arith.constant 32 : index
        %get3A_1159 = tpu.vector_load %arg12[%get3A_1157, %get3A_1158] {strides = array<i32>} : memref<1024x64xbf16, #tpu.memory_space<vmem>>, vector<32xbf16>,
        %mul3A_1160 = arith.mulf %get3A_1159, %pack3A_1147 : vector<32xbf16>
        %add3A_1161 = arith.addf %add3A_1142, %mul3A_1160 : vector<32xbf16>
        %broadcast_in_dim3A_1162 = arith.constant 12 : i32
        %broadcast_in_dim3A_1163 = vector.broadcast %broadcast_in_dim3A_1162 : i32 to vector<16x1xi32>
        %gather3A_1164 = vector.shape_cast %broadcast_in_dim3A_1163 : vector<16x1xi32> to vector<16xi32>
        %gather3A_1165 = tpu.dynamic_gather %gather3A_938[%gather3A_1164] in [0] : vector<16xf32>, vector<16xi32> -> vector<16xf32>
        %pack3A_1166 = tpu.pack_subelements %gather3A_1165, %gather3A_1165 {pack_format = #tpu.pack_format<interleaved>, positions = array<i32: 0, 1>} : vector<16xf32>, vector<16xf32> -> vector<32xbf16>
        %add3A_1167 = arith.constant 768 : i32
        %add3A_1168 = arith.addi %add3A_1167, %add3A_936 : i32
        %get3A_1169 = arith.index_cast %add3A_1168 : i32 to index
        %get3A_1170 = arith.constant 0 : index
        %get3A_1171 = tpu.vector_load %arg12[%get3A_1169, %get3A_1170] {strides = array<i32>} : memref<1024x64xbf16, #tpu.memory_space<vmem>>, vector<32xbf16>,
        %mul3A_1172 = arith.mulf %get3A_1171, %pack3A_1166 : vector<32xbf16>
        %add3A_1173 = arith.constant 768 : i32
        %add3A_1174 = arith.addi %add3A_1173, %add3A_936 : i32
        %get3A_1175 = arith.index_cast %add3A_1174 : i32 to index
        %get3A_1176 = arith.constant 32 : index
        %get3A_1177 = tpu.vector_load %arg12[%get3A_1175, %get3A_1176] {strides = array<i32>} : memref<1024x64xbf16, #tpu.memory_space<vmem>>, vector<32xbf16>,
        %mul3A_1178 = arith.mulf %get3A_1177, %pack3A_1166 : vector<32xbf16>
        %broadcast_in_dim3A_1179 = arith.constant 13 : i32
        %broadcast_in_dim3A_1180 = vector.broadcast %broadcast_in_dim3A_1179 : i32 to vector<16x1xi32>
        %gather3A_1181 = vector.shape_cast %broadcast_in_dim3A_1180 : vector<16x1xi32> to vector<16xi32>
        %gather3A_1182 = tpu.dynamic_gather %gather3A_938[%gather3A_1181] in [0] : vector<16xf32>, vector<16xi32> -> vector<16xf32>
        %pack3A_1183 = tpu.pack_subelements %gather3A_1182, %gather3A_1182 {pack_format = #tpu.pack_format<interleaved>, positions = array<i32: 0, 1>} : vector<16xf32>, vector<16xf32> -> vector<32xbf16>
        %add3A_1184 = arith.constant 832 : i32
        %add3A_1185 = arith.addi %add3A_1184, %add3A_936 : i32
        %get3A_1186 = arith.index_cast %add3A_1185 : i32 to index
        %get3A_1187 = arith.constant 0 : index
        %get3A_1188 = tpu.vector_load %arg12[%get3A_1186, %get3A_1187] {strides = array<i32>} : memref<1024x64xbf16, #tpu.memory_space<vmem>>, vector<32xbf16>,
        %mul3A_1189 = arith.mulf %get3A_1188, %pack3A_1183 : vector<32xbf16>
        %add3A_1190 = arith.addf %mul3A_1172, %mul3A_1189 : vector<32xbf16>
        %add3A_1191 = arith.constant 832 : i32
        %add3A_1192 = arith.addi %add3A_1191, %add3A_936 : i32
        %get3A_1193 = arith.index_cast %add3A_1192 : i32 to index
        %get3A_1194 = arith.constant 32 : index
        %get3A_1195 = tpu.vector_load %arg12[%get3A_1193, %get3A_1194] {strides = array<i32>} : memref<1024x64xbf16, #tpu.memory_space<vmem>>, vector<32xbf16>,
        %mul3A_1196 = arith.mulf %get3A_1195, %pack3A_1183 : vector<32xbf16>
        %add3A_1197 = arith.addf %mul3A_1178, %mul3A_1196 : vector<32xbf16>
        %broadcast_in_dim3A_1198 = arith.constant 14 : i32
        %broadcast_in_dim3A_1199 = vector.broadcast %broadcast_in_dim3A_1198 : i32 to vector<16x1xi32>
        %gather3A_1200 = vector.shape_cast %broadcast_in_dim3A_1199 : vector<16x1xi32> to vector<16xi32>
        %gather3A_1201 = tpu.dynamic_gather %gather3A_938[%gather3A_1200] in [0] : vector<16xf32>, vector<16xi32> -> vector<16xf32>
        %pack3A_1202 = tpu.pack_subelements %gather3A_1201, %gather3A_1201 {pack_format = #tpu.pack_format<interleaved>, positions = array<i32: 0, 1>} : vector<16xf32>, vector<16xf32> -> vector<32xbf16>
        %add3A_1203 = arith.constant 896 : i32
        %add3A_1204 = arith.addi %add3A_1203, %add3A_936 : i32
        %get3A_1205 = arith.index_cast %add3A_1204 : i32 to index
        %get3A_1206 = arith.constant 0 : index
        %get3A_1207 = tpu.vector_load %arg12[%get3A_1205, %get3A_1206] {strides = array<i32>} : memref<1024x64xbf16, #tpu.memory_space<vmem>>, vector<32xbf16>,
        %mul3A_1208 = arith.mulf %get3A_1207, %pack3A_1202 : vector<32xbf16>
        %add3A_1209 = arith.addf %add3A_1190, %mul3A_1208 : vector<32xbf16>
        %add3A_1210 = arith.constant 896 : i32
        %add3A_1211 = arith.addi %add3A_1210, %add3A_936 : i32
        %get3A_1212 = arith.index_cast %add3A_1211 : i32 to index
        %get3A_1213 = arith.constant 32 : index
        %get3A_1214 = tpu.vector_load %arg12[%get3A_1212, %get3A_1213] {strides = array<i32>} : memref<1024x64xbf16, #tpu.memory_space<vmem>>, vector<32xbf16>,
        %mul3A_1215 = arith.mulf %get3A_1214, %pack3A_1202 : vector<32xbf16>
        %add3A_1216 = arith.addf %add3A_1197, %mul3A_1215 : vector<32xbf16>
        %broadcast_in_dim3A_1217 = arith.constant 15 : i32
        %broadcast_in_dim3A_1218 = vector.broadcast %broadcast_in_dim3A_1217 : i32 to vector<16x1xi32>
        %gather3A_1219 = vector.shape_cast %broadcast_in_dim3A_1218 : vector<16x1xi32> to vector<16xi32>
        %gather3A_1220 = tpu.dynamic_gather %gather3A_938[%gather3A_1219] in [0] : vector<16xf32>, vector<16xi32> -> vector<16xf32>
        %pack3A_1221 = tpu.pack_subelements %gather3A_1220, %gather3A_1220 {pack_format = #tpu.pack_format<interleaved>, positions = array<i32: 0, 1>} : vector<16xf32>, vector<16xf32> -> vector<32xbf16>
        %add3A_1222 = arith.constant 960 : i32
        %add3A_1223 = arith.addi %add3A_1222, %add3A_936 : i32
        %get3A_1224 = arith.index_cast %add3A_1223 : i32 to index
        %get3A_1225 = arith.constant 0 : index
        %get3A_1226 = tpu.vector_load %arg12[%get3A_1224, %get3A_1225] {strides = array<i32>} : memref<1024x64xbf16, #tpu.memory_space<vmem>>, vector<32xbf16>,
        %mul3A_1227 = arith.mulf %get3A_1226, %pack3A_1221 : vector<32xbf16>
        %add3A_1228 = arith.addf %add3A_1209, %mul3A_1227 : vector<32xbf16>
        %add3A_1229 = arith.constant 960 : i32
        %add3A_1230 = arith.addi %add3A_1229, %add3A_936 : i32
        %get3A_1231 = arith.index_cast %add3A_1230 : i32 to index
        %get3A_1232 = arith.constant 32 : index
        %get3A_1233 = tpu.vector_load %arg12[%get3A_1231, %get3A_1232] {strides = array<i32>} : memref<1024x64xbf16, #tpu.memory_space<vmem>>, vector<32xbf16>,
        %mul3A_1234 = arith.mulf %get3A_1233, %pack3A_1221 : vector<32xbf16>
        %add3A_1235 = arith.addf %add3A_1216, %mul3A_1234 : vector<32xbf16>
        %add3A_1236 = arith.addf %add3A_1006, %add3A_1080 : vector<32xbf16>
        %add3A_1237 = arith.addf %add3A_1154, %add3A_1228 : vector<32xbf16>
        %add3A_1238 = arith.addf %add3A_1236, %add3A_1237 : vector<32xbf16>
        %unpack3A_1239 = tpu.unpack_subelements %add3A_1238, 0 {pack_format = #tpu.pack_format<interleaved>} : vector<32xbf16> -> vector<16xf32>
        %unpack3A_1240 = tpu.unpack_subelements %add3A_1238, 1 {pack_format = #tpu.pack_format<interleaved>} : vector<32xbf16> -> vector<16xf32>
        tpu.vector_store_idx %arg14[%add3A_472, %broadcast_in_dim3A_939], %unpack3A_1239 : memref<64x64xf32, #tpu.memory_space<vmem>>[vector<16xi32>, vector<16xi32>], vector<16xf32>,
        tpu.vector_store_idx %arg14[%add3A_489, %broadcast_in_dim3A_939], %unpack3A_1240 : memref<64x64xf32, #tpu.memory_space<vmem>>[vector<16xi32>, vector<16xi32>], vector<16xf32>,
        %add3A_1241 = arith.addf %add3A_1013, %add3A_1087 : vector<32xbf16>
        %add3A_1242 = arith.addf %add3A_1161, %add3A_1235 : vector<32xbf16>
        %add3A_1243 = arith.addf %add3A_1241, %add3A_1242 : vector<32xbf16>
        %unpack3A_1244 = tpu.unpack_subelements %add3A_1243, 0 {pack_format = #tpu.pack_format<interleaved>} : vector<32xbf16> -> vector<16xf32>
        %unpack3A_1245 = tpu.unpack_subelements %add3A_1243, 1 {pack_format = #tpu.pack_format<interleaved>} : vector<32xbf16> -> vector<16xf32>
        tpu.vector_store_idx %arg14[%add3A_479, %broadcast_in_dim3A_939], %unpack3A_1244 : memref<64x64xf32, #tpu.memory_space<vmem>>[vector<16xi32>, vector<16xi32>], vector<16xf32>,
        tpu.vector_store_idx %arg14[%add3A_499, %broadcast_in_dim3A_939], %unpack3A_1245 : memref<64x64xf32, #tpu.memory_space<vmem>>[vector<16xi32>, vector<16xi32>], vector<16xf32>,
        %mul3A_1246 = arith.constant 4 : i32
        %mul3A_1247 = arith.muli %scan3A_623, %mul3A_1246 : i32
        %add3A_1248 = arith.constant 2 : i32
        %add3A_1249 = arith.addi %mul3A_1247, %add3A_1248 : i32
        %broadcast_in_dim3A_1250 = vector.broadcast %add3A_1249 : i32 to vector<16xi32>
        %gather3A_1251 = tpu.vector_load_idx %arg10[%iota3A, %broadcast_in_dim3A_1250] : memref<16x64xf32, #tpu.memory_space<vmem>>[vector<16xi32>, vector<16xi32>], vector<16xf32>,
        %broadcast_in_dim3A_1252 = vector.broadcast %add3A_1249 : i32 to vector<16xi32>
        %broadcast_in_dim3A_1253 = arith.constant 0 : i32
        %broadcast_in_dim3A_1254 = vector.broadcast %broadcast_in_dim3A_1253 : i32 to vector<16x1xi32>
        %gather3A_1255 = vector.shape_cast %broadcast_in_dim3A_1254 : vector<16x1xi32> to vector<16xi32>
        %gather3A_1256 = tpu.dynamic_gather %gather3A_1251[%gather3A_1255] in [0] : vector<16xf32>, vector<16xi32> -> vector<16xf32>
        %pack3A_1257 = tpu.pack_subelements %gather3A_1256, %gather3A_1256 {pack_format = #tpu.pack_format<interleaved>, positions = array<i32: 0, 1>} : vector<16xf32>, vector<16xf32> -> vector<32xbf16>
        %add3A_1258 = arith.constant 0 : i32
        %add3A_1259 = arith.addi %add3A_1258, %add3A_1249 : i32
        %get3A_1260 = arith.index_cast %add3A_1259 : i32 to index
        %get3A_1261 = arith.constant 0 : index
        %get3A_1262 = tpu.vector_load %arg12[%get3A_1260, %get3A_1261] {strides = array<i32>} : memref<1024x64xbf16, #tpu.memory_space<vmem>>, vector<32xbf16>,
        %mul3A_1263 = arith.mulf %get3A_1262, %pack3A_1257 : vector<32xbf16>
        %add3A_1264 = arith.constant 0 : i32
        %add3A_1265 = arith.addi %add3A_1264, %add3A_1249 : i32
        %get3A_1266 = arith.index_cast %add3A_1265 : i32 to index
        %get3A_1267 = arith.constant 32 : index
        %get3A_1268 = tpu.vector_load %arg12[%get3A_1266, %get3A_1267] {strides = array<i32>} : memref<1024x64xbf16, #tpu.memory_space<vmem>>, vector<32xbf16>,
        %mul3A_1269 = arith.mulf %get3A_1268, %pack3A_1257 : vector<32xbf16>
        %broadcast_in_dim3A_1270 = arith.constant 1 : i32
        %broadcast_in_dim3A_1271 = vector.broadcast %broadcast_in_dim3A_1270 : i32 to vector<16x1xi32>
        %gather3A_1272 = vector.shape_cast %broadcast_in_dim3A_1271 : vector<16x1xi32> to vector<16xi32>
        %gather3A_1273 = tpu.dynamic_gather %gather3A_1251[%gather3A_1272] in [0] : vector<16xf32>, vector<16xi32> -> vector<16xf32>
        %pack3A_1274 = tpu.pack_subelements %gather3A_1273, %gather3A_1273 {pack_format = #tpu.pack_format<interleaved>, positions = array<i32: 0, 1>} : vector<16xf32>, vector<16xf32> -> vector<32xbf16>
        %add3A_1275 = arith.constant 64 : i32
        %add3A_1276 = arith.addi %add3A_1275, %add3A_1249 : i32
        %get3A_1277 = arith.index_cast %add3A_1276 : i32 to index
        %get3A_1278 = arith.constant 0 : index
        %get3A_1279 = tpu.vector_load %arg12[%get3A_1277, %get3A_1278] {strides = array<i32>} : memref<1024x64xbf16, #tpu.memory_space<vmem>>, vector<32xbf16>,
        %mul3A_1280 = arith.mulf %get3A_1279, %pack3A_1274 : vector<32xbf16>
        %add3A_1281 = arith.addf %mul3A_1263, %mul3A_1280 : vector<32xbf16>
        %add3A_1282 = arith.constant 64 : i32
        %add3A_1283 = arith.addi %add3A_1282, %add3A_1249 : i32
        %get3A_1284 = arith.index_cast %add3A_1283 : i32 to index
        %get3A_1285 = arith.constant 32 : index
        %get3A_1286 = tpu.vector_load %arg12[%get3A_1284, %get3A_1285] {strides = array<i32>} : memref<1024x64xbf16, #tpu.memory_space<vmem>>, vector<32xbf16>,
        %mul3A_1287 = arith.mulf %get3A_1286, %pack3A_1274 : vector<32xbf16>
        %add3A_1288 = arith.addf %mul3A_1269, %mul3A_1287 : vector<32xbf16>
        %broadcast_in_dim3A_1289 = arith.constant 2 : i32
        %broadcast_in_dim3A_1290 = vector.broadcast %broadcast_in_dim3A_1289 : i32 to vector<16x1xi32>
        %gather3A_1291 = vector.shape_cast %broadcast_in_dim3A_1290 : vector<16x1xi32> to vector<16xi32>
        %gather3A_1292 = tpu.dynamic_gather %gather3A_1251[%gather3A_1291] in [0] : vector<16xf32>, vector<16xi32> -> vector<16xf32>
        %pack3A_1293 = tpu.pack_subelements %gather3A_1292, %gather3A_1292 {pack_format = #tpu.pack_format<interleaved>, positions = array<i32: 0, 1>} : vector<16xf32>, vector<16xf32> -> vector<32xbf16>
        %add3A_1294 = arith.constant 128 : i32
        %add3A_1295 = arith.addi %add3A_1294, %add3A_1249 : i32
        %get3A_1296 = arith.index_cast %add3A_1295 : i32 to index
        %get3A_1297 = arith.constant 0 : index
        %get3A_1298 = tpu.vector_load %arg12[%get3A_1296, %get3A_1297] {strides = array<i32>} : memref<1024x64xbf16, #tpu.memory_space<vmem>>, vector<32xbf16>,
        %mul3A_1299 = arith.mulf %get3A_1298, %pack3A_1293 : vector<32xbf16>
        %add3A_1300 = arith.addf %add3A_1281, %mul3A_1299 : vector<32xbf16>
        %add3A_1301 = arith.constant 128 : i32
        %add3A_1302 = arith.addi %add3A_1301, %add3A_1249 : i32
        %get3A_1303 = arith.index_cast %add3A_1302 : i32 to index
        %get3A_1304 = arith.constant 32 : index
        %get3A_1305 = tpu.vector_load %arg12[%get3A_1303, %get3A_1304] {strides = array<i32>} : memref<1024x64xbf16, #tpu.memory_space<vmem>>, vector<32xbf16>,
        %mul3A_1306 = arith.mulf %get3A_1305, %pack3A_1293 : vector<32xbf16>
        %add3A_1307 = arith.addf %add3A_1288, %mul3A_1306 : vector<32xbf16>
        %broadcast_in_dim3A_1308 = arith.constant 3 : i32
        %broadcast_in_dim3A_1309 = vector.broadcast %broadcast_in_dim3A_1308 : i32 to vector<16x1xi32>
        %gather3A_1310 = vector.shape_cast %broadcast_in_dim3A_1309 : vector<16x1xi32> to vector<16xi32>
        %gather3A_1311 = tpu.dynamic_gather %gather3A_1251[%gather3A_1310] in [0] : vector<16xf32>, vector<16xi32> -> vector<16xf32>
        %pack3A_1312 = tpu.pack_subelements %gather3A_1311, %gather3A_1311 {pack_format = #tpu.pack_format<interleaved>, positions = array<i32: 0, 1>} : vector<16xf32>, vector<16xf32> -> vector<32xbf16>
        %add3A_1313 = arith.constant 192 : i32
        %add3A_1314 = arith.addi %add3A_1313, %add3A_1249 : i32
        %get3A_1315 = arith.index_cast %add3A_1314 : i32 to index
        %get3A_1316 = arith.constant 0 : index
        %get3A_1317 = tpu.vector_load %arg12[%get3A_1315, %get3A_1316] {strides = array<i32>} : memref<1024x64xbf16, #tpu.memory_space<vmem>>, vector<32xbf16>,
        %mul3A_1318 = arith.mulf %get3A_1317, %pack3A_1312 : vector<32xbf16>
        %add3A_1319 = arith.addf %add3A_1300, %mul3A_1318 : vector<32xbf16>
        %add3A_1320 = arith.constant 192 : i32
        %add3A_1321 = arith.addi %add3A_1320, %add3A_1249 : i32
        %get3A_1322 = arith.index_cast %add3A_1321 : i32 to index
        %get3A_1323 = arith.constant 32 : index
        %get3A_1324 = tpu.vector_load %arg12[%get3A_1322, %get3A_1323] {strides = array<i32>} : memref<1024x64xbf16, #tpu.memory_space<vmem>>, vector<32xbf16>,
        %mul3A_1325 = arith.mulf %get3A_1324, %pack3A_1312 : vector<32xbf16>
        %add3A_1326 = arith.addf %add3A_1307, %mul3A_1325 : vector<32xbf16>
        %broadcast_in_dim3A_1327 = arith.constant 4 : i32
        %broadcast_in_dim3A_1328 = vector.broadcast %broadcast_in_dim3A_1327 : i32 to vector<16x1xi32>
        %gather3A_1329 = vector.shape_cast %broadcast_in_dim3A_1328 : vector<16x1xi32> to vector<16xi32>
        %gather3A_1330 = tpu.dynamic_gather %gather3A_1251[%gather3A_1329] in [0] : vector<16xf32>, vector<16xi32> -> vector<16xf32>
        %pack3A_1331 = tpu.pack_subelements %gather3A_1330, %gather3A_1330 {pack_format = #tpu.pack_format<interleaved>, positions = array<i32: 0, 1>} : vector<16xf32>, vector<16xf32> -> vector<32xbf16>
        %add3A_1332 = arith.constant 256 : i32
        %add3A_1333 = arith.addi %add3A_1332, %add3A_1249 : i32
        %get3A_1334 = arith.index_cast %add3A_1333 : i32 to index
        %get3A_1335 = arith.constant 0 : index
        %get3A_1336 = tpu.vector_load %arg12[%get3A_1334, %get3A_1335] {strides = array<i32>} : memref<1024x64xbf16, #tpu.memory_space<vmem>>, vector<32xbf16>,
        %mul3A_1337 = arith.mulf %get3A_1336, %pack3A_1331 : vector<32xbf16>
        %add3A_1338 = arith.constant 256 : i32
        %add3A_1339 = arith.addi %add3A_1338, %add3A_1249 : i32
        %get3A_1340 = arith.index_cast %add3A_1339 : i32 to index
        %get3A_1341 = arith.constant 32 : index
        %get3A_1342 = tpu.vector_load %arg12[%get3A_1340, %get3A_1341] {strides = array<i32>} : memref<1024x64xbf16, #tpu.memory_space<vmem>>, vector<32xbf16>,
        %mul3A_1343 = arith.mulf %get3A_1342, %pack3A_1331 : vector<32xbf16>
        %broadcast_in_dim3A_1344 = arith.constant 5 : i32
        %broadcast_in_dim3A_1345 = vector.broadcast %broadcast_in_dim3A_1344 : i32 to vector<16x1xi32>
        %gather3A_1346 = vector.shape_cast %broadcast_in_dim3A_1345 : vector<16x1xi32> to vector<16xi32>
        %gather3A_1347 = tpu.dynamic_gather %gather3A_1251[%gather3A_1346] in [0] : vector<16xf32>, vector<16xi32> -> vector<16xf32>
        %pack3A_1348 = tpu.pack_subelements %gather3A_1347, %gather3A_1347 {pack_format = #tpu.pack_format<interleaved>, positions = array<i32: 0, 1>} : vector<16xf32>, vector<16xf32> -> vector<32xbf16>
        %add3A_1349 = arith.constant 320 : i32
        %add3A_1350 = arith.addi %add3A_1349, %add3A_1249 : i32
        %get3A_1351 = arith.index_cast %add3A_1350 : i32 to index
        %get3A_1352 = arith.constant 0 : index
        %get3A_1353 = tpu.vector_load %arg12[%get3A_1351, %get3A_1352] {strides = array<i32>} : memref<1024x64xbf16, #tpu.memory_space<vmem>>, vector<32xbf16>,
        %mul3A_1354 = arith.mulf %get3A_1353, %pack3A_1348 : vector<32xbf16>
        %add3A_1355 = arith.addf %mul3A_1337, %mul3A_1354 : vector<32xbf16>
        %add3A_1356 = arith.constant 320 : i32
        %add3A_1357 = arith.addi %add3A_1356, %add3A_1249 : i32
        %get3A_1358 = arith.index_cast %add3A_1357 : i32 to index
        %get3A_1359 = arith.constant 32 : index
        %get3A_1360 = tpu.vector_load %arg12[%get3A_1358, %get3A_1359] {strides = array<i32>} : memref<1024x64xbf16, #tpu.memory_space<vmem>>, vector<32xbf16>,
        %mul3A_1361 = arith.mulf %get3A_1360, %pack3A_1348 : vector<32xbf16>
        %add3A_1362 = arith.addf %mul3A_1343, %mul3A_1361 : vector<32xbf16>
        %broadcast_in_dim3A_1363 = arith.constant 6 : i32
        %broadcast_in_dim3A_1364 = vector.broadcast %broadcast_in_dim3A_1363 : i32 to vector<16x1xi32>
        %gather3A_1365 = vector.shape_cast %broadcast_in_dim3A_1364 : vector<16x1xi32> to vector<16xi32>
        %gather3A_1366 = tpu.dynamic_gather %gather3A_1251[%gather3A_1365] in [0] : vector<16xf32>, vector<16xi32> -> vector<16xf32>
        %pack3A_1367 = tpu.pack_subelements %gather3A_1366, %gather3A_1366 {pack_format = #tpu.pack_format<interleaved>, positions = array<i32: 0, 1>} : vector<16xf32>, vector<16xf32> -> vector<32xbf16>
        %add3A_1368 = arith.constant 384 : i32
        %add3A_1369 = arith.addi %add3A_1368, %add3A_1249 : i32
        %get3A_1370 = arith.index_cast %add3A_1369 : i32 to index
        %get3A_1371 = arith.constant 0 : index
        %get3A_1372 = tpu.vector_load %arg12[%get3A_1370, %get3A_1371] {strides = array<i32>} : memref<1024x64xbf16, #tpu.memory_space<vmem>>, vector<32xbf16>,
        %mul3A_1373 = arith.mulf %get3A_1372, %pack3A_1367 : vector<32xbf16>
        %add3A_1374 = arith.addf %add3A_1355, %mul3A_1373 : vector<32xbf16>
        %add3A_1375 = arith.constant 384 : i32
        %add3A_1376 = arith.addi %add3A_1375, %add3A_1249 : i32
        %get3A_1377 = arith.index_cast %add3A_1376 : i32 to index
        %get3A_1378 = arith.constant 32 : index
        %get3A_1379 = tpu.vector_load %arg12[%get3A_1377, %get3A_1378] {strides = array<i32>} : memref<1024x64xbf16, #tpu.memory_space<vmem>>, vector<32xbf16>,
        %mul3A_1380 = arith.mulf %get3A_1379, %pack3A_1367 : vector<32xbf16>
        %add3A_1381 = arith.addf %add3A_1362, %mul3A_1380 : vector<32xbf16>
        %broadcast_in_dim3A_1382 = arith.constant 7 : i32
        %broadcast_in_dim3A_1383 = vector.broadcast %broadcast_in_dim3A_1382 : i32 to vector<16x1xi32>
        %gather3A_1384 = vector.shape_cast %broadcast_in_dim3A_1383 : vector<16x1xi32> to vector<16xi32>
        %gather3A_1385 = tpu.dynamic_gather %gather3A_1251[%gather3A_1384] in [0] : vector<16xf32>, vector<16xi32> -> vector<16xf32>
        %pack3A_1386 = tpu.pack_subelements %gather3A_1385, %gather3A_1385 {pack_format = #tpu.pack_format<interleaved>, positions = array<i32: 0, 1>} : vector<16xf32>, vector<16xf32> -> vector<32xbf16>
        %add3A_1387 = arith.constant 448 : i32
        %add3A_1388 = arith.addi %add3A_1387, %add3A_1249 : i32
        %get3A_1389 = arith.index_cast %add3A_1388 : i32 to index
        %get3A_1390 = arith.constant 0 : index
        %get3A_1391 = tpu.vector_load %arg12[%get3A_1389, %get3A_1390] {strides = array<i32>} : memref<1024x64xbf16, #tpu.memory_space<vmem>>, vector<32xbf16>,
        %mul3A_1392 = arith.mulf %get3A_1391, %pack3A_1386 : vector<32xbf16>
        %add3A_1393 = arith.addf %add3A_1374, %mul3A_1392 : vector<32xbf16>
        %add3A_1394 = arith.constant 448 : i32
        %add3A_1395 = arith.addi %add3A_1394, %add3A_1249 : i32
        %get3A_1396 = arith.index_cast %add3A_1395 : i32 to index
        %get3A_1397 = arith.constant 32 : index
        %get3A_1398 = tpu.vector_load %arg12[%get3A_1396, %get3A_1397] {strides = array<i32>} : memref<1024x64xbf16, #tpu.memory_space<vmem>>, vector<32xbf16>,
        %mul3A_1399 = arith.mulf %get3A_1398, %pack3A_1386 : vector<32xbf16>
        %add3A_1400 = arith.addf %add3A_1381, %mul3A_1399 : vector<32xbf16>
        %broadcast_in_dim3A_1401 = arith.constant 8 : i32
        %broadcast_in_dim3A_1402 = vector.broadcast %broadcast_in_dim3A_1401 : i32 to vector<16x1xi32>
        %gather3A_1403 = vector.shape_cast %broadcast_in_dim3A_1402 : vector<16x1xi32> to vector<16xi32>
        %gather3A_1404 = tpu.dynamic_gather %gather3A_1251[%gather3A_1403] in [0] : vector<16xf32>, vector<16xi32> -> vector<16xf32>
        %pack3A_1405 = tpu.pack_subelements %gather3A_1404, %gather3A_1404 {pack_format = #tpu.pack_format<interleaved>, positions = array<i32: 0, 1>} : vector<16xf32>, vector<16xf32> -> vector<32xbf16>
        %add3A_1406 = arith.constant 512 : i32
        %add3A_1407 = arith.addi %add3A_1406, %add3A_1249 : i32
        %get3A_1408 = arith.index_cast %add3A_1407 : i32 to index
        %get3A_1409 = arith.constant 0 : index
        %get3A_1410 = tpu.vector_load %arg12[%get3A_1408, %get3A_1409] {strides = array<i32>} : memref<1024x64xbf16, #tpu.memory_space<vmem>>, vector<32xbf16>,
        %mul3A_1411 = arith.mulf %get3A_1410, %pack3A_1405 : vector<32xbf16>
        %add3A_1412 = arith.constant 512 : i32
        %add3A_1413 = arith.addi %add3A_1412, %add3A_1249 : i32
        %get3A_1414 = arith.index_cast %add3A_1413 : i32 to index
        %get3A_1415 = arith.constant 32 : index
        %get3A_1416 = tpu.vector_load %arg12[%get3A_1414, %get3A_1415] {strides = array<i32>} : memref<1024x64xbf16, #tpu.memory_space<vmem>>, vector<32xbf16>,
        %mul3A_1417 = arith.mulf %get3A_1416, %pack3A_1405 : vector<32xbf16>
        %broadcast_in_dim3A_1418 = arith.constant 9 : i32
        %broadcast_in_dim3A_1419 = vector.broadcast %broadcast_in_dim3A_1418 : i32 to vector<16x1xi32>
        %gather3A_1420 = vector.shape_cast %broadcast_in_dim3A_1419 : vector<16x1xi32> to vector<16xi32>
        %gather3A_1421 = tpu.dynamic_gather %gather3A_1251[%gather3A_1420] in [0] : vector<16xf32>, vector<16xi32> -> vector<16xf32>
        %pack3A_1422 = tpu.pack_subelements %gather3A_1421, %gather3A_1421 {pack_format = #tpu.pack_format<interleaved>, positions = array<i32: 0, 1>} : vector<16xf32>, vector<16xf32> -> vector<32xbf16>
        %add3A_1423 = arith.constant 576 : i32
        %add3A_1424 = arith.addi %add3A_1423, %add3A_1249 : i32
        %get3A_1425 = arith.index_cast %add3A_1424 : i32 to index
        %get3A_1426 = arith.constant 0 : index
        %get3A_1427 = tpu.vector_load %arg12[%get3A_1425, %get3A_1426] {strides = array<i32>} : memref<1024x64xbf16, #tpu.memory_space<vmem>>, vector<32xbf16>,
        %mul3A_1428 = arith.mulf %get3A_1427, %pack3A_1422 : vector<32xbf16>
        %add3A_1429 = arith.addf %mul3A_1411, %mul3A_1428 : vector<32xbf16>
        %add3A_1430 = arith.constant 576 : i32
        %add3A_1431 = arith.addi %add3A_1430, %add3A_1249 : i32
        %get3A_1432 = arith.index_cast %add3A_1431 : i32 to index
        %get3A_1433 = arith.constant 32 : index
        %get3A_1434 = tpu.vector_load %arg12[%get3A_1432, %get3A_1433] {strides = array<i32>} : memref<1024x64xbf16, #tpu.memory_space<vmem>>, vector<32xbf16>,
        %mul3A_1435 = arith.mulf %get3A_1434, %pack3A_1422 : vector<32xbf16>
        %add3A_1436 = arith.addf %mul3A_1417, %mul3A_1435 : vector<32xbf16>
        %broadcast_in_dim3A_1437 = arith.constant 10 : i32
        %broadcast_in_dim3A_1438 = vector.broadcast %broadcast_in_dim3A_1437 : i32 to vector<16x1xi32>
        %gather3A_1439 = vector.shape_cast %broadcast_in_dim3A_1438 : vector<16x1xi32> to vector<16xi32>
        %gather3A_1440 = tpu.dynamic_gather %gather3A_1251[%gather3A_1439] in [0] : vector<16xf32>, vector<16xi32> -> vector<16xf32>
        %pack3A_1441 = tpu.pack_subelements %gather3A_1440, %gather3A_1440 {pack_format = #tpu.pack_format<interleaved>, positions = array<i32: 0, 1>} : vector<16xf32>, vector<16xf32> -> vector<32xbf16>
        %add3A_1442 = arith.constant 640 : i32
        %add3A_1443 = arith.addi %add3A_1442, %add3A_1249 : i32
        %get3A_1444 = arith.index_cast %add3A_1443 : i32 to index
        %get3A_1445 = arith.constant 0 : index
        %get3A_1446 = tpu.vector_load %arg12[%get3A_1444, %get3A_1445] {strides = array<i32>} : memref<1024x64xbf16, #tpu.memory_space<vmem>>, vector<32xbf16>,
        %mul3A_1447 = arith.mulf %get3A_1446, %pack3A_1441 : vector<32xbf16>
        %add3A_1448 = arith.addf %add3A_1429, %mul3A_1447 : vector<32xbf16>
        %add3A_1449 = arith.constant 640 : i32
        %add3A_1450 = arith.addi %add3A_1449, %add3A_1249 : i32
        %get3A_1451 = arith.index_cast %add3A_1450 : i32 to index
        %get3A_1452 = arith.constant 32 : index
        %get3A_1453 = tpu.vector_load %arg12[%get3A_1451, %get3A_1452] {strides = array<i32>} : memref<1024x64xbf16, #tpu.memory_space<vmem>>, vector<32xbf16>,
        %mul3A_1454 = arith.mulf %get3A_1453, %pack3A_1441 : vector<32xbf16>
        %add3A_1455 = arith.addf %add3A_1436, %mul3A_1454 : vector<32xbf16>
        %broadcast_in_dim3A_1456 = arith.constant 11 : i32
        %broadcast_in_dim3A_1457 = vector.broadcast %broadcast_in_dim3A_1456 : i32 to vector<16x1xi32>
        %gather3A_1458 = vector.shape_cast %broadcast_in_dim3A_1457 : vector<16x1xi32> to vector<16xi32>
        %gather3A_1459 = tpu.dynamic_gather %gather3A_1251[%gather3A_1458] in [0] : vector<16xf32>, vector<16xi32> -> vector<16xf32>
        %pack3A_1460 = tpu.pack_subelements %gather3A_1459, %gather3A_1459 {pack_format = #tpu.pack_format<interleaved>, positions = array<i32: 0, 1>} : vector<16xf32>, vector<16xf32> -> vector<32xbf16>
        %add3A_1461 = arith.constant 704 : i32
        %add3A_1462 = arith.addi %add3A_1461, %add3A_1249 : i32
        %get3A_1463 = arith.index_cast %add3A_1462 : i32 to index
        %get3A_1464 = arith.constant 0 : index
        %get3A_1465 = tpu.vector_load %arg12[%get3A_1463, %get3A_1464] {strides = array<i32>} : memref<1024x64xbf16, #tpu.memory_space<vmem>>, vector<32xbf16>,
        %mul3A_1466 = arith.mulf %get3A_1465, %pack3A_1460 : vector<32xbf16>
        %add3A_1467 = arith.addf %add3A_1448, %mul3A_1466 : vector<32xbf16>
        %add3A_1468 = arith.constant 704 : i32
        %add3A_1469 = arith.addi %add3A_1468, %add3A_1249 : i32
        %get3A_1470 = arith.index_cast %add3A_1469 : i32 to index
        %get3A_1471 = arith.constant 32 : index
        %get3A_1472 = tpu.vector_load %arg12[%get3A_1470, %get3A_1471] {strides = array<i32>} : memref<1024x64xbf16, #tpu.memory_space<vmem>>, vector<32xbf16>,
        %mul3A_1473 = arith.mulf %get3A_1472, %pack3A_1460 : vector<32xbf16>
        %add3A_1474 = arith.addf %add3A_1455, %mul3A_1473 : vector<32xbf16>
        %broadcast_in_dim3A_1475 = arith.constant 12 : i32
        %broadcast_in_dim3A_1476 = vector.broadcast %broadcast_in_dim3A_1475 : i32 to vector<16x1xi32>
        %gather3A_1477 = vector.shape_cast %broadcast_in_dim3A_1476 : vector<16x1xi32> to vector<16xi32>
        %gather3A_1478 = tpu.dynamic_gather %gather3A_1251[%gather3A_1477] in [0] : vector<16xf32>, vector<16xi32> -> vector<16xf32>
        %pack3A_1479 = tpu.pack_subelements %gather3A_1478, %gather3A_1478 {pack_format = #tpu.pack_format<interleaved>, positions = array<i32: 0, 1>} : vector<16xf32>, vector<16xf32> -> vector<32xbf16>
        %add3A_1480 = arith.constant 768 : i32
        %add3A_1481 = arith.addi %add3A_1480, %add3A_1249 : i32
        %get3A_1482 = arith.index_cast %add3A_1481 : i32 to index
        %get3A_1483 = arith.constant 0 : index
        %get3A_1484 = tpu.vector_load %arg12[%get3A_1482, %get3A_1483] {strides = array<i32>} : memref<1024x64xbf16, #tpu.memory_space<vmem>>, vector<32xbf16>,
        %mul3A_1485 = arith.mulf %get3A_1484, %pack3A_1479 : vector<32xbf16>
        %add3A_1486 = arith.constant 768 : i32
        %add3A_1487 = arith.addi %add3A_1486, %add3A_1249 : i32
        %get3A_1488 = arith.index_cast %add3A_1487 : i32 to index
        %get3A_1489 = arith.constant 32 : index
        %get3A_1490 = tpu.vector_load %arg12[%get3A_1488, %get3A_1489] {strides = array<i32>} : memref<1024x64xbf16, #tpu.memory_space<vmem>>, vector<32xbf16>,
        %mul3A_1491 = arith.mulf %get3A_1490, %pack3A_1479 : vector<32xbf16>
        %broadcast_in_dim3A_1492 = arith.constant 13 : i32
        %broadcast_in_dim3A_1493 = vector.broadcast %broadcast_in_dim3A_1492 : i32 to vector<16x1xi32>
        %gather3A_1494 = vector.shape_cast %broadcast_in_dim3A_1493 : vector<16x1xi32> to vector<16xi32>
        %gather3A_1495 = tpu.dynamic_gather %gather3A_1251[%gather3A_1494] in [0] : vector<16xf32>, vector<16xi32> -> vector<16xf32>
        %pack3A_1496 = tpu.pack_subelements %gather3A_1495, %gather3A_1495 {pack_format = #tpu.pack_format<interleaved>, positions = array<i32: 0, 1>} : vector<16xf32>, vector<16xf32> -> vector<32xbf16>
        %add3A_1497 = arith.constant 832 : i32
        %add3A_1498 = arith.addi %add3A_1497, %add3A_1249 : i32
        %get3A_1499 = arith.index_cast %add3A_1498 : i32 to index
        %get3A_1500 = arith.constant 0 : index
        %get3A_1501 = tpu.vector_load %arg12[%get3A_1499, %get3A_1500] {strides = array<i32>} : memref<1024x64xbf16, #tpu.memory_space<vmem>>, vector<32xbf16>,
        %mul3A_1502 = arith.mulf %get3A_1501, %pack3A_1496 : vector<32xbf16>
        %add3A_1503 = arith.addf %mul3A_1485, %mul3A_1502 : vector<32xbf16>
        %add3A_1504 = arith.constant 832 : i32
        %add3A_1505 = arith.addi %add3A_1504, %add3A_1249 : i32
        %get3A_1506 = arith.index_cast %add3A_1505 : i32 to index
        %get3A_1507 = arith.constant 32 : index
        %get3A_1508 = tpu.vector_load %arg12[%get3A_1506, %get3A_1507] {strides = array<i32>} : memref<1024x64xbf16, #tpu.memory_space<vmem>>, vector<32xbf16>,
        %mul3A_1509 = arith.mulf %get3A_1508, %pack3A_1496 : vector<32xbf16>
        %add3A_1510 = arith.addf %mul3A_1491, %mul3A_1509 : vector<32xbf16>
        %broadcast_in_dim3A_1511 = arith.constant 14 : i32
        %broadcast_in_dim3A_1512 = vector.broadcast %broadcast_in_dim3A_1511 : i32 to vector<16x1xi32>
        %gather3A_1513 = vector.shape_cast %broadcast_in_dim3A_1512 : vector<16x1xi32> to vector<16xi32>
        %gather3A_1514 = tpu.dynamic_gather %gather3A_1251[%gather3A_1513] in [0] : vector<16xf32>, vector<16xi32> -> vector<16xf32>
        %pack3A_1515 = tpu.pack_subelements %gather3A_1514, %gather3A_1514 {pack_format = #tpu.pack_format<interleaved>, positions = array<i32: 0, 1>} : vector<16xf32>, vector<16xf32> -> vector<32xbf16>
        %add3A_1516 = arith.constant 896 : i32
        %add3A_1517 = arith.addi %add3A_1516, %add3A_1249 : i32
        %get3A_1518 = arith.index_cast %add3A_1517 : i32 to index
        %get3A_1519 = arith.constant 0 : index
        %get3A_1520 = tpu.vector_load %arg12[%get3A_1518, %get3A_1519] {strides = array<i32>} : memref<1024x64xbf16, #tpu.memory_space<vmem>>, vector<32xbf16>,
        %mul3A_1521 = arith.mulf %get3A_1520, %pack3A_1515 : vector<32xbf16>
        %add3A_1522 = arith.addf %add3A_1503, %mul3A_1521 : vector<32xbf16>
        %add3A_1523 = arith.constant 896 : i32
        %add3A_1524 = arith.addi %add3A_1523, %add3A_1249 : i32
        %get3A_1525 = arith.index_cast %add3A_1524 : i32 to index
        %get3A_1526 = arith.constant 32 : index
        %get3A_1527 = tpu.vector_load %arg12[%get3A_1525, %get3A_1526] {strides = array<i32>} : memref<1024x64xbf16, #tpu.memory_space<vmem>>, vector<32xbf16>,
        %mul3A_1528 = arith.mulf %get3A_1527, %pack3A_1515 : vector<32xbf16>
        %add3A_1529 = arith.addf %add3A_1510, %mul3A_1528 : vector<32xbf16>
        %broadcast_in_dim3A_1530 = arith.constant 15 : i32
        %broadcast_in_dim3A_1531 = vector.broadcast %broadcast_in_dim3A_1530 : i32 to vector<16x1xi32>
        %gather3A_1532 = vector.shape_cast %broadcast_in_dim3A_1531 : vector<16x1xi32> to vector<16xi32>
        %gather3A_1533 = tpu.dynamic_gather %gather3A_1251[%gather3A_1532] in [0] : vector<16xf32>, vector<16xi32> -> vector<16xf32>
        %pack3A_1534 = tpu.pack_subelements %gather3A_1533, %gather3A_1533 {pack_format = #tpu.pack_format<interleaved>, positions = array<i32: 0, 1>} : vector<16xf32>, vector<16xf32> -> vector<32xbf16>
        %add3A_1535 = arith.constant 960 : i32
        %add3A_1536 = arith.addi %add3A_1535, %add3A_1249 : i32
        %get3A_1537 = arith.index_cast %add3A_1536 : i32 to index
        %get3A_1538 = arith.constant 0 : index
        %get3A_1539 = tpu.vector_load %arg12[%get3A_1537, %get3A_1538] {strides = array<i32>} : memref<1024x64xbf16, #tpu.memory_space<vmem>>, vector<32xbf16>,
        %mul3A_1540 = arith.mulf %get3A_1539, %pack3A_1534 : vector<32xbf16>
        %add3A_1541 = arith.addf %add3A_1522, %mul3A_1540 : vector<32xbf16>
        %add3A_1542 = arith.constant 960 : i32
        %add3A_1543 = arith.addi %add3A_1542, %add3A_1249 : i32
        %get3A_1544 = arith.index_cast %add3A_1543 : i32 to index
        %get3A_1545 = arith.constant 32 : index
        %get3A_1546 = tpu.vector_load %arg12[%get3A_1544, %get3A_1545] {strides = array<i32>} : memref<1024x64xbf16, #tpu.memory_space<vmem>>, vector<32xbf16>,
        %mul3A_1547 = arith.mulf %get3A_1546, %pack3A_1534 : vector<32xbf16>
        %add3A_1548 = arith.addf %add3A_1529, %mul3A_1547 : vector<32xbf16>
        %add3A_1549 = arith.addf %add3A_1319, %add3A_1393 : vector<32xbf16>
        %add3A_1550 = arith.addf %add3A_1467, %add3A_1541 : vector<32xbf16>
        %add3A_1551 = arith.addf %add3A_1549, %add3A_1550 : vector<32xbf16>
        %unpack3A_1552 = tpu.unpack_subelements %add3A_1551, 0 {pack_format = #tpu.pack_format<interleaved>} : vector<32xbf16> -> vector<16xf32>
        %unpack3A_1553 = tpu.unpack_subelements %add3A_1551, 1 {pack_format = #tpu.pack_format<interleaved>} : vector<32xbf16> -> vector<16xf32>
        tpu.vector_store_idx %arg14[%add3A_472, %broadcast_in_dim3A_1252], %unpack3A_1552 : memref<64x64xf32, #tpu.memory_space<vmem>>[vector<16xi32>, vector<16xi32>], vector<16xf32>,
        tpu.vector_store_idx %arg14[%add3A_489, %broadcast_in_dim3A_1252], %unpack3A_1553 : memref<64x64xf32, #tpu.memory_space<vmem>>[vector<16xi32>, vector<16xi32>], vector<16xf32>,
        %add3A_1554 = arith.addf %add3A_1326, %add3A_1400 : vector<32xbf16>
        %add3A_1555 = arith.addf %add3A_1474, %add3A_1548 : vector<32xbf16>
        %add3A_1556 = arith.addf %add3A_1554, %add3A_1555 : vector<32xbf16>
        %unpack3A_1557 = tpu.unpack_subelements %add3A_1556, 0 {pack_format = #tpu.pack_format<interleaved>} : vector<32xbf16> -> vector<16xf32>
        %unpack3A_1558 = tpu.unpack_subelements %add3A_1556, 1 {pack_format = #tpu.pack_format<interleaved>} : vector<32xbf16> -> vector<16xf32>
        tpu.vector_store_idx %arg14[%add3A_479, %broadcast_in_dim3A_1252], %unpack3A_1557 : memref<64x64xf32, #tpu.memory_space<vmem>>[vector<16xi32>, vector<16xi32>], vector<16xf32>,
        tpu.vector_store_idx %arg14[%add3A_499, %broadcast_in_dim3A_1252], %unpack3A_1558 : memref<64x64xf32, #tpu.memory_space<vmem>>[vector<16xi32>, vector<16xi32>], vector<16xf32>,
        %mul3A_1559 = arith.constant 4 : i32
        %mul3A_1560 = arith.muli %scan3A_623, %mul3A_1559 : i32
        %add3A_1561 = arith.constant 3 : i32
        %add3A_1562 = arith.addi %mul3A_1560, %add3A_1561 : i32
        %broadcast_in_dim3A_1563 = vector.broadcast %add3A_1562 : i32 to vector<16xi32>
        %gather3A_1564 = tpu.vector_load_idx %arg10[%iota3A, %broadcast_in_dim3A_1563] : memref<16x64xf32, #tpu.memory_space<vmem>>[vector<16xi32>, vector<16xi32>], vector<16xf32>,
        %broadcast_in_dim3A_1565 = vector.broadcast %add3A_1562 : i32 to vector<16xi32>
        %broadcast_in_dim3A_1566 = arith.constant 0 : i32
        %broadcast_in_dim3A_1567 = vector.broadcast %broadcast_in_dim3A_1566 : i32 to vector<16x1xi32>
        %gather3A_1568 = vector.shape_cast %broadcast_in_dim3A_1567 : vector<16x1xi32> to vector<16xi32>
        %gather3A_1569 = tpu.dynamic_gather %gather3A_1564[%gather3A_1568] in [0] : vector<16xf32>, vector<16xi32> -> vector<16xf32>
        %pack3A_1570 = tpu.pack_subelements %gather3A_1569, %gather3A_1569 {pack_format = #tpu.pack_format<interleaved>, positions = array<i32: 0, 1>} : vector<16xf32>, vector<16xf32> -> vector<32xbf16>
        %add3A_1571 = arith.constant 0 : i32
        %add3A_1572 = arith.addi %add3A_1571, %add3A_1562 : i32
        %get3A_1573 = arith.index_cast %add3A_1572 : i32 to index
        %get3A_1574 = arith.constant 0 : index
        %get3A_1575 = tpu.vector_load %arg12[%get3A_1573, %get3A_1574] {strides = array<i32>} : memref<1024x64xbf16, #tpu.memory_space<vmem>>, vector<32xbf16>,
        %mul3A_1576 = arith.mulf %get3A_1575, %pack3A_1570 : vector<32xbf16>
        %add3A_1577 = arith.constant 0 : i32
        %add3A_1578 = arith.addi %add3A_1577, %add3A_1562 : i32
        %get3A_1579 = arith.index_cast %add3A_1578 : i32 to index
        %get3A_1580 = arith.constant 32 : index
        %get3A_1581 = tpu.vector_load %arg12[%get3A_1579, %get3A_1580] {strides = array<i32>} : memref<1024x64xbf16, #tpu.memory_space<vmem>>, vector<32xbf16>,
        %mul3A_1582 = arith.mulf %get3A_1581, %pack3A_1570 : vector<32xbf16>
        %broadcast_in_dim3A_1583 = arith.constant 1 : i32
        %broadcast_in_dim3A_1584 = vector.broadcast %broadcast_in_dim3A_1583 : i32 to vector<16x1xi32>
        %gather3A_1585 = vector.shape_cast %broadcast_in_dim3A_1584 : vector<16x1xi32> to vector<16xi32>
        %gather3A_1586 = tpu.dynamic_gather %gather3A_1564[%gather3A_1585] in [0] : vector<16xf32>, vector<16xi32> -> vector<16xf32>
        %pack3A_1587 = tpu.pack_subelements %gather3A_1586, %gather3A_1586 {pack_format = #tpu.pack_format<interleaved>, positions = array<i32: 0, 1>} : vector<16xf32>, vector<16xf32> -> vector<32xbf16>
        %add3A_1588 = arith.constant 64 : i32
        %add3A_1589 = arith.addi %add3A_1588, %add3A_1562 : i32
        %get3A_1590 = arith.index_cast %add3A_1589 : i32 to index
        %get3A_1591 = arith.constant 0 : index
        %get3A_1592 = tpu.vector_load %arg12[%get3A_1590, %get3A_1591] {strides = array<i32>} : memref<1024x64xbf16, #tpu.memory_space<vmem>>, vector<32xbf16>,
        %mul3A_1593 = arith.mulf %get3A_1592, %pack3A_1587 : vector<32xbf16>
        %add3A_1594 = arith.addf %mul3A_1576, %mul3A_1593 : vector<32xbf16>
        %add3A_1595 = arith.constant 64 : i32
        %add3A_1596 = arith.addi %add3A_1595, %add3A_1562 : i32
        %get3A_1597 = arith.index_cast %add3A_1596 : i32 to index
        %get3A_1598 = arith.constant 32 : index
        %get3A_1599 = tpu.vector_load %arg12[%get3A_1597, %get3A_1598] {strides = array<i32>} : memref<1024x64xbf16, #tpu.memory_space<vmem>>, vector<32xbf16>,
        %mul3A_1600 = arith.mulf %get3A_1599, %pack3A_1587 : vector<32xbf16>
        %add3A_1601 = arith.addf %mul3A_1582, %mul3A_1600 : vector<32xbf16>
        %broadcast_in_dim3A_1602 = arith.constant 2 : i32
        %broadcast_in_dim3A_1603 = vector.broadcast %broadcast_in_dim3A_1602 : i32 to vector<16x1xi32>
        %gather3A_1604 = vector.shape_cast %broadcast_in_dim3A_1603 : vector<16x1xi32> to vector<16xi32>
        %gather3A_1605 = tpu.dynamic_gather %gather3A_1564[%gather3A_1604] in [0] : vector<16xf32>, vector<16xi32> -> vector<16xf32>
        %pack3A_1606 = tpu.pack_subelements %gather3A_1605, %gather3A_1605 {pack_format = #tpu.pack_format<interleaved>, positions = array<i32: 0, 1>} : vector<16xf32>, vector<16xf32> -> vector<32xbf16>
        %add3A_1607 = arith.constant 128 : i32
        %add3A_1608 = arith.addi %add3A_1607, %add3A_1562 : i32
        %get3A_1609 = arith.index_cast %add3A_1608 : i32 to index
        %get3A_1610 = arith.constant 0 : index
        %get3A_1611 = tpu.vector_load %arg12[%get3A_1609, %get3A_1610] {strides = array<i32>} : memref<1024x64xbf16, #tpu.memory_space<vmem>>, vector<32xbf16>,
        %mul3A_1612 = arith.mulf %get3A_1611, %pack3A_1606 : vector<32xbf16>
        %add3A_1613 = arith.addf %add3A_1594, %mul3A_1612 : vector<32xbf16>
        %add3A_1614 = arith.constant 128 : i32
        %add3A_1615 = arith.addi %add3A_1614, %add3A_1562 : i32
        %get3A_1616 = arith.index_cast %add3A_1615 : i32 to index
        %get3A_1617 = arith.constant 32 : index
        %get3A_1618 = tpu.vector_load %arg12[%get3A_1616, %get3A_1617] {strides = array<i32>} : memref<1024x64xbf16, #tpu.memory_space<vmem>>, vector<32xbf16>,
        %mul3A_1619 = arith.mulf %get3A_1618, %pack3A_1606 : vector<32xbf16>
        %add3A_1620 = arith.addf %add3A_1601, %mul3A_1619 : vector<32xbf16>
        %broadcast_in_dim3A_1621 = arith.constant 3 : i32
        %broadcast_in_dim3A_1622 = vector.broadcast %broadcast_in_dim3A_1621 : i32 to vector<16x1xi32>
        %gather3A_1623 = vector.shape_cast %broadcast_in_dim3A_1622 : vector<16x1xi32> to vector<16xi32>
        %gather3A_1624 = tpu.dynamic_gather %gather3A_1564[%gather3A_1623] in [0] : vector<16xf32>, vector<16xi32> -> vector<16xf32>
        %pack3A_1625 = tpu.pack_subelements %gather3A_1624, %gather3A_1624 {pack_format = #tpu.pack_format<interleaved>, positions = array<i32: 0, 1>} : vector<16xf32>, vector<16xf32> -> vector<32xbf16>
        %add3A_1626 = arith.constant 192 : i32
        %add3A_1627 = arith.addi %add3A_1626, %add3A_1562 : i32
        %get3A_1628 = arith.index_cast %add3A_1627 : i32 to index
        %get3A_1629 = arith.constant 0 : index
        %get3A_1630 = tpu.vector_load %arg12[%get3A_1628, %get3A_1629] {strides = array<i32>} : memref<1024x64xbf16, #tpu.memory_space<vmem>>, vector<32xbf16>,
        %mul3A_1631 = arith.mulf %get3A_1630, %pack3A_1625 : vector<32xbf16>
        %add3A_1632 = arith.addf %add3A_1613, %mul3A_1631 : vector<32xbf16>
        %add3A_1633 = arith.constant 192 : i32
        %add3A_1634 = arith.addi %add3A_1633, %add3A_1562 : i32
        %get3A_1635 = arith.index_cast %add3A_1634 : i32 to index
        %get3A_1636 = arith.constant 32 : index
        %get3A_1637 = tpu.vector_load %arg12[%get3A_1635, %get3A_1636] {strides = array<i32>} : memref<1024x64xbf16, #tpu.memory_space<vmem>>, vector<32xbf16>,
        %mul3A_1638 = arith.mulf %get3A_1637, %pack3A_1625 : vector<32xbf16>
        %add3A_1639 = arith.addf %add3A_1620, %mul3A_1638 : vector<32xbf16>
        %broadcast_in_dim3A_1640 = arith.constant 4 : i32
        %broadcast_in_dim3A_1641 = vector.broadcast %broadcast_in_dim3A_1640 : i32 to vector<16x1xi32>
        %gather3A_1642 = vector.shape_cast %broadcast_in_dim3A_1641 : vector<16x1xi32> to vector<16xi32>
        %gather3A_1643 = tpu.dynamic_gather %gather3A_1564[%gather3A_1642] in [0] : vector<16xf32>, vector<16xi32> -> vector<16xf32>
        %pack3A_1644 = tpu.pack_subelements %gather3A_1643, %gather3A_1643 {pack_format = #tpu.pack_format<interleaved>, positions = array<i32: 0, 1>} : vector<16xf32>, vector<16xf32> -> vector<32xbf16>
        %add3A_1645 = arith.constant 256 : i32
        %add3A_1646 = arith.addi %add3A_1645, %add3A_1562 : i32
        %get3A_1647 = arith.index_cast %add3A_1646 : i32 to index
        %get3A_1648 = arith.constant 0 : index
        %get3A_1649 = tpu.vector_load %arg12[%get3A_1647, %get3A_1648] {strides = array<i32>} : memref<1024x64xbf16, #tpu.memory_space<vmem>>, vector<32xbf16>,
        %mul3A_1650 = arith.mulf %get3A_1649, %pack3A_1644 : vector<32xbf16>
        %add3A_1651 = arith.constant 256 : i32
        %add3A_1652 = arith.addi %add3A_1651, %add3A_1562 : i32
        %get3A_1653 = arith.index_cast %add3A_1652 : i32 to index
        %get3A_1654 = arith.constant 32 : index
        %get3A_1655 = tpu.vector_load %arg12[%get3A_1653, %get3A_1654] {strides = array<i32>} : memref<1024x64xbf16, #tpu.memory_space<vmem>>, vector<32xbf16>,
        %mul3A_1656 = arith.mulf %get3A_1655, %pack3A_1644 : vector<32xbf16>
        %broadcast_in_dim3A_1657 = arith.constant 5 : i32
        %broadcast_in_dim3A_1658 = vector.broadcast %broadcast_in_dim3A_1657 : i32 to vector<16x1xi32>
        %gather3A_1659 = vector.shape_cast %broadcast_in_dim3A_1658 : vector<16x1xi32> to vector<16xi32>
        %gather3A_1660 = tpu.dynamic_gather %gather3A_1564[%gather3A_1659] in [0] : vector<16xf32>, vector<16xi32> -> vector<16xf32>
        %pack3A_1661 = tpu.pack_subelements %gather3A_1660, %gather3A_1660 {pack_format = #tpu.pack_format<interleaved>, positions = array<i32: 0, 1>} : vector<16xf32>, vector<16xf32> -> vector<32xbf16>
        %add3A_1662 = arith.constant 320 : i32
        %add3A_1663 = arith.addi %add3A_1662, %add3A_1562 : i32
        %get3A_1664 = arith.index_cast %add3A_1663 : i32 to index
        %get3A_1665 = arith.constant 0 : index
        %get3A_1666 = tpu.vector_load %arg12[%get3A_1664, %get3A_1665] {strides = array<i32>} : memref<1024x64xbf16, #tpu.memory_space<vmem>>, vector<32xbf16>,
        %mul3A_1667 = arith.mulf %get3A_1666, %pack3A_1661 : vector<32xbf16>
        %add3A_1668 = arith.addf %mul3A_1650, %mul3A_1667 : vector<32xbf16>
        %add3A_1669 = arith.constant 320 : i32
        %add3A_1670 = arith.addi %add3A_1669, %add3A_1562 : i32
        %get3A_1671 = arith.index_cast %add3A_1670 : i32 to index
        %get3A_1672 = arith.constant 32 : index
        %get3A_1673 = tpu.vector_load %arg12[%get3A_1671, %get3A_1672] {strides = array<i32>} : memref<1024x64xbf16, #tpu.memory_space<vmem>>, vector<32xbf16>,
        %mul3A_1674 = arith.mulf %get3A_1673, %pack3A_1661 : vector<32xbf16>
        %add3A_1675 = arith.addf %mul3A_1656, %mul3A_1674 : vector<32xbf16>
        %broadcast_in_dim3A_1676 = arith.constant 6 : i32
        %broadcast_in_dim3A_1677 = vector.broadcast %broadcast_in_dim3A_1676 : i32 to vector<16x1xi32>
        %gather3A_1678 = vector.shape_cast %broadcast_in_dim3A_1677 : vector<16x1xi32> to vector<16xi32>
        %gather3A_1679 = tpu.dynamic_gather %gather3A_1564[%gather3A_1678] in [0] : vector<16xf32>, vector<16xi32> -> vector<16xf32>
        %pack3A_1680 = tpu.pack_subelements %gather3A_1679, %gather3A_1679 {pack_format = #tpu.pack_format<interleaved>, positions = array<i32: 0, 1>} : vector<16xf32>, vector<16xf32> -> vector<32xbf16>
        %add3A_1681 = arith.constant 384 : i32
        %add3A_1682 = arith.addi %add3A_1681, %add3A_1562 : i32
        %get3A_1683 = arith.index_cast %add3A_1682 : i32 to index
        %get3A_1684 = arith.constant 0 : index
        %get3A_1685 = tpu.vector_load %arg12[%get3A_1683, %get3A_1684] {strides = array<i32>} : memref<1024x64xbf16, #tpu.memory_space<vmem>>, vector<32xbf16>,
        %mul3A_1686 = arith.mulf %get3A_1685, %pack3A_1680 : vector<32xbf16>
        %add3A_1687 = arith.addf %add3A_1668, %mul3A_1686 : vector<32xbf16>
        %add3A_1688 = arith.constant 384 : i32
        %add3A_1689 = arith.addi %add3A_1688, %add3A_1562 : i32
        %get3A_1690 = arith.index_cast %add3A_1689 : i32 to index
        %get3A_1691 = arith.constant 32 : index
        %get3A_1692 = tpu.vector_load %arg12[%get3A_1690, %get3A_1691] {strides = array<i32>} : memref<1024x64xbf16, #tpu.memory_space<vmem>>, vector<32xbf16>,
        %mul3A_1693 = arith.mulf %get3A_1692, %pack3A_1680 : vector<32xbf16>
        %add3A_1694 = arith.addf %add3A_1675, %mul3A_1693 : vector<32xbf16>
        %broadcast_in_dim3A_1695 = arith.constant 7 : i32
        %broadcast_in_dim3A_1696 = vector.broadcast %broadcast_in_dim3A_1695 : i32 to vector<16x1xi32>
        %gather3A_1697 = vector.shape_cast %broadcast_in_dim3A_1696 : vector<16x1xi32> to vector<16xi32>
        %gather3A_1698 = tpu.dynamic_gather %gather3A_1564[%gather3A_1697] in [0] : vector<16xf32>, vector<16xi32> -> vector<16xf32>
        %pack3A_1699 = tpu.pack_subelements %gather3A_1698, %gather3A_1698 {pack_format = #tpu.pack_format<interleaved>, positions = array<i32: 0, 1>} : vector<16xf32>, vector<16xf32> -> vector<32xbf16>
        %add3A_1700 = arith.constant 448 : i32
        %add3A_1701 = arith.addi %add3A_1700, %add3A_1562 : i32
        %get3A_1702 = arith.index_cast %add3A_1701 : i32 to index
        %get3A_1703 = arith.constant 0 : index
        %get3A_1704 = tpu.vector_load %arg12[%get3A_1702, %get3A_1703] {strides = array<i32>} : memref<1024x64xbf16, #tpu.memory_space<vmem>>, vector<32xbf16>,
        %mul3A_1705 = arith.mulf %get3A_1704, %pack3A_1699 : vector<32xbf16>
        %add3A_1706 = arith.addf %add3A_1687, %mul3A_1705 : vector<32xbf16>
        %add3A_1707 = arith.constant 448 : i32
        %add3A_1708 = arith.addi %add3A_1707, %add3A_1562 : i32
        %get3A_1709 = arith.index_cast %add3A_1708 : i32 to index
        %get3A_1710 = arith.constant 32 : index
        %get3A_1711 = tpu.vector_load %arg12[%get3A_1709, %get3A_1710] {strides = array<i32>} : memref<1024x64xbf16, #tpu.memory_space<vmem>>, vector<32xbf16>,
        %mul3A_1712 = arith.mulf %get3A_1711, %pack3A_1699 : vector<32xbf16>
        %add3A_1713 = arith.addf %add3A_1694, %mul3A_1712 : vector<32xbf16>
        %broadcast_in_dim3A_1714 = arith.constant 8 : i32
        %broadcast_in_dim3A_1715 = vector.broadcast %broadcast_in_dim3A_1714 : i32 to vector<16x1xi32>
        %gather3A_1716 = vector.shape_cast %broadcast_in_dim3A_1715 : vector<16x1xi32> to vector<16xi32>
        %gather3A_1717 = tpu.dynamic_gather %gather3A_1564[%gather3A_1716] in [0] : vector<16xf32>, vector<16xi32> -> vector<16xf32>
        %pack3A_1718 = tpu.pack_subelements %gather3A_1717, %gather3A_1717 {pack_format = #tpu.pack_format<interleaved>, positions = array<i32: 0, 1>} : vector<16xf32>, vector<16xf32> -> vector<32xbf16>
        %add3A_1719 = arith.constant 512 : i32
        %add3A_1720 = arith.addi %add3A_1719, %add3A_1562 : i32
        %get3A_1721 = arith.index_cast %add3A_1720 : i32 to index
        %get3A_1722 = arith.constant 0 : index
        %get3A_1723 = tpu.vector_load %arg12[%get3A_1721, %get3A_1722] {strides = array<i32>} : memref<1024x64xbf16, #tpu.memory_space<vmem>>, vector<32xbf16>,
        %mul3A_1724 = arith.mulf %get3A_1723, %pack3A_1718 : vector<32xbf16>
        %add3A_1725 = arith.constant 512 : i32
        %add3A_1726 = arith.addi %add3A_1725, %add3A_1562 : i32
        %get3A_1727 = arith.index_cast %add3A_1726 : i32 to index
        %get3A_1728 = arith.constant 32 : index
        %get3A_1729 = tpu.vector_load %arg12[%get3A_1727, %get3A_1728] {strides = array<i32>} : memref<1024x64xbf16, #tpu.memory_space<vmem>>, vector<32xbf16>,
        %mul3A_1730 = arith.mulf %get3A_1729, %pack3A_1718 : vector<32xbf16>
        %broadcast_in_dim3A_1731 = arith.constant 9 : i32
        %broadcast_in_dim3A_1732 = vector.broadcast %broadcast_in_dim3A_1731 : i32 to vector<16x1xi32>
        %gather3A_1733 = vector.shape_cast %broadcast_in_dim3A_1732 : vector<16x1xi32> to vector<16xi32>
        %gather3A_1734 = tpu.dynamic_gather %gather3A_1564[%gather3A_1733] in [0] : vector<16xf32>, vector<16xi32> -> vector<16xf32>
        %pack3A_1735 = tpu.pack_subelements %gather3A_1734, %gather3A_1734 {pack_format = #tpu.pack_format<interleaved>, positions = array<i32: 0, 1>} : vector<16xf32>, vector<16xf32> -> vector<32xbf16>
        %add3A_1736 = arith.constant 576 : i32
        %add3A_1737 = arith.addi %add3A_1736, %add3A_1562 : i32
        %get3A_1738 = arith.index_cast %add3A_1737 : i32 to index
        %get3A_1739 = arith.constant 0 : index
        %get3A_1740 = tpu.vector_load %arg12[%get3A_1738, %get3A_1739] {strides = array<i32>} : memref<1024x64xbf16, #tpu.memory_space<vmem>>, vector<32xbf16>,
        %mul3A_1741 = arith.mulf %get3A_1740, %pack3A_1735 : vector<32xbf16>
        %add3A_1742 = arith.addf %mul3A_1724, %mul3A_1741 : vector<32xbf16>
        %add3A_1743 = arith.constant 576 : i32
        %add3A_1744 = arith.addi %add3A_1743, %add3A_1562 : i32
        %get3A_1745 = arith.index_cast %add3A_1744 : i32 to index
        %get3A_1746 = arith.constant 32 : index
        %get3A_1747 = tpu.vector_load %arg12[%get3A_1745, %get3A_1746] {strides = array<i32>} : memref<1024x64xbf16, #tpu.memory_space<vmem>>, vector<32xbf16>,
        %mul3A_1748 = arith.mulf %get3A_1747, %pack3A_1735 : vector<32xbf16>
        %add3A_1749 = arith.addf %mul3A_1730, %mul3A_1748 : vector<32xbf16>
        %broadcast_in_dim3A_1750 = arith.constant 10 : i32
        %broadcast_in_dim3A_1751 = vector.broadcast %broadcast_in_dim3A_1750 : i32 to vector<16x1xi32>
        %gather3A_1752 = vector.shape_cast %broadcast_in_dim3A_1751 : vector<16x1xi32> to vector<16xi32>
        %gather3A_1753 = tpu.dynamic_gather %gather3A_1564[%gather3A_1752] in [0] : vector<16xf32>, vector<16xi32> -> vector<16xf32>
        %pack3A_1754 = tpu.pack_subelements %gather3A_1753, %gather3A_1753 {pack_format = #tpu.pack_format<interleaved>, positions = array<i32: 0, 1>} : vector<16xf32>, vector<16xf32> -> vector<32xbf16>
        %add3A_1755 = arith.constant 640 : i32
        %add3A_1756 = arith.addi %add3A_1755, %add3A_1562 : i32
        %get3A_1757 = arith.index_cast %add3A_1756 : i32 to index
        %get3A_1758 = arith.constant 0 : index
        %get3A_1759 = tpu.vector_load %arg12[%get3A_1757, %get3A_1758] {strides = array<i32>} : memref<1024x64xbf16, #tpu.memory_space<vmem>>, vector<32xbf16>,
        %mul3A_1760 = arith.mulf %get3A_1759, %pack3A_1754 : vector<32xbf16>
        %add3A_1761 = arith.addf %add3A_1742, %mul3A_1760 : vector<32xbf16>
        %add3A_1762 = arith.constant 640 : i32
        %add3A_1763 = arith.addi %add3A_1762, %add3A_1562 : i32
        %get3A_1764 = arith.index_cast %add3A_1763 : i32 to index
        %get3A_1765 = arith.constant 32 : index
        %get3A_1766 = tpu.vector_load %arg12[%get3A_1764, %get3A_1765] {strides = array<i32>} : memref<1024x64xbf16, #tpu.memory_space<vmem>>, vector<32xbf16>,
        %mul3A_1767 = arith.mulf %get3A_1766, %pack3A_1754 : vector<32xbf16>
        %add3A_1768 = arith.addf %add3A_1749, %mul3A_1767 : vector<32xbf16>
        %broadcast_in_dim3A_1769 = arith.constant 11 : i32
        %broadcast_in_dim3A_1770 = vector.broadcast %broadcast_in_dim3A_1769 : i32 to vector<16x1xi32>
        %gather3A_1771 = vector.shape_cast %broadcast_in_dim3A_1770 : vector<16x1xi32> to vector<16xi32>
        %gather3A_1772 = tpu.dynamic_gather %gather3A_1564[%gather3A_1771] in [0] : vector<16xf32>, vector<16xi32> -> vector<16xf32>
        %pack3A_1773 = tpu.pack_subelements %gather3A_1772, %gather3A_1772 {pack_format = #tpu.pack_format<interleaved>, positions = array<i32: 0, 1>} : vector<16xf32>, vector<16xf32> -> vector<32xbf16>
        %add3A_1774 = arith.constant 704 : i32
        %add3A_1775 = arith.addi %add3A_1774, %add3A_1562 : i32
        %get3A_1776 = arith.index_cast %add3A_1775 : i32 to index
        %get3A_1777 = arith.constant 0 : index
        %get3A_1778 = tpu.vector_load %arg12[%get3A_1776, %get3A_1777] {strides = array<i32>} : memref<1024x64xbf16, #tpu.memory_space<vmem>>, vector<32xbf16>,
        %mul3A_1779 = arith.mulf %get3A_1778, %pack3A_1773 : vector<32xbf16>
        %add3A_1780 = arith.addf %add3A_1761, %mul3A_1779 : vector<32xbf16>
        %add3A_1781 = arith.constant 704 : i32
        %add3A_1782 = arith.addi %add3A_1781, %add3A_1562 : i32
        %get3A_1783 = arith.index_cast %add3A_1782 : i32 to index
        %get3A_1784 = arith.constant 32 : index
        %get3A_1785 = tpu.vector_load %arg12[%get3A_1783, %get3A_1784] {strides = array<i32>} : memref<1024x64xbf16, #tpu.memory_space<vmem>>, vector<32xbf16>,
        %mul3A_1786 = arith.mulf %get3A_1785, %pack3A_1773 : vector<32xbf16>
        %add3A_1787 = arith.addf %add3A_1768, %mul3A_1786 : vector<32xbf16>
        %broadcast_in_dim3A_1788 = arith.constant 12 : i32
        %broadcast_in_dim3A_1789 = vector.broadcast %broadcast_in_dim3A_1788 : i32 to vector<16x1xi32>
        %gather3A_1790 = vector.shape_cast %broadcast_in_dim3A_1789 : vector<16x1xi32> to vector<16xi32>
        %gather3A_1791 = tpu.dynamic_gather %gather3A_1564[%gather3A_1790] in [0] : vector<16xf32>, vector<16xi32> -> vector<16xf32>
        %pack3A_1792 = tpu.pack_subelements %gather3A_1791, %gather3A_1791 {pack_format = #tpu.pack_format<interleaved>, positions = array<i32: 0, 1>} : vector<16xf32>, vector<16xf32> -> vector<32xbf16>
        %add3A_1793 = arith.constant 768 : i32
        %add3A_1794 = arith.addi %add3A_1793, %add3A_1562 : i32
        %get3A_1795 = arith.index_cast %add3A_1794 : i32 to index
        %get3A_1796 = arith.constant 0 : index
        %get3A_1797 = tpu.vector_load %arg12[%get3A_1795, %get3A_1796] {strides = array<i32>} : memref<1024x64xbf16, #tpu.memory_space<vmem>>, vector<32xbf16>,
        %mul3A_1798 = arith.mulf %get3A_1797, %pack3A_1792 : vector<32xbf16>
        %add3A_1799 = arith.constant 768 : i32
        %add3A_1800 = arith.addi %add3A_1799, %add3A_1562 : i32
        %get3A_1801 = arith.index_cast %add3A_1800 : i32 to index
        %get3A_1802 = arith.constant 32 : index
        %get3A_1803 = tpu.vector_load %arg12[%get3A_1801, %get3A_1802] {strides = array<i32>} : memref<1024x64xbf16, #tpu.memory_space<vmem>>, vector<32xbf16>,
        %mul3A_1804 = arith.mulf %get3A_1803, %pack3A_1792 : vector<32xbf16>
        %broadcast_in_dim3A_1805 = arith.constant 13 : i32
        %broadcast_in_dim3A_1806 = vector.broadcast %broadcast_in_dim3A_1805 : i32 to vector<16x1xi32>
        %gather3A_1807 = vector.shape_cast %broadcast_in_dim3A_1806 : vector<16x1xi32> to vector<16xi32>
        %gather3A_1808 = tpu.dynamic_gather %gather3A_1564[%gather3A_1807] in [0] : vector<16xf32>, vector<16xi32> -> vector<16xf32>
        %pack3A_1809 = tpu.pack_subelements %gather3A_1808, %gather3A_1808 {pack_format = #tpu.pack_format<interleaved>, positions = array<i32: 0, 1>} : vector<16xf32>, vector<16xf32> -> vector<32xbf16>
        %add3A_1810 = arith.constant 832 : i32
        %add3A_1811 = arith.addi %add3A_1810, %add3A_1562 : i32
        %get3A_1812 = arith.index_cast %add3A_1811 : i32 to index
        %get3A_1813 = arith.constant 0 : index
        %get3A_1814 = tpu.vector_load %arg12[%get3A_1812, %get3A_1813] {strides = array<i32>} : memref<1024x64xbf16, #tpu.memory_space<vmem>>, vector<32xbf16>,
        %mul3A_1815 = arith.mulf %get3A_1814, %pack3A_1809 : vector<32xbf16>
        %add3A_1816 = arith.addf %mul3A_1798, %mul3A_1815 : vector<32xbf16>
        %add3A_1817 = arith.constant 832 : i32
        %add3A_1818 = arith.addi %add3A_1817, %add3A_1562 : i32
        %get3A_1819 = arith.index_cast %add3A_1818 : i32 to index
        %get3A_1820 = arith.constant 32 : index
        %get3A_1821 = tpu.vector_load %arg12[%get3A_1819, %get3A_1820] {strides = array<i32>} : memref<1024x64xbf16, #tpu.memory_space<vmem>>, vector<32xbf16>,
        %mul3A_1822 = arith.mulf %get3A_1821, %pack3A_1809 : vector<32xbf16>
        %add3A_1823 = arith.addf %mul3A_1804, %mul3A_1822 : vector<32xbf16>
        %broadcast_in_dim3A_1824 = arith.constant 14 : i32
        %broadcast_in_dim3A_1825 = vector.broadcast %broadcast_in_dim3A_1824 : i32 to vector<16x1xi32>
        %gather3A_1826 = vector.shape_cast %broadcast_in_dim3A_1825 : vector<16x1xi32> to vector<16xi32>
        %gather3A_1827 = tpu.dynamic_gather %gather3A_1564[%gather3A_1826] in [0] : vector<16xf32>, vector<16xi32> -> vector<16xf32>
        %pack3A_1828 = tpu.pack_subelements %gather3A_1827, %gather3A_1827 {pack_format = #tpu.pack_format<interleaved>, positions = array<i32: 0, 1>} : vector<16xf32>, vector<16xf32> -> vector<32xbf16>
        %add3A_1829 = arith.constant 896 : i32
        %add3A_1830 = arith.addi %add3A_1829, %add3A_1562 : i32
        %get3A_1831 = arith.index_cast %add3A_1830 : i32 to index
        %get3A_1832 = arith.constant 0 : index
        %get3A_1833 = tpu.vector_load %arg12[%get3A_1831, %get3A_1832] {strides = array<i32>} : memref<1024x64xbf16, #tpu.memory_space<vmem>>, vector<32xbf16>,
        %mul3A_1834 = arith.mulf %get3A_1833, %pack3A_1828 : vector<32xbf16>
        %add3A_1835 = arith.addf %add3A_1816, %mul3A_1834 : vector<32xbf16>
        %add3A_1836 = arith.constant 896 : i32
        %add3A_1837 = arith.addi %add3A_1836, %add3A_1562 : i32
        %get3A_1838 = arith.index_cast %add3A_1837 : i32 to index
        %get3A_1839 = arith.constant 32 : index
        %get3A_1840 = tpu.vector_load %arg12[%get3A_1838, %get3A_1839] {strides = array<i32>} : memref<1024x64xbf16, #tpu.memory_space<vmem>>, vector<32xbf16>,
        %mul3A_1841 = arith.mulf %get3A_1840, %pack3A_1828 : vector<32xbf16>
        %add3A_1842 = arith.addf %add3A_1823, %mul3A_1841 : vector<32xbf16>
        %broadcast_in_dim3A_1843 = arith.constant 15 : i32
        %broadcast_in_dim3A_1844 = vector.broadcast %broadcast_in_dim3A_1843 : i32 to vector<16x1xi32>
        %gather3A_1845 = vector.shape_cast %broadcast_in_dim3A_1844 : vector<16x1xi32> to vector<16xi32>
        %gather3A_1846 = tpu.dynamic_gather %gather3A_1564[%gather3A_1845] in [0] : vector<16xf32>, vector<16xi32> -> vector<16xf32>
        %pack3A_1847 = tpu.pack_subelements %gather3A_1846, %gather3A_1846 {pack_format = #tpu.pack_format<interleaved>, positions = array<i32: 0, 1>} : vector<16xf32>, vector<16xf32> -> vector<32xbf16>
        %add3A_1848 = arith.constant 960 : i32
        %add3A_1849 = arith.addi %add3A_1848, %add3A_1562 : i32
        %get3A_1850 = arith.index_cast %add3A_1849 : i32 to index
        %get3A_1851 = arith.constant 0 : index
        %get3A_1852 = tpu.vector_load %arg12[%get3A_1850, %get3A_1851] {strides = array<i32>} : memref<1024x64xbf16, #tpu.memory_space<vmem>>, vector<32xbf16>,
        %mul3A_1853 = arith.mulf %get3A_1852, %pack3A_1847 : vector<32xbf16>
        %add3A_1854 = arith.addf %add3A_1835, %mul3A_1853 : vector<32xbf16>
        %add3A_1855 = arith.constant 960 : i32
        %add3A_1856 = arith.addi %add3A_1855, %add3A_1562 : i32
        %get3A_1857 = arith.index_cast %add3A_1856 : i32 to index
        %get3A_1858 = arith.constant 32 : index
        %get3A_1859 = tpu.vector_load %arg12[%get3A_1857, %get3A_1858] {strides = array<i32>} : memref<1024x64xbf16, #tpu.memory_space<vmem>>, vector<32xbf16>,
        %mul3A_1860 = arith.mulf %get3A_1859, %pack3A_1847 : vector<32xbf16>
        %add3A_1861 = arith.addf %add3A_1842, %mul3A_1860 : vector<32xbf16>
        %add3A_1862 = arith.addf %add3A_1632, %add3A_1706 : vector<32xbf16>
        %add3A_1863 = arith.addf %add3A_1780, %add3A_1854 : vector<32xbf16>
        %add3A_1864 = arith.addf %add3A_1862, %add3A_1863 : vector<32xbf16>
        %unpack3A_1865 = tpu.unpack_subelements %add3A_1864, 0 {pack_format = #tpu.pack_format<interleaved>} : vector<32xbf16> -> vector<16xf32>
        %unpack3A_1866 = tpu.unpack_subelements %add3A_1864, 1 {pack_format = #tpu.pack_format<interleaved>} : vector<32xbf16> -> vector<16xf32>
        tpu.vector_store_idx %arg14[%add3A_472, %broadcast_in_dim3A_1565], %unpack3A_1865 : memref<64x64xf32, #tpu.memory_space<vmem>>[vector<16xi32>, vector<16xi32>], vector<16xf32>,
        tpu.vector_store_idx %arg14[%add3A_489, %broadcast_in_dim3A_1565], %unpack3A_1866 : memref<64x64xf32, #tpu.memory_space<vmem>>[vector<16xi32>, vector<16xi32>], vector<16xf32>,
        %add3A_1867 = arith.addf %add3A_1639, %add3A_1713 : vector<32xbf16>
        %add3A_1868 = arith.addf %add3A_1787, %add3A_1861 : vector<32xbf16>
        %add3A_1869 = arith.addf %add3A_1867, %add3A_1868 : vector<32xbf16>
        %unpack3A_1870 = tpu.unpack_subelements %add3A_1869, 0 {pack_format = #tpu.pack_format<interleaved>} : vector<32xbf16> -> vector<16xf32>
        %unpack3A_1871 = tpu.unpack_subelements %add3A_1869, 1 {pack_format = #tpu.pack_format<interleaved>} : vector<32xbf16> -> vector<16xf32>
        tpu.vector_store_idx %arg14[%add3A_479, %broadcast_in_dim3A_1565], %unpack3A_1870 : memref<64x64xf32, #tpu.memory_space<vmem>>[vector<16xi32>, vector<16xi32>], vector<16xf32>,
        tpu.vector_store_idx %arg14[%add3A_499, %broadcast_in_dim3A_1565], %unpack3A_1871 : memref<64x64xf32, #tpu.memory_space<vmem>>[vector<16xi32>, vector<16xi32>], vector<16xf32>,
      }
      %scan3A_556 = arith.constant 16 : i32
      %add3A_557 = arith.constant 2 : i32
      %add3A_558 = arith.addi %add3A_520, %add3A_557 : i32
      %lt3A_559 = arith.constant 128 : i32
      %lt3A_560 = arith.cmpi slt, %add3A_558, %lt3A_559 : i32
      %convert_element_type3A_561 = arith.extui %lt3A_560 : i1 to i32
      %cond3A_562 = arith.constant 0 : i32
      %cond3A_563 = arith.cmpi ne, %convert_element_type3A_561, %cond3A_562 : i32
      scf.if %cond3A_563 {
        %add3A_623 = arith.constant 2 : i32
        %add3A_624 = arith.addi %add3A_520, %add3A_623 : i32
        %mul3A_625 = arith.constant 64 : i32
        %mul3A_626 = arith.muli %add3A_624, %mul3A_625 : i32
        %add3A_627 = arith.addi %mul3A_2, %mul3A_626 : i32
        %dma_start3A_628 = arith.constant 0 : i32
        %dma_start3A_629 = tpu.memref_slice %arg4[%dma_start3A_628, %add3A_627] : memref<16x262144xf32, #tpu.memory_space<hbm>> -> memref<16x64xf32, #tpu.memory_space<hbm>>
        %dma_start3A_630 = arith.constant 0 : i32
        %dma_start3A_631 = tpu.memref_slice %arg4[%dma_start3A_630, %add3A_627] : memref<16x262144xf32, #tpu.memory_space<hbm>> -> memref<16x64xf32, #tpu.memory_space<hbm>>
        tpu.enqueue_dma source(%dma_start3A_631 : memref<16x64xf32, #tpu.memory_space<hbm>>) target(%arg10 : memref<16x64xf32, #tpu.memory_space<vmem>>) target_semaphore(%arg20 : memref<!tpu.dma_semaphore, #tpu.memory_space<semaphore_mem>>)
      } else {
      }
      %dma_start3A_564 = arith.constant 0 : i32
      %dma_start3A_565 = tpu.memref_slice %arg5[%dma_start3A_564, %add3A_523] : memref<64x262144xf32, #tpu.memory_space<hbm>> -> memref<64x64xf32, #tpu.memory_space<hbm>>
      %dma_start3A_566 = arith.constant 0 : i32
      %dma_start3A_567 = tpu.memref_slice %arg5[%dma_start3A_566, %add3A_523] : memref<64x262144xf32, #tpu.memory_space<hbm>> -> memref<64x64xf32, #tpu.memory_space<hbm>>
      tpu.enqueue_dma source(%arg14 : memref<64x64xf32, #tpu.memory_space<vmem>>) target(%dma_start3A_567 : memref<64x64xf32, #tpu.memory_space<hbm>>) target_semaphore(%arg22 : memref<!tpu.dma_semaphore, #tpu.memory_space<semaphore_mem>>)
      %mul3A_568 = arith.constant 2 : i32
      %mul3A_569 = arith.muli %scan3A_516, %mul3A_568 : i32
      %add3A_570 = arith.constant 1 : i32
      %add3A_571 = arith.addi %mul3A_569, %add3A_570 : i32
      %mul3A_572 = arith.constant 64 : i32
      %mul3A_573 = arith.muli %add3A_571, %mul3A_572 : i32
      %add3A_574 = arith.addi %mul3A_2, %mul3A_573 : i32
      %dma_wait3A_575 = arith.constant 0 : i32
      %dma_wait3A_576 = arith.constant 0 : i32
      %dma_wait3A_577 = tpu.memref_slice %arg2[%dma_wait3A_575, %dma_wait3A_576] : memref<262144x64xbf16, #tpu.memory_space<hbm>> -> memref<1024x64xbf16, #tpu.memory_space<hbm>>
      %dma_wait3A_578 = arith.constant 0 : i32
      %dma_wait3A_579 = arith.constant 0 : i32
      %dma_wait3A_580 = tpu.memref_slice %arg2[%dma_wait3A_578, %dma_wait3A_579] : memref<262144x64xbf16, #tpu.memory_space<hbm>> -> memref<1024x64xbf16, #tpu.memory_space<hbm>>
      tpu.wait_dma2 semaphore(%arg17 : memref<!tpu.dma_semaphore, #tpu.memory_space<semaphore_mem>>) src(%dma_wait3A_580 : memref<1024x64xbf16, #tpu.memory_space<hbm>>) dst(%arg13 : memref<1024x64xbf16, #tpu.memory_space<vmem>>)
      %add3A_581 = arith.constant 2 : i32
      %add3A_582 = arith.addi %add3A_571, %add3A_581 : i32
      %lt3A_583 = arith.constant 128 : i32
      %lt3A_584 = arith.cmpi slt, %add3A_582, %lt3A_583 : i32
      %convert_element_type3A_585 = arith.extui %lt3A_584 : i1 to i32
      %cond3A_586 = arith.constant 0 : i32
      %cond3A_587 = arith.cmpi ne, %convert_element_type3A_585, %cond3A_586 : i32
      scf.if %cond3A_587 {
        %add3A_623 = arith.constant 2 : i32
        %add3A_624 = arith.addi %add3A_571, %add3A_623 : i32
        %mul3A_625 = arith.constant 64 : i32
        %mul3A_626 = arith.muli %add3A_624, %mul3A_625 : i32
        %add3A_627 = arith.addi %mul3A_2, %mul3A_626 : i32
        %dma_start3A_628 = arith.constant 0 : i32
        %dma_start3A_629 = tpu.memref_slice %arg3[%dma_start3A_628, %add3A_627] : memref<16x262144xi32, #tpu.memory_space<hbm>> -> memref<16x64xi32, #tpu.memory_space<hbm>>
        %dma_start3A_630 = arith.constant 0 : i32
        %dma_start3A_631 = tpu.memref_slice %arg3[%dma_start3A_630, %add3A_627] : memref<16x262144xi32, #tpu.memory_space<hbm>> -> memref<16x64xi32, #tpu.memory_space<hbm>>
        tpu.enqueue_dma source(%dma_start3A_631 : memref<16x64xi32, #tpu.memory_space<hbm>>) target(%arg7 : memref<16x64xi32, #tpu.memory_space<vmem>>) target_semaphore(%arg19 : memref<!tpu.dma_semaphore, #tpu.memory_space<semaphore_mem>>)
      } else {
      }
      %add3A_588 = arith.constant 1 : i32
      %add3A_589 = arith.addi %add3A_571, %add3A_588 : i32
      %lt3A_590 = arith.constant 128 : i32
      %lt3A_591 = arith.cmpi slt, %add3A_589, %lt3A_590 : i32
      %convert_element_type3A_592 = arith.extui %lt3A_591 : i1 to i32
      %cond3A_593 = arith.constant 0 : i32
      %cond3A_594 = arith.cmpi ne, %convert_element_type3A_592, %cond3A_593 : i32
      scf.if %cond3A_594 {
        %dma_wait3A_623 = arith.constant 0 : i32
        %dma_wait3A_624 = arith.constant 0 : i32
        %dma_wait3A_625 = tpu.memref_slice %arg3[%dma_wait3A_623, %dma_wait3A_624] : memref<16x262144xi32, #tpu.memory_space<hbm>> -> memref<16x64xi32, #tpu.memory_space<hbm>>
        %dma_wait3A_626 = arith.constant 0 : i32
        %dma_wait3A_627 = arith.constant 0 : i32
        %dma_wait3A_628 = tpu.memref_slice %arg3[%dma_wait3A_626, %dma_wait3A_627] : memref<16x262144xi32, #tpu.memory_space<hbm>> -> memref<16x64xi32, #tpu.memory_space<hbm>>
        tpu.wait_dma2 semaphore(%arg18 : memref<!tpu.dma_semaphore, #tpu.memory_space<semaphore_mem>>) src(%dma_wait3A_628 : memref<16x64xi32, #tpu.memory_space<hbm>>) dst(%arg6 : memref<16x64xi32, #tpu.memory_space<vmem>>)
        %get3A_629 = arith.constant 0 : i32
        %get3A_630 = arith.index_cast %get3A_629 : i32 to index
        %get3A_631 = arith.constant 0 : index
        %get3A_632 = tpu.vector_load %arg6[%get3A_630, %get3A_631] {strides = array<i32>} : memref<16x64xi32, #tpu.memory_space<vmem>>, vector<16xi32>,
        %swap3A_633 = arith.constant 0 : index
        %swap3A_634 = tpu.vector_load %arg8[%swap3A_633] {strides = array<i32>} : memref<1024xi32, #tpu.memory_space<vmem>>, vector<16xi32>,
        tpu.vector_store %arg8[%swap3A_633], %get3A_632 {strides = array<i32>} : memref<1024xi32, #tpu.memory_space<vmem>>, vector<16xi32>,
        %get3A_635 = arith.constant 0 : i32
        %get3A_636 = arith.index_cast %get3A_635 : i32 to index
        %get3A_637 = arith.constant 16 : index
        %get3A_638 = tpu.vector_load %arg6[%get3A_636, %get3A_637] {strides = array<i32>} : memref<16x64xi32, #tpu.memory_space<vmem>>, vector<16xi32>,
        %swap3A_639 = arith.constant 16 : index
        %swap3A_640 = tpu.vector_load %arg8[%swap3A_639] {strides = array<i32>} : memref<1024xi32, #tpu.memory_space<vmem>>, vector<16xi32>,
        tpu.vector_store %arg8[%swap3A_639], %get3A_638 {strides = array<i32>} : memref<1024xi32, #tpu.memory_space<vmem>>, vector<16xi32>,
        %get3A_641 = arith.constant 0 : i32
        %get3A_642 = arith.index_cast %get3A_641 : i32 to index
        %get3A_643 = arith.constant 32 : index
        %get3A_644 = tpu.vector_load %arg6[%get3A_642, %get3A_643] {strides = array<i32>} : memref<16x64xi32, #tpu.memory_space<vmem>>, vector<16xi32>,
        %swap3A_645 = arith.constant 32 : index
        %swap3A_646 = tpu.vector_load %arg8[%swap3A_645] {strides = array<i32>} : memref<1024xi32, #tpu.memory_space<vmem>>, vector<16xi32>,
        tpu.vector_store %arg8[%swap3A_645], %get3A_644 {strides = array<i32>} : memref<1024xi32, #tpu.memory_space<vmem>>, vector<16xi32>,
        %get3A_647 = arith.constant 0 : i32
        %get3A_648 = arith.index_cast %get3A_647 : i32 to index
        %get3A_649 = arith.constant 48 : index
        %get3A_650 = tpu.vector_load %arg6[%get3A_648, %get3A_649] {strides = array<i32>} : memref<16x64xi32, #tpu.memory_space<vmem>>, vector<16xi32>,
        %swap3A_651 = arith.constant 48 : index
        %swap3A_652 = tpu.vector_load %arg8[%swap3A_651] {strides = array<i32>} : memref<1024xi32, #tpu.memory_space<vmem>>, vector<16xi32>,
        tpu.vector_store %arg8[%swap3A_651], %get3A_650 {strides = array<i32>} : memref<1024xi32, #tpu.memory_space<vmem>>, vector<16xi32>,
        %get3A_653 = arith.constant 1 : i32
        %get3A_654 = arith.index_cast %get3A_653 : i32 to index
        %get3A_655 = arith.constant 0 : index
        %get3A_656 = tpu.vector_load %arg6[%get3A_654, %get3A_655] {strides = array<i32>} : memref<16x64xi32, #tpu.memory_space<vmem>>, vector<16xi32>,
        %swap3A_657 = arith.constant 64 : index
        %swap3A_658 = tpu.vector_load %arg8[%swap3A_657] {strides = array<i32>} : memref<1024xi32, #tpu.memory_space<vmem>>, vector<16xi32>,
        tpu.vector_store %arg8[%swap3A_657], %get3A_656 {strides = array<i32>} : memref<1024xi32, #tpu.memory_space<vmem>>, vector<16xi32>,
        %get3A_659 = arith.constant 1 : i32
        %get3A_660 = arith.index_cast %get3A_659 : i32 to index
        %get3A_661 = arith.constant 16 : index
        %get3A_662 = tpu.vector_load %arg6[%get3A_660, %get3A_661] {strides = array<i32>} : memref<16x64xi32, #tpu.memory_space<vmem>>, vector<16xi32>,
        %swap3A_663 = arith.constant 80 : index
        %swap3A_664 = tpu.vector_load %arg8[%swap3A_663] {strides = array<i32>} : memref<1024xi32, #tpu.memory_space<vmem>>, vector<16xi32>,
        tpu.vector_store %arg8[%swap3A_663], %get3A_662 {strides = array<i32>} : memref<1024xi32, #tpu.memory_space<vmem>>, vector<16xi32>,
        %get3A_665 = arith.constant 1 : i32
        %get3A_666 = arith.index_cast %get3A_665 : i32 to index
        %get3A_667 = arith.constant 32 : index
        %get3A_668 = tpu.vector_load %arg6[%get3A_666, %get3A_667] {strides = array<i32>} : memref<16x64xi32, #tpu.memory_space<vmem>>, vector<16xi32>,
        %swap3A_669 = arith.constant 96 : index
        %swap3A_670 = tpu.vector_load %arg8[%swap3A_669] {strides = array<i32>} : memref<1024xi32, #tpu.memory_space<vmem>>, vector<16xi32>,
        tpu.vector_store %arg8[%swap3A_669], %get3A_668 {strides = array<i32>} : memref<1024xi32, #tpu.memory_space<vmem>>, vector<16xi32>,
        %get3A_671 = arith.constant 1 : i32
        %get3A_672 = arith.index_cast %get3A_671 : i32 to index
        %get3A_673 = arith.constant 48 : index
        %get3A_674 = tpu.vector_load %arg6[%get3A_672, %get3A_673] {strides = array<i32>} : memref<16x64xi32, #tpu.memory_space<vmem>>, vector<16xi32>,
        %swap3A_675 = arith.constant 112 : index
        %swap3A_676 = tpu.vector_load %arg8[%swap3A_675] {strides = array<i32>} : memref<1024xi32, #tpu.memory_space<vmem>>, vector<16xi32>,
        tpu.vector_store %arg8[%swap3A_675], %get3A_674 {strides = array<i32>} : memref<1024xi32, #tpu.memory_space<vmem>>, vector<16xi32>,
        %get3A_677 = arith.constant 2 : i32
        %get3A_678 = arith.index_cast %get3A_677 : i32 to index
        %get3A_679 = arith.constant 0 : index
        %get3A_680 = tpu.vector_load %arg6[%get3A_678, %get3A_679] {strides = array<i32>} : memref<16x64xi32, #tpu.memory_space<vmem>>, vector<16xi32>,
        %swap3A_681 = arith.constant 128 : index
        %swap3A_682 = tpu.vector_load %arg8[%swap3A_681] {strides = array<i32>} : memref<1024xi32, #tpu.memory_space<vmem>>, vector<16xi32>,
        tpu.vector_store %arg8[%swap3A_681], %get3A_680 {strides = array<i32>} : memref<1024xi32, #tpu.memory_space<vmem>>, vector<16xi32>,
        %get3A_683 = arith.constant 2 : i32
        %get3A_684 = arith.index_cast %get3A_683 : i32 to index
        %get3A_685 = arith.constant 16 : index
        %get3A_686 = tpu.vector_load %arg6[%get3A_684, %get3A_685] {strides = array<i32>} : memref<16x64xi32, #tpu.memory_space<vmem>>, vector<16xi32>,
        %swap3A_687 = arith.constant 144 : index
        %swap3A_688 = tpu.vector_load %arg8[%swap3A_687] {strides = array<i32>} : memref<1024xi32, #tpu.memory_space<vmem>>, vector<16xi32>,
        tpu.vector_store %arg8[%swap3A_687], %get3A_686 {strides = array<i32>} : memref<1024xi32, #tpu.memory_space<vmem>>, vector<16xi32>,
        %get3A_689 = arith.constant 2 : i32
        %get3A_690 = arith.index_cast %get3A_689 : i32 to index
        %get3A_691 = arith.constant 32 : index
        %get3A_692 = tpu.vector_load %arg6[%get3A_690, %get3A_691] {strides = array<i32>} : memref<16x64xi32, #tpu.memory_space<vmem>>, vector<16xi32>,
        %swap3A_693 = arith.constant 160 : index
        %swap3A_694 = tpu.vector_load %arg8[%swap3A_693] {strides = array<i32>} : memref<1024xi32, #tpu.memory_space<vmem>>, vector<16xi32>,
        tpu.vector_store %arg8[%swap3A_693], %get3A_692 {strides = array<i32>} : memref<1024xi32, #tpu.memory_space<vmem>>, vector<16xi32>,
        %get3A_695 = arith.constant 2 : i32
        %get3A_696 = arith.index_cast %get3A_695 : i32 to index
        %get3A_697 = arith.constant 48 : index
        %get3A_698 = tpu.vector_load %arg6[%get3A_696, %get3A_697] {strides = array<i32>} : memref<16x64xi32, #tpu.memory_space<vmem>>, vector<16xi32>,
        %swap3A_699 = arith.constant 176 : index
        %swap3A_700 = tpu.vector_load %arg8[%swap3A_699] {strides = array<i32>} : memref<1024xi32, #tpu.memory_space<vmem>>, vector<16xi32>,
        tpu.vector_store %arg8[%swap3A_699], %get3A_698 {strides = array<i32>} : memref<1024xi32, #tpu.memory_space<vmem>>, vector<16xi32>,
        %get3A_701 = arith.constant 3 : i32
        %get3A_702 = arith.index_cast %get3A_701 : i32 to index
        %get3A_703 = arith.constant 0 : index
        %get3A_704 = tpu.vector_load %arg6[%get3A_702, %get3A_703] {strides = array<i32>} : memref<16x64xi32, #tpu.memory_space<vmem>>, vector<16xi32>,
        %swap3A_705 = arith.constant 192 : index
        %swap3A_706 = tpu.vector_load %arg8[%swap3A_705] {strides = array<i32>} : memref<1024xi32, #tpu.memory_space<vmem>>, vector<16xi32>,
        tpu.vector_store %arg8[%swap3A_705], %get3A_704 {strides = array<i32>} : memref<1024xi32, #tpu.memory_space<vmem>>, vector<16xi32>,
        %get3A_707 = arith.constant 3 : i32
        %get3A_708 = arith.index_cast %get3A_707 : i32 to index
        %get3A_709 = arith.constant 16 : index
        %get3A_710 = tpu.vector_load %arg6[%get3A_708, %get3A_709] {strides = array<i32>} : memref<16x64xi32, #tpu.memory_space<vmem>>, vector<16xi32>,
        %swap3A_711 = arith.constant 208 : index
        %swap3A_712 = tpu.vector_load %arg8[%swap3A_711] {strides = array<i32>} : memref<1024xi32, #tpu.memory_space<vmem>>, vector<16xi32>,
        tpu.vector_store %arg8[%swap3A_711], %get3A_710 {strides = array<i32>} : memref<1024xi32, #tpu.memory_space<vmem>>, vector<16xi32>,
        %get3A_713 = arith.constant 3 : i32
        %get3A_714 = arith.index_cast %get3A_713 : i32 to index
        %get3A_715 = arith.constant 32 : index
        %get3A_716 = tpu.vector_load %arg6[%get3A_714, %get3A_715] {strides = array<i32>} : memref<16x64xi32, #tpu.memory_space<vmem>>, vector<16xi32>,
        %swap3A_717 = arith.constant 224 : index
        %swap3A_718 = tpu.vector_load %arg8[%swap3A_717] {strides = array<i32>} : memref<1024xi32, #tpu.memory_space<vmem>>, vector<16xi32>,
        tpu.vector_store %arg8[%swap3A_717], %get3A_716 {strides = array<i32>} : memref<1024xi32, #tpu.memory_space<vmem>>, vector<16xi32>,
        %get3A_719 = arith.constant 3 : i32
        %get3A_720 = arith.index_cast %get3A_719 : i32 to index
        %get3A_721 = arith.constant 48 : index
        %get3A_722 = tpu.vector_load %arg6[%get3A_720, %get3A_721] {strides = array<i32>} : memref<16x64xi32, #tpu.memory_space<vmem>>, vector<16xi32>,
        %swap3A_723 = arith.constant 240 : index
        %swap3A_724 = tpu.vector_load %arg8[%swap3A_723] {strides = array<i32>} : memref<1024xi32, #tpu.memory_space<vmem>>, vector<16xi32>,
        tpu.vector_store %arg8[%swap3A_723], %get3A_722 {strides = array<i32>} : memref<1024xi32, #tpu.memory_space<vmem>>, vector<16xi32>,
        %get3A_725 = arith.constant 4 : i32
        %get3A_726 = arith.index_cast %get3A_725 : i32 to index
        %get3A_727 = arith.constant 0 : index
        %get3A_728 = tpu.vector_load %arg6[%get3A_726, %get3A_727] {strides = array<i32>} : memref<16x64xi32, #tpu.memory_space<vmem>>, vector<16xi32>,
        %swap3A_729 = arith.constant 256 : index
        %swap3A_730 = tpu.vector_load %arg8[%swap3A_729] {strides = array<i32>} : memref<1024xi32, #tpu.memory_space<vmem>>, vector<16xi32>,
        tpu.vector_store %arg8[%swap3A_729], %get3A_728 {strides = array<i32>} : memref<1024xi32, #tpu.memory_space<vmem>>, vector<16xi32>,
        %get3A_731 = arith.constant 4 : i32
        %get3A_732 = arith.index_cast %get3A_731 : i32 to index
        %get3A_733 = arith.constant 16 : index
        %get3A_734 = tpu.vector_load %arg6[%get3A_732, %get3A_733] {strides = array<i32>} : memref<16x64xi32, #tpu.memory_space<vmem>>, vector<16xi32>,
        %swap3A_735 = arith.constant 272 : index
        %swap3A_736 = tpu.vector_load %arg8[%swap3A_735] {strides = array<i32>} : memref<1024xi32, #tpu.memory_space<vmem>>, vector<16xi32>,
        tpu.vector_store %arg8[%swap3A_735], %get3A_734 {strides = array<i32>} : memref<1024xi32, #tpu.memory_space<vmem>>, vector<16xi32>,
        %get3A_737 = arith.constant 4 : i32
        %get3A_738 = arith.index_cast %get3A_737 : i32 to index
        %get3A_739 = arith.constant 32 : index
        %get3A_740 = tpu.vector_load %arg6[%get3A_738, %get3A_739] {strides = array<i32>} : memref<16x64xi32, #tpu.memory_space<vmem>>, vector<16xi32>,
        %swap3A_741 = arith.constant 288 : index
        %swap3A_742 = tpu.vector_load %arg8[%swap3A_741] {strides = array<i32>} : memref<1024xi32, #tpu.memory_space<vmem>>, vector<16xi32>,
        tpu.vector_store %arg8[%swap3A_741], %get3A_740 {strides = array<i32>} : memref<1024xi32, #tpu.memory_space<vmem>>, vector<16xi32>,
        %get3A_743 = arith.constant 4 : i32
        %get3A_744 = arith.index_cast %get3A_743 : i32 to index
        %get3A_745 = arith.constant 48 : index
        %get3A_746 = tpu.vector_load %arg6[%get3A_744, %get3A_745] {strides = array<i32>} : memref<16x64xi32, #tpu.memory_space<vmem>>, vector<16xi32>,
        %swap3A_747 = arith.constant 304 : index
        %swap3A_748 = tpu.vector_load %arg8[%swap3A_747] {strides = array<i32>} : memref<1024xi32, #tpu.memory_space<vmem>>, vector<16xi32>,
        tpu.vector_store %arg8[%swap3A_747], %get3A_746 {strides = array<i32>} : memref<1024xi32, #tpu.memory_space<vmem>>, vector<16xi32>,
        %get3A_749 = arith.constant 5 : i32
        %get3A_750 = arith.index_cast %get3A_749 : i32 to index
        %get3A_751 = arith.constant 0 : index
        %get3A_752 = tpu.vector_load %arg6[%get3A_750, %get3A_751] {strides = array<i32>} : memref<16x64xi32, #tpu.memory_space<vmem>>, vector<16xi32>,
        %swap3A_753 = arith.constant 320 : index
        %swap3A_754 = tpu.vector_load %arg8[%swap3A_753] {strides = array<i32>} : memref<1024xi32, #tpu.memory_space<vmem>>, vector<16xi32>,
        tpu.vector_store %arg8[%swap3A_753], %get3A_752 {strides = array<i32>} : memref<1024xi32, #tpu.memory_space<vmem>>, vector<16xi32>,
        %get3A_755 = arith.constant 5 : i32
        %get3A_756 = arith.index_cast %get3A_755 : i32 to index
        %get3A_757 = arith.constant 16 : index
        %get3A_758 = tpu.vector_load %arg6[%get3A_756, %get3A_757] {strides = array<i32>} : memref<16x64xi32, #tpu.memory_space<vmem>>, vector<16xi32>,
        %swap3A_759 = arith.constant 336 : index
        %swap3A_760 = tpu.vector_load %arg8[%swap3A_759] {strides = array<i32>} : memref<1024xi32, #tpu.memory_space<vmem>>, vector<16xi32>,
        tpu.vector_store %arg8[%swap3A_759], %get3A_758 {strides = array<i32>} : memref<1024xi32, #tpu.memory_space<vmem>>, vector<16xi32>,
        %get3A_761 = arith.constant 5 : i32
        %get3A_762 = arith.index_cast %get3A_761 : i32 to index
        %get3A_763 = arith.constant 32 : index
        %get3A_764 = tpu.vector_load %arg6[%get3A_762, %get3A_763] {strides = array<i32>} : memref<16x64xi32, #tpu.memory_space<vmem>>, vector<16xi32>,
        %swap3A_765 = arith.constant 352 : index
        %swap3A_766 = tpu.vector_load %arg8[%swap3A_765] {strides = array<i32>} : memref<1024xi32, #tpu.memory_space<vmem>>, vector<16xi32>,
        tpu.vector_store %arg8[%swap3A_765], %get3A_764 {strides = array<i32>} : memref<1024xi32, #tpu.memory_space<vmem>>, vector<16xi32>,
        %get3A_767 = arith.constant 5 : i32
        %get3A_768 = arith.index_cast %get3A_767 : i32 to index
        %get3A_769 = arith.constant 48 : index
        %get3A_770 = tpu.vector_load %arg6[%get3A_768, %get3A_769] {strides = array<i32>} : memref<16x64xi32, #tpu.memory_space<vmem>>, vector<16xi32>,
        %swap3A_771 = arith.constant 368 : index
        %swap3A_772 = tpu.vector_load %arg8[%swap3A_771] {strides = array<i32>} : memref<1024xi32, #tpu.memory_space<vmem>>, vector<16xi32>,
        tpu.vector_store %arg8[%swap3A_771], %get3A_770 {strides = array<i32>} : memref<1024xi32, #tpu.memory_space<vmem>>, vector<16xi32>,
        %get3A_773 = arith.constant 6 : i32
        %get3A_774 = arith.index_cast %get3A_773 : i32 to index
        %get3A_775 = arith.constant 0 : index
        %get3A_776 = tpu.vector_load %arg6[%get3A_774, %get3A_775] {strides = array<i32>} : memref<16x64xi32, #tpu.memory_space<vmem>>, vector<16xi32>,
        %swap3A_777 = arith.constant 384 : index
        %swap3A_778 = tpu.vector_load %arg8[%swap3A_777] {strides = array<i32>} : memref<1024xi32, #tpu.memory_space<vmem>>, vector<16xi32>,
        tpu.vector_store %arg8[%swap3A_777], %get3A_776 {strides = array<i32>} : memref<1024xi32, #tpu.memory_space<vmem>>, vector<16xi32>,
        %get3A_779 = arith.constant 6 : i32
        %get3A_780 = arith.index_cast %get3A_779 : i32 to index
        %get3A_781 = arith.constant 16 : index
        %get3A_782 = tpu.vector_load %arg6[%get3A_780, %get3A_781] {strides = array<i32>} : memref<16x64xi32, #tpu.memory_space<vmem>>, vector<16xi32>,
        %swap3A_783 = arith.constant 400 : index
        %swap3A_784 = tpu.vector_load %arg8[%swap3A_783] {strides = array<i32>} : memref<1024xi32, #tpu.memory_space<vmem>>, vector<16xi32>,
        tpu.vector_store %arg8[%swap3A_783], %get3A_782 {strides = array<i32>} : memref<1024xi32, #tpu.memory_space<vmem>>, vector<16xi32>,
        %get3A_785 = arith.constant 6 : i32
        %get3A_786 = arith.index_cast %get3A_785 : i32 to index
        %get3A_787 = arith.constant 32 : index
        %get3A_788 = tpu.vector_load %arg6[%get3A_786, %get3A_787] {strides = array<i32>} : memref<16x64xi32, #tpu.memory_space<vmem>>, vector<16xi32>,
        %swap3A_789 = arith.constant 416 : index
        %swap3A_790 = tpu.vector_load %arg8[%swap3A_789] {strides = array<i32>} : memref<1024xi32, #tpu.memory_space<vmem>>, vector<16xi32>,
        tpu.vector_store %arg8[%swap3A_789], %get3A_788 {strides = array<i32>} : memref<1024xi32, #tpu.memory_space<vmem>>, vector<16xi32>,
        %get3A_791 = arith.constant 6 : i32
        %get3A_792 = arith.index_cast %get3A_791 : i32 to index
        %get3A_793 = arith.constant 48 : index
        %get3A_794 = tpu.vector_load %arg6[%get3A_792, %get3A_793] {strides = array<i32>} : memref<16x64xi32, #tpu.memory_space<vmem>>, vector<16xi32>,
        %swap3A_795 = arith.constant 432 : index
        %swap3A_796 = tpu.vector_load %arg8[%swap3A_795] {strides = array<i32>} : memref<1024xi32, #tpu.memory_space<vmem>>, vector<16xi32>,
        tpu.vector_store %arg8[%swap3A_795], %get3A_794 {strides = array<i32>} : memref<1024xi32, #tpu.memory_space<vmem>>, vector<16xi32>,
        %get3A_797 = arith.constant 7 : i32
        %get3A_798 = arith.index_cast %get3A_797 : i32 to index
        %get3A_799 = arith.constant 0 : index
        %get3A_800 = tpu.vector_load %arg6[%get3A_798, %get3A_799] {strides = array<i32>} : memref<16x64xi32, #tpu.memory_space<vmem>>, vector<16xi32>,
        %swap3A_801 = arith.constant 448 : index
        %swap3A_802 = tpu.vector_load %arg8[%swap3A_801] {strides = array<i32>} : memref<1024xi32, #tpu.memory_space<vmem>>, vector<16xi32>,
        tpu.vector_store %arg8[%swap3A_801], %get3A_800 {strides = array<i32>} : memref<1024xi32, #tpu.memory_space<vmem>>, vector<16xi32>,
        %get3A_803 = arith.constant 7 : i32
        %get3A_804 = arith.index_cast %get3A_803 : i32 to index
        %get3A_805 = arith.constant 16 : index
        %get3A_806 = tpu.vector_load %arg6[%get3A_804, %get3A_805] {strides = array<i32>} : memref<16x64xi32, #tpu.memory_space<vmem>>, vector<16xi32>,
        %swap3A_807 = arith.constant 464 : index
        %swap3A_808 = tpu.vector_load %arg8[%swap3A_807] {strides = array<i32>} : memref<1024xi32, #tpu.memory_space<vmem>>, vector<16xi32>,
        tpu.vector_store %arg8[%swap3A_807], %get3A_806 {strides = array<i32>} : memref<1024xi32, #tpu.memory_space<vmem>>, vector<16xi32>,
        %get3A_809 = arith.constant 7 : i32
        %get3A_810 = arith.index_cast %get3A_809 : i32 to index
        %get3A_811 = arith.constant 32 : index
        %get3A_812 = tpu.vector_load %arg6[%get3A_810, %get3A_811] {strides = array<i32>} : memref<16x64xi32, #tpu.memory_space<vmem>>, vector<16xi32>,
        %swap3A_813 = arith.constant 480 : index
        %swap3A_814 = tpu.vector_load %arg8[%swap3A_813] {strides = array<i32>} : memref<1024xi32, #tpu.memory_space<vmem>>, vector<16xi32>,
        tpu.vector_store %arg8[%swap3A_813], %get3A_812 {strides = array<i32>} : memref<1024xi32, #tpu.memory_space<vmem>>, vector<16xi32>,
        %get3A_815 = arith.constant 7 : i32
        %get3A_816 = arith.index_cast %get3A_815 : i32 to index
        %get3A_817 = arith.constant 48 : index
        %get3A_818 = tpu.vector_load %arg6[%get3A_816, %get3A_817] {strides = array<i32>} : memref<16x64xi32, #tpu.memory_space<vmem>>, vector<16xi32>,
        %swap3A_819 = arith.constant 496 : index
        %swap3A_820 = tpu.vector_load %arg8[%swap3A_819] {strides = array<i32>} : memref<1024xi32, #tpu.memory_space<vmem>>, vector<16xi32>,
        tpu.vector_store %arg8[%swap3A_819], %get3A_818 {strides = array<i32>} : memref<1024xi32, #tpu.memory_space<vmem>>, vector<16xi32>,
        %get3A_821 = arith.constant 8 : i32
        %get3A_822 = arith.index_cast %get3A_821 : i32 to index
        %get3A_823 = arith.constant 0 : index
        %get3A_824 = tpu.vector_load %arg6[%get3A_822, %get3A_823] {strides = array<i32>} : memref<16x64xi32, #tpu.memory_space<vmem>>, vector<16xi32>,
        %swap3A_825 = arith.constant 512 : index
        %swap3A_826 = tpu.vector_load %arg8[%swap3A_825] {strides = array<i32>} : memref<1024xi32, #tpu.memory_space<vmem>>, vector<16xi32>,
        tpu.vector_store %arg8[%swap3A_825], %get3A_824 {strides = array<i32>} : memref<1024xi32, #tpu.memory_space<vmem>>, vector<16xi32>,
        %get3A_827 = arith.constant 8 : i32
        %get3A_828 = arith.index_cast %get3A_827 : i32 to index
        %get3A_829 = arith.constant 16 : index
        %get3A_830 = tpu.vector_load %arg6[%get3A_828, %get3A_829] {strides = array<i32>} : memref<16x64xi32, #tpu.memory_space<vmem>>, vector<16xi32>,
        %swap3A_831 = arith.constant 528 : index
        %swap3A_832 = tpu.vector_load %arg8[%swap3A_831] {strides = array<i32>} : memref<1024xi32, #tpu.memory_space<vmem>>, vector<16xi32>,
        tpu.vector_store %arg8[%swap3A_831], %get3A_830 {strides = array<i32>} : memref<1024xi32, #tpu.memory_space<vmem>>, vector<16xi32>,
        %get3A_833 = arith.constant 8 : i32
        %get3A_834 = arith.index_cast %get3A_833 : i32 to index
        %get3A_835 = arith.constant 32 : index
        %get3A_836 = tpu.vector_load %arg6[%get3A_834, %get3A_835] {strides = array<i32>} : memref<16x64xi32, #tpu.memory_space<vmem>>, vector<16xi32>,
        %swap3A_837 = arith.constant 544 : index
        %swap3A_838 = tpu.vector_load %arg8[%swap3A_837] {strides = array<i32>} : memref<1024xi32, #tpu.memory_space<vmem>>, vector<16xi32>,
        tpu.vector_store %arg8[%swap3A_837], %get3A_836 {strides = array<i32>} : memref<1024xi32, #tpu.memory_space<vmem>>, vector<16xi32>,
        %get3A_839 = arith.constant 8 : i32
        %get3A_840 = arith.index_cast %get3A_839 : i32 to index
        %get3A_841 = arith.constant 48 : index
        %get3A_842 = tpu.vector_load %arg6[%get3A_840, %get3A_841] {strides = array<i32>} : memref<16x64xi32, #tpu.memory_space<vmem>>, vector<16xi32>,
        %swap3A_843 = arith.constant 560 : index
        %swap3A_844 = tpu.vector_load %arg8[%swap3A_843] {strides = array<i32>} : memref<1024xi32, #tpu.memory_space<vmem>>, vector<16xi32>,
        tpu.vector_store %arg8[%swap3A_843], %get3A_842 {strides = array<i32>} : memref<1024xi32, #tpu.memory_space<vmem>>, vector<16xi32>,
        %get3A_845 = arith.constant 9 : i32
        %get3A_846 = arith.index_cast %get3A_845 : i32 to index
        %get3A_847 = arith.constant 0 : index
        %get3A_848 = tpu.vector_load %arg6[%get3A_846, %get3A_847] {strides = array<i32>} : memref<16x64xi32, #tpu.memory_space<vmem>>, vector<16xi32>,
        %swap3A_849 = arith.constant 576 : index
        %swap3A_850 = tpu.vector_load %arg8[%swap3A_849] {strides = array<i32>} : memref<1024xi32, #tpu.memory_space<vmem>>, vector<16xi32>,
        tpu.vector_store %arg8[%swap3A_849], %get3A_848 {strides = array<i32>} : memref<1024xi32, #tpu.memory_space<vmem>>, vector<16xi32>,
        %get3A_851 = arith.constant 9 : i32
        %get3A_852 = arith.index_cast %get3A_851 : i32 to index
        %get3A_853 = arith.constant 16 : index
        %get3A_854 = tpu.vector_load %arg6[%get3A_852, %get3A_853] {strides = array<i32>} : memref<16x64xi32, #tpu.memory_space<vmem>>, vector<16xi32>,
        %swap3A_855 = arith.constant 592 : index
        %swap3A_856 = tpu.vector_load %arg8[%swap3A_855] {strides = array<i32>} : memref<1024xi32, #tpu.memory_space<vmem>>, vector<16xi32>,
        tpu.vector_store %arg8[%swap3A_855], %get3A_854 {strides = array<i32>} : memref<1024xi32, #tpu.memory_space<vmem>>, vector<16xi32>,
        %get3A_857 = arith.constant 9 : i32
        %get3A_858 = arith.index_cast %get3A_857 : i32 to index
        %get3A_859 = arith.constant 32 : index
        %get3A_860 = tpu.vector_load %arg6[%get3A_858, %get3A_859] {strides = array<i32>} : memref<16x64xi32, #tpu.memory_space<vmem>>, vector<16xi32>,
        %swap3A_861 = arith.constant 608 : index
        %swap3A_862 = tpu.vector_load %arg8[%swap3A_861] {strides = array<i32>} : memref<1024xi32, #tpu.memory_space<vmem>>, vector<16xi32>,
        tpu.vector_store %arg8[%swap3A_861], %get3A_860 {strides = array<i32>} : memref<1024xi32, #tpu.memory_space<vmem>>, vector<16xi32>,
        %get3A_863 = arith.constant 9 : i32
        %get3A_864 = arith.index_cast %get3A_863 : i32 to index
        %get3A_865 = arith.constant 48 : index
        %get3A_866 = tpu.vector_load %arg6[%get3A_864, %get3A_865] {strides = array<i32>} : memref<16x64xi32, #tpu.memory_space<vmem>>, vector<16xi32>,
        %swap3A_867 = arith.constant 624 : index
        %swap3A_868 = tpu.vector_load %arg8[%swap3A_867] {strides = array<i32>} : memref<1024xi32, #tpu.memory_space<vmem>>, vector<16xi32>,
        tpu.vector_store %arg8[%swap3A_867], %get3A_866 {strides = array<i32>} : memref<1024xi32, #tpu.memory_space<vmem>>, vector<16xi32>,
        %get3A_869 = arith.constant 10 : i32
        %get3A_870 = arith.index_cast %get3A_869 : i32 to index
        %get3A_871 = arith.constant 0 : index
        %get3A_872 = tpu.vector_load %arg6[%get3A_870, %get3A_871] {strides = array<i32>} : memref<16x64xi32, #tpu.memory_space<vmem>>, vector<16xi32>,
        %swap3A_873 = arith.constant 640 : index
        %swap3A_874 = tpu.vector_load %arg8[%swap3A_873] {strides = array<i32>} : memref<1024xi32, #tpu.memory_space<vmem>>, vector<16xi32>,
        tpu.vector_store %arg8[%swap3A_873], %get3A_872 {strides = array<i32>} : memref<1024xi32, #tpu.memory_space<vmem>>, vector<16xi32>,
        %get3A_875 = arith.constant 10 : i32
        %get3A_876 = arith.index_cast %get3A_875 : i32 to index
        %get3A_877 = arith.constant 16 : index
        %get3A_878 = tpu.vector_load %arg6[%get3A_876, %get3A_877] {strides = array<i32>} : memref<16x64xi32, #tpu.memory_space<vmem>>, vector<16xi32>,
        %swap3A_879 = arith.constant 656 : index
        %swap3A_880 = tpu.vector_load %arg8[%swap3A_879] {strides = array<i32>} : memref<1024xi32, #tpu.memory_space<vmem>>, vector<16xi32>,
        tpu.vector_store %arg8[%swap3A_879], %get3A_878 {strides = array<i32>} : memref<1024xi32, #tpu.memory_space<vmem>>, vector<16xi32>,
        %get3A_881 = arith.constant 10 : i32
        %get3A_882 = arith.index_cast %get3A_881 : i32 to index
        %get3A_883 = arith.constant 32 : index
        %get3A_884 = tpu.vector_load %arg6[%get3A_882, %get3A_883] {strides = array<i32>} : memref<16x64xi32, #tpu.memory_space<vmem>>, vector<16xi32>,
        %swap3A_885 = arith.constant 672 : index
        %swap3A_886 = tpu.vector_load %arg8[%swap3A_885] {strides = array<i32>} : memref<1024xi32, #tpu.memory_space<vmem>>, vector<16xi32>,
        tpu.vector_store %arg8[%swap3A_885], %get3A_884 {strides = array<i32>} : memref<1024xi32, #tpu.memory_space<vmem>>, vector<16xi32>,
        %get3A_887 = arith.constant 10 : i32
        %get3A_888 = arith.index_cast %get3A_887 : i32 to index
        %get3A_889 = arith.constant 48 : index
        %get3A_890 = tpu.vector_load %arg6[%get3A_888, %get3A_889] {strides = array<i32>} : memref<16x64xi32, #tpu.memory_space<vmem>>, vector<16xi32>,
        %swap3A_891 = arith.constant 688 : index
        %swap3A_892 = tpu.vector_load %arg8[%swap3A_891] {strides = array<i32>} : memref<1024xi32, #tpu.memory_space<vmem>>, vector<16xi32>,
        tpu.vector_store %arg8[%swap3A_891], %get3A_890 {strides = array<i32>} : memref<1024xi32, #tpu.memory_space<vmem>>, vector<16xi32>,
        %get3A_893 = arith.constant 11 : i32
        %get3A_894 = arith.index_cast %get3A_893 : i32 to index
        %get3A_895 = arith.constant 0 : index
        %get3A_896 = tpu.vector_load %arg6[%get3A_894, %get3A_895] {strides = array<i32>} : memref<16x64xi32, #tpu.memory_space<vmem>>, vector<16xi32>,
        %swap3A_897 = arith.constant 704 : index
        %swap3A_898 = tpu.vector_load %arg8[%swap3A_897] {strides = array<i32>} : memref<1024xi32, #tpu.memory_space<vmem>>, vector<16xi32>,
        tpu.vector_store %arg8[%swap3A_897], %get3A_896 {strides = array<i32>} : memref<1024xi32, #tpu.memory_space<vmem>>, vector<16xi32>,
        %get3A_899 = arith.constant 11 : i32
        %get3A_900 = arith.index_cast %get3A_899 : i32 to index
        %get3A_901 = arith.constant 16 : index
        %get3A_902 = tpu.vector_load %arg6[%get3A_900, %get3A_901] {strides = array<i32>} : memref<16x64xi32, #tpu.memory_space<vmem>>, vector<16xi32>,
        %swap3A_903 = arith.constant 720 : index
        %swap3A_904 = tpu.vector_load %arg8[%swap3A_903] {strides = array<i32>} : memref<1024xi32, #tpu.memory_space<vmem>>, vector<16xi32>,
        tpu.vector_store %arg8[%swap3A_903], %get3A_902 {strides = array<i32>} : memref<1024xi32, #tpu.memory_space<vmem>>, vector<16xi32>,
        %get3A_905 = arith.constant 11 : i32
        %get3A_906 = arith.index_cast %get3A_905 : i32 to index
        %get3A_907 = arith.constant 32 : index
        %get3A_908 = tpu.vector_load %arg6[%get3A_906, %get3A_907] {strides = array<i32>} : memref<16x64xi32, #tpu.memory_space<vmem>>, vector<16xi32>,
        %swap3A_909 = arith.constant 736 : index
        %swap3A_910 = tpu.vector_load %arg8[%swap3A_909] {strides = array<i32>} : memref<1024xi32, #tpu.memory_space<vmem>>, vector<16xi32>,
        tpu.vector_store %arg8[%swap3A_909], %get3A_908 {strides = array<i32>} : memref<1024xi32, #tpu.memory_space<vmem>>, vector<16xi32>,
        %get3A_911 = arith.constant 11 : i32
        %get3A_912 = arith.index_cast %get3A_911 : i32 to index
        %get3A_913 = arith.constant 48 : index
        %get3A_914 = tpu.vector_load %arg6[%get3A_912, %get3A_913] {strides = array<i32>} : memref<16x64xi32, #tpu.memory_space<vmem>>, vector<16xi32>,
        %swap3A_915 = arith.constant 752 : index
        %swap3A_916 = tpu.vector_load %arg8[%swap3A_915] {strides = array<i32>} : memref<1024xi32, #tpu.memory_space<vmem>>, vector<16xi32>,
        tpu.vector_store %arg8[%swap3A_915], %get3A_914 {strides = array<i32>} : memref<1024xi32, #tpu.memory_space<vmem>>, vector<16xi32>,
        %get3A_917 = arith.constant 12 : i32
        %get3A_918 = arith.index_cast %get3A_917 : i32 to index
        %get3A_919 = arith.constant 0 : index
        %get3A_920 = tpu.vector_load %arg6[%get3A_918, %get3A_919] {strides = array<i32>} : memref<16x64xi32, #tpu.memory_space<vmem>>, vector<16xi32>,
        %swap3A_921 = arith.constant 768 : index
        %swap3A_922 = tpu.vector_load %arg8[%swap3A_921] {strides = array<i32>} : memref<1024xi32, #tpu.memory_space<vmem>>, vector<16xi32>,
        tpu.vector_store %arg8[%swap3A_921], %get3A_920 {strides = array<i32>} : memref<1024xi32, #tpu.memory_space<vmem>>, vector<16xi32>,
        %get3A_923 = arith.constant 12 : i32
        %get3A_924 = arith.index_cast %get3A_923 : i32 to index
        %get3A_925 = arith.constant 16 : index
        %get3A_926 = tpu.vector_load %arg6[%get3A_924, %get3A_925] {strides = array<i32>} : memref<16x64xi32, #tpu.memory_space<vmem>>, vector<16xi32>,
        %swap3A_927 = arith.constant 784 : index
        %swap3A_928 = tpu.vector_load %arg8[%swap3A_927] {strides = array<i32>} : memref<1024xi32, #tpu.memory_space<vmem>>, vector<16xi32>,
        tpu.vector_store %arg8[%swap3A_927], %get3A_926 {strides = array<i32>} : memref<1024xi32, #tpu.memory_space<vmem>>, vector<16xi32>,
        %get3A_929 = arith.constant 12 : i32
        %get3A_930 = arith.index_cast %get3A_929 : i32 to index
        %get3A_931 = arith.constant 32 : index
        %get3A_932 = tpu.vector_load %arg6[%get3A_930, %get3A_931] {strides = array<i32>} : memref<16x64xi32, #tpu.memory_space<vmem>>, vector<16xi32>,
        %swap3A_933 = arith.constant 800 : index
        %swap3A_934 = tpu.vector_load %arg8[%swap3A_933] {strides = array<i32>} : memref<1024xi32, #tpu.memory_space<vmem>>, vector<16xi32>,
        tpu.vector_store %arg8[%swap3A_933], %get3A_932 {strides = array<i32>} : memref<1024xi32, #tpu.memory_space<vmem>>, vector<16xi32>,
        %get3A_935 = arith.constant 12 : i32
        %get3A_936 = arith.index_cast %get3A_935 : i32 to index
        %get3A_937 = arith.constant 48 : index
        %get3A_938 = tpu.vector_load %arg6[%get3A_936, %get3A_937] {strides = array<i32>} : memref<16x64xi32, #tpu.memory_space<vmem>>, vector<16xi32>,
        %swap3A_939 = arith.constant 816 : index
        %swap3A_940 = tpu.vector_load %arg8[%swap3A_939] {strides = array<i32>} : memref<1024xi32, #tpu.memory_space<vmem>>, vector<16xi32>,
        tpu.vector_store %arg8[%swap3A_939], %get3A_938 {strides = array<i32>} : memref<1024xi32, #tpu.memory_space<vmem>>, vector<16xi32>,
        %get3A_941 = arith.constant 13 : i32
        %get3A_942 = arith.index_cast %get3A_941 : i32 to index
        %get3A_943 = arith.constant 0 : index
        %get3A_944 = tpu.vector_load %arg6[%get3A_942, %get3A_943] {strides = array<i32>} : memref<16x64xi32, #tpu.memory_space<vmem>>, vector<16xi32>,
        %swap3A_945 = arith.constant 832 : index
        %swap3A_946 = tpu.vector_load %arg8[%swap3A_945] {strides = array<i32>} : memref<1024xi32, #tpu.memory_space<vmem>>, vector<16xi32>,
        tpu.vector_store %arg8[%swap3A_945], %get3A_944 {strides = array<i32>} : memref<1024xi32, #tpu.memory_space<vmem>>, vector<16xi32>,
        %get3A_947 = arith.constant 13 : i32
        %get3A_948 = arith.index_cast %get3A_947 : i32 to index
        %get3A_949 = arith.constant 16 : index
        %get3A_950 = tpu.vector_load %arg6[%get3A_948, %get3A_949] {strides = array<i32>} : memref<16x64xi32, #tpu.memory_space<vmem>>, vector<16xi32>,
        %swap3A_951 = arith.constant 848 : index
        %swap3A_952 = tpu.vector_load %arg8[%swap3A_951] {strides = array<i32>} : memref<1024xi32, #tpu.memory_space<vmem>>, vector<16xi32>,
        tpu.vector_store %arg8[%swap3A_951], %get3A_950 {strides = array<i32>} : memref<1024xi32, #tpu.memory_space<vmem>>, vector<16xi32>,
        %get3A_953 = arith.constant 13 : i32
        %get3A_954 = arith.index_cast %get3A_953 : i32 to index
        %get3A_955 = arith.constant 32 : index
        %get3A_956 = tpu.vector_load %arg6[%get3A_954, %get3A_955] {strides = array<i32>} : memref<16x64xi32, #tpu.memory_space<vmem>>, vector<16xi32>,
        %swap3A_957 = arith.constant 864 : index
        %swap3A_958 = tpu.vector_load %arg8[%swap3A_957] {strides = array<i32>} : memref<1024xi32, #tpu.memory_space<vmem>>, vector<16xi32>,
        tpu.vector_store %arg8[%swap3A_957], %get3A_956 {strides = array<i32>} : memref<1024xi32, #tpu.memory_space<vmem>>, vector<16xi32>,
        %get3A_959 = arith.constant 13 : i32
        %get3A_960 = arith.index_cast %get3A_959 : i32 to index
        %get3A_961 = arith.constant 48 : index
        %get3A_962 = tpu.vector_load %arg6[%get3A_960, %get3A_961] {strides = array<i32>} : memref<16x64xi32, #tpu.memory_space<vmem>>, vector<16xi32>,
        %swap3A_963 = arith.constant 880 : index
        %swap3A_964 = tpu.vector_load %arg8[%swap3A_963] {strides = array<i32>} : memref<1024xi32, #tpu.memory_space<vmem>>, vector<16xi32>,
        tpu.vector_store %arg8[%swap3A_963], %get3A_962 {strides = array<i32>} : memref<1024xi32, #tpu.memory_space<vmem>>, vector<16xi32>,
        %get3A_965 = arith.constant 14 : i32
        %get3A_966 = arith.index_cast %get3A_965 : i32 to index
        %get3A_967 = arith.constant 0 : index
        %get3A_968 = tpu.vector_load %arg6[%get3A_966, %get3A_967] {strides = array<i32>} : memref<16x64xi32, #tpu.memory_space<vmem>>, vector<16xi32>,
        %swap3A_969 = arith.constant 896 : index
        %swap3A_970 = tpu.vector_load %arg8[%swap3A_969] {strides = array<i32>} : memref<1024xi32, #tpu.memory_space<vmem>>, vector<16xi32>,
        tpu.vector_store %arg8[%swap3A_969], %get3A_968 {strides = array<i32>} : memref<1024xi32, #tpu.memory_space<vmem>>, vector<16xi32>,
        %get3A_971 = arith.constant 14 : i32
        %get3A_972 = arith.index_cast %get3A_971 : i32 to index
        %get3A_973 = arith.constant 16 : index
        %get3A_974 = tpu.vector_load %arg6[%get3A_972, %get3A_973] {strides = array<i32>} : memref<16x64xi32, #tpu.memory_space<vmem>>, vector<16xi32>,
        %swap3A_975 = arith.constant 912 : index
        %swap3A_976 = tpu.vector_load %arg8[%swap3A_975] {strides = array<i32>} : memref<1024xi32, #tpu.memory_space<vmem>>, vector<16xi32>,
        tpu.vector_store %arg8[%swap3A_975], %get3A_974 {strides = array<i32>} : memref<1024xi32, #tpu.memory_space<vmem>>, vector<16xi32>,
        %get3A_977 = arith.constant 14 : i32
        %get3A_978 = arith.index_cast %get3A_977 : i32 to index
        %get3A_979 = arith.constant 32 : index
        %get3A_980 = tpu.vector_load %arg6[%get3A_978, %get3A_979] {strides = array<i32>} : memref<16x64xi32, #tpu.memory_space<vmem>>, vector<16xi32>,
        %swap3A_981 = arith.constant 928 : index
        %swap3A_982 = tpu.vector_load %arg8[%swap3A_981] {strides = array<i32>} : memref<1024xi32, #tpu.memory_space<vmem>>, vector<16xi32>,
        tpu.vector_store %arg8[%swap3A_981], %get3A_980 {strides = array<i32>} : memref<1024xi32, #tpu.memory_space<vmem>>, vector<16xi32>,
        %get3A_983 = arith.constant 14 : i32
        %get3A_984 = arith.index_cast %get3A_983 : i32 to index
        %get3A_985 = arith.constant 48 : index
        %get3A_986 = tpu.vector_load %arg6[%get3A_984, %get3A_985] {strides = array<i32>} : memref<16x64xi32, #tpu.memory_space<vmem>>, vector<16xi32>,
        %swap3A_987 = arith.constant 944 : index
        %swap3A_988 = tpu.vector_load %arg8[%swap3A_987] {strides = array<i32>} : memref<1024xi32, #tpu.memory_space<vmem>>, vector<16xi32>,
        tpu.vector_store %arg8[%swap3A_987], %get3A_986 {strides = array<i32>} : memref<1024xi32, #tpu.memory_space<vmem>>, vector<16xi32>,
        %get3A_989 = arith.constant 15 : i32
        %get3A_990 = arith.index_cast %get3A_989 : i32 to index
        %get3A_991 = arith.constant 0 : index
        %get3A_992 = tpu.vector_load %arg6[%get3A_990, %get3A_991] {strides = array<i32>} : memref<16x64xi32, #tpu.memory_space<vmem>>, vector<16xi32>,
        %swap3A_993 = arith.constant 960 : index
        %swap3A_994 = tpu.vector_load %arg8[%swap3A_993] {strides = array<i32>} : memref<1024xi32, #tpu.memory_space<vmem>>, vector<16xi32>,
        tpu.vector_store %arg8[%swap3A_993], %get3A_992 {strides = array<i32>} : memref<1024xi32, #tpu.memory_space<vmem>>, vector<16xi32>,
        %get3A_995 = arith.constant 15 : i32
        %get3A_996 = arith.index_cast %get3A_995 : i32 to index
        %get3A_997 = arith.constant 16 : index
        %get3A_998 = tpu.vector_load %arg6[%get3A_996, %get3A_997] {strides = array<i32>} : memref<16x64xi32, #tpu.memory_space<vmem>>, vector<16xi32>,
        %swap3A_999 = arith.constant 976 : index
        %swap3A_1000 = tpu.vector_load %arg8[%swap3A_999] {strides = array<i32>} : memref<1024xi32, #tpu.memory_space<vmem>>, vector<16xi32>,
        tpu.vector_store %arg8[%swap3A_999], %get3A_998 {strides = array<i32>} : memref<1024xi32, #tpu.memory_space<vmem>>, vector<16xi32>,
        %get3A_1001 = arith.constant 15 : i32
        %get3A_1002 = arith.index_cast %get3A_1001 : i32 to index
        %get3A_1003 = arith.constant 32 : index
        %get3A_1004 = tpu.vector_load %arg6[%get3A_1002, %get3A_1003] {strides = array<i32>} : memref<16x64xi32, #tpu.memory_space<vmem>>, vector<16xi32>,
        %swap3A_1005 = arith.constant 992 : index
        %swap3A_1006 = tpu.vector_load %arg8[%swap3A_1005] {strides = array<i32>} : memref<1024xi32, #tpu.memory_space<vmem>>, vector<16xi32>,
        tpu.vector_store %arg8[%swap3A_1005], %get3A_1004 {strides = array<i32>} : memref<1024xi32, #tpu.memory_space<vmem>>, vector<16xi32>,
        %get3A_1007 = arith.constant 15 : i32
        %get3A_1008 = arith.index_cast %get3A_1007 : i32 to index
        %get3A_1009 = arith.constant 48 : index
        %get3A_1010 = tpu.vector_load %arg6[%get3A_1008, %get3A_1009] {strides = array<i32>} : memref<16x64xi32, #tpu.memory_space<vmem>>, vector<16xi32>,
        %swap3A_1011 = arith.constant 1008 : index
        %swap3A_1012 = tpu.vector_load %arg8[%swap3A_1011] {strides = array<i32>} : memref<1024xi32, #tpu.memory_space<vmem>>, vector<16xi32>,
        tpu.vector_store %arg8[%swap3A_1011], %get3A_1010 {strides = array<i32>} : memref<1024xi32, #tpu.memory_space<vmem>>, vector<16xi32>,
        %dma_start3A_1013 = arith.constant 0 : i32
        %dma_start3A_1014 = arith.constant 0 : i32
        %dma_start3A_1015 = tpu.memref_slice %arg12[%dma_start3A_1013, %dma_start3A_1014] : memref<1024x64xbf16, #tpu.memory_space<vmem>> -> memref<128x64xbf16, #tpu.memory_space<vmem>>
        %dma_start3A_1016 = arith.constant 0 : i32
        %dma_start3A_1017 = tpu.memref_slice %arg8[%dma_start3A_1016] : memref<1024xi32, #tpu.memory_space<vmem>> -> memref<128xi32, #tpu.memory_space<vmem>>
        %dma_start3A_1018 = arith.constant 0 : i32
        %dma_start3A_1019 = arith.constant 0 : i32
        %dma_start3A_1020 = tpu.memref_slice %arg2[%dma_start3A_1018, %dma_start3A_1019] : memref<262144x64xbf16, #tpu.memory_space<hbm>> -> memref<262144x64xbf16, #tpu.memory_space<hbm>>
        tpu.enqueue_indirect_dma source(%dma_start3A_1020 : memref<262144x64xbf16, #tpu.memory_space<hbm>>) target(%dma_start3A_1015 : memref<128x64xbf16, #tpu.memory_space<vmem>>) offsets(%dma_start3A_1017 : memref<128xi32, #tpu.memory_space<vmem>>) semaphore(%arg16 : memref<!tpu.dma_semaphore, #tpu.memory_space<semaphore_mem>>)
        %dma_start3A_1021 = arith.constant 128 : i32
        %dma_start3A_1022 = arith.constant 0 : i32
        %dma_start3A_1023 = tpu.memref_slice %arg12[%dma_start3A_1021, %dma_start3A_1022] : memref<1024x64xbf16, #tpu.memory_space<vmem>> -> memref<128x64xbf16, #tpu.memory_space<vmem>>
        %dma_start3A_1024 = arith.constant 128 : i32
        %dma_start3A_1025 = tpu.memref_slice %arg8[%dma_start3A_1024] : memref<1024xi32, #tpu.memory_space<vmem>> -> memref<128xi32, #tpu.memory_space<vmem>>
        %dma_start3A_1026 = arith.constant 0 : i32
        %dma_start3A_1027 = arith.constant 0 : i32
        %dma_start3A_1028 = tpu.memref_slice %arg2[%dma_start3A_1026, %dma_start3A_1027] : memref<262144x64xbf16, #tpu.memory_space<hbm>> -> memref<262144x64xbf16, #tpu.memory_space<hbm>>
        tpu.enqueue_indirect_dma source(%dma_start3A_1028 : memref<262144x64xbf16, #tpu.memory_space<hbm>>) target(%dma_start3A_1023 : memref<128x64xbf16, #tpu.memory_space<vmem>>) offsets(%dma_start3A_1025 : memref<128xi32, #tpu.memory_space<vmem>>) semaphore(%arg16 : memref<!tpu.dma_semaphore, #tpu.memory_space<semaphore_mem>>)
        %dma_start3A_1029 = arith.constant 256 : i32
        %dma_start3A_1030 = arith.constant 0 : i32
        %dma_start3A_1031 = tpu.memref_slice %arg12[%dma_start3A_1029, %dma_start3A_1030] : memref<1024x64xbf16, #tpu.memory_space<vmem>> -> memref<128x64xbf16, #tpu.memory_space<vmem>>
        %dma_start3A_1032 = arith.constant 256 : i32
        %dma_start3A_1033 = tpu.memref_slice %arg8[%dma_start3A_1032] : memref<1024xi32, #tpu.memory_space<vmem>> -> memref<128xi32, #tpu.memory_space<vmem>>
        %dma_start3A_1034 = arith.constant 0 : i32
        %dma_start3A_1035 = arith.constant 0 : i32
        %dma_start3A_1036 = tpu.memref_slice %arg2[%dma_start3A_1034, %dma_start3A_1035] : memref<262144x64xbf16, #tpu.memory_space<hbm>> -> memref<262144x64xbf16, #tpu.memory_space<hbm>>
        tpu.enqueue_indirect_dma source(%dma_start3A_1036 : memref<262144x64xbf16, #tpu.memory_space<hbm>>) target(%dma_start3A_1031 : memref<128x64xbf16, #tpu.memory_space<vmem>>) offsets(%dma_start3A_1033 : memref<128xi32, #tpu.memory_space<vmem>>) semaphore(%arg16 : memref<!tpu.dma_semaphore, #tpu.memory_space<semaphore_mem>>)
        %dma_start3A_1037 = arith.constant 384 : i32
        %dma_start3A_1038 = arith.constant 0 : i32
        %dma_start3A_1039 = tpu.memref_slice %arg12[%dma_start3A_1037, %dma_start3A_1038] : memref<1024x64xbf16, #tpu.memory_space<vmem>> -> memref<128x64xbf16, #tpu.memory_space<vmem>>
        %dma_start3A_1040 = arith.constant 384 : i32
        %dma_start3A_1041 = tpu.memref_slice %arg8[%dma_start3A_1040] : memref<1024xi32, #tpu.memory_space<vmem>> -> memref<128xi32, #tpu.memory_space<vmem>>
        %dma_start3A_1042 = arith.constant 0 : i32
        %dma_start3A_1043 = arith.constant 0 : i32
        %dma_start3A_1044 = tpu.memref_slice %arg2[%dma_start3A_1042, %dma_start3A_1043] : memref<262144x64xbf16, #tpu.memory_space<hbm>> -> memref<262144x64xbf16, #tpu.memory_space<hbm>>
        tpu.enqueue_indirect_dma source(%dma_start3A_1044 : memref<262144x64xbf16, #tpu.memory_space<hbm>>) target(%dma_start3A_1039 : memref<128x64xbf16, #tpu.memory_space<vmem>>) offsets(%dma_start3A_1041 : memref<128xi32, #tpu.memory_space<vmem>>) semaphore(%arg16 : memref<!tpu.dma_semaphore, #tpu.memory_space<semaphore_mem>>)
        %dma_start3A_1045 = arith.constant 512 : i32
        %dma_start3A_1046 = arith.constant 0 : i32
        %dma_start3A_1047 = tpu.memref_slice %arg12[%dma_start3A_1045, %dma_start3A_1046] : memref<1024x64xbf16, #tpu.memory_space<vmem>> -> memref<128x64xbf16, #tpu.memory_space<vmem>>
        %dma_start3A_1048 = arith.constant 512 : i32
        %dma_start3A_1049 = tpu.memref_slice %arg8[%dma_start3A_1048] : memref<1024xi32, #tpu.memory_space<vmem>> -> memref<128xi32, #tpu.memory_space<vmem>>
        %dma_start3A_1050 = arith.constant 0 : i32
        %dma_start3A_1051 = arith.constant 0 : i32
        %dma_start3A_1052 = tpu.memref_slice %arg2[%dma_start3A_1050, %dma_start3A_1051] : memref<262144x64xbf16, #tpu.memory_space<hbm>> -> memref<262144x64xbf16, #tpu.memory_space<hbm>>
        tpu.enqueue_indirect_dma source(%dma_start3A_1052 : memref<262144x64xbf16, #tpu.memory_space<hbm>>) target(%dma_start3A_1047 : memref<128x64xbf16, #tpu.memory_space<vmem>>) offsets(%dma_start3A_1049 : memref<128xi32, #tpu.memory_space<vmem>>) semaphore(%arg16 : memref<!tpu.dma_semaphore, #tpu.memory_space<semaphore_mem>>)
        %dma_start3A_1053 = arith.constant 640 : i32
        %dma_start3A_1054 = arith.constant 0 : i32
        %dma_start3A_1055 = tpu.memref_slice %arg12[%dma_start3A_1053, %dma_start3A_1054] : memref<1024x64xbf16, #tpu.memory_space<vmem>> -> memref<128x64xbf16, #tpu.memory_space<vmem>>
        %dma_start3A_1056 = arith.constant 640 : i32
        %dma_start3A_1057 = tpu.memref_slice %arg8[%dma_start3A_1056] : memref<1024xi32, #tpu.memory_space<vmem>> -> memref<128xi32, #tpu.memory_space<vmem>>
        %dma_start3A_1058 = arith.constant 0 : i32
        %dma_start3A_1059 = arith.constant 0 : i32
        %dma_start3A_1060 = tpu.memref_slice %arg2[%dma_start3A_1058, %dma_start3A_1059] : memref<262144x64xbf16, #tpu.memory_space<hbm>> -> memref<262144x64xbf16, #tpu.memory_space<hbm>>
        tpu.enqueue_indirect_dma source(%dma_start3A_1060 : memref<262144x64xbf16, #tpu.memory_space<hbm>>) target(%dma_start3A_1055 : memref<128x64xbf16, #tpu.memory_space<vmem>>) offsets(%dma_start3A_1057 : memref<128xi32, #tpu.memory_space<vmem>>) semaphore(%arg16 : memref<!tpu.dma_semaphore, #tpu.memory_space<semaphore_mem>>)
        %dma_start3A_1061 = arith.constant 768 : i32
        %dma_start3A_1062 = arith.constant 0 : i32
        %dma_start3A_1063 = tpu.memref_slice %arg12[%dma_start3A_1061, %dma_start3A_1062] : memref<1024x64xbf16, #tpu.memory_space<vmem>> -> memref<128x64xbf16, #tpu.memory_space<vmem>>
        %dma_start3A_1064 = arith.constant 768 : i32
        %dma_start3A_1065 = tpu.memref_slice %arg8[%dma_start3A_1064] : memref<1024xi32, #tpu.memory_space<vmem>> -> memref<128xi32, #tpu.memory_space<vmem>>
        %dma_start3A_1066 = arith.constant 0 : i32
        %dma_start3A_1067 = arith.constant 0 : i32
        %dma_start3A_1068 = tpu.memref_slice %arg2[%dma_start3A_1066, %dma_start3A_1067] : memref<262144x64xbf16, #tpu.memory_space<hbm>> -> memref<262144x64xbf16, #tpu.memory_space<hbm>>
        tpu.enqueue_indirect_dma source(%dma_start3A_1068 : memref<262144x64xbf16, #tpu.memory_space<hbm>>) target(%dma_start3A_1063 : memref<128x64xbf16, #tpu.memory_space<vmem>>) offsets(%dma_start3A_1065 : memref<128xi32, #tpu.memory_space<vmem>>) semaphore(%arg16 : memref<!tpu.dma_semaphore, #tpu.memory_space<semaphore_mem>>)
        %dma_start3A_1069 = arith.constant 896 : i32
        %dma_start3A_1070 = arith.constant 0 : i32
        %dma_start3A_1071 = tpu.memref_slice %arg12[%dma_start3A_1069, %dma_start3A_1070] : memref<1024x64xbf16, #tpu.memory_space<vmem>> -> memref<128x64xbf16, #tpu.memory_space<vmem>>
        %dma_start3A_1072 = arith.constant 896 : i32
        %dma_start3A_1073 = tpu.memref_slice %arg8[%dma_start3A_1072] : memref<1024xi32, #tpu.memory_space<vmem>> -> memref<128xi32, #tpu.memory_space<vmem>>
        %dma_start3A_1074 = arith.constant 0 : i32
        %dma_start3A_1075 = arith.constant 0 : i32
        %dma_start3A_1076 = tpu.memref_slice %arg2[%dma_start3A_1074, %dma_start3A_1075] : memref<262144x64xbf16, #tpu.memory_space<hbm>> -> memref<262144x64xbf16, #tpu.memory_space<hbm>>
        tpu.enqueue_indirect_dma source(%dma_start3A_1076 : memref<262144x64xbf16, #tpu.memory_space<hbm>>) target(%dma_start3A_1071 : memref<128x64xbf16, #tpu.memory_space<vmem>>) offsets(%dma_start3A_1073 : memref<128xi32, #tpu.memory_space<vmem>>) semaphore(%arg16 : memref<!tpu.dma_semaphore, #tpu.memory_space<semaphore_mem>>)
      } else {
      }
      %dma_wait3A_595 = arith.constant 0 : i32
      %dma_wait3A_596 = arith.constant 0 : i32
      %dma_wait3A_597 = tpu.memref_slice %arg4[%dma_wait3A_595, %dma_wait3A_596] : memref<16x262144xf32, #tpu.memory_space<hbm>> -> memref<16x64xf32, #tpu.memory_space<hbm>>
      %dma_wait3A_598 = arith.constant 0 : i32
      %dma_wait3A_599 = arith.constant 0 : i32
      %dma_wait3A_600 = tpu.memref_slice %arg4[%dma_wait3A_598, %dma_wait3A_599] : memref<16x262144xf32, #tpu.memory_space<hbm>> -> memref<16x64xf32, #tpu.memory_space<hbm>>
      tpu.wait_dma2 semaphore(%arg21 : memref<!tpu.dma_semaphore, #tpu.memory_space<semaphore_mem>>) src(%dma_wait3A_600 : memref<16x64xf32, #tpu.memory_space<hbm>>) dst(%arg11 : memref<16x64xf32, #tpu.memory_space<vmem>>)
      %ge3A_601 = arith.constant 2 : i32
      %ge3A_602 = arith.cmpi sge, %add3A_571, %ge3A_601 : i32
      %convert_element_type3A_603 = arith.extui %ge3A_602 : i1 to i32
      %cond3A_604 = arith.constant 0 : i32
      %cond3A_605 = arith.cmpi ne, %convert_element_type3A_603, %cond3A_604 : i32
      scf.if %cond3A_605 {
        %dma_wait3A_623 = arith.constant 0 : i32
        %dma_wait3A_624 = arith.constant 0 : i32
        %dma_wait3A_625 = tpu.memref_slice %arg5[%dma_wait3A_623, %dma_wait3A_624] : memref<64x262144xf32, #tpu.memory_space<hbm>> -> memref<64x64xf32, #tpu.memory_space<hbm>>
        %dma_wait3A_626 = arith.constant 0 : i32
        %dma_wait3A_627 = arith.constant 0 : i32
        %dma_wait3A_628 = tpu.memref_slice %arg5[%dma_wait3A_626, %dma_wait3A_627] : memref<64x262144xf32, #tpu.memory_space<hbm>> -> memref<64x64xf32, #tpu.memory_space<hbm>>
        tpu.wait_dma2 semaphore(%arg23 : memref<!tpu.dma_semaphore, #tpu.memory_space<semaphore_mem>>) src(%dma_wait3A_628 : memref<64x64xf32, #tpu.memory_space<hbm>>) dst(%arg15 : memref<64x64xf32, #tpu.memory_space<vmem>>)
      } else {
      }
      %scan3A_606 = arith.constant 0 : i32
      %scan3A_607 = arith.constant 0 : i32
      %scan3A_608 = arith.constant 16 : i32
      %scan3A_609 = arith.addi %scan3A_607, %scan3A_608 : i32
      %scan3A_610 = arith.constant 1 : i32
      scf.for %scan3A_623 = %scan3A_607 to %scan3A_609 step %scan3A_610  : i32 {
        %mul3A_624 = arith.constant 4 : i32
        %mul3A_625 = arith.muli %scan3A_623, %mul3A_624 : i32
        %add3A_626 = arith.constant 0 : i32
        %add3A_627 = arith.addi %mul3A_625, %add3A_626 : i32
        %broadcast_in_dim3A = vector.broadcast %add3A_627 : i32 to vector<16xi32>
        %gather3A = tpu.vector_load_idx %arg11[%iota3A, %broadcast_in_dim3A] : memref<16x64xf32, #tpu.memory_space<vmem>>[vector<16xi32>, vector<16xi32>], vector<16xf32>,
        %broadcast_in_dim3A_628 = vector.broadcast %add3A_627 : i32 to vector<16xi32>
        %broadcast_in_dim3A_629 = arith.constant 0 : i32
        %broadcast_in_dim3A_630 = vector.broadcast %broadcast_in_dim3A_629 : i32 to vector<16x1xi32>
        %gather3A_631 = vector.shape_cast %broadcast_in_dim3A_630 : vector<16x1xi32> to vector<16xi32>
        %gather3A_632 = tpu.dynamic_gather %gather3A[%gather3A_631] in [0] : vector<16xf32>, vector<16xi32> -> vector<16xf32>
        %pack3A = tpu.pack_subelements %gather3A_632, %gather3A_632 {pack_format = #tpu.pack_format<interleaved>, positions = array<i32: 0, 1>} : vector<16xf32>, vector<16xf32> -> vector<32xbf16>
        %add3A_633 = arith.constant 0 : i32
        %add3A_634 = arith.addi %add3A_633, %add3A_627 : i32
        %get3A_635 = arith.index_cast %add3A_634 : i32 to index
        %get3A_636 = arith.constant 0 : index
        %get3A_637 = tpu.vector_load %arg13[%get3A_635, %get3A_636] {strides = array<i32>} : memref<1024x64xbf16, #tpu.memory_space<vmem>>, vector<32xbf16>,
        %mul3A_638 = arith.mulf %get3A_637, %pack3A : vector<32xbf16>
        %add3A_639 = arith.constant 0 : i32
        %add3A_640 = arith.addi %add3A_639, %add3A_627 : i32
        %get3A_641 = arith.index_cast %add3A_640 : i32 to index
        %get3A_642 = arith.constant 32 : index
        %get3A_643 = tpu.vector_load %arg13[%get3A_641, %get3A_642] {strides = array<i32>} : memref<1024x64xbf16, #tpu.memory_space<vmem>>, vector<32xbf16>,
        %mul3A_644 = arith.mulf %get3A_643, %pack3A : vector<32xbf16>
        %broadcast_in_dim3A_645 = arith.constant 1 : i32
        %broadcast_in_dim3A_646 = vector.broadcast %broadcast_in_dim3A_645 : i32 to vector<16x1xi32>
        %gather3A_647 = vector.shape_cast %broadcast_in_dim3A_646 : vector<16x1xi32> to vector<16xi32>
        %gather3A_648 = tpu.dynamic_gather %gather3A[%gather3A_647] in [0] : vector<16xf32>, vector<16xi32> -> vector<16xf32>
        %pack3A_649 = tpu.pack_subelements %gather3A_648, %gather3A_648 {pack_format = #tpu.pack_format<interleaved>, positions = array<i32: 0, 1>} : vector<16xf32>, vector<16xf32> -> vector<32xbf16>
        %add3A_650 = arith.constant 64 : i32
        %add3A_651 = arith.addi %add3A_650, %add3A_627 : i32
        %get3A_652 = arith.index_cast %add3A_651 : i32 to index
        %get3A_653 = arith.constant 0 : index
        %get3A_654 = tpu.vector_load %arg13[%get3A_652, %get3A_653] {strides = array<i32>} : memref<1024x64xbf16, #tpu.memory_space<vmem>>, vector<32xbf16>,
        %mul3A_655 = arith.mulf %get3A_654, %pack3A_649 : vector<32xbf16>
        %add3A_656 = arith.addf %mul3A_638, %mul3A_655 : vector<32xbf16>
        %add3A_657 = arith.constant 64 : i32
        %add3A_658 = arith.addi %add3A_657, %add3A_627 : i32
        %get3A_659 = arith.index_cast %add3A_658 : i32 to index
        %get3A_660 = arith.constant 32 : index
        %get3A_661 = tpu.vector_load %arg13[%get3A_659, %get3A_660] {strides = array<i32>} : memref<1024x64xbf16, #tpu.memory_space<vmem>>, vector<32xbf16>,
        %mul3A_662 = arith.mulf %get3A_661, %pack3A_649 : vector<32xbf16>
        %add3A_663 = arith.addf %mul3A_644, %mul3A_662 : vector<32xbf16>
        %broadcast_in_dim3A_664 = arith.constant 2 : i32
        %broadcast_in_dim3A_665 = vector.broadcast %broadcast_in_dim3A_664 : i32 to vector<16x1xi32>
        %gather3A_666 = vector.shape_cast %broadcast_in_dim3A_665 : vector<16x1xi32> to vector<16xi32>
        %gather3A_667 = tpu.dynamic_gather %gather3A[%gather3A_666] in [0] : vector<16xf32>, vector<16xi32> -> vector<16xf32>
        %pack3A_668 = tpu.pack_subelements %gather3A_667, %gather3A_667 {pack_format = #tpu.pack_format<interleaved>, positions = array<i32: 0, 1>} : vector<16xf32>, vector<16xf32> -> vector<32xbf16>
        %add3A_669 = arith.constant 128 : i32
        %add3A_670 = arith.addi %add3A_669, %add3A_627 : i32
        %get3A_671 = arith.index_cast %add3A_670 : i32 to index
        %get3A_672 = arith.constant 0 : index
        %get3A_673 = tpu.vector_load %arg13[%get3A_671, %get3A_672] {strides = array<i32>} : memref<1024x64xbf16, #tpu.memory_space<vmem>>, vector<32xbf16>,
        %mul3A_674 = arith.mulf %get3A_673, %pack3A_668 : vector<32xbf16>
        %add3A_675 = arith.addf %add3A_656, %mul3A_674 : vector<32xbf16>
        %add3A_676 = arith.constant 128 : i32
        %add3A_677 = arith.addi %add3A_676, %add3A_627 : i32
        %get3A_678 = arith.index_cast %add3A_677 : i32 to index
        %get3A_679 = arith.constant 32 : index
        %get3A_680 = tpu.vector_load %arg13[%get3A_678, %get3A_679] {strides = array<i32>} : memref<1024x64xbf16, #tpu.memory_space<vmem>>, vector<32xbf16>,
        %mul3A_681 = arith.mulf %get3A_680, %pack3A_668 : vector<32xbf16>
        %add3A_682 = arith.addf %add3A_663, %mul3A_681 : vector<32xbf16>
        %broadcast_in_dim3A_683 = arith.constant 3 : i32
        %broadcast_in_dim3A_684 = vector.broadcast %broadcast_in_dim3A_683 : i32 to vector<16x1xi32>
        %gather3A_685 = vector.shape_cast %broadcast_in_dim3A_684 : vector<16x1xi32> to vector<16xi32>
        %gather3A_686 = tpu.dynamic_gather %gather3A[%gather3A_685] in [0] : vector<16xf32>, vector<16xi32> -> vector<16xf32>
        %pack3A_687 = tpu.pack_subelements %gather3A_686, %gather3A_686 {pack_format = #tpu.pack_format<interleaved>, positions = array<i32: 0, 1>} : vector<16xf32>, vector<16xf32> -> vector<32xbf16>
        %add3A_688 = arith.constant 192 : i32
        %add3A_689 = arith.addi %add3A_688, %add3A_627 : i32
        %get3A_690 = arith.index_cast %add3A_689 : i32 to index
        %get3A_691 = arith.constant 0 : index
        %get3A_692 = tpu.vector_load %arg13[%get3A_690, %get3A_691] {strides = array<i32>} : memref<1024x64xbf16, #tpu.memory_space<vmem>>, vector<32xbf16>,
        %mul3A_693 = arith.mulf %get3A_692, %pack3A_687 : vector<32xbf16>
        %add3A_694 = arith.addf %add3A_675, %mul3A_693 : vector<32xbf16>
        %add3A_695 = arith.constant 192 : i32
        %add3A_696 = arith.addi %add3A_695, %add3A_627 : i32
        %get3A_697 = arith.index_cast %add3A_696 : i32 to index
        %get3A_698 = arith.constant 32 : index
        %get3A_699 = tpu.vector_load %arg13[%get3A_697, %get3A_698] {strides = array<i32>} : memref<1024x64xbf16, #tpu.memory_space<vmem>>, vector<32xbf16>,
        %mul3A_700 = arith.mulf %get3A_699, %pack3A_687 : vector<32xbf16>
        %add3A_701 = arith.addf %add3A_682, %mul3A_700 : vector<32xbf16>
        %broadcast_in_dim3A_702 = arith.constant 4 : i32
        %broadcast_in_dim3A_703 = vector.broadcast %broadcast_in_dim3A_702 : i32 to vector<16x1xi32>
        %gather3A_704 = vector.shape_cast %broadcast_in_dim3A_703 : vector<16x1xi32> to vector<16xi32>
        %gather3A_705 = tpu.dynamic_gather %gather3A[%gather3A_704] in [0] : vector<16xf32>, vector<16xi32> -> vector<16xf32>
        %pack3A_706 = tpu.pack_subelements %gather3A_705, %gather3A_705 {pack_format = #tpu.pack_format<interleaved>, positions = array<i32: 0, 1>} : vector<16xf32>, vector<16xf32> -> vector<32xbf16>
        %add3A_707 = arith.constant 256 : i32
        %add3A_708 = arith.addi %add3A_707, %add3A_627 : i32
        %get3A_709 = arith.index_cast %add3A_708 : i32 to index
        %get3A_710 = arith.constant 0 : index
        %get3A_711 = tpu.vector_load %arg13[%get3A_709, %get3A_710] {strides = array<i32>} : memref<1024x64xbf16, #tpu.memory_space<vmem>>, vector<32xbf16>,
        %mul3A_712 = arith.mulf %get3A_711, %pack3A_706 : vector<32xbf16>
        %add3A_713 = arith.constant 256 : i32
        %add3A_714 = arith.addi %add3A_713, %add3A_627 : i32
        %get3A_715 = arith.index_cast %add3A_714 : i32 to index
        %get3A_716 = arith.constant 32 : index
        %get3A_717 = tpu.vector_load %arg13[%get3A_715, %get3A_716] {strides = array<i32>} : memref<1024x64xbf16, #tpu.memory_space<vmem>>, vector<32xbf16>,
        %mul3A_718 = arith.mulf %get3A_717, %pack3A_706 : vector<32xbf16>
        %broadcast_in_dim3A_719 = arith.constant 5 : i32
        %broadcast_in_dim3A_720 = vector.broadcast %broadcast_in_dim3A_719 : i32 to vector<16x1xi32>
        %gather3A_721 = vector.shape_cast %broadcast_in_dim3A_720 : vector<16x1xi32> to vector<16xi32>
        %gather3A_722 = tpu.dynamic_gather %gather3A[%gather3A_721] in [0] : vector<16xf32>, vector<16xi32> -> vector<16xf32>
        %pack3A_723 = tpu.pack_subelements %gather3A_722, %gather3A_722 {pack_format = #tpu.pack_format<interleaved>, positions = array<i32: 0, 1>} : vector<16xf32>, vector<16xf32> -> vector<32xbf16>
        %add3A_724 = arith.constant 320 : i32
        %add3A_725 = arith.addi %add3A_724, %add3A_627 : i32
        %get3A_726 = arith.index_cast %add3A_725 : i32 to index
        %get3A_727 = arith.constant 0 : index
        %get3A_728 = tpu.vector_load %arg13[%get3A_726, %get3A_727] {strides = array<i32>} : memref<1024x64xbf16, #tpu.memory_space<vmem>>, vector<32xbf16>,
        %mul3A_729 = arith.mulf %get3A_728, %pack3A_723 : vector<32xbf16>
        %add3A_730 = arith.addf %mul3A_712, %mul3A_729 : vector<32xbf16>
        %add3A_731 = arith.constant 320 : i32
        %add3A_732 = arith.addi %add3A_731, %add3A_627 : i32
        %get3A_733 = arith.index_cast %add3A_732 : i32 to index
        %get3A_734 = arith.constant 32 : index
        %get3A_735 = tpu.vector_load %arg13[%get3A_733, %get3A_734] {strides = array<i32>} : memref<1024x64xbf16, #tpu.memory_space<vmem>>, vector<32xbf16>,
        %mul3A_736 = arith.mulf %get3A_735, %pack3A_723 : vector<32xbf16>
        %add3A_737 = arith.addf %mul3A_718, %mul3A_736 : vector<32xbf16>
        %broadcast_in_dim3A_738 = arith.constant 6 : i32
        %broadcast_in_dim3A_739 = vector.broadcast %broadcast_in_dim3A_738 : i32 to vector<16x1xi32>
        %gather3A_740 = vector.shape_cast %broadcast_in_dim3A_739 : vector<16x1xi32> to vector<16xi32>
        %gather3A_741 = tpu.dynamic_gather %gather3A[%gather3A_740] in [0] : vector<16xf32>, vector<16xi32> -> vector<16xf32>
        %pack3A_742 = tpu.pack_subelements %gather3A_741, %gather3A_741 {pack_format = #tpu.pack_format<interleaved>, positions = array<i32: 0, 1>} : vector<16xf32>, vector<16xf32> -> vector<32xbf16>
        %add3A_743 = arith.constant 384 : i32
        %add3A_744 = arith.addi %add3A_743, %add3A_627 : i32
        %get3A_745 = arith.index_cast %add3A_744 : i32 to index
        %get3A_746 = arith.constant 0 : index
        %get3A_747 = tpu.vector_load %arg13[%get3A_745, %get3A_746] {strides = array<i32>} : memref<1024x64xbf16, #tpu.memory_space<vmem>>, vector<32xbf16>,
        %mul3A_748 = arith.mulf %get3A_747, %pack3A_742 : vector<32xbf16>
        %add3A_749 = arith.addf %add3A_730, %mul3A_748 : vector<32xbf16>
        %add3A_750 = arith.constant 384 : i32
        %add3A_751 = arith.addi %add3A_750, %add3A_627 : i32
        %get3A_752 = arith.index_cast %add3A_751 : i32 to index
        %get3A_753 = arith.constant 32 : index
        %get3A_754 = tpu.vector_load %arg13[%get3A_752, %get3A_753] {strides = array<i32>} : memref<1024x64xbf16, #tpu.memory_space<vmem>>, vector<32xbf16>,
        %mul3A_755 = arith.mulf %get3A_754, %pack3A_742 : vector<32xbf16>
        %add3A_756 = arith.addf %add3A_737, %mul3A_755 : vector<32xbf16>
        %broadcast_in_dim3A_757 = arith.constant 7 : i32
        %broadcast_in_dim3A_758 = vector.broadcast %broadcast_in_dim3A_757 : i32 to vector<16x1xi32>
        %gather3A_759 = vector.shape_cast %broadcast_in_dim3A_758 : vector<16x1xi32> to vector<16xi32>
        %gather3A_760 = tpu.dynamic_gather %gather3A[%gather3A_759] in [0] : vector<16xf32>, vector<16xi32> -> vector<16xf32>
        %pack3A_761 = tpu.pack_subelements %gather3A_760, %gather3A_760 {pack_format = #tpu.pack_format<interleaved>, positions = array<i32: 0, 1>} : vector<16xf32>, vector<16xf32> -> vector<32xbf16>
        %add3A_762 = arith.constant 448 : i32
        %add3A_763 = arith.addi %add3A_762, %add3A_627 : i32
        %get3A_764 = arith.index_cast %add3A_763 : i32 to index
        %get3A_765 = arith.constant 0 : index
        %get3A_766 = tpu.vector_load %arg13[%get3A_764, %get3A_765] {strides = array<i32>} : memref<1024x64xbf16, #tpu.memory_space<vmem>>, vector<32xbf16>,
        %mul3A_767 = arith.mulf %get3A_766, %pack3A_761 : vector<32xbf16>
        %add3A_768 = arith.addf %add3A_749, %mul3A_767 : vector<32xbf16>
        %add3A_769 = arith.constant 448 : i32
        %add3A_770 = arith.addi %add3A_769, %add3A_627 : i32
        %get3A_771 = arith.index_cast %add3A_770 : i32 to index
        %get3A_772 = arith.constant 32 : index
        %get3A_773 = tpu.vector_load %arg13[%get3A_771, %get3A_772] {strides = array<i32>} : memref<1024x64xbf16, #tpu.memory_space<vmem>>, vector<32xbf16>,
        %mul3A_774 = arith.mulf %get3A_773, %pack3A_761 : vector<32xbf16>
        %add3A_775 = arith.addf %add3A_756, %mul3A_774 : vector<32xbf16>
        %broadcast_in_dim3A_776 = arith.constant 8 : i32
        %broadcast_in_dim3A_777 = vector.broadcast %broadcast_in_dim3A_776 : i32 to vector<16x1xi32>
        %gather3A_778 = vector.shape_cast %broadcast_in_dim3A_777 : vector<16x1xi32> to vector<16xi32>
        %gather3A_779 = tpu.dynamic_gather %gather3A[%gather3A_778] in [0] : vector<16xf32>, vector<16xi32> -> vector<16xf32>
        %pack3A_780 = tpu.pack_subelements %gather3A_779, %gather3A_779 {pack_format = #tpu.pack_format<interleaved>, positions = array<i32: 0, 1>} : vector<16xf32>, vector<16xf32> -> vector<32xbf16>
        %add3A_781 = arith.constant 512 : i32
        %add3A_782 = arith.addi %add3A_781, %add3A_627 : i32
        %get3A_783 = arith.index_cast %add3A_782 : i32 to index
        %get3A_784 = arith.constant 0 : index
        %get3A_785 = tpu.vector_load %arg13[%get3A_783, %get3A_784] {strides = array<i32>} : memref<1024x64xbf16, #tpu.memory_space<vmem>>, vector<32xbf16>,
        %mul3A_786 = arith.mulf %get3A_785, %pack3A_780 : vector<32xbf16>
        %add3A_787 = arith.constant 512 : i32
        %add3A_788 = arith.addi %add3A_787, %add3A_627 : i32
        %get3A_789 = arith.index_cast %add3A_788 : i32 to index
        %get3A_790 = arith.constant 32 : index
        %get3A_791 = tpu.vector_load %arg13[%get3A_789, %get3A_790] {strides = array<i32>} : memref<1024x64xbf16, #tpu.memory_space<vmem>>, vector<32xbf16>,
        %mul3A_792 = arith.mulf %get3A_791, %pack3A_780 : vector<32xbf16>
        %broadcast_in_dim3A_793 = arith.constant 9 : i32
        %broadcast_in_dim3A_794 = vector.broadcast %broadcast_in_dim3A_793 : i32 to vector<16x1xi32>
        %gather3A_795 = vector.shape_cast %broadcast_in_dim3A_794 : vector<16x1xi32> to vector<16xi32>
        %gather3A_796 = tpu.dynamic_gather %gather3A[%gather3A_795] in [0] : vector<16xf32>, vector<16xi32> -> vector<16xf32>
        %pack3A_797 = tpu.pack_subelements %gather3A_796, %gather3A_796 {pack_format = #tpu.pack_format<interleaved>, positions = array<i32: 0, 1>} : vector<16xf32>, vector<16xf32> -> vector<32xbf16>
        %add3A_798 = arith.constant 576 : i32
        %add3A_799 = arith.addi %add3A_798, %add3A_627 : i32
        %get3A_800 = arith.index_cast %add3A_799 : i32 to index
        %get3A_801 = arith.constant 0 : index
        %get3A_802 = tpu.vector_load %arg13[%get3A_800, %get3A_801] {strides = array<i32>} : memref<1024x64xbf16, #tpu.memory_space<vmem>>, vector<32xbf16>,
        %mul3A_803 = arith.mulf %get3A_802, %pack3A_797 : vector<32xbf16>
        %add3A_804 = arith.addf %mul3A_786, %mul3A_803 : vector<32xbf16>
        %add3A_805 = arith.constant 576 : i32
        %add3A_806 = arith.addi %add3A_805, %add3A_627 : i32
        %get3A_807 = arith.index_cast %add3A_806 : i32 to index
        %get3A_808 = arith.constant 32 : index
        %get3A_809 = tpu.vector_load %arg13[%get3A_807, %get3A_808] {strides = array<i32>} : memref<1024x64xbf16, #tpu.memory_space<vmem>>, vector<32xbf16>,
        %mul3A_810 = arith.mulf %get3A_809, %pack3A_797 : vector<32xbf16>
        %add3A_811 = arith.addf %mul3A_792, %mul3A_810 : vector<32xbf16>
        %broadcast_in_dim3A_812 = arith.constant 10 : i32
        %broadcast_in_dim3A_813 = vector.broadcast %broadcast_in_dim3A_812 : i32 to vector<16x1xi32>
        %gather3A_814 = vector.shape_cast %broadcast_in_dim3A_813 : vector<16x1xi32> to vector<16xi32>
        %gather3A_815 = tpu.dynamic_gather %gather3A[%gather3A_814] in [0] : vector<16xf32>, vector<16xi32> -> vector<16xf32>
        %pack3A_816 = tpu.pack_subelements %gather3A_815, %gather3A_815 {pack_format = #tpu.pack_format<interleaved>, positions = array<i32: 0, 1>} : vector<16xf32>, vector<16xf32> -> vector<32xbf16>
        %add3A_817 = arith.constant 640 : i32
        %add3A_818 = arith.addi %add3A_817, %add3A_627 : i32
        %get3A_819 = arith.index_cast %add3A_818 : i32 to index
        %get3A_820 = arith.constant 0 : index
        %get3A_821 = tpu.vector_load %arg13[%get3A_819, %get3A_820] {strides = array<i32>} : memref<1024x64xbf16, #tpu.memory_space<vmem>>, vector<32xbf16>,
        %mul3A_822 = arith.mulf %get3A_821, %pack3A_816 : vector<32xbf16>
        %add3A_823 = arith.addf %add3A_804, %mul3A_822 : vector<32xbf16>
        %add3A_824 = arith.constant 640 : i32
        %add3A_825 = arith.addi %add3A_824, %add3A_627 : i32
        %get3A_826 = arith.index_cast %add3A_825 : i32 to index
        %get3A_827 = arith.constant 32 : index
        %get3A_828 = tpu.vector_load %arg13[%get3A_826, %get3A_827] {strides = array<i32>} : memref<1024x64xbf16, #tpu.memory_space<vmem>>, vector<32xbf16>,
        %mul3A_829 = arith.mulf %get3A_828, %pack3A_816 : vector<32xbf16>
        %add3A_830 = arith.addf %add3A_811, %mul3A_829 : vector<32xbf16>
        %broadcast_in_dim3A_831 = arith.constant 11 : i32
        %broadcast_in_dim3A_832 = vector.broadcast %broadcast_in_dim3A_831 : i32 to vector<16x1xi32>
        %gather3A_833 = vector.shape_cast %broadcast_in_dim3A_832 : vector<16x1xi32> to vector<16xi32>
        %gather3A_834 = tpu.dynamic_gather %gather3A[%gather3A_833] in [0] : vector<16xf32>, vector<16xi32> -> vector<16xf32>
        %pack3A_835 = tpu.pack_subelements %gather3A_834, %gather3A_834 {pack_format = #tpu.pack_format<interleaved>, positions = array<i32: 0, 1>} : vector<16xf32>, vector<16xf32> -> vector<32xbf16>
        %add3A_836 = arith.constant 704 : i32
        %add3A_837 = arith.addi %add3A_836, %add3A_627 : i32
        %get3A_838 = arith.index_cast %add3A_837 : i32 to index
        %get3A_839 = arith.constant 0 : index
        %get3A_840 = tpu.vector_load %arg13[%get3A_838, %get3A_839] {strides = array<i32>} : memref<1024x64xbf16, #tpu.memory_space<vmem>>, vector<32xbf16>,
        %mul3A_841 = arith.mulf %get3A_840, %pack3A_835 : vector<32xbf16>
        %add3A_842 = arith.addf %add3A_823, %mul3A_841 : vector<32xbf16>
        %add3A_843 = arith.constant 704 : i32
        %add3A_844 = arith.addi %add3A_843, %add3A_627 : i32
        %get3A_845 = arith.index_cast %add3A_844 : i32 to index
        %get3A_846 = arith.constant 32 : index
        %get3A_847 = tpu.vector_load %arg13[%get3A_845, %get3A_846] {strides = array<i32>} : memref<1024x64xbf16, #tpu.memory_space<vmem>>, vector<32xbf16>,
        %mul3A_848 = arith.mulf %get3A_847, %pack3A_835 : vector<32xbf16>
        %add3A_849 = arith.addf %add3A_830, %mul3A_848 : vector<32xbf16>
        %broadcast_in_dim3A_850 = arith.constant 12 : i32
        %broadcast_in_dim3A_851 = vector.broadcast %broadcast_in_dim3A_850 : i32 to vector<16x1xi32>
        %gather3A_852 = vector.shape_cast %broadcast_in_dim3A_851 : vector<16x1xi32> to vector<16xi32>
        %gather3A_853 = tpu.dynamic_gather %gather3A[%gather3A_852] in [0] : vector<16xf32>, vector<16xi32> -> vector<16xf32>
        %pack3A_854 = tpu.pack_subelements %gather3A_853, %gather3A_853 {pack_format = #tpu.pack_format<interleaved>, positions = array<i32: 0, 1>} : vector<16xf32>, vector<16xf32> -> vector<32xbf16>
        %add3A_855 = arith.constant 768 : i32
        %add3A_856 = arith.addi %add3A_855, %add3A_627 : i32
        %get3A_857 = arith.index_cast %add3A_856 : i32 to index
        %get3A_858 = arith.constant 0 : index
        %get3A_859 = tpu.vector_load %arg13[%get3A_857, %get3A_858] {strides = array<i32>} : memref<1024x64xbf16, #tpu.memory_space<vmem>>, vector<32xbf16>,
        %mul3A_860 = arith.mulf %get3A_859, %pack3A_854 : vector<32xbf16>
        %add3A_861 = arith.constant 768 : i32
        %add3A_862 = arith.addi %add3A_861, %add3A_627 : i32
        %get3A_863 = arith.index_cast %add3A_862 : i32 to index
        %get3A_864 = arith.constant 32 : index
        %get3A_865 = tpu.vector_load %arg13[%get3A_863, %get3A_864] {strides = array<i32>} : memref<1024x64xbf16, #tpu.memory_space<vmem>>, vector<32xbf16>,
        %mul3A_866 = arith.mulf %get3A_865, %pack3A_854 : vector<32xbf16>
        %broadcast_in_dim3A_867 = arith.constant 13 : i32
        %broadcast_in_dim3A_868 = vector.broadcast %broadcast_in_dim3A_867 : i32 to vector<16x1xi32>
        %gather3A_869 = vector.shape_cast %broadcast_in_dim3A_868 : vector<16x1xi32> to vector<16xi32>
        %gather3A_870 = tpu.dynamic_gather %gather3A[%gather3A_869] in [0] : vector<16xf32>, vector<16xi32> -> vector<16xf32>
        %pack3A_871 = tpu.pack_subelements %gather3A_870, %gather3A_870 {pack_format = #tpu.pack_format<interleaved>, positions = array<i32: 0, 1>} : vector<16xf32>, vector<16xf32> -> vector<32xbf16>
        %add3A_872 = arith.constant 832 : i32
        %add3A_873 = arith.addi %add3A_872, %add3A_627 : i32
        %get3A_874 = arith.index_cast %add3A_873 : i32 to index
        %get3A_875 = arith.constant 0 : index
        %get3A_876 = tpu.vector_load %arg13[%get3A_874, %get3A_875] {strides = array<i32>} : memref<1024x64xbf16, #tpu.memory_space<vmem>>, vector<32xbf16>,
        %mul3A_877 = arith.mulf %get3A_876, %pack3A_871 : vector<32xbf16>
        %add3A_878 = arith.addf %mul3A_860, %mul3A_877 : vector<32xbf16>
        %add3A_879 = arith.constant 832 : i32
        %add3A_880 = arith.addi %add3A_879, %add3A_627 : i32
        %get3A_881 = arith.index_cast %add3A_880 : i32 to index
        %get3A_882 = arith.constant 32 : index
        %get3A_883 = tpu.vector_load %arg13[%get3A_881, %get3A_882] {strides = array<i32>} : memref<1024x64xbf16, #tpu.memory_space<vmem>>, vector<32xbf16>,
        %mul3A_884 = arith.mulf %get3A_883, %pack3A_871 : vector<32xbf16>
        %add3A_885 = arith.addf %mul3A_866, %mul3A_884 : vector<32xbf16>
        %broadcast_in_dim3A_886 = arith.constant 14 : i32
        %broadcast_in_dim3A_887 = vector.broadcast %broadcast_in_dim3A_886 : i32 to vector<16x1xi32>
        %gather3A_888 = vector.shape_cast %broadcast_in_dim3A_887 : vector<16x1xi32> to vector<16xi32>
        %gather3A_889 = tpu.dynamic_gather %gather3A[%gather3A_888] in [0] : vector<16xf32>, vector<16xi32> -> vector<16xf32>
        %pack3A_890 = tpu.pack_subelements %gather3A_889, %gather3A_889 {pack_format = #tpu.pack_format<interleaved>, positions = array<i32: 0, 1>} : vector<16xf32>, vector<16xf32> -> vector<32xbf16>
        %add3A_891 = arith.constant 896 : i32
        %add3A_892 = arith.addi %add3A_891, %add3A_627 : i32
        %get3A_893 = arith.index_cast %add3A_892 : i32 to index
        %get3A_894 = arith.constant 0 : index
        %get3A_895 = tpu.vector_load %arg13[%get3A_893, %get3A_894] {strides = array<i32>} : memref<1024x64xbf16, #tpu.memory_space<vmem>>, vector<32xbf16>,
        %mul3A_896 = arith.mulf %get3A_895, %pack3A_890 : vector<32xbf16>
        %add3A_897 = arith.addf %add3A_878, %mul3A_896 : vector<32xbf16>
        %add3A_898 = arith.constant 896 : i32
        %add3A_899 = arith.addi %add3A_898, %add3A_627 : i32
        %get3A_900 = arith.index_cast %add3A_899 : i32 to index
        %get3A_901 = arith.constant 32 : index
        %get3A_902 = tpu.vector_load %arg13[%get3A_900, %get3A_901] {strides = array<i32>} : memref<1024x64xbf16, #tpu.memory_space<vmem>>, vector<32xbf16>,
        %mul3A_903 = arith.mulf %get3A_902, %pack3A_890 : vector<32xbf16>
        %add3A_904 = arith.addf %add3A_885, %mul3A_903 : vector<32xbf16>
        %broadcast_in_dim3A_905 = arith.constant 15 : i32
        %broadcast_in_dim3A_906 = vector.broadcast %broadcast_in_dim3A_905 : i32 to vector<16x1xi32>
        %gather3A_907 = vector.shape_cast %broadcast_in_dim3A_906 : vector<16x1xi32> to vector<16xi32>
        %gather3A_908 = tpu.dynamic_gather %gather3A[%gather3A_907] in [0] : vector<16xf32>, vector<16xi32> -> vector<16xf32>
        %pack3A_909 = tpu.pack_subelements %gather3A_908, %gather3A_908 {pack_format = #tpu.pack_format<interleaved>, positions = array<i32: 0, 1>} : vector<16xf32>, vector<16xf32> -> vector<32xbf16>
        %add3A_910 = arith.constant 960 : i32
        %add3A_911 = arith.addi %add3A_910, %add3A_627 : i32
        %get3A_912 = arith.index_cast %add3A_911 : i32 to index
        %get3A_913 = arith.constant 0 : index
        %get3A_914 = tpu.vector_load %arg13[%get3A_912, %get3A_913] {strides = array<i32>} : memref<1024x64xbf16, #tpu.memory_space<vmem>>, vector<32xbf16>,
        %mul3A_915 = arith.mulf %get3A_914, %pack3A_909 : vector<32xbf16>
        %add3A_916 = arith.addf %add3A_897, %mul3A_915 : vector<32xbf16>
        %add3A_917 = arith.constant 960 : i32
        %add3A_918 = arith.addi %add3A_917, %add3A_627 : i32
        %get3A_919 = arith.index_cast %add3A_918 : i32 to index
        %get3A_920 = arith.constant 32 : index
        %get3A_921 = tpu.vector_load %arg13[%get3A_919, %get3A_920] {strides = array<i32>} : memref<1024x64xbf16, #tpu.memory_space<vmem>>, vector<32xbf16>,
        %mul3A_922 = arith.mulf %get3A_921, %pack3A_909 : vector<32xbf16>
        %add3A_923 = arith.addf %add3A_904, %mul3A_922 : vector<32xbf16>
        %add3A_924 = arith.addf %add3A_694, %add3A_768 : vector<32xbf16>
        %add3A_925 = arith.addf %add3A_842, %add3A_916 : vector<32xbf16>
        %add3A_926 = arith.addf %add3A_924, %add3A_925 : vector<32xbf16>
        %unpack3A = tpu.unpack_subelements %add3A_926, 0 {pack_format = #tpu.pack_format<interleaved>} : vector<32xbf16> -> vector<16xf32>
        %unpack3A_927 = tpu.unpack_subelements %add3A_926, 1 {pack_format = #tpu.pack_format<interleaved>} : vector<32xbf16> -> vector<16xf32>
        tpu.vector_store_idx %arg15[%add3A_472, %broadcast_in_dim3A_628], %unpack3A : memref<64x64xf32, #tpu.memory_space<vmem>>[vector<16xi32>, vector<16xi32>], vector<16xf32>,
        tpu.vector_store_idx %arg15[%add3A_489, %broadcast_in_dim3A_628], %unpack3A_927 : memref<64x64xf32, #tpu.memory_space<vmem>>[vector<16xi32>, vector<16xi32>], vector<16xf32>,
        %add3A_928 = arith.addf %add3A_701, %add3A_775 : vector<32xbf16>
        %add3A_929 = arith.addf %add3A_849, %add3A_923 : vector<32xbf16>
        %add3A_930 = arith.addf %add3A_928, %add3A_929 : vector<32xbf16>
        %unpack3A_931 = tpu.unpack_subelements %add3A_930, 0 {pack_format = #tpu.pack_format<interleaved>} : vector<32xbf16> -> vector<16xf32>
        %unpack3A_932 = tpu.unpack_subelements %add3A_930, 1 {pack_format = #tpu.pack_format<interleaved>} : vector<32xbf16> -> vector<16xf32>
        tpu.vector_store_idx %arg15[%add3A_479, %broadcast_in_dim3A_628], %unpack3A_931 : memref<64x64xf32, #tpu.memory_space<vmem>>[vector<16xi32>, vector<16xi32>], vector<16xf32>,
        tpu.vector_store_idx %arg15[%add3A_499, %broadcast_in_dim3A_628], %unpack3A_932 : memref<64x64xf32, #tpu.memory_space<vmem>>[vector<16xi32>, vector<16xi32>], vector<16xf32>,
        %mul3A_933 = arith.constant 4 : i32
        %mul3A_934 = arith.muli %scan3A_623, %mul3A_933 : i32
        %add3A_935 = arith.constant 1 : i32
        %add3A_936 = arith.addi %mul3A_934, %add3A_935 : i32
        %broadcast_in_dim3A_937 = vector.broadcast %add3A_936 : i32 to vector<16xi32>
        %gather3A_938 = tpu.vector_load_idx %arg11[%iota3A, %broadcast_in_dim3A_937] : memref<16x64xf32, #tpu.memory_space<vmem>>[vector<16xi32>, vector<16xi32>], vector<16xf32>,
        %broadcast_in_dim3A_939 = vector.broadcast %add3A_936 : i32 to vector<16xi32>
        %broadcast_in_dim3A_940 = arith.constant 0 : i32
        %broadcast_in_dim3A_941 = vector.broadcast %broadcast_in_dim3A_940 : i32 to vector<16x1xi32>
        %gather3A_942 = vector.shape_cast %broadcast_in_dim3A_941 : vector<16x1xi32> to vector<16xi32>
        %gather3A_943 = tpu.dynamic_gather %gather3A_938[%gather3A_942] in [0] : vector<16xf32>, vector<16xi32> -> vector<16xf32>
        %pack3A_944 = tpu.pack_subelements %gather3A_943, %gather3A_943 {pack_format = #tpu.pack_format<interleaved>, positions = array<i32: 0, 1>} : vector<16xf32>, vector<16xf32> -> vector<32xbf16>
        %add3A_945 = arith.constant 0 : i32
        %add3A_946 = arith.addi %add3A_945, %add3A_936 : i32
        %get3A_947 = arith.index_cast %add3A_946 : i32 to index
        %get3A_948 = arith.constant 0 : index
        %get3A_949 = tpu.vector_load %arg13[%get3A_947, %get3A_948] {strides = array<i32>} : memref<1024x64xbf16, #tpu.memory_space<vmem>>, vector<32xbf16>,
        %mul3A_950 = arith.mulf %get3A_949, %pack3A_944 : vector<32xbf16>
        %add3A_951 = arith.constant 0 : i32
        %add3A_952 = arith.addi %add3A_951, %add3A_936 : i32
        %get3A_953 = arith.index_cast %add3A_952 : i32 to index
        %get3A_954 = arith.constant 32 : index
        %get3A_955 = tpu.vector_load %arg13[%get3A_953, %get3A_954] {strides = array<i32>} : memref<1024x64xbf16, #tpu.memory_space<vmem>>, vector<32xbf16>,
        %mul3A_956 = arith.mulf %get3A_955, %pack3A_944 : vector<32xbf16>
        %broadcast_in_dim3A_957 = arith.constant 1 : i32
        %broadcast_in_dim3A_958 = vector.broadcast %broadcast_in_dim3A_957 : i32 to vector<16x1xi32>
        %gather3A_959 = vector.shape_cast %broadcast_in_dim3A_958 : vector<16x1xi32> to vector<16xi32>
        %gather3A_960 = tpu.dynamic_gather %gather3A_938[%gather3A_959] in [0] : vector<16xf32>, vector<16xi32> -> vector<16xf32>
        %pack3A_961 = tpu.pack_subelements %gather3A_960, %gather3A_960 {pack_format = #tpu.pack_format<interleaved>, positions = array<i32: 0, 1>} : vector<16xf32>, vector<16xf32> -> vector<32xbf16>
        %add3A_962 = arith.constant 64 : i32
        %add3A_963 = arith.addi %add3A_962, %add3A_936 : i32
        %get3A_964 = arith.index_cast %add3A_963 : i32 to index
        %get3A_965 = arith.constant 0 : index
        %get3A_966 = tpu.vector_load %arg13[%get3A_964, %get3A_965] {strides = array<i32>} : memref<1024x64xbf16, #tpu.memory_space<vmem>>, vector<32xbf16>,
        %mul3A_967 = arith.mulf %get3A_966, %pack3A_961 : vector<32xbf16>
        %add3A_968 = arith.addf %mul3A_950, %mul3A_967 : vector<32xbf16>
        %add3A_969 = arith.constant 64 : i32
        %add3A_970 = arith.addi %add3A_969, %add3A_936 : i32
        %get3A_971 = arith.index_cast %add3A_970 : i32 to index
        %get3A_972 = arith.constant 32 : index
        %get3A_973 = tpu.vector_load %arg13[%get3A_971, %get3A_972] {strides = array<i32>} : memref<1024x64xbf16, #tpu.memory_space<vmem>>, vector<32xbf16>,
        %mul3A_974 = arith.mulf %get3A_973, %pack3A_961 : vector<32xbf16>
        %add3A_975 = arith.addf %mul3A_956, %mul3A_974 : vector<32xbf16>
        %broadcast_in_dim3A_976 = arith.constant 2 : i32
        %broadcast_in_dim3A_977 = vector.broadcast %broadcast_in_dim3A_976 : i32 to vector<16x1xi32>
        %gather3A_978 = vector.shape_cast %broadcast_in_dim3A_977 : vector<16x1xi32> to vector<16xi32>
        %gather3A_979 = tpu.dynamic_gather %gather3A_938[%gather3A_978] in [0] : vector<16xf32>, vector<16xi32> -> vector<16xf32>
        %pack3A_980 = tpu.pack_subelements %gather3A_979, %gather3A_979 {pack_format = #tpu.pack_format<interleaved>, positions = array<i32: 0, 1>} : vector<16xf32>, vector<16xf32> -> vector<32xbf16>
        %add3A_981 = arith.constant 128 : i32
        %add3A_982 = arith.addi %add3A_981, %add3A_936 : i32
        %get3A_983 = arith.index_cast %add3A_982 : i32 to index
        %get3A_984 = arith.constant 0 : index
        %get3A_985 = tpu.vector_load %arg13[%get3A_983, %get3A_984] {strides = array<i32>} : memref<1024x64xbf16, #tpu.memory_space<vmem>>, vector<32xbf16>,
        %mul3A_986 = arith.mulf %get3A_985, %pack3A_980 : vector<32xbf16>
        %add3A_987 = arith.addf %add3A_968, %mul3A_986 : vector<32xbf16>
        %add3A_988 = arith.constant 128 : i32
        %add3A_989 = arith.addi %add3A_988, %add3A_936 : i32
        %get3A_990 = arith.index_cast %add3A_989 : i32 to index
        %get3A_991 = arith.constant 32 : index
        %get3A_992 = tpu.vector_load %arg13[%get3A_990, %get3A_991] {strides = array<i32>} : memref<1024x64xbf16, #tpu.memory_space<vmem>>, vector<32xbf16>,
        %mul3A_993 = arith.mulf %get3A_992, %pack3A_980 : vector<32xbf16>
        %add3A_994 = arith.addf %add3A_975, %mul3A_993 : vector<32xbf16>
        %broadcast_in_dim3A_995 = arith.constant 3 : i32
        %broadcast_in_dim3A_996 = vector.broadcast %broadcast_in_dim3A_995 : i32 to vector<16x1xi32>
        %gather3A_997 = vector.shape_cast %broadcast_in_dim3A_996 : vector<16x1xi32> to vector<16xi32>
        %gather3A_998 = tpu.dynamic_gather %gather3A_938[%gather3A_997] in [0] : vector<16xf32>, vector<16xi32> -> vector<16xf32>
        %pack3A_999 = tpu.pack_subelements %gather3A_998, %gather3A_998 {pack_format = #tpu.pack_format<interleaved>, positions = array<i32: 0, 1>} : vector<16xf32>, vector<16xf32> -> vector<32xbf16>
        %add3A_1000 = arith.constant 192 : i32
        %add3A_1001 = arith.addi %add3A_1000, %add3A_936 : i32
        %get3A_1002 = arith.index_cast %add3A_1001 : i32 to index
        %get3A_1003 = arith.constant 0 : index
        %get3A_1004 = tpu.vector_load %arg13[%get3A_1002, %get3A_1003] {strides = array<i32>} : memref<1024x64xbf16, #tpu.memory_space<vmem>>, vector<32xbf16>,
        %mul3A_1005 = arith.mulf %get3A_1004, %pack3A_999 : vector<32xbf16>
        %add3A_1006 = arith.addf %add3A_987, %mul3A_1005 : vector<32xbf16>
        %add3A_1007 = arith.constant 192 : i32
        %add3A_1008 = arith.addi %add3A_1007, %add3A_936 : i32
        %get3A_1009 = arith.index_cast %add3A_1008 : i32 to index
        %get3A_1010 = arith.constant 32 : index
        %get3A_1011 = tpu.vector_load %arg13[%get3A_1009, %get3A_1010] {strides = array<i32>} : memref<1024x64xbf16, #tpu.memory_space<vmem>>, vector<32xbf16>,
        %mul3A_1012 = arith.mulf %get3A_1011, %pack3A_999 : vector<32xbf16>
        %add3A_1013 = arith.addf %add3A_994, %mul3A_1012 : vector<32xbf16>
        %broadcast_in_dim3A_1014 = arith.constant 4 : i32
        %broadcast_in_dim3A_1015 = vector.broadcast %broadcast_in_dim3A_1014 : i32 to vector<16x1xi32>
        %gather3A_1016 = vector.shape_cast %broadcast_in_dim3A_1015 : vector<16x1xi32> to vector<16xi32>
        %gather3A_1017 = tpu.dynamic_gather %gather3A_938[%gather3A_1016] in [0] : vector<16xf32>, vector<16xi32> -> vector<16xf32>
        %pack3A_1018 = tpu.pack_subelements %gather3A_1017, %gather3A_1017 {pack_format = #tpu.pack_format<interleaved>, positions = array<i32: 0, 1>} : vector<16xf32>, vector<16xf32> -> vector<32xbf16>
        %add3A_1019 = arith.constant 256 : i32
        %add3A_1020 = arith.addi %add3A_1019, %add3A_936 : i32
        %get3A_1021 = arith.index_cast %add3A_1020 : i32 to index
        %get3A_1022 = arith.constant 0 : index
        %get3A_1023 = tpu.vector_load %arg13[%get3A_1021, %get3A_1022] {strides = array<i32>} : memref<1024x64xbf16, #tpu.memory_space<vmem>>, vector<32xbf16>,
        %mul3A_1024 = arith.mulf %get3A_1023, %pack3A_1018 : vector<32xbf16>
        %add3A_1025 = arith.constant 256 : i32
        %add3A_1026 = arith.addi %add3A_1025, %add3A_936 : i32
        %get3A_1027 = arith.index_cast %add3A_1026 : i32 to index
        %get3A_1028 = arith.constant 32 : index
        %get3A_1029 = tpu.vector_load %arg13[%get3A_1027, %get3A_1028] {strides = array<i32>} : memref<1024x64xbf16, #tpu.memory_space<vmem>>, vector<32xbf16>,
        %mul3A_1030 = arith.mulf %get3A_1029, %pack3A_1018 : vector<32xbf16>
        %broadcast_in_dim3A_1031 = arith.constant 5 : i32
        %broadcast_in_dim3A_1032 = vector.broadcast %broadcast_in_dim3A_1031 : i32 to vector<16x1xi32>
        %gather3A_1033 = vector.shape_cast %broadcast_in_dim3A_1032 : vector<16x1xi32> to vector<16xi32>
        %gather3A_1034 = tpu.dynamic_gather %gather3A_938[%gather3A_1033] in [0] : vector<16xf32>, vector<16xi32> -> vector<16xf32>
        %pack3A_1035 = tpu.pack_subelements %gather3A_1034, %gather3A_1034 {pack_format = #tpu.pack_format<interleaved>, positions = array<i32: 0, 1>} : vector<16xf32>, vector<16xf32> -> vector<32xbf16>
        %add3A_1036 = arith.constant 320 : i32
        %add3A_1037 = arith.addi %add3A_1036, %add3A_936 : i32
        %get3A_1038 = arith.index_cast %add3A_1037 : i32 to index
        %get3A_1039 = arith.constant 0 : index
        %get3A_1040 = tpu.vector_load %arg13[%get3A_1038, %get3A_1039] {strides = array<i32>} : memref<1024x64xbf16, #tpu.memory_space<vmem>>, vector<32xbf16>,
        %mul3A_1041 = arith.mulf %get3A_1040, %pack3A_1035 : vector<32xbf16>
        %add3A_1042 = arith.addf %mul3A_1024, %mul3A_1041 : vector<32xbf16>
        %add3A_1043 = arith.constant 320 : i32
        %add3A_1044 = arith.addi %add3A_1043, %add3A_936 : i32
        %get3A_1045 = arith.index_cast %add3A_1044 : i32 to index
        %get3A_1046 = arith.constant 32 : index
        %get3A_1047 = tpu.vector_load %arg13[%get3A_1045, %get3A_1046] {strides = array<i32>} : memref<1024x64xbf16, #tpu.memory_space<vmem>>, vector<32xbf16>,
        %mul3A_1048 = arith.mulf %get3A_1047, %pack3A_1035 : vector<32xbf16>
        %add3A_1049 = arith.addf %mul3A_1030, %mul3A_1048 : vector<32xbf16>
        %broadcast_in_dim3A_1050 = arith.constant 6 : i32
        %broadcast_in_dim3A_1051 = vector.broadcast %broadcast_in_dim3A_1050 : i32 to vector<16x1xi32>
        %gather3A_1052 = vector.shape_cast %broadcast_in_dim3A_1051 : vector<16x1xi32> to vector<16xi32>
        %gather3A_1053 = tpu.dynamic_gather %gather3A_938[%gather3A_1052] in [0] : vector<16xf32>, vector<16xi32> -> vector<16xf32>
        %pack3A_1054 = tpu.pack_subelements %gather3A_1053, %gather3A_1053 {pack_format = #tpu.pack_format<interleaved>, positions = array<i32: 0, 1>} : vector<16xf32>, vector<16xf32> -> vector<32xbf16>
        %add3A_1055 = arith.constant 384 : i32
        %add3A_1056 = arith.addi %add3A_1055, %add3A_936 : i32
        %get3A_1057 = arith.index_cast %add3A_1056 : i32 to index
        %get3A_1058 = arith.constant 0 : index
        %get3A_1059 = tpu.vector_load %arg13[%get3A_1057, %get3A_1058] {strides = array<i32>} : memref<1024x64xbf16, #tpu.memory_space<vmem>>, vector<32xbf16>,
        %mul3A_1060 = arith.mulf %get3A_1059, %pack3A_1054 : vector<32xbf16>
        %add3A_1061 = arith.addf %add3A_1042, %mul3A_1060 : vector<32xbf16>
        %add3A_1062 = arith.constant 384 : i32
        %add3A_1063 = arith.addi %add3A_1062, %add3A_936 : i32
        %get3A_1064 = arith.index_cast %add3A_1063 : i32 to index
        %get3A_1065 = arith.constant 32 : index
        %get3A_1066 = tpu.vector_load %arg13[%get3A_1064, %get3A_1065] {strides = array<i32>} : memref<1024x64xbf16, #tpu.memory_space<vmem>>, vector<32xbf16>,
        %mul3A_1067 = arith.mulf %get3A_1066, %pack3A_1054 : vector<32xbf16>
        %add3A_1068 = arith.addf %add3A_1049, %mul3A_1067 : vector<32xbf16>
        %broadcast_in_dim3A_1069 = arith.constant 7 : i32
        %broadcast_in_dim3A_1070 = vector.broadcast %broadcast_in_dim3A_1069 : i32 to vector<16x1xi32>
        %gather3A_1071 = vector.shape_cast %broadcast_in_dim3A_1070 : vector<16x1xi32> to vector<16xi32>
        %gather3A_1072 = tpu.dynamic_gather %gather3A_938[%gather3A_1071] in [0] : vector<16xf32>, vector<16xi32> -> vector<16xf32>
        %pack3A_1073 = tpu.pack_subelements %gather3A_1072, %gather3A_1072 {pack_format = #tpu.pack_format<interleaved>, positions = array<i32: 0, 1>} : vector<16xf32>, vector<16xf32> -> vector<32xbf16>
        %add3A_1074 = arith.constant 448 : i32
        %add3A_1075 = arith.addi %add3A_1074, %add3A_936 : i32
        %get3A_1076 = arith.index_cast %add3A_1075 : i32 to index
        %get3A_1077 = arith.constant 0 : index
        %get3A_1078 = tpu.vector_load %arg13[%get3A_1076, %get3A_1077] {strides = array<i32>} : memref<1024x64xbf16, #tpu.memory_space<vmem>>, vector<32xbf16>,
        %mul3A_1079 = arith.mulf %get3A_1078, %pack3A_1073 : vector<32xbf16>
        %add3A_1080 = arith.addf %add3A_1061, %mul3A_1079 : vector<32xbf16>
        %add3A_1081 = arith.constant 448 : i32
        %add3A_1082 = arith.addi %add3A_1081, %add3A_936 : i32
        %get3A_1083 = arith.index_cast %add3A_1082 : i32 to index
        %get3A_1084 = arith.constant 32 : index
        %get3A_1085 = tpu.vector_load %arg13[%get3A_1083, %get3A_1084] {strides = array<i32>} : memref<1024x64xbf16, #tpu.memory_space<vmem>>, vector<32xbf16>,
        %mul3A_1086 = arith.mulf %get3A_1085, %pack3A_1073 : vector<32xbf16>
        %add3A_1087 = arith.addf %add3A_1068, %mul3A_1086 : vector<32xbf16>
        %broadcast_in_dim3A_1088 = arith.constant 8 : i32
        %broadcast_in_dim3A_1089 = vector.broadcast %broadcast_in_dim3A_1088 : i32 to vector<16x1xi32>
        %gather3A_1090 = vector.shape_cast %broadcast_in_dim3A_1089 : vector<16x1xi32> to vector<16xi32>
        %gather3A_1091 = tpu.dynamic_gather %gather3A_938[%gather3A_1090] in [0] : vector<16xf32>, vector<16xi32> -> vector<16xf32>
        %pack3A_1092 = tpu.pack_subelements %gather3A_1091, %gather3A_1091 {pack_format = #tpu.pack_format<interleaved>, positions = array<i32: 0, 1>} : vector<16xf32>, vector<16xf32> -> vector<32xbf16>
        %add3A_1093 = arith.constant 512 : i32
        %add3A_1094 = arith.addi %add3A_1093, %add3A_936 : i32
        %get3A_1095 = arith.index_cast %add3A_1094 : i32 to index
        %get3A_1096 = arith.constant 0 : index
        %get3A_1097 = tpu.vector_load %arg13[%get3A_1095, %get3A_1096] {strides = array<i32>} : memref<1024x64xbf16, #tpu.memory_space<vmem>>, vector<32xbf16>,
        %mul3A_1098 = arith.mulf %get3A_1097, %pack3A_1092 : vector<32xbf16>
        %add3A_1099 = arith.constant 512 : i32
        %add3A_1100 = arith.addi %add3A_1099, %add3A_936 : i32
        %get3A_1101 = arith.index_cast %add3A_1100 : i32 to index
        %get3A_1102 = arith.constant 32 : index
        %get3A_1103 = tpu.vector_load %arg13[%get3A_1101, %get3A_1102] {strides = array<i32>} : memref<1024x64xbf16, #tpu.memory_space<vmem>>, vector<32xbf16>,
        %mul3A_1104 = arith.mulf %get3A_1103, %pack3A_1092 : vector<32xbf16>
        %broadcast_in_dim3A_1105 = arith.constant 9 : i32
        %broadcast_in_dim3A_1106 = vector.broadcast %broadcast_in_dim3A_1105 : i32 to vector<16x1xi32>
        %gather3A_1107 = vector.shape_cast %broadcast_in_dim3A_1106 : vector<16x1xi32> to vector<16xi32>
        %gather3A_1108 = tpu.dynamic_gather %gather3A_938[%gather3A_1107] in [0] : vector<16xf32>, vector<16xi32> -> vector<16xf32>
        %pack3A_1109 = tpu.pack_subelements %gather3A_1108, %gather3A_1108 {pack_format = #tpu.pack_format<interleaved>, positions = array<i32: 0, 1>} : vector<16xf32>, vector<16xf32> -> vector<32xbf16>
        %add3A_1110 = arith.constant 576 : i32
        %add3A_1111 = arith.addi %add3A_1110, %add3A_936 : i32
        %get3A_1112 = arith.index_cast %add3A_1111 : i32 to index
        %get3A_1113 = arith.constant 0 : index
        %get3A_1114 = tpu.vector_load %arg13[%get3A_1112, %get3A_1113] {strides = array<i32>} : memref<1024x64xbf16, #tpu.memory_space<vmem>>, vector<32xbf16>,
        %mul3A_1115 = arith.mulf %get3A_1114, %pack3A_1109 : vector<32xbf16>
        %add3A_1116 = arith.addf %mul3A_1098, %mul3A_1115 : vector<32xbf16>
        %add3A_1117 = arith.constant 576 : i32
        %add3A_1118 = arith.addi %add3A_1117, %add3A_936 : i32
        %get3A_1119 = arith.index_cast %add3A_1118 : i32 to index
        %get3A_1120 = arith.constant 32 : index
        %get3A_1121 = tpu.vector_load %arg13[%get3A_1119, %get3A_1120] {strides = array<i32>} : memref<1024x64xbf16, #tpu.memory_space<vmem>>, vector<32xbf16>,
        %mul3A_1122 = arith.mulf %get3A_1121, %pack3A_1109 : vector<32xbf16>
        %add3A_1123 = arith.addf %mul3A_1104, %mul3A_1122 : vector<32xbf16>
        %broadcast_in_dim3A_1124 = arith.constant 10 : i32
        %broadcast_in_dim3A_1125 = vector.broadcast %broadcast_in_dim3A_1124 : i32 to vector<16x1xi32>
        %gather3A_1126 = vector.shape_cast %broadcast_in_dim3A_1125 : vector<16x1xi32> to vector<16xi32>
        %gather3A_1127 = tpu.dynamic_gather %gather3A_938[%gather3A_1126] in [0] : vector<16xf32>, vector<16xi32> -> vector<16xf32>
        %pack3A_1128 = tpu.pack_subelements %gather3A_1127, %gather3A_1127 {pack_format = #tpu.pack_format<interleaved>, positions = array<i32: 0, 1>} : vector<16xf32>, vector<16xf32> -> vector<32xbf16>
        %add3A_1129 = arith.constant 640 : i32
        %add3A_1130 = arith.addi %add3A_1129, %add3A_936 : i32
        %get3A_1131 = arith.index_cast %add3A_1130 : i32 to index
        %get3A_1132 = arith.constant 0 : index
        %get3A_1133 = tpu.vector_load %arg13[%get3A_1131, %get3A_1132] {strides = array<i32>} : memref<1024x64xbf16, #tpu.memory_space<vmem>>, vector<32xbf16>,
        %mul3A_1134 = arith.mulf %get3A_1133, %pack3A_1128 : vector<32xbf16>
        %add3A_1135 = arith.addf %add3A_1116, %mul3A_1134 : vector<32xbf16>
        %add3A_1136 = arith.constant 640 : i32
        %add3A_1137 = arith.addi %add3A_1136, %add3A_936 : i32
        %get3A_1138 = arith.index_cast %add3A_1137 : i32 to index
        %get3A_1139 = arith.constant 32 : index
        %get3A_1140 = tpu.vector_load %arg13[%get3A_1138, %get3A_1139] {strides = array<i32>} : memref<1024x64xbf16, #tpu.memory_space<vmem>>, vector<32xbf16>,
        %mul3A_1141 = arith.mulf %get3A_1140, %pack3A_1128 : vector<32xbf16>
        %add3A_1142 = arith.addf %add3A_1123, %mul3A_1141 : vector<32xbf16>
        %broadcast_in_dim3A_1143 = arith.constant 11 : i32
        %broadcast_in_dim3A_1144 = vector.broadcast %broadcast_in_dim3A_1143 : i32 to vector<16x1xi32>
        %gather3A_1145 = vector.shape_cast %broadcast_in_dim3A_1144 : vector<16x1xi32> to vector<16xi32>
        %gather3A_1146 = tpu.dynamic_gather %gather3A_938[%gather3A_1145] in [0] : vector<16xf32>, vector<16xi32> -> vector<16xf32>
        %pack3A_1147 = tpu.pack_subelements %gather3A_1146, %gather3A_1146 {pack_format = #tpu.pack_format<interleaved>, positions = array<i32: 0, 1>} : vector<16xf32>, vector<16xf32> -> vector<32xbf16>
        %add3A_1148 = arith.constant 704 : i32
        %add3A_1149 = arith.addi %add3A_1148, %add3A_936 : i32
        %get3A_1150 = arith.index_cast %add3A_1149 : i32 to index
        %get3A_1151 = arith.constant 0 : index
        %get3A_1152 = tpu.vector_load %arg13[%get3A_1150, %get3A_1151] {strides = array<i32>} : memref<1024x64xbf16, #tpu.memory_space<vmem>>, vector<32xbf16>,
        %mul3A_1153 = arith.mulf %get3A_1152, %pack3A_1147 : vector<32xbf16>
        %add3A_1154 = arith.addf %add3A_1135, %mul3A_1153 : vector<32xbf16>
        %add3A_1155 = arith.constant 704 : i32
        %add3A_1156 = arith.addi %add3A_1155, %add3A_936 : i32
        %get3A_1157 = arith.index_cast %add3A_1156 : i32 to index
        %get3A_1158 = arith.constant 32 : index
        %get3A_1159 = tpu.vector_load %arg13[%get3A_1157, %get3A_1158] {strides = array<i32>} : memref<1024x64xbf16, #tpu.memory_space<vmem>>, vector<32xbf16>,
        %mul3A_1160 = arith.mulf %get3A_1159, %pack3A_1147 : vector<32xbf16>
        %add3A_1161 = arith.addf %add3A_1142, %mul3A_1160 : vector<32xbf16>
        %broadcast_in_dim3A_1162 = arith.constant 12 : i32
        %broadcast_in_dim3A_1163 = vector.broadcast %broadcast_in_dim3A_1162 : i32 to vector<16x1xi32>
        %gather3A_1164 = vector.shape_cast %broadcast_in_dim3A_1163 : vector<16x1xi32> to vector<16xi32>
        %gather3A_1165 = tpu.dynamic_gather %gather3A_938[%gather3A_1164] in [0] : vector<16xf32>, vector<16xi32> -> vector<16xf32>
        %pack3A_1166 = tpu.pack_subelements %gather3A_1165, %gather3A_1165 {pack_format = #tpu.pack_format<interleaved>, positions = array<i32: 0, 1>} : vector<16xf32>, vector<16xf32> -> vector<32xbf16>
        %add3A_1167 = arith.constant 768 : i32
        %add3A_1168 = arith.addi %add3A_1167, %add3A_936 : i32
        %get3A_1169 = arith.index_cast %add3A_1168 : i32 to index
        %get3A_1170 = arith.constant 0 : index
        %get3A_1171 = tpu.vector_load %arg13[%get3A_1169, %get3A_1170] {strides = array<i32>} : memref<1024x64xbf16, #tpu.memory_space<vmem>>, vector<32xbf16>,
        %mul3A_1172 = arith.mulf %get3A_1171, %pack3A_1166 : vector<32xbf16>
        %add3A_1173 = arith.constant 768 : i32
        %add3A_1174 = arith.addi %add3A_1173, %add3A_936 : i32
        %get3A_1175 = arith.index_cast %add3A_1174 : i32 to index
        %get3A_1176 = arith.constant 32 : index
        %get3A_1177 = tpu.vector_load %arg13[%get3A_1175, %get3A_1176] {strides = array<i32>} : memref<1024x64xbf16, #tpu.memory_space<vmem>>, vector<32xbf16>,
        %mul3A_1178 = arith.mulf %get3A_1177, %pack3A_1166 : vector<32xbf16>
        %broadcast_in_dim3A_1179 = arith.constant 13 : i32
        %broadcast_in_dim3A_1180 = vector.broadcast %broadcast_in_dim3A_1179 : i32 to vector<16x1xi32>
        %gather3A_1181 = vector.shape_cast %broadcast_in_dim3A_1180 : vector<16x1xi32> to vector<16xi32>
        %gather3A_1182 = tpu.dynamic_gather %gather3A_938[%gather3A_1181] in [0] : vector<16xf32>, vector<16xi32> -> vector<16xf32>
        %pack3A_1183 = tpu.pack_subelements %gather3A_1182, %gather3A_1182 {pack_format = #tpu.pack_format<interleaved>, positions = array<i32: 0, 1>} : vector<16xf32>, vector<16xf32> -> vector<32xbf16>
        %add3A_1184 = arith.constant 832 : i32
        %add3A_1185 = arith.addi %add3A_1184, %add3A_936 : i32
        %get3A_1186 = arith.index_cast %add3A_1185 : i32 to index
        %get3A_1187 = arith.constant 0 : index
        %get3A_1188 = tpu.vector_load %arg13[%get3A_1186, %get3A_1187] {strides = array<i32>} : memref<1024x64xbf16, #tpu.memory_space<vmem>>, vector<32xbf16>,
        %mul3A_1189 = arith.mulf %get3A_1188, %pack3A_1183 : vector<32xbf16>
        %add3A_1190 = arith.addf %mul3A_1172, %mul3A_1189 : vector<32xbf16>
        %add3A_1191 = arith.constant 832 : i32
        %add3A_1192 = arith.addi %add3A_1191, %add3A_936 : i32
        %get3A_1193 = arith.index_cast %add3A_1192 : i32 to index
        %get3A_1194 = arith.constant 32 : index
        %get3A_1195 = tpu.vector_load %arg13[%get3A_1193, %get3A_1194] {strides = array<i32>} : memref<1024x64xbf16, #tpu.memory_space<vmem>>, vector<32xbf16>,
        %mul3A_1196 = arith.mulf %get3A_1195, %pack3A_1183 : vector<32xbf16>
        %add3A_1197 = arith.addf %mul3A_1178, %mul3A_1196 : vector<32xbf16>
        %broadcast_in_dim3A_1198 = arith.constant 14 : i32
        %broadcast_in_dim3A_1199 = vector.broadcast %broadcast_in_dim3A_1198 : i32 to vector<16x1xi32>
        %gather3A_1200 = vector.shape_cast %broadcast_in_dim3A_1199 : vector<16x1xi32> to vector<16xi32>
        %gather3A_1201 = tpu.dynamic_gather %gather3A_938[%gather3A_1200] in [0] : vector<16xf32>, vector<16xi32> -> vector<16xf32>
        %pack3A_1202 = tpu.pack_subelements %gather3A_1201, %gather3A_1201 {pack_format = #tpu.pack_format<interleaved>, positions = array<i32: 0, 1>} : vector<16xf32>, vector<16xf32> -> vector<32xbf16>
        %add3A_1203 = arith.constant 896 : i32
        %add3A_1204 = arith.addi %add3A_1203, %add3A_936 : i32
        %get3A_1205 = arith.index_cast %add3A_1204 : i32 to index
        %get3A_1206 = arith.constant 0 : index
        %get3A_1207 = tpu.vector_load %arg13[%get3A_1205, %get3A_1206] {strides = array<i32>} : memref<1024x64xbf16, #tpu.memory_space<vmem>>, vector<32xbf16>,
        %mul3A_1208 = arith.mulf %get3A_1207, %pack3A_1202 : vector<32xbf16>
        %add3A_1209 = arith.addf %add3A_1190, %mul3A_1208 : vector<32xbf16>
        %add3A_1210 = arith.constant 896 : i32
        %add3A_1211 = arith.addi %add3A_1210, %add3A_936 : i32
        %get3A_1212 = arith.index_cast %add3A_1211 : i32 to index
        %get3A_1213 = arith.constant 32 : index
        %get3A_1214 = tpu.vector_load %arg13[%get3A_1212, %get3A_1213] {strides = array<i32>} : memref<1024x64xbf16, #tpu.memory_space<vmem>>, vector<32xbf16>,
        %mul3A_1215 = arith.mulf %get3A_1214, %pack3A_1202 : vector<32xbf16>
        %add3A_1216 = arith.addf %add3A_1197, %mul3A_1215 : vector<32xbf16>
        %broadcast_in_dim3A_1217 = arith.constant 15 : i32
        %broadcast_in_dim3A_1218 = vector.broadcast %broadcast_in_dim3A_1217 : i32 to vector<16x1xi32>
        %gather3A_1219 = vector.shape_cast %broadcast_in_dim3A_1218 : vector<16x1xi32> to vector<16xi32>
        %gather3A_1220 = tpu.dynamic_gather %gather3A_938[%gather3A_1219] in [0] : vector<16xf32>, vector<16xi32> -> vector<16xf32>
        %pack3A_1221 = tpu.pack_subelements %gather3A_1220, %gather3A_1220 {pack_format = #tpu.pack_format<interleaved>, positions = array<i32: 0, 1>} : vector<16xf32>, vector<16xf32> -> vector<32xbf16>
        %add3A_1222 = arith.constant 960 : i32
        %add3A_1223 = arith.addi %add3A_1222, %add3A_936 : i32
        %get3A_1224 = arith.index_cast %add3A_1223 : i32 to index
        %get3A_1225 = arith.constant 0 : index
        %get3A_1226 = tpu.vector_load %arg13[%get3A_1224, %get3A_1225] {strides = array<i32>} : memref<1024x64xbf16, #tpu.memory_space<vmem>>, vector<32xbf16>,
        %mul3A_1227 = arith.mulf %get3A_1226, %pack3A_1221 : vector<32xbf16>
        %add3A_1228 = arith.addf %add3A_1209, %mul3A_1227 : vector<32xbf16>
        %add3A_1229 = arith.constant 960 : i32
        %add3A_1230 = arith.addi %add3A_1229, %add3A_936 : i32
        %get3A_1231 = arith.index_cast %add3A_1230 : i32 to index
        %get3A_1232 = arith.constant 32 : index
        %get3A_1233 = tpu.vector_load %arg13[%get3A_1231, %get3A_1232] {strides = array<i32>} : memref<1024x64xbf16, #tpu.memory_space<vmem>>, vector<32xbf16>,
        %mul3A_1234 = arith.mulf %get3A_1233, %pack3A_1221 : vector<32xbf16>
        %add3A_1235 = arith.addf %add3A_1216, %mul3A_1234 : vector<32xbf16>
        %add3A_1236 = arith.addf %add3A_1006, %add3A_1080 : vector<32xbf16>
        %add3A_1237 = arith.addf %add3A_1154, %add3A_1228 : vector<32xbf16>
        %add3A_1238 = arith.addf %add3A_1236, %add3A_1237 : vector<32xbf16>
        %unpack3A_1239 = tpu.unpack_subelements %add3A_1238, 0 {pack_format = #tpu.pack_format<interleaved>} : vector<32xbf16> -> vector<16xf32>
        %unpack3A_1240 = tpu.unpack_subelements %add3A_1238, 1 {pack_format = #tpu.pack_format<interleaved>} : vector<32xbf16> -> vector<16xf32>
        tpu.vector_store_idx %arg15[%add3A_472, %broadcast_in_dim3A_939], %unpack3A_1239 : memref<64x64xf32, #tpu.memory_space<vmem>>[vector<16xi32>, vector<16xi32>], vector<16xf32>,
        tpu.vector_store_idx %arg15[%add3A_489, %broadcast_in_dim3A_939], %unpack3A_1240 : memref<64x64xf32, #tpu.memory_space<vmem>>[vector<16xi32>, vector<16xi32>], vector<16xf32>,
        %add3A_1241 = arith.addf %add3A_1013, %add3A_1087 : vector<32xbf16>
        %add3A_1242 = arith.addf %add3A_1161, %add3A_1235 : vector<32xbf16>
        %add3A_1243 = arith.addf %add3A_1241, %add3A_1242 : vector<32xbf16>
        %unpack3A_1244 = tpu.unpack_subelements %add3A_1243, 0 {pack_format = #tpu.pack_format<interleaved>} : vector<32xbf16> -> vector<16xf32>
        %unpack3A_1245 = tpu.unpack_subelements %add3A_1243, 1 {pack_format = #tpu.pack_format<interleaved>} : vector<32xbf16> -> vector<16xf32>
        tpu.vector_store_idx %arg15[%add3A_479, %broadcast_in_dim3A_939], %unpack3A_1244 : memref<64x64xf32, #tpu.memory_space<vmem>>[vector<16xi32>, vector<16xi32>], vector<16xf32>,
        tpu.vector_store_idx %arg15[%add3A_499, %broadcast_in_dim3A_939], %unpack3A_1245 : memref<64x64xf32, #tpu.memory_space<vmem>>[vector<16xi32>, vector<16xi32>], vector<16xf32>,
        %mul3A_1246 = arith.constant 4 : i32
        %mul3A_1247 = arith.muli %scan3A_623, %mul3A_1246 : i32
        %add3A_1248 = arith.constant 2 : i32
        %add3A_1249 = arith.addi %mul3A_1247, %add3A_1248 : i32
        %broadcast_in_dim3A_1250 = vector.broadcast %add3A_1249 : i32 to vector<16xi32>
        %gather3A_1251 = tpu.vector_load_idx %arg11[%iota3A, %broadcast_in_dim3A_1250] : memref<16x64xf32, #tpu.memory_space<vmem>>[vector<16xi32>, vector<16xi32>], vector<16xf32>,
        %broadcast_in_dim3A_1252 = vector.broadcast %add3A_1249 : i32 to vector<16xi32>
        %broadcast_in_dim3A_1253 = arith.constant 0 : i32
        %broadcast_in_dim3A_1254 = vector.broadcast %broadcast_in_dim3A_1253 : i32 to vector<16x1xi32>
        %gather3A_1255 = vector.shape_cast %broadcast_in_dim3A_1254 : vector<16x1xi32> to vector<16xi32>
        %gather3A_1256 = tpu.dynamic_gather %gather3A_1251[%gather3A_1255] in [0] : vector<16xf32>, vector<16xi32> -> vector<16xf32>
        %pack3A_1257 = tpu.pack_subelements %gather3A_1256, %gather3A_1256 {pack_format = #tpu.pack_format<interleaved>, positions = array<i32: 0, 1>} : vector<16xf32>, vector<16xf32> -> vector<32xbf16>
        %add3A_1258 = arith.constant 0 : i32
        %add3A_1259 = arith.addi %add3A_1258, %add3A_1249 : i32
        %get3A_1260 = arith.index_cast %add3A_1259 : i32 to index
        %get3A_1261 = arith.constant 0 : index
        %get3A_1262 = tpu.vector_load %arg13[%get3A_1260, %get3A_1261] {strides = array<i32>} : memref<1024x64xbf16, #tpu.memory_space<vmem>>, vector<32xbf16>,
        %mul3A_1263 = arith.mulf %get3A_1262, %pack3A_1257 : vector<32xbf16>
        %add3A_1264 = arith.constant 0 : i32
        %add3A_1265 = arith.addi %add3A_1264, %add3A_1249 : i32
        %get3A_1266 = arith.index_cast %add3A_1265 : i32 to index
        %get3A_1267 = arith.constant 32 : index
        %get3A_1268 = tpu.vector_load %arg13[%get3A_1266, %get3A_1267] {strides = array<i32>} : memref<1024x64xbf16, #tpu.memory_space<vmem>>, vector<32xbf16>,
        %mul3A_1269 = arith.mulf %get3A_1268, %pack3A_1257 : vector<32xbf16>
        %broadcast_in_dim3A_1270 = arith.constant 1 : i32
        %broadcast_in_dim3A_1271 = vector.broadcast %broadcast_in_dim3A_1270 : i32 to vector<16x1xi32>
        %gather3A_1272 = vector.shape_cast %broadcast_in_dim3A_1271 : vector<16x1xi32> to vector<16xi32>
        %gather3A_1273 = tpu.dynamic_gather %gather3A_1251[%gather3A_1272] in [0] : vector<16xf32>, vector<16xi32> -> vector<16xf32>
        %pack3A_1274 = tpu.pack_subelements %gather3A_1273, %gather3A_1273 {pack_format = #tpu.pack_format<interleaved>, positions = array<i32: 0, 1>} : vector<16xf32>, vector<16xf32> -> vector<32xbf16>
        %add3A_1275 = arith.constant 64 : i32
        %add3A_1276 = arith.addi %add3A_1275, %add3A_1249 : i32
        %get3A_1277 = arith.index_cast %add3A_1276 : i32 to index
        %get3A_1278 = arith.constant 0 : index
        %get3A_1279 = tpu.vector_load %arg13[%get3A_1277, %get3A_1278] {strides = array<i32>} : memref<1024x64xbf16, #tpu.memory_space<vmem>>, vector<32xbf16>,
        %mul3A_1280 = arith.mulf %get3A_1279, %pack3A_1274 : vector<32xbf16>
        %add3A_1281 = arith.addf %mul3A_1263, %mul3A_1280 : vector<32xbf16>
        %add3A_1282 = arith.constant 64 : i32
        %add3A_1283 = arith.addi %add3A_1282, %add3A_1249 : i32
        %get3A_1284 = arith.index_cast %add3A_1283 : i32 to index
        %get3A_1285 = arith.constant 32 : index
        %get3A_1286 = tpu.vector_load %arg13[%get3A_1284, %get3A_1285] {strides = array<i32>} : memref<1024x64xbf16, #tpu.memory_space<vmem>>, vector<32xbf16>,
        %mul3A_1287 = arith.mulf %get3A_1286, %pack3A_1274 : vector<32xbf16>
        %add3A_1288 = arith.addf %mul3A_1269, %mul3A_1287 : vector<32xbf16>
        %broadcast_in_dim3A_1289 = arith.constant 2 : i32
        %broadcast_in_dim3A_1290 = vector.broadcast %broadcast_in_dim3A_1289 : i32 to vector<16x1xi32>
        %gather3A_1291 = vector.shape_cast %broadcast_in_dim3A_1290 : vector<16x1xi32> to vector<16xi32>
        %gather3A_1292 = tpu.dynamic_gather %gather3A_1251[%gather3A_1291] in [0] : vector<16xf32>, vector<16xi32> -> vector<16xf32>
        %pack3A_1293 = tpu.pack_subelements %gather3A_1292, %gather3A_1292 {pack_format = #tpu.pack_format<interleaved>, positions = array<i32: 0, 1>} : vector<16xf32>, vector<16xf32> -> vector<32xbf16>
        %add3A_1294 = arith.constant 128 : i32
        %add3A_1295 = arith.addi %add3A_1294, %add3A_1249 : i32
        %get3A_1296 = arith.index_cast %add3A_1295 : i32 to index
        %get3A_1297 = arith.constant 0 : index
        %get3A_1298 = tpu.vector_load %arg13[%get3A_1296, %get3A_1297] {strides = array<i32>} : memref<1024x64xbf16, #tpu.memory_space<vmem>>, vector<32xbf16>,
        %mul3A_1299 = arith.mulf %get3A_1298, %pack3A_1293 : vector<32xbf16>
        %add3A_1300 = arith.addf %add3A_1281, %mul3A_1299 : vector<32xbf16>
        %add3A_1301 = arith.constant 128 : i32
        %add3A_1302 = arith.addi %add3A_1301, %add3A_1249 : i32
        %get3A_1303 = arith.index_cast %add3A_1302 : i32 to index
        %get3A_1304 = arith.constant 32 : index
        %get3A_1305 = tpu.vector_load %arg13[%get3A_1303, %get3A_1304] {strides = array<i32>} : memref<1024x64xbf16, #tpu.memory_space<vmem>>, vector<32xbf16>,
        %mul3A_1306 = arith.mulf %get3A_1305, %pack3A_1293 : vector<32xbf16>
        %add3A_1307 = arith.addf %add3A_1288, %mul3A_1306 : vector<32xbf16>
        %broadcast_in_dim3A_1308 = arith.constant 3 : i32
        %broadcast_in_dim3A_1309 = vector.broadcast %broadcast_in_dim3A_1308 : i32 to vector<16x1xi32>
        %gather3A_1310 = vector.shape_cast %broadcast_in_dim3A_1309 : vector<16x1xi32> to vector<16xi32>
        %gather3A_1311 = tpu.dynamic_gather %gather3A_1251[%gather3A_1310] in [0] : vector<16xf32>, vector<16xi32> -> vector<16xf32>
        %pack3A_1312 = tpu.pack_subelements %gather3A_1311, %gather3A_1311 {pack_format = #tpu.pack_format<interleaved>, positions = array<i32: 0, 1>} : vector<16xf32>, vector<16xf32> -> vector<32xbf16>
        %add3A_1313 = arith.constant 192 : i32
        %add3A_1314 = arith.addi %add3A_1313, %add3A_1249 : i32
        %get3A_1315 = arith.index_cast %add3A_1314 : i32 to index
        %get3A_1316 = arith.constant 0 : index
        %get3A_1317 = tpu.vector_load %arg13[%get3A_1315, %get3A_1316] {strides = array<i32>} : memref<1024x64xbf16, #tpu.memory_space<vmem>>, vector<32xbf16>,
        %mul3A_1318 = arith.mulf %get3A_1317, %pack3A_1312 : vector<32xbf16>
        %add3A_1319 = arith.addf %add3A_1300, %mul3A_1318 : vector<32xbf16>
        %add3A_1320 = arith.constant 192 : i32
        %add3A_1321 = arith.addi %add3A_1320, %add3A_1249 : i32
        %get3A_1322 = arith.index_cast %add3A_1321 : i32 to index
        %get3A_1323 = arith.constant 32 : index
        %get3A_1324 = tpu.vector_load %arg13[%get3A_1322, %get3A_1323] {strides = array<i32>} : memref<1024x64xbf16, #tpu.memory_space<vmem>>, vector<32xbf16>,
        %mul3A_1325 = arith.mulf %get3A_1324, %pack3A_1312 : vector<32xbf16>
        %add3A_1326 = arith.addf %add3A_1307, %mul3A_1325 : vector<32xbf16>
        %broadcast_in_dim3A_1327 = arith.constant 4 : i32
        %broadcast_in_dim3A_1328 = vector.broadcast %broadcast_in_dim3A_1327 : i32 to vector<16x1xi32>
        %gather3A_1329 = vector.shape_cast %broadcast_in_dim3A_1328 : vector<16x1xi32> to vector<16xi32>
        %gather3A_1330 = tpu.dynamic_gather %gather3A_1251[%gather3A_1329] in [0] : vector<16xf32>, vector<16xi32> -> vector<16xf32>
        %pack3A_1331 = tpu.pack_subelements %gather3A_1330, %gather3A_1330 {pack_format = #tpu.pack_format<interleaved>, positions = array<i32: 0, 1>} : vector<16xf32>, vector<16xf32> -> vector<32xbf16>
        %add3A_1332 = arith.constant 256 : i32
        %add3A_1333 = arith.addi %add3A_1332, %add3A_1249 : i32
        %get3A_1334 = arith.index_cast %add3A_1333 : i32 to index
        %get3A_1335 = arith.constant 0 : index
        %get3A_1336 = tpu.vector_load %arg13[%get3A_1334, %get3A_1335] {strides = array<i32>} : memref<1024x64xbf16, #tpu.memory_space<vmem>>, vector<32xbf16>,
        %mul3A_1337 = arith.mulf %get3A_1336, %pack3A_1331 : vector<32xbf16>
        %add3A_1338 = arith.constant 256 : i32
        %add3A_1339 = arith.addi %add3A_1338, %add3A_1249 : i32
        %get3A_1340 = arith.index_cast %add3A_1339 : i32 to index
        %get3A_1341 = arith.constant 32 : index
        %get3A_1342 = tpu.vector_load %arg13[%get3A_1340, %get3A_1341] {strides = array<i32>} : memref<1024x64xbf16, #tpu.memory_space<vmem>>, vector<32xbf16>,
        %mul3A_1343 = arith.mulf %get3A_1342, %pack3A_1331 : vector<32xbf16>
        %broadcast_in_dim3A_1344 = arith.constant 5 : i32
        %broadcast_in_dim3A_1345 = vector.broadcast %broadcast_in_dim3A_1344 : i32 to vector<16x1xi32>
        %gather3A_1346 = vector.shape_cast %broadcast_in_dim3A_1345 : vector<16x1xi32> to vector<16xi32>
        %gather3A_1347 = tpu.dynamic_gather %gather3A_1251[%gather3A_1346] in [0] : vector<16xf32>, vector<16xi32> -> vector<16xf32>
        %pack3A_1348 = tpu.pack_subelements %gather3A_1347, %gather3A_1347 {pack_format = #tpu.pack_format<interleaved>, positions = array<i32: 0, 1>} : vector<16xf32>, vector<16xf32> -> vector<32xbf16>
        %add3A_1349 = arith.constant 320 : i32
        %add3A_1350 = arith.addi %add3A_1349, %add3A_1249 : i32
        %get3A_1351 = arith.index_cast %add3A_1350 : i32 to index
        %get3A_1352 = arith.constant 0 : index
        %get3A_1353 = tpu.vector_load %arg13[%get3A_1351, %get3A_1352] {strides = array<i32>} : memref<1024x64xbf16, #tpu.memory_space<vmem>>, vector<32xbf16>,
        %mul3A_1354 = arith.mulf %get3A_1353, %pack3A_1348 : vector<32xbf16>
        %add3A_1355 = arith.addf %mul3A_1337, %mul3A_1354 : vector<32xbf16>
        %add3A_1356 = arith.constant 320 : i32
        %add3A_1357 = arith.addi %add3A_1356, %add3A_1249 : i32
        %get3A_1358 = arith.index_cast %add3A_1357 : i32 to index
        %get3A_1359 = arith.constant 32 : index
        %get3A_1360 = tpu.vector_load %arg13[%get3A_1358, %get3A_1359] {strides = array<i32>} : memref<1024x64xbf16, #tpu.memory_space<vmem>>, vector<32xbf16>,
        %mul3A_1361 = arith.mulf %get3A_1360, %pack3A_1348 : vector<32xbf16>
        %add3A_1362 = arith.addf %mul3A_1343, %mul3A_1361 : vector<32xbf16>
        %broadcast_in_dim3A_1363 = arith.constant 6 : i32
        %broadcast_in_dim3A_1364 = vector.broadcast %broadcast_in_dim3A_1363 : i32 to vector<16x1xi32>
        %gather3A_1365 = vector.shape_cast %broadcast_in_dim3A_1364 : vector<16x1xi32> to vector<16xi32>
        %gather3A_1366 = tpu.dynamic_gather %gather3A_1251[%gather3A_1365] in [0] : vector<16xf32>, vector<16xi32> -> vector<16xf32>
        %pack3A_1367 = tpu.pack_subelements %gather3A_1366, %gather3A_1366 {pack_format = #tpu.pack_format<interleaved>, positions = array<i32: 0, 1>} : vector<16xf32>, vector<16xf32> -> vector<32xbf16>
        %add3A_1368 = arith.constant 384 : i32
        %add3A_1369 = arith.addi %add3A_1368, %add3A_1249 : i32
        %get3A_1370 = arith.index_cast %add3A_1369 : i32 to index
        %get3A_1371 = arith.constant 0 : index
        %get3A_1372 = tpu.vector_load %arg13[%get3A_1370, %get3A_1371] {strides = array<i32>} : memref<1024x64xbf16, #tpu.memory_space<vmem>>, vector<32xbf16>,
        %mul3A_1373 = arith.mulf %get3A_1372, %pack3A_1367 : vector<32xbf16>
        %add3A_1374 = arith.addf %add3A_1355, %mul3A_1373 : vector<32xbf16>
        %add3A_1375 = arith.constant 384 : i32
        %add3A_1376 = arith.addi %add3A_1375, %add3A_1249 : i32
        %get3A_1377 = arith.index_cast %add3A_1376 : i32 to index
        %get3A_1378 = arith.constant 32 : index
        %get3A_1379 = tpu.vector_load %arg13[%get3A_1377, %get3A_1378] {strides = array<i32>} : memref<1024x64xbf16, #tpu.memory_space<vmem>>, vector<32xbf16>,
        %mul3A_1380 = arith.mulf %get3A_1379, %pack3A_1367 : vector<32xbf16>
        %add3A_1381 = arith.addf %add3A_1362, %mul3A_1380 : vector<32xbf16>
        %broadcast_in_dim3A_1382 = arith.constant 7 : i32
        %broadcast_in_dim3A_1383 = vector.broadcast %broadcast_in_dim3A_1382 : i32 to vector<16x1xi32>
        %gather3A_1384 = vector.shape_cast %broadcast_in_dim3A_1383 : vector<16x1xi32> to vector<16xi32>
        %gather3A_1385 = tpu.dynamic_gather %gather3A_1251[%gather3A_1384] in [0] : vector<16xf32>, vector<16xi32> -> vector<16xf32>
        %pack3A_1386 = tpu.pack_subelements %gather3A_1385, %gather3A_1385 {pack_format = #tpu.pack_format<interleaved>, positions = array<i32: 0, 1>} : vector<16xf32>, vector<16xf32> -> vector<32xbf16>
        %add3A_1387 = arith.constant 448 : i32
        %add3A_1388 = arith.addi %add3A_1387, %add3A_1249 : i32
        %get3A_1389 = arith.index_cast %add3A_1388 : i32 to index
        %get3A_1390 = arith.constant 0 : index
        %get3A_1391 = tpu.vector_load %arg13[%get3A_1389, %get3A_1390] {strides = array<i32>} : memref<1024x64xbf16, #tpu.memory_space<vmem>>, vector<32xbf16>,
        %mul3A_1392 = arith.mulf %get3A_1391, %pack3A_1386 : vector<32xbf16>
        %add3A_1393 = arith.addf %add3A_1374, %mul3A_1392 : vector<32xbf16>
        %add3A_1394 = arith.constant 448 : i32
        %add3A_1395 = arith.addi %add3A_1394, %add3A_1249 : i32
        %get3A_1396 = arith.index_cast %add3A_1395 : i32 to index
        %get3A_1397 = arith.constant 32 : index
        %get3A_1398 = tpu.vector_load %arg13[%get3A_1396, %get3A_1397] {strides = array<i32>} : memref<1024x64xbf16, #tpu.memory_space<vmem>>, vector<32xbf16>,
        %mul3A_1399 = arith.mulf %get3A_1398, %pack3A_1386 : vector<32xbf16>
        %add3A_1400 = arith.addf %add3A_1381, %mul3A_1399 : vector<32xbf16>
        %broadcast_in_dim3A_1401 = arith.constant 8 : i32
        %broadcast_in_dim3A_1402 = vector.broadcast %broadcast_in_dim3A_1401 : i32 to vector<16x1xi32>
        %gather3A_1403 = vector.shape_cast %broadcast_in_dim3A_1402 : vector<16x1xi32> to vector<16xi32>
        %gather3A_1404 = tpu.dynamic_gather %gather3A_1251[%gather3A_1403] in [0] : vector<16xf32>, vector<16xi32> -> vector<16xf32>
        %pack3A_1405 = tpu.pack_subelements %gather3A_1404, %gather3A_1404 {pack_format = #tpu.pack_format<interleaved>, positions = array<i32: 0, 1>} : vector<16xf32>, vector<16xf32> -> vector<32xbf16>
        %add3A_1406 = arith.constant 512 : i32
        %add3A_1407 = arith.addi %add3A_1406, %add3A_1249 : i32
        %get3A_1408 = arith.index_cast %add3A_1407 : i32 to index
        %get3A_1409 = arith.constant 0 : index
        %get3A_1410 = tpu.vector_load %arg13[%get3A_1408, %get3A_1409] {strides = array<i32>} : memref<1024x64xbf16, #tpu.memory_space<vmem>>, vector<32xbf16>,
        %mul3A_1411 = arith.mulf %get3A_1410, %pack3A_1405 : vector<32xbf16>
        %add3A_1412 = arith.constant 512 : i32
        %add3A_1413 = arith.addi %add3A_1412, %add3A_1249 : i32
        %get3A_1414 = arith.index_cast %add3A_1413 : i32 to index
        %get3A_1415 = arith.constant 32 : index
        %get3A_1416 = tpu.vector_load %arg13[%get3A_1414, %get3A_1415] {strides = array<i32>} : memref<1024x64xbf16, #tpu.memory_space<vmem>>, vector<32xbf16>,
        %mul3A_1417 = arith.mulf %get3A_1416, %pack3A_1405 : vector<32xbf16>
        %broadcast_in_dim3A_1418 = arith.constant 9 : i32
        %broadcast_in_dim3A_1419 = vector.broadcast %broadcast_in_dim3A_1418 : i32 to vector<16x1xi32>
        %gather3A_1420 = vector.shape_cast %broadcast_in_dim3A_1419 : vector<16x1xi32> to vector<16xi32>
        %gather3A_1421 = tpu.dynamic_gather %gather3A_1251[%gather3A_1420] in [0] : vector<16xf32>, vector<16xi32> -> vector<16xf32>
        %pack3A_1422 = tpu.pack_subelements %gather3A_1421, %gather3A_1421 {pack_format = #tpu.pack_format<interleaved>, positions = array<i32: 0, 1>} : vector<16xf32>, vector<16xf32> -> vector<32xbf16>
        %add3A_1423 = arith.constant 576 : i32
        %add3A_1424 = arith.addi %add3A_1423, %add3A_1249 : i32
        %get3A_1425 = arith.index_cast %add3A_1424 : i32 to index
        %get3A_1426 = arith.constant 0 : index
        %get3A_1427 = tpu.vector_load %arg13[%get3A_1425, %get3A_1426] {strides = array<i32>} : memref<1024x64xbf16, #tpu.memory_space<vmem>>, vector<32xbf16>,
        %mul3A_1428 = arith.mulf %get3A_1427, %pack3A_1422 : vector<32xbf16>
        %add3A_1429 = arith.addf %mul3A_1411, %mul3A_1428 : vector<32xbf16>
        %add3A_1430 = arith.constant 576 : i32
        %add3A_1431 = arith.addi %add3A_1430, %add3A_1249 : i32
        %get3A_1432 = arith.index_cast %add3A_1431 : i32 to index
        %get3A_1433 = arith.constant 32 : index
        %get3A_1434 = tpu.vector_load %arg13[%get3A_1432, %get3A_1433] {strides = array<i32>} : memref<1024x64xbf16, #tpu.memory_space<vmem>>, vector<32xbf16>,
        %mul3A_1435 = arith.mulf %get3A_1434, %pack3A_1422 : vector<32xbf16>
        %add3A_1436 = arith.addf %mul3A_1417, %mul3A_1435 : vector<32xbf16>
        %broadcast_in_dim3A_1437 = arith.constant 10 : i32
        %broadcast_in_dim3A_1438 = vector.broadcast %broadcast_in_dim3A_1437 : i32 to vector<16x1xi32>
        %gather3A_1439 = vector.shape_cast %broadcast_in_dim3A_1438 : vector<16x1xi32> to vector<16xi32>
        %gather3A_1440 = tpu.dynamic_gather %gather3A_1251[%gather3A_1439] in [0] : vector<16xf32>, vector<16xi32> -> vector<16xf32>
        %pack3A_1441 = tpu.pack_subelements %gather3A_1440, %gather3A_1440 {pack_format = #tpu.pack_format<interleaved>, positions = array<i32: 0, 1>} : vector<16xf32>, vector<16xf32> -> vector<32xbf16>
        %add3A_1442 = arith.constant 640 : i32
        %add3A_1443 = arith.addi %add3A_1442, %add3A_1249 : i32
        %get3A_1444 = arith.index_cast %add3A_1443 : i32 to index
        %get3A_1445 = arith.constant 0 : index
        %get3A_1446 = tpu.vector_load %arg13[%get3A_1444, %get3A_1445] {strides = array<i32>} : memref<1024x64xbf16, #tpu.memory_space<vmem>>, vector<32xbf16>,
        %mul3A_1447 = arith.mulf %get3A_1446, %pack3A_1441 : vector<32xbf16>
        %add3A_1448 = arith.addf %add3A_1429, %mul3A_1447 : vector<32xbf16>
        %add3A_1449 = arith.constant 640 : i32
        %add3A_1450 = arith.addi %add3A_1449, %add3A_1249 : i32
        %get3A_1451 = arith.index_cast %add3A_1450 : i32 to index
        %get3A_1452 = arith.constant 32 : index
        %get3A_1453 = tpu.vector_load %arg13[%get3A_1451, %get3A_1452] {strides = array<i32>} : memref<1024x64xbf16, #tpu.memory_space<vmem>>, vector<32xbf16>,
        %mul3A_1454 = arith.mulf %get3A_1453, %pack3A_1441 : vector<32xbf16>
        %add3A_1455 = arith.addf %add3A_1436, %mul3A_1454 : vector<32xbf16>
        %broadcast_in_dim3A_1456 = arith.constant 11 : i32
        %broadcast_in_dim3A_1457 = vector.broadcast %broadcast_in_dim3A_1456 : i32 to vector<16x1xi32>
        %gather3A_1458 = vector.shape_cast %broadcast_in_dim3A_1457 : vector<16x1xi32> to vector<16xi32>
        %gather3A_1459 = tpu.dynamic_gather %gather3A_1251[%gather3A_1458] in [0] : vector<16xf32>, vector<16xi32> -> vector<16xf32>
        %pack3A_1460 = tpu.pack_subelements %gather3A_1459, %gather3A_1459 {pack_format = #tpu.pack_format<interleaved>, positions = array<i32: 0, 1>} : vector<16xf32>, vector<16xf32> -> vector<32xbf16>
        %add3A_1461 = arith.constant 704 : i32
        %add3A_1462 = arith.addi %add3A_1461, %add3A_1249 : i32
        %get3A_1463 = arith.index_cast %add3A_1462 : i32 to index
        %get3A_1464 = arith.constant 0 : index
        %get3A_1465 = tpu.vector_load %arg13[%get3A_1463, %get3A_1464] {strides = array<i32>} : memref<1024x64xbf16, #tpu.memory_space<vmem>>, vector<32xbf16>,
        %mul3A_1466 = arith.mulf %get3A_1465, %pack3A_1460 : vector<32xbf16>
        %add3A_1467 = arith.addf %add3A_1448, %mul3A_1466 : vector<32xbf16>
        %add3A_1468 = arith.constant 704 : i32
        %add3A_1469 = arith.addi %add3A_1468, %add3A_1249 : i32
        %get3A_1470 = arith.index_cast %add3A_1469 : i32 to index
        %get3A_1471 = arith.constant 32 : index
        %get3A_1472 = tpu.vector_load %arg13[%get3A_1470, %get3A_1471] {strides = array<i32>} : memref<1024x64xbf16, #tpu.memory_space<vmem>>, vector<32xbf16>,
        %mul3A_1473 = arith.mulf %get3A_1472, %pack3A_1460 : vector<32xbf16>
        %add3A_1474 = arith.addf %add3A_1455, %mul3A_1473 : vector<32xbf16>
        %broadcast_in_dim3A_1475 = arith.constant 12 : i32
        %broadcast_in_dim3A_1476 = vector.broadcast %broadcast_in_dim3A_1475 : i32 to vector<16x1xi32>
        %gather3A_1477 = vector.shape_cast %broadcast_in_dim3A_1476 : vector<16x1xi32> to vector<16xi32>
        %gather3A_1478 = tpu.dynamic_gather %gather3A_1251[%gather3A_1477] in [0] : vector<16xf32>, vector<16xi32> -> vector<16xf32>
        %pack3A_1479 = tpu.pack_subelements %gather3A_1478, %gather3A_1478 {pack_format = #tpu.pack_format<interleaved>, positions = array<i32: 0, 1>} : vector<16xf32>, vector<16xf32> -> vector<32xbf16>
        %add3A_1480 = arith.constant 768 : i32
        %add3A_1481 = arith.addi %add3A_1480, %add3A_1249 : i32
        %get3A_1482 = arith.index_cast %add3A_1481 : i32 to index
        %get3A_1483 = arith.constant 0 : index
        %get3A_1484 = tpu.vector_load %arg13[%get3A_1482, %get3A_1483] {strides = array<i32>} : memref<1024x64xbf16, #tpu.memory_space<vmem>>, vector<32xbf16>,
        %mul3A_1485 = arith.mulf %get3A_1484, %pack3A_1479 : vector<32xbf16>
        %add3A_1486 = arith.constant 768 : i32
        %add3A_1487 = arith.addi %add3A_1486, %add3A_1249 : i32
        %get3A_1488 = arith.index_cast %add3A_1487 : i32 to index
        %get3A_1489 = arith.constant 32 : index
        %get3A_1490 = tpu.vector_load %arg13[%get3A_1488, %get3A_1489] {strides = array<i32>} : memref<1024x64xbf16, #tpu.memory_space<vmem>>, vector<32xbf16>,
        %mul3A_1491 = arith.mulf %get3A_1490, %pack3A_1479 : vector<32xbf16>
        %broadcast_in_dim3A_1492 = arith.constant 13 : i32
        %broadcast_in_dim3A_1493 = vector.broadcast %broadcast_in_dim3A_1492 : i32 to vector<16x1xi32>
        %gather3A_1494 = vector.shape_cast %broadcast_in_dim3A_1493 : vector<16x1xi32> to vector<16xi32>
        %gather3A_1495 = tpu.dynamic_gather %gather3A_1251[%gather3A_1494] in [0] : vector<16xf32>, vector<16xi32> -> vector<16xf32>
        %pack3A_1496 = tpu.pack_subelements %gather3A_1495, %gather3A_1495 {pack_format = #tpu.pack_format<interleaved>, positions = array<i32: 0, 1>} : vector<16xf32>, vector<16xf32> -> vector<32xbf16>
        %add3A_1497 = arith.constant 832 : i32
        %add3A_1498 = arith.addi %add3A_1497, %add3A_1249 : i32
        %get3A_1499 = arith.index_cast %add3A_1498 : i32 to index
        %get3A_1500 = arith.constant 0 : index
        %get3A_1501 = tpu.vector_load %arg13[%get3A_1499, %get3A_1500] {strides = array<i32>} : memref<1024x64xbf16, #tpu.memory_space<vmem>>, vector<32xbf16>,
        %mul3A_1502 = arith.mulf %get3A_1501, %pack3A_1496 : vector<32xbf16>
        %add3A_1503 = arith.addf %mul3A_1485, %mul3A_1502 : vector<32xbf16>
        %add3A_1504 = arith.constant 832 : i32
        %add3A_1505 = arith.addi %add3A_1504, %add3A_1249 : i32
        %get3A_1506 = arith.index_cast %add3A_1505 : i32 to index
        %get3A_1507 = arith.constant 32 : index
        %get3A_1508 = tpu.vector_load %arg13[%get3A_1506, %get3A_1507] {strides = array<i32>} : memref<1024x64xbf16, #tpu.memory_space<vmem>>, vector<32xbf16>,
        %mul3A_1509 = arith.mulf %get3A_1508, %pack3A_1496 : vector<32xbf16>
        %add3A_1510 = arith.addf %mul3A_1491, %mul3A_1509 : vector<32xbf16>
        %broadcast_in_dim3A_1511 = arith.constant 14 : i32
        %broadcast_in_dim3A_1512 = vector.broadcast %broadcast_in_dim3A_1511 : i32 to vector<16x1xi32>
        %gather3A_1513 = vector.shape_cast %broadcast_in_dim3A_1512 : vector<16x1xi32> to vector<16xi32>
        %gather3A_1514 = tpu.dynamic_gather %gather3A_1251[%gather3A_1513] in [0] : vector<16xf32>, vector<16xi32> -> vector<16xf32>
        %pack3A_1515 = tpu.pack_subelements %gather3A_1514, %gather3A_1514 {pack_format = #tpu.pack_format<interleaved>, positions = array<i32: 0, 1>} : vector<16xf32>, vector<16xf32> -> vector<32xbf16>
        %add3A_1516 = arith.constant 896 : i32
        %add3A_1517 = arith.addi %add3A_1516, %add3A_1249 : i32
        %get3A_1518 = arith.index_cast %add3A_1517 : i32 to index
        %get3A_1519 = arith.constant 0 : index
        %get3A_1520 = tpu.vector_load %arg13[%get3A_1518, %get3A_1519] {strides = array<i32>} : memref<1024x64xbf16, #tpu.memory_space<vmem>>, vector<32xbf16>,
        %mul3A_1521 = arith.mulf %get3A_1520, %pack3A_1515 : vector<32xbf16>
        %add3A_1522 = arith.addf %add3A_1503, %mul3A_1521 : vector<32xbf16>
        %add3A_1523 = arith.constant 896 : i32
        %add3A_1524 = arith.addi %add3A_1523, %add3A_1249 : i32
        %get3A_1525 = arith.index_cast %add3A_1524 : i32 to index
        %get3A_1526 = arith.constant 32 : index
        %get3A_1527 = tpu.vector_load %arg13[%get3A_1525, %get3A_1526] {strides = array<i32>} : memref<1024x64xbf16, #tpu.memory_space<vmem>>, vector<32xbf16>,
        %mul3A_1528 = arith.mulf %get3A_1527, %pack3A_1515 : vector<32xbf16>
        %add3A_1529 = arith.addf %add3A_1510, %mul3A_1528 : vector<32xbf16>
        %broadcast_in_dim3A_1530 = arith.constant 15 : i32
        %broadcast_in_dim3A_1531 = vector.broadcast %broadcast_in_dim3A_1530 : i32 to vector<16x1xi32>
        %gather3A_1532 = vector.shape_cast %broadcast_in_dim3A_1531 : vector<16x1xi32> to vector<16xi32>
        %gather3A_1533 = tpu.dynamic_gather %gather3A_1251[%gather3A_1532] in [0] : vector<16xf32>, vector<16xi32> -> vector<16xf32>
        %pack3A_1534 = tpu.pack_subelements %gather3A_1533, %gather3A_1533 {pack_format = #tpu.pack_format<interleaved>, positions = array<i32: 0, 1>} : vector<16xf32>, vector<16xf32> -> vector<32xbf16>
        %add3A_1535 = arith.constant 960 : i32
        %add3A_1536 = arith.addi %add3A_1535, %add3A_1249 : i32
        %get3A_1537 = arith.index_cast %add3A_1536 : i32 to index
        %get3A_1538 = arith.constant 0 : index
        %get3A_1539 = tpu.vector_load %arg13[%get3A_1537, %get3A_1538] {strides = array<i32>} : memref<1024x64xbf16, #tpu.memory_space<vmem>>, vector<32xbf16>,
        %mul3A_1540 = arith.mulf %get3A_1539, %pack3A_1534 : vector<32xbf16>
        %add3A_1541 = arith.addf %add3A_1522, %mul3A_1540 : vector<32xbf16>
        %add3A_1542 = arith.constant 960 : i32
        %add3A_1543 = arith.addi %add3A_1542, %add3A_1249 : i32
        %get3A_1544 = arith.index_cast %add3A_1543 : i32 to index
        %get3A_1545 = arith.constant 32 : index
        %get3A_1546 = tpu.vector_load %arg13[%get3A_1544, %get3A_1545] {strides = array<i32>} : memref<1024x64xbf16, #tpu.memory_space<vmem>>, vector<32xbf16>,
        %mul3A_1547 = arith.mulf %get3A_1546, %pack3A_1534 : vector<32xbf16>
        %add3A_1548 = arith.addf %add3A_1529, %mul3A_1547 : vector<32xbf16>
        %add3A_1549 = arith.addf %add3A_1319, %add3A_1393 : vector<32xbf16>
        %add3A_1550 = arith.addf %add3A_1467, %add3A_1541 : vector<32xbf16>
        %add3A_1551 = arith.addf %add3A_1549, %add3A_1550 : vector<32xbf16>
        %unpack3A_1552 = tpu.unpack_subelements %add3A_1551, 0 {pack_format = #tpu.pack_format<interleaved>} : vector<32xbf16> -> vector<16xf32>
        %unpack3A_1553 = tpu.unpack_subelements %add3A_1551, 1 {pack_format = #tpu.pack_format<interleaved>} : vector<32xbf16> -> vector<16xf32>
        tpu.vector_store_idx %arg15[%add3A_472, %broadcast_in_dim3A_1252], %unpack3A_1552 : memref<64x64xf32, #tpu.memory_space<vmem>>[vector<16xi32>, vector<16xi32>], vector<16xf32>,
        tpu.vector_store_idx %arg15[%add3A_489, %broadcast_in_dim3A_1252], %unpack3A_1553 : memref<64x64xf32, #tpu.memory_space<vmem>>[vector<16xi32>, vector<16xi32>], vector<16xf32>,
        %add3A_1554 = arith.addf %add3A_1326, %add3A_1400 : vector<32xbf16>
        %add3A_1555 = arith.addf %add3A_1474, %add3A_1548 : vector<32xbf16>
        %add3A_1556 = arith.addf %add3A_1554, %add3A_1555 : vector<32xbf16>
        %unpack3A_1557 = tpu.unpack_subelements %add3A_1556, 0 {pack_format = #tpu.pack_format<interleaved>} : vector<32xbf16> -> vector<16xf32>
        %unpack3A_1558 = tpu.unpack_subelements %add3A_1556, 1 {pack_format = #tpu.pack_format<interleaved>} : vector<32xbf16> -> vector<16xf32>
        tpu.vector_store_idx %arg15[%add3A_479, %broadcast_in_dim3A_1252], %unpack3A_1557 : memref<64x64xf32, #tpu.memory_space<vmem>>[vector<16xi32>, vector<16xi32>], vector<16xf32>,
        tpu.vector_store_idx %arg15[%add3A_499, %broadcast_in_dim3A_1252], %unpack3A_1558 : memref<64x64xf32, #tpu.memory_space<vmem>>[vector<16xi32>, vector<16xi32>], vector<16xf32>,
        %mul3A_1559 = arith.constant 4 : i32
        %mul3A_1560 = arith.muli %scan3A_623, %mul3A_1559 : i32
        %add3A_1561 = arith.constant 3 : i32
        %add3A_1562 = arith.addi %mul3A_1560, %add3A_1561 : i32
        %broadcast_in_dim3A_1563 = vector.broadcast %add3A_1562 : i32 to vector<16xi32>
        %gather3A_1564 = tpu.vector_load_idx %arg11[%iota3A, %broadcast_in_dim3A_1563] : memref<16x64xf32, #tpu.memory_space<vmem>>[vector<16xi32>, vector<16xi32>], vector<16xf32>,
        %broadcast_in_dim3A_1565 = vector.broadcast %add3A_1562 : i32 to vector<16xi32>
        %broadcast_in_dim3A_1566 = arith.constant 0 : i32
        %broadcast_in_dim3A_1567 = vector.broadcast %broadcast_in_dim3A_1566 : i32 to vector<16x1xi32>
        %gather3A_1568 = vector.shape_cast %broadcast_in_dim3A_1567 : vector<16x1xi32> to vector<16xi32>
        %gather3A_1569 = tpu.dynamic_gather %gather3A_1564[%gather3A_1568] in [0] : vector<16xf32>, vector<16xi32> -> vector<16xf32>
        %pack3A_1570 = tpu.pack_subelements %gather3A_1569, %gather3A_1569 {pack_format = #tpu.pack_format<interleaved>, positions = array<i32: 0, 1>} : vector<16xf32>, vector<16xf32> -> vector<32xbf16>
        %add3A_1571 = arith.constant 0 : i32
        %add3A_1572 = arith.addi %add3A_1571, %add3A_1562 : i32
        %get3A_1573 = arith.index_cast %add3A_1572 : i32 to index
        %get3A_1574 = arith.constant 0 : index
        %get3A_1575 = tpu.vector_load %arg13[%get3A_1573, %get3A_1574] {strides = array<i32>} : memref<1024x64xbf16, #tpu.memory_space<vmem>>, vector<32xbf16>,
        %mul3A_1576 = arith.mulf %get3A_1575, %pack3A_1570 : vector<32xbf16>
        %add3A_1577 = arith.constant 0 : i32
        %add3A_1578 = arith.addi %add3A_1577, %add3A_1562 : i32
        %get3A_1579 = arith.index_cast %add3A_1578 : i32 to index
        %get3A_1580 = arith.constant 32 : index
        %get3A_1581 = tpu.vector_load %arg13[%get3A_1579, %get3A_1580] {strides = array<i32>} : memref<1024x64xbf16, #tpu.memory_space<vmem>>, vector<32xbf16>,
        %mul3A_1582 = arith.mulf %get3A_1581, %pack3A_1570 : vector<32xbf16>
        %broadcast_in_dim3A_1583 = arith.constant 1 : i32
        %broadcast_in_dim3A_1584 = vector.broadcast %broadcast_in_dim3A_1583 : i32 to vector<16x1xi32>
        %gather3A_1585 = vector.shape_cast %broadcast_in_dim3A_1584 : vector<16x1xi32> to vector<16xi32>
        %gather3A_1586 = tpu.dynamic_gather %gather3A_1564[%gather3A_1585] in [0] : vector<16xf32>, vector<16xi32> -> vector<16xf32>
        %pack3A_1587 = tpu.pack_subelements %gather3A_1586, %gather3A_1586 {pack_format = #tpu.pack_format<interleaved>, positions = array<i32: 0, 1>} : vector<16xf32>, vector<16xf32> -> vector<32xbf16>
        %add3A_1588 = arith.constant 64 : i32
        %add3A_1589 = arith.addi %add3A_1588, %add3A_1562 : i32
        %get3A_1590 = arith.index_cast %add3A_1589 : i32 to index
        %get3A_1591 = arith.constant 0 : index
        %get3A_1592 = tpu.vector_load %arg13[%get3A_1590, %get3A_1591] {strides = array<i32>} : memref<1024x64xbf16, #tpu.memory_space<vmem>>, vector<32xbf16>,
        %mul3A_1593 = arith.mulf %get3A_1592, %pack3A_1587 : vector<32xbf16>
        %add3A_1594 = arith.addf %mul3A_1576, %mul3A_1593 : vector<32xbf16>
        %add3A_1595 = arith.constant 64 : i32
        %add3A_1596 = arith.addi %add3A_1595, %add3A_1562 : i32
        %get3A_1597 = arith.index_cast %add3A_1596 : i32 to index
        %get3A_1598 = arith.constant 32 : index
        %get3A_1599 = tpu.vector_load %arg13[%get3A_1597, %get3A_1598] {strides = array<i32>} : memref<1024x64xbf16, #tpu.memory_space<vmem>>, vector<32xbf16>,
        %mul3A_1600 = arith.mulf %get3A_1599, %pack3A_1587 : vector<32xbf16>
        %add3A_1601 = arith.addf %mul3A_1582, %mul3A_1600 : vector<32xbf16>
        %broadcast_in_dim3A_1602 = arith.constant 2 : i32
        %broadcast_in_dim3A_1603 = vector.broadcast %broadcast_in_dim3A_1602 : i32 to vector<16x1xi32>
        %gather3A_1604 = vector.shape_cast %broadcast_in_dim3A_1603 : vector<16x1xi32> to vector<16xi32>
        %gather3A_1605 = tpu.dynamic_gather %gather3A_1564[%gather3A_1604] in [0] : vector<16xf32>, vector<16xi32> -> vector<16xf32>
        %pack3A_1606 = tpu.pack_subelements %gather3A_1605, %gather3A_1605 {pack_format = #tpu.pack_format<interleaved>, positions = array<i32: 0, 1>} : vector<16xf32>, vector<16xf32> -> vector<32xbf16>
        %add3A_1607 = arith.constant 128 : i32
        %add3A_1608 = arith.addi %add3A_1607, %add3A_1562 : i32
        %get3A_1609 = arith.index_cast %add3A_1608 : i32 to index
        %get3A_1610 = arith.constant 0 : index
        %get3A_1611 = tpu.vector_load %arg13[%get3A_1609, %get3A_1610] {strides = array<i32>} : memref<1024x64xbf16, #tpu.memory_space<vmem>>, vector<32xbf16>,
        %mul3A_1612 = arith.mulf %get3A_1611, %pack3A_1606 : vector<32xbf16>
        %add3A_1613 = arith.addf %add3A_1594, %mul3A_1612 : vector<32xbf16>
        %add3A_1614 = arith.constant 128 : i32
        %add3A_1615 = arith.addi %add3A_1614, %add3A_1562 : i32
        %get3A_1616 = arith.index_cast %add3A_1615 : i32 to index
        %get3A_1617 = arith.constant 32 : index
        %get3A_1618 = tpu.vector_load %arg13[%get3A_1616, %get3A_1617] {strides = array<i32>} : memref<1024x64xbf16, #tpu.memory_space<vmem>>, vector<32xbf16>,
        %mul3A_1619 = arith.mulf %get3A_1618, %pack3A_1606 : vector<32xbf16>
        %add3A_1620 = arith.addf %add3A_1601, %mul3A_1619 : vector<32xbf16>
        %broadcast_in_dim3A_1621 = arith.constant 3 : i32
        %broadcast_in_dim3A_1622 = vector.broadcast %broadcast_in_dim3A_1621 : i32 to vector<16x1xi32>
        %gather3A_1623 = vector.shape_cast %broadcast_in_dim3A_1622 : vector<16x1xi32> to vector<16xi32>
        %gather3A_1624 = tpu.dynamic_gather %gather3A_1564[%gather3A_1623] in [0] : vector<16xf32>, vector<16xi32> -> vector<16xf32>
        %pack3A_1625 = tpu.pack_subelements %gather3A_1624, %gather3A_1624 {pack_format = #tpu.pack_format<interleaved>, positions = array<i32: 0, 1>} : vector<16xf32>, vector<16xf32> -> vector<32xbf16>
        %add3A_1626 = arith.constant 192 : i32
        %add3A_1627 = arith.addi %add3A_1626, %add3A_1562 : i32
        %get3A_1628 = arith.index_cast %add3A_1627 : i32 to index
        %get3A_1629 = arith.constant 0 : index
        %get3A_1630 = tpu.vector_load %arg13[%get3A_1628, %get3A_1629] {strides = array<i32>} : memref<1024x64xbf16, #tpu.memory_space<vmem>>, vector<32xbf16>,
        %mul3A_1631 = arith.mulf %get3A_1630, %pack3A_1625 : vector<32xbf16>
        %add3A_1632 = arith.addf %add3A_1613, %mul3A_1631 : vector<32xbf16>
        %add3A_1633 = arith.constant 192 : i32
        %add3A_1634 = arith.addi %add3A_1633, %add3A_1562 : i32
        %get3A_1635 = arith.index_cast %add3A_1634 : i32 to index
        %get3A_1636 = arith.constant 32 : index
        %get3A_1637 = tpu.vector_load %arg13[%get3A_1635, %get3A_1636] {strides = array<i32>} : memref<1024x64xbf16, #tpu.memory_space<vmem>>, vector<32xbf16>,
        %mul3A_1638 = arith.mulf %get3A_1637, %pack3A_1625 : vector<32xbf16>
        %add3A_1639 = arith.addf %add3A_1620, %mul3A_1638 : vector<32xbf16>
        %broadcast_in_dim3A_1640 = arith.constant 4 : i32
        %broadcast_in_dim3A_1641 = vector.broadcast %broadcast_in_dim3A_1640 : i32 to vector<16x1xi32>
        %gather3A_1642 = vector.shape_cast %broadcast_in_dim3A_1641 : vector<16x1xi32> to vector<16xi32>
        %gather3A_1643 = tpu.dynamic_gather %gather3A_1564[%gather3A_1642] in [0] : vector<16xf32>, vector<16xi32> -> vector<16xf32>
        %pack3A_1644 = tpu.pack_subelements %gather3A_1643, %gather3A_1643 {pack_format = #tpu.pack_format<interleaved>, positions = array<i32: 0, 1>} : vector<16xf32>, vector<16xf32> -> vector<32xbf16>
        %add3A_1645 = arith.constant 256 : i32
        %add3A_1646 = arith.addi %add3A_1645, %add3A_1562 : i32
        %get3A_1647 = arith.index_cast %add3A_1646 : i32 to index
        %get3A_1648 = arith.constant 0 : index
        %get3A_1649 = tpu.vector_load %arg13[%get3A_1647, %get3A_1648] {strides = array<i32>} : memref<1024x64xbf16, #tpu.memory_space<vmem>>, vector<32xbf16>,
        %mul3A_1650 = arith.mulf %get3A_1649, %pack3A_1644 : vector<32xbf16>
        %add3A_1651 = arith.constant 256 : i32
        %add3A_1652 = arith.addi %add3A_1651, %add3A_1562 : i32
        %get3A_1653 = arith.index_cast %add3A_1652 : i32 to index
        %get3A_1654 = arith.constant 32 : index
        %get3A_1655 = tpu.vector_load %arg13[%get3A_1653, %get3A_1654] {strides = array<i32>} : memref<1024x64xbf16, #tpu.memory_space<vmem>>, vector<32xbf16>,
        %mul3A_1656 = arith.mulf %get3A_1655, %pack3A_1644 : vector<32xbf16>
        %broadcast_in_dim3A_1657 = arith.constant 5 : i32
        %broadcast_in_dim3A_1658 = vector.broadcast %broadcast_in_dim3A_1657 : i32 to vector<16x1xi32>
        %gather3A_1659 = vector.shape_cast %broadcast_in_dim3A_1658 : vector<16x1xi32> to vector<16xi32>
        %gather3A_1660 = tpu.dynamic_gather %gather3A_1564[%gather3A_1659] in [0] : vector<16xf32>, vector<16xi32> -> vector<16xf32>
        %pack3A_1661 = tpu.pack_subelements %gather3A_1660, %gather3A_1660 {pack_format = #tpu.pack_format<interleaved>, positions = array<i32: 0, 1>} : vector<16xf32>, vector<16xf32> -> vector<32xbf16>
        %add3A_1662 = arith.constant 320 : i32
        %add3A_1663 = arith.addi %add3A_1662, %add3A_1562 : i32
        %get3A_1664 = arith.index_cast %add3A_1663 : i32 to index
        %get3A_1665 = arith.constant 0 : index
        %get3A_1666 = tpu.vector_load %arg13[%get3A_1664, %get3A_1665] {strides = array<i32>} : memref<1024x64xbf16, #tpu.memory_space<vmem>>, vector<32xbf16>,
        %mul3A_1667 = arith.mulf %get3A_1666, %pack3A_1661 : vector<32xbf16>
        %add3A_1668 = arith.addf %mul3A_1650, %mul3A_1667 : vector<32xbf16>
        %add3A_1669 = arith.constant 320 : i32
        %add3A_1670 = arith.addi %add3A_1669, %add3A_1562 : i32
        %get3A_1671 = arith.index_cast %add3A_1670 : i32 to index
        %get3A_1672 = arith.constant 32 : index
        %get3A_1673 = tpu.vector_load %arg13[%get3A_1671, %get3A_1672] {strides = array<i32>} : memref<1024x64xbf16, #tpu.memory_space<vmem>>, vector<32xbf16>,
        %mul3A_1674 = arith.mulf %get3A_1673, %pack3A_1661 : vector<32xbf16>
        %add3A_1675 = arith.addf %mul3A_1656, %mul3A_1674 : vector<32xbf16>
        %broadcast_in_dim3A_1676 = arith.constant 6 : i32
        %broadcast_in_dim3A_1677 = vector.broadcast %broadcast_in_dim3A_1676 : i32 to vector<16x1xi32>
        %gather3A_1678 = vector.shape_cast %broadcast_in_dim3A_1677 : vector<16x1xi32> to vector<16xi32>
        %gather3A_1679 = tpu.dynamic_gather %gather3A_1564[%gather3A_1678] in [0] : vector<16xf32>, vector<16xi32> -> vector<16xf32>
        %pack3A_1680 = tpu.pack_subelements %gather3A_1679, %gather3A_1679 {pack_format = #tpu.pack_format<interleaved>, positions = array<i32: 0, 1>} : vector<16xf32>, vector<16xf32> -> vector<32xbf16>
        %add3A_1681 = arith.constant 384 : i32
        %add3A_1682 = arith.addi %add3A_1681, %add3A_1562 : i32
        %get3A_1683 = arith.index_cast %add3A_1682 : i32 to index
        %get3A_1684 = arith.constant 0 : index
        %get3A_1685 = tpu.vector_load %arg13[%get3A_1683, %get3A_1684] {strides = array<i32>} : memref<1024x64xbf16, #tpu.memory_space<vmem>>, vector<32xbf16>,
        %mul3A_1686 = arith.mulf %get3A_1685, %pack3A_1680 : vector<32xbf16>
        %add3A_1687 = arith.addf %add3A_1668, %mul3A_1686 : vector<32xbf16>
        %add3A_1688 = arith.constant 384 : i32
        %add3A_1689 = arith.addi %add3A_1688, %add3A_1562 : i32
        %get3A_1690 = arith.index_cast %add3A_1689 : i32 to index
        %get3A_1691 = arith.constant 32 : index
        %get3A_1692 = tpu.vector_load %arg13[%get3A_1690, %get3A_1691] {strides = array<i32>} : memref<1024x64xbf16, #tpu.memory_space<vmem>>, vector<32xbf16>,
        %mul3A_1693 = arith.mulf %get3A_1692, %pack3A_1680 : vector<32xbf16>
        %add3A_1694 = arith.addf %add3A_1675, %mul3A_1693 : vector<32xbf16>
        %broadcast_in_dim3A_1695 = arith.constant 7 : i32
        %broadcast_in_dim3A_1696 = vector.broadcast %broadcast_in_dim3A_1695 : i32 to vector<16x1xi32>
        %gather3A_1697 = vector.shape_cast %broadcast_in_dim3A_1696 : vector<16x1xi32> to vector<16xi32>
        %gather3A_1698 = tpu.dynamic_gather %gather3A_1564[%gather3A_1697] in [0] : vector<16xf32>, vector<16xi32> -> vector<16xf32>
        %pack3A_1699 = tpu.pack_subelements %gather3A_1698, %gather3A_1698 {pack_format = #tpu.pack_format<interleaved>, positions = array<i32: 0, 1>} : vector<16xf32>, vector<16xf32> -> vector<32xbf16>
        %add3A_1700 = arith.constant 448 : i32
        %add3A_1701 = arith.addi %add3A_1700, %add3A_1562 : i32
        %get3A_1702 = arith.index_cast %add3A_1701 : i32 to index
        %get3A_1703 = arith.constant 0 : index
        %get3A_1704 = tpu.vector_load %arg13[%get3A_1702, %get3A_1703] {strides = array<i32>} : memref<1024x64xbf16, #tpu.memory_space<vmem>>, vector<32xbf16>,
        %mul3A_1705 = arith.mulf %get3A_1704, %pack3A_1699 : vector<32xbf16>
        %add3A_1706 = arith.addf %add3A_1687, %mul3A_1705 : vector<32xbf16>
        %add3A_1707 = arith.constant 448 : i32
        %add3A_1708 = arith.addi %add3A_1707, %add3A_1562 : i32
        %get3A_1709 = arith.index_cast %add3A_1708 : i32 to index
        %get3A_1710 = arith.constant 32 : index
        %get3A_1711 = tpu.vector_load %arg13[%get3A_1709, %get3A_1710] {strides = array<i32>} : memref<1024x64xbf16, #tpu.memory_space<vmem>>, vector<32xbf16>,
        %mul3A_1712 = arith.mulf %get3A_1711, %pack3A_1699 : vector<32xbf16>
        %add3A_1713 = arith.addf %add3A_1694, %mul3A_1712 : vector<32xbf16>
        %broadcast_in_dim3A_1714 = arith.constant 8 : i32
        %broadcast_in_dim3A_1715 = vector.broadcast %broadcast_in_dim3A_1714 : i32 to vector<16x1xi32>
        %gather3A_1716 = vector.shape_cast %broadcast_in_dim3A_1715 : vector<16x1xi32> to vector<16xi32>
        %gather3A_1717 = tpu.dynamic_gather %gather3A_1564[%gather3A_1716] in [0] : vector<16xf32>, vector<16xi32> -> vector<16xf32>
        %pack3A_1718 = tpu.pack_subelements %gather3A_1717, %gather3A_1717 {pack_format = #tpu.pack_format<interleaved>, positions = array<i32: 0, 1>} : vector<16xf32>, vector<16xf32> -> vector<32xbf16>
        %add3A_1719 = arith.constant 512 : i32
        %add3A_1720 = arith.addi %add3A_1719, %add3A_1562 : i32
        %get3A_1721 = arith.index_cast %add3A_1720 : i32 to index
        %get3A_1722 = arith.constant 0 : index
        %get3A_1723 = tpu.vector_load %arg13[%get3A_1721, %get3A_1722] {strides = array<i32>} : memref<1024x64xbf16, #tpu.memory_space<vmem>>, vector<32xbf16>,
        %mul3A_1724 = arith.mulf %get3A_1723, %pack3A_1718 : vector<32xbf16>
        %add3A_1725 = arith.constant 512 : i32
        %add3A_1726 = arith.addi %add3A_1725, %add3A_1562 : i32
        %get3A_1727 = arith.index_cast %add3A_1726 : i32 to index
        %get3A_1728 = arith.constant 32 : index
        %get3A_1729 = tpu.vector_load %arg13[%get3A_1727, %get3A_1728] {strides = array<i32>} : memref<1024x64xbf16, #tpu.memory_space<vmem>>, vector<32xbf16>,
        %mul3A_1730 = arith.mulf %get3A_1729, %pack3A_1718 : vector<32xbf16>
        %broadcast_in_dim3A_1731 = arith.constant 9 : i32
        %broadcast_in_dim3A_1732 = vector.broadcast %broadcast_in_dim3A_1731 : i32 to vector<16x1xi32>
        %gather3A_1733 = vector.shape_cast %broadcast_in_dim3A_1732 : vector<16x1xi32> to vector<16xi32>
        %gather3A_1734 = tpu.dynamic_gather %gather3A_1564[%gather3A_1733] in [0] : vector<16xf32>, vector<16xi32> -> vector<16xf32>
        %pack3A_1735 = tpu.pack_subelements %gather3A_1734, %gather3A_1734 {pack_format = #tpu.pack_format<interleaved>, positions = array<i32: 0, 1>} : vector<16xf32>, vector<16xf32> -> vector<32xbf16>
        %add3A_1736 = arith.constant 576 : i32
        %add3A_1737 = arith.addi %add3A_1736, %add3A_1562 : i32
        %get3A_1738 = arith.index_cast %add3A_1737 : i32 to index
        %get3A_1739 = arith.constant 0 : index
        %get3A_1740 = tpu.vector_load %arg13[%get3A_1738, %get3A_1739] {strides = array<i32>} : memref<1024x64xbf16, #tpu.memory_space<vmem>>, vector<32xbf16>,
        %mul3A_1741 = arith.mulf %get3A_1740, %pack3A_1735 : vector<32xbf16>
        %add3A_1742 = arith.addf %mul3A_1724, %mul3A_1741 : vector<32xbf16>
        %add3A_1743 = arith.constant 576 : i32
        %add3A_1744 = arith.addi %add3A_1743, %add3A_1562 : i32
        %get3A_1745 = arith.index_cast %add3A_1744 : i32 to index
        %get3A_1746 = arith.constant 32 : index
        %get3A_1747 = tpu.vector_load %arg13[%get3A_1745, %get3A_1746] {strides = array<i32>} : memref<1024x64xbf16, #tpu.memory_space<vmem>>, vector<32xbf16>,
        %mul3A_1748 = arith.mulf %get3A_1747, %pack3A_1735 : vector<32xbf16>
        %add3A_1749 = arith.addf %mul3A_1730, %mul3A_1748 : vector<32xbf16>
        %broadcast_in_dim3A_1750 = arith.constant 10 : i32
        %broadcast_in_dim3A_1751 = vector.broadcast %broadcast_in_dim3A_1750 : i32 to vector<16x1xi32>
        %gather3A_1752 = vector.shape_cast %broadcast_in_dim3A_1751 : vector<16x1xi32> to vector<16xi32>
        %gather3A_1753 = tpu.dynamic_gather %gather3A_1564[%gather3A_1752] in [0] : vector<16xf32>, vector<16xi32> -> vector<16xf32>
        %pack3A_1754 = tpu.pack_subelements %gather3A_1753, %gather3A_1753 {pack_format = #tpu.pack_format<interleaved>, positions = array<i32: 0, 1>} : vector<16xf32>, vector<16xf32> -> vector<32xbf16>
        %add3A_1755 = arith.constant 640 : i32
        %add3A_1756 = arith.addi %add3A_1755, %add3A_1562 : i32
        %get3A_1757 = arith.index_cast %add3A_1756 : i32 to index
        %get3A_1758 = arith.constant 0 : index
        %get3A_1759 = tpu.vector_load %arg13[%get3A_1757, %get3A_1758] {strides = array<i32>} : memref<1024x64xbf16, #tpu.memory_space<vmem>>, vector<32xbf16>,
        %mul3A_1760 = arith.mulf %get3A_1759, %pack3A_1754 : vector<32xbf16>
        %add3A_1761 = arith.addf %add3A_1742, %mul3A_1760 : vector<32xbf16>
        %add3A_1762 = arith.constant 640 : i32
        %add3A_1763 = arith.addi %add3A_1762, %add3A_1562 : i32
        %get3A_1764 = arith.index_cast %add3A_1763 : i32 to index
        %get3A_1765 = arith.constant 32 : index
        %get3A_1766 = tpu.vector_load %arg13[%get3A_1764, %get3A_1765] {strides = array<i32>} : memref<1024x64xbf16, #tpu.memory_space<vmem>>, vector<32xbf16>,
        %mul3A_1767 = arith.mulf %get3A_1766, %pack3A_1754 : vector<32xbf16>
        %add3A_1768 = arith.addf %add3A_1749, %mul3A_1767 : vector<32xbf16>
        %broadcast_in_dim3A_1769 = arith.constant 11 : i32
        %broadcast_in_dim3A_1770 = vector.broadcast %broadcast_in_dim3A_1769 : i32 to vector<16x1xi32>
        %gather3A_1771 = vector.shape_cast %broadcast_in_dim3A_1770 : vector<16x1xi32> to vector<16xi32>
        %gather3A_1772 = tpu.dynamic_gather %gather3A_1564[%gather3A_1771] in [0] : vector<16xf32>, vector<16xi32> -> vector<16xf32>
        %pack3A_1773 = tpu.pack_subelements %gather3A_1772, %gather3A_1772 {pack_format = #tpu.pack_format<interleaved>, positions = array<i32: 0, 1>} : vector<16xf32>, vector<16xf32> -> vector<32xbf16>
        %add3A_1774 = arith.constant 704 : i32
        %add3A_1775 = arith.addi %add3A_1774, %add3A_1562 : i32
        %get3A_1776 = arith.index_cast %add3A_1775 : i32 to index
        %get3A_1777 = arith.constant 0 : index
        %get3A_1778 = tpu.vector_load %arg13[%get3A_1776, %get3A_1777] {strides = array<i32>} : memref<1024x64xbf16, #tpu.memory_space<vmem>>, vector<32xbf16>,
        %mul3A_1779 = arith.mulf %get3A_1778, %pack3A_1773 : vector<32xbf16>
        %add3A_1780 = arith.addf %add3A_1761, %mul3A_1779 : vector<32xbf16>
        %add3A_1781 = arith.constant 704 : i32
        %add3A_1782 = arith.addi %add3A_1781, %add3A_1562 : i32
        %get3A_1783 = arith.index_cast %add3A_1782 : i32 to index
        %get3A_1784 = arith.constant 32 : index
        %get3A_1785 = tpu.vector_load %arg13[%get3A_1783, %get3A_1784] {strides = array<i32>} : memref<1024x64xbf16, #tpu.memory_space<vmem>>, vector<32xbf16>,
        %mul3A_1786 = arith.mulf %get3A_1785, %pack3A_1773 : vector<32xbf16>
        %add3A_1787 = arith.addf %add3A_1768, %mul3A_1786 : vector<32xbf16>
        %broadcast_in_dim3A_1788 = arith.constant 12 : i32
        %broadcast_in_dim3A_1789 = vector.broadcast %broadcast_in_dim3A_1788 : i32 to vector<16x1xi32>
        %gather3A_1790 = vector.shape_cast %broadcast_in_dim3A_1789 : vector<16x1xi32> to vector<16xi32>
        %gather3A_1791 = tpu.dynamic_gather %gather3A_1564[%gather3A_1790] in [0] : vector<16xf32>, vector<16xi32> -> vector<16xf32>
        %pack3A_1792 = tpu.pack_subelements %gather3A_1791, %gather3A_1791 {pack_format = #tpu.pack_format<interleaved>, positions = array<i32: 0, 1>} : vector<16xf32>, vector<16xf32> -> vector<32xbf16>
        %add3A_1793 = arith.constant 768 : i32
        %add3A_1794 = arith.addi %add3A_1793, %add3A_1562 : i32
        %get3A_1795 = arith.index_cast %add3A_1794 : i32 to index
        %get3A_1796 = arith.constant 0 : index
        %get3A_1797 = tpu.vector_load %arg13[%get3A_1795, %get3A_1796] {strides = array<i32>} : memref<1024x64xbf16, #tpu.memory_space<vmem>>, vector<32xbf16>,
        %mul3A_1798 = arith.mulf %get3A_1797, %pack3A_1792 : vector<32xbf16>
        %add3A_1799 = arith.constant 768 : i32
        %add3A_1800 = arith.addi %add3A_1799, %add3A_1562 : i32
        %get3A_1801 = arith.index_cast %add3A_1800 : i32 to index
        %get3A_1802 = arith.constant 32 : index
        %get3A_1803 = tpu.vector_load %arg13[%get3A_1801, %get3A_1802] {strides = array<i32>} : memref<1024x64xbf16, #tpu.memory_space<vmem>>, vector<32xbf16>,
        %mul3A_1804 = arith.mulf %get3A_1803, %pack3A_1792 : vector<32xbf16>
        %broadcast_in_dim3A_1805 = arith.constant 13 : i32
        %broadcast_in_dim3A_1806 = vector.broadcast %broadcast_in_dim3A_1805 : i32 to vector<16x1xi32>
        %gather3A_1807 = vector.shape_cast %broadcast_in_dim3A_1806 : vector<16x1xi32> to vector<16xi32>
        %gather3A_1808 = tpu.dynamic_gather %gather3A_1564[%gather3A_1807] in [0] : vector<16xf32>, vector<16xi32> -> vector<16xf32>
        %pack3A_1809 = tpu.pack_subelements %gather3A_1808, %gather3A_1808 {pack_format = #tpu.pack_format<interleaved>, positions = array<i32: 0, 1>} : vector<16xf32>, vector<16xf32> -> vector<32xbf16>
        %add3A_1810 = arith.constant 832 : i32
        %add3A_1811 = arith.addi %add3A_1810, %add3A_1562 : i32
        %get3A_1812 = arith.index_cast %add3A_1811 : i32 to index
        %get3A_1813 = arith.constant 0 : index
        %get3A_1814 = tpu.vector_load %arg13[%get3A_1812, %get3A_1813] {strides = array<i32>} : memref<1024x64xbf16, #tpu.memory_space<vmem>>, vector<32xbf16>,
        %mul3A_1815 = arith.mulf %get3A_1814, %pack3A_1809 : vector<32xbf16>
        %add3A_1816 = arith.addf %mul3A_1798, %mul3A_1815 : vector<32xbf16>
        %add3A_1817 = arith.constant 832 : i32
        %add3A_1818 = arith.addi %add3A_1817, %add3A_1562 : i32
        %get3A_1819 = arith.index_cast %add3A_1818 : i32 to index
        %get3A_1820 = arith.constant 32 : index
        %get3A_1821 = tpu.vector_load %arg13[%get3A_1819, %get3A_1820] {strides = array<i32>} : memref<1024x64xbf16, #tpu.memory_space<vmem>>, vector<32xbf16>,
        %mul3A_1822 = arith.mulf %get3A_1821, %pack3A_1809 : vector<32xbf16>
        %add3A_1823 = arith.addf %mul3A_1804, %mul3A_1822 : vector<32xbf16>
        %broadcast_in_dim3A_1824 = arith.constant 14 : i32
        %broadcast_in_dim3A_1825 = vector.broadcast %broadcast_in_dim3A_1824 : i32 to vector<16x1xi32>
        %gather3A_1826 = vector.shape_cast %broadcast_in_dim3A_1825 : vector<16x1xi32> to vector<16xi32>
        %gather3A_1827 = tpu.dynamic_gather %gather3A_1564[%gather3A_1826] in [0] : vector<16xf32>, vector<16xi32> -> vector<16xf32>
        %pack3A_1828 = tpu.pack_subelements %gather3A_1827, %gather3A_1827 {pack_format = #tpu.pack_format<interleaved>, positions = array<i32: 0, 1>} : vector<16xf32>, vector<16xf32> -> vector<32xbf16>
        %add3A_1829 = arith.constant 896 : i32
        %add3A_1830 = arith.addi %add3A_1829, %add3A_1562 : i32
        %get3A_1831 = arith.index_cast %add3A_1830 : i32 to index
        %get3A_1832 = arith.constant 0 : index
        %get3A_1833 = tpu.vector_load %arg13[%get3A_1831, %get3A_1832] {strides = array<i32>} : memref<1024x64xbf16, #tpu.memory_space<vmem>>, vector<32xbf16>,
        %mul3A_1834 = arith.mulf %get3A_1833, %pack3A_1828 : vector<32xbf16>
        %add3A_1835 = arith.addf %add3A_1816, %mul3A_1834 : vector<32xbf16>
        %add3A_1836 = arith.constant 896 : i32
        %add3A_1837 = arith.addi %add3A_1836, %add3A_1562 : i32
        %get3A_1838 = arith.index_cast %add3A_1837 : i32 to index
        %get3A_1839 = arith.constant 32 : index
        %get3A_1840 = tpu.vector_load %arg13[%get3A_1838, %get3A_1839] {strides = array<i32>} : memref<1024x64xbf16, #tpu.memory_space<vmem>>, vector<32xbf16>,
        %mul3A_1841 = arith.mulf %get3A_1840, %pack3A_1828 : vector<32xbf16>
        %add3A_1842 = arith.addf %add3A_1823, %mul3A_1841 : vector<32xbf16>
        %broadcast_in_dim3A_1843 = arith.constant 15 : i32
        %broadcast_in_dim3A_1844 = vector.broadcast %broadcast_in_dim3A_1843 : i32 to vector<16x1xi32>
        %gather3A_1845 = vector.shape_cast %broadcast_in_dim3A_1844 : vector<16x1xi32> to vector<16xi32>
        %gather3A_1846 = tpu.dynamic_gather %gather3A_1564[%gather3A_1845] in [0] : vector<16xf32>, vector<16xi32> -> vector<16xf32>
        %pack3A_1847 = tpu.pack_subelements %gather3A_1846, %gather3A_1846 {pack_format = #tpu.pack_format<interleaved>, positions = array<i32: 0, 1>} : vector<16xf32>, vector<16xf32> -> vector<32xbf16>
        %add3A_1848 = arith.constant 960 : i32
        %add3A_1849 = arith.addi %add3A_1848, %add3A_1562 : i32
        %get3A_1850 = arith.index_cast %add3A_1849 : i32 to index
        %get3A_1851 = arith.constant 0 : index
        %get3A_1852 = tpu.vector_load %arg13[%get3A_1850, %get3A_1851] {strides = array<i32>} : memref<1024x64xbf16, #tpu.memory_space<vmem>>, vector<32xbf16>,
        %mul3A_1853 = arith.mulf %get3A_1852, %pack3A_1847 : vector<32xbf16>
        %add3A_1854 = arith.addf %add3A_1835, %mul3A_1853 : vector<32xbf16>
        %add3A_1855 = arith.constant 960 : i32
        %add3A_1856 = arith.addi %add3A_1855, %add3A_1562 : i32
        %get3A_1857 = arith.index_cast %add3A_1856 : i32 to index
        %get3A_1858 = arith.constant 32 : index
        %get3A_1859 = tpu.vector_load %arg13[%get3A_1857, %get3A_1858] {strides = array<i32>} : memref<1024x64xbf16, #tpu.memory_space<vmem>>, vector<32xbf16>,
        %mul3A_1860 = arith.mulf %get3A_1859, %pack3A_1847 : vector<32xbf16>
        %add3A_1861 = arith.addf %add3A_1842, %mul3A_1860 : vector<32xbf16>
        %add3A_1862 = arith.addf %add3A_1632, %add3A_1706 : vector<32xbf16>
        %add3A_1863 = arith.addf %add3A_1780, %add3A_1854 : vector<32xbf16>
        %add3A_1864 = arith.addf %add3A_1862, %add3A_1863 : vector<32xbf16>
        %unpack3A_1865 = tpu.unpack_subelements %add3A_1864, 0 {pack_format = #tpu.pack_format<interleaved>} : vector<32xbf16> -> vector<16xf32>
        %unpack3A_1866 = tpu.unpack_subelements %add3A_1864, 1 {pack_format = #tpu.pack_format<interleaved>} : vector<32xbf16> -> vector<16xf32>
        tpu.vector_store_idx %arg15[%add3A_472, %broadcast_in_dim3A_1565], %unpack3A_1865 : memref<64x64xf32, #tpu.memory_space<vmem>>[vector<16xi32>, vector<16xi32>], vector<16xf32>,
        tpu.vector_store_idx %arg15[%add3A_489, %broadcast_in_dim3A_1565], %unpack3A_1866 : memref<64x64xf32, #tpu.memory_space<vmem>>[vector<16xi32>, vector<16xi32>], vector<16xf32>,
        %add3A_1867 = arith.addf %add3A_1639, %add3A_1713 : vector<32xbf16>
        %add3A_1868 = arith.addf %add3A_1787, %add3A_1861 : vector<32xbf16>
        %add3A_1869 = arith.addf %add3A_1867, %add3A_1868 : vector<32xbf16>
        %unpack3A_1870 = tpu.unpack_subelements %add3A_1869, 0 {pack_format = #tpu.pack_format<interleaved>} : vector<32xbf16> -> vector<16xf32>
        %unpack3A_1871 = tpu.unpack_subelements %add3A_1869, 1 {pack_format = #tpu.pack_format<interleaved>} : vector<32xbf16> -> vector<16xf32>
        tpu.vector_store_idx %arg15[%add3A_479, %broadcast_in_dim3A_1565], %unpack3A_1870 : memref<64x64xf32, #tpu.memory_space<vmem>>[vector<16xi32>, vector<16xi32>], vector<16xf32>,
        tpu.vector_store_idx %arg15[%add3A_499, %broadcast_in_dim3A_1565], %unpack3A_1871 : memref<64x64xf32, #tpu.memory_space<vmem>>[vector<16xi32>, vector<16xi32>], vector<16xf32>,
      }
      %scan3A_611 = arith.constant 16 : i32
      %add3A_612 = arith.constant 2 : i32
      %add3A_613 = arith.addi %add3A_571, %add3A_612 : i32
      %lt3A_614 = arith.constant 128 : i32
      %lt3A_615 = arith.cmpi slt, %add3A_613, %lt3A_614 : i32
      %convert_element_type3A_616 = arith.extui %lt3A_615 : i1 to i32
      %cond3A_617 = arith.constant 0 : i32
      %cond3A_618 = arith.cmpi ne, %convert_element_type3A_616, %cond3A_617 : i32
      scf.if %cond3A_618 {
        %add3A_623 = arith.constant 2 : i32
        %add3A_624 = arith.addi %add3A_571, %add3A_623 : i32
        %mul3A_625 = arith.constant 64 : i32
        %mul3A_626 = arith.muli %add3A_624, %mul3A_625 : i32
        %add3A_627 = arith.addi %mul3A_2, %mul3A_626 : i32
        %dma_start3A_628 = arith.constant 0 : i32
        %dma_start3A_629 = tpu.memref_slice %arg4[%dma_start3A_628, %add3A_627] : memref<16x262144xf32, #tpu.memory_space<hbm>> -> memref<16x64xf32, #tpu.memory_space<hbm>>
        %dma_start3A_630 = arith.constant 0 : i32
        %dma_start3A_631 = tpu.memref_slice %arg4[%dma_start3A_630, %add3A_627] : memref<16x262144xf32, #tpu.memory_space<hbm>> -> memref<16x64xf32, #tpu.memory_space<hbm>>
        tpu.enqueue_dma source(%dma_start3A_631 : memref<16x64xf32, #tpu.memory_space<hbm>>) target(%arg11 : memref<16x64xf32, #tpu.memory_space<vmem>>) target_semaphore(%arg21 : memref<!tpu.dma_semaphore, #tpu.memory_space<semaphore_mem>>)
      } else {
      }
      %dma_start3A_619 = arith.constant 0 : i32
      %dma_start3A_620 = tpu.memref_slice %arg5[%dma_start3A_619, %add3A_574] : memref<64x262144xf32, #tpu.memory_space<hbm>> -> memref<64x64xf32, #tpu.memory_space<hbm>>
      %dma_start3A_621 = arith.constant 0 : i32
      %dma_start3A_622 = tpu.memref_slice %arg5[%dma_start3A_621, %add3A_574] : memref<64x262144xf32, #tpu.memory_space<hbm>> -> memref<64x64xf32, #tpu.memory_space<hbm>>
      tpu.enqueue_dma source(%arg15 : memref<64x64xf32, #tpu.memory_space<vmem>>) target(%dma_start3A_622 : memref<64x64xf32, #tpu.memory_space<hbm>>) target_semaphore(%arg23 : memref<!tpu.dma_semaphore, #tpu.memory_space<semaphore_mem>>)
    }
    %scan3A_504 = arith.constant 64 : i32
    %dma_wait3A = arith.constant 0 : i32
    %dma_wait3A_505 = arith.constant 0 : i32
    %dma_wait3A_506 = tpu.memref_slice %arg5[%dma_wait3A, %dma_wait3A_505] : memref<64x262144xf32, #tpu.memory_space<hbm>> -> memref<64x64xf32, #tpu.memory_space<hbm>>
    %dma_wait3A_507 = arith.constant 0 : i32
    %dma_wait3A_508 = arith.constant 0 : i32
    %dma_wait3A_509 = tpu.memref_slice %arg5[%dma_wait3A_507, %dma_wait3A_508] : memref<64x262144xf32, #tpu.memory_space<hbm>> -> memref<64x64xf32, #tpu.memory_space<hbm>>
    tpu.wait_dma2 semaphore(%arg22 : memref<!tpu.dma_semaphore, #tpu.memory_space<semaphore_mem>>) src(%dma_wait3A_509 : memref<64x64xf32, #tpu.memory_space<hbm>>) dst(%arg14 : memref<64x64xf32, #tpu.memory_space<vmem>>)
    %dma_wait3A_510 = arith.constant 0 : i32
    %dma_wait3A_511 = arith.constant 0 : i32
    %dma_wait3A_512 = tpu.memref_slice %arg5[%dma_wait3A_510, %dma_wait3A_511] : memref<64x262144xf32, #tpu.memory_space<hbm>> -> memref<64x64xf32, #tpu.memory_space<hbm>>
    %dma_wait3A_513 = arith.constant 0 : i32
    %dma_wait3A_514 = arith.constant 0 : i32
    %dma_wait3A_515 = tpu.memref_slice %arg5[%dma_wait3A_513, %dma_wait3A_514] : memref<64x262144xf32, #tpu.memory_space<hbm>> -> memref<64x64xf32, #tpu.memory_space<hbm>>
    tpu.wait_dma2 semaphore(%arg23 : memref<!tpu.dma_semaphore, #tpu.memory_space<semaphore_mem>>) src(%dma_wait3A_515 : memref<64x64xf32, #tpu.memory_space<hbm>>) dst(%arg15 : memref<64x64xf32, #tpu.memory_space<vmem>>)
    return
  }
}

</mosaic_0001>

<sc_bundles>
// kernel: kernel.3.cloned.1.call-start
scs
__scs_entry_jumppad:
0x0: {  	(pc) =	sbr.rel $0x88, $3  }
0x1: {  	(tag) =	ssettag $0x0;
	lr =	simm.s32 $0x1  }
0x2: {  	[smem:$0x3F9E] =	sst lr;
	_ =	strace $0xD0000000  }
0x3: {  	_ = 	snop  }
0x4: {  	_ = 	snop  }
0x5: {  	_ = 	snop  }
0x6: {  	_ = 	snop  }
0x7: {  	_ = 	snop  }
__scs_overlays_trampoline_lowered:
0x8: {  	[smem:$0x3FAD] =	sst s0  }
0x9: {  	[smem:$0x3FAE] =	sst s1  }
0xa: {  	[smem:$0x3FAF] =	sst s2  }
0xb: {  	[smem:$0x3FB0] =	sst s3  }
0xc: {  	[smem:$0x3FB1] =	sst s4  }
0xd: {  	[smem:$0x3FB2] =	sst s5  }
0xe: {  	[smem:$0x3FB3] =	sst s6  }
0xf: {  	[smem:$0x3FB4] =	sst s7  }
0x10: {  	[smem:$0x3FB5] =	sst s8  }
0x11: {  	[smem:$0x3FB6] =	sst s9;
	s0 =	simm.s32 @!p0 $0x0  }
0x12: {  	s1 =	sld [smem:$0x3F9C];
	s0 =	simm.s32 @p0 $0x1  }
0x13: {  	[smem:$0x3FB7] =	sst s0;
	s0 =	simm.s32 @!p1 $0x0  }
0x14: {  	s2 =	sld [smem:$0x3F9B];
	s0 =	simm.s32 @p1 $0x1  }
0x15: {  	[smem:$0x3FB8] =	sst s0;
	s0 =	simm.s32 @!p2 $0x0  }
0x16: {  	s3 =	sld [smem:$0x3FDB];
	s0 =	simm.s32 @p2 $0x1  }
0x17: {  	s4 =	simm.s32 $0x1BF5;
	[smem:$0x3FBA] =	sst s0  }
0x18: {  	s0 =	sld [smem:$0x3F9D];
	_ =	swait.ge [sflag:s4], $0x0  }
0x19: {  	s7 =	sld [smem:$0x3F9E]  }
0x1a: {  	s8 =	sadd.s32 $0xFFFFE003, lr  }
0x1b: {  	s9 =	sadd.s32 $0xFFFFFEF7, lr;
	s5 =	simm.s32 $0xFFFFFFFF;
	p2 =	slt.u32 s8, $0xFFFFF086  }
0x1c: {  	p1 =	slt.u32 s9, $0xF7A;
	s5 =	simm.s32 @!p2 $0x0  }
0x1d: {  	s5 =	simm.s32 @p1 $0x1;
	p0 =	seq.s32 s7, s2  }
0x1e: {  	s7 =	smul.u32 @!p0 $0xF7A, s2;
	p2 =	seq.s32 @!p0 s5, $0x0  }
0x1f: {  	s9 =	smul.u32 $0xF7A, s1;
	s8 =	simm.s32 @!p0 $0x1BF5;
	p2 =	por !p2, p0  }
0x20: {  	[sflag:s8] =	ssyncset.s32 @!p0 $0xFFFFF086;
	s6 =	sadd.s32 @!p0 s3, s7;
	s7 =	simm.s32 @!p0 $0x108  }
0x21: {  	s3 =	sadd.s32 s3, s9;
	s6 =	sadd.s32 @!p0 $0x88, s6;
	s7 =	simm.s32 @p2 $0x1082  }
0x22: {  	[simem:s7], [sflag:s8] =	dma.local @!p0 [hbm:s6], $0xF7A  }
0x23: {  	s9 =	sor.u32 $0xD0000000, s2;
	s6 =	simm.s32 $0x108;
	_ =	swait.ge @!p0 [sflag:s8], $0x0  }
0x24: {  	s3 =	sadd.s32 $0x88, s3;
	s6 =	simm.s32 @!p1 $0x1082;
	[sflag:s4] =	ssyncset.s32 $0xFFFFF086  }
0x25: {  	[simem:s6], [sflag:s4] =	dma.local [hbm:s3], $0xF7A  }
0x26: {  	[smem:$0x3F9E] =	sst s1;
	(tag) =	ssettag s2;
	_ =	strace s9  }
0x27: {  	s1 =	sld [smem:$0x3FAE]  }
0x28: {  	s2 =	sld [smem:$0x3FAF]  }
0x29: {  	s4 =	sld [smem:$0x3FB1]  }
0x2a: {  	p0 =	seq.s32 s5, $0x0;
	s5 =	sld [smem:$0x3FB2]  }
0x2b: {  	s6 =	sld [smem:$0x3FB3]  }
0x2c: {  	s7 =	sld [smem:$0x3FB4]  }
0x2d: {  	s3 =	simm.s32 $0x108;
	s8 =	sld [smem:$0x3FB5]  }
0x2e: {  	s3 =	simm.s32 @!p0 $0x1082;
	s9 =	sld [smem:$0x3FB6]  }
0x2f: {  	lr =	sadd.s32 s0, s3;
	s0 =	sld [smem:$0x3FAD]  }
0x30: {  	s3 =	sld [smem:$0x3FB0]  }
0x31: {  	[smem:$0x3FB9] =	sst s10  }
0x32: {  	s10 =	sld [smem:$0x3FB7];
	_ =	sdelay $0x3  }
0x33: {  	p0 =	seq.s32 s10, $0x1;
	s10 =	sld [smem:$0x3FB9];
	_ =	sdelay $0x3  }
0x34: {  	[smem:$0x3FB9] =	sst s10  }
0x35: {  	s10 =	sld [smem:$0x3FB8];
	_ =	sdelay $0x3  }
0x36: {  	p1 =	seq.s32 s10, $0x1;
	s10 =	sld [smem:$0x3FB9];
	_ =	sdelay $0x3  }
0x37: {  	[smem:$0x3FB9] =	sst s10  }
0x38: {  	s10 =	sld [smem:$0x3FBA]  }
0x39: {  	_ = 	snop;
	(pc) =	sbr.ind lr, $3  }
0x3a: {  	_ = 	snop  }
0x3b: {  	_ = 	snop  }
0x3c: {  	p2 =	seq.s32 s10, $0x1;
	s10 =	sld [smem:$0x3FB9]  }
0x3d: {  	_ =	shalt  }
0x3e: {  	_ =	shalt  }
0x3f: {  	_ =	shalt  }
0x40: {  	_ =	shalt  }
0x41: {  	_ =	shalt  }
0x42: {  	_ =	shalt  }
0x43: {  	_ =	shalt  }
0x44: {  	_ =	shalt  }
0x45: {  	_ =	shalt  }
0x46: {  	_ =	shalt  }
0x47: {  	_ =	shalt  }
0x48: {  	_ =	shalt  }
0x49: {  	_ =	shalt  }
0x4a: {  	_ =	shalt  }
0x4b: {  	_ =	shalt  }
0x4c: {  	_ =	shalt  }
0x4d: {  	_ =	shalt  }
0x4e: {  	_ =	shalt  }
0x4f: {  	_ =	shalt  }
0x50: {  	_ =	shalt  }
0x51: {  	_ =	shalt  }
0x52: {  	_ =	shalt  }
0x53: {  	_ =	shalt  }
0x54: {  	_ =	shalt  }
0x55: {  	_ =	shalt  }
0x56: {  	_ =	shalt  }
0x57: {  	_ =	shalt  }
0x58: {  	_ =	shalt  }
0x59: {  	_ =	shalt  }
0x5a: {  	_ =	shalt  }
0x5b: {  	_ =	shalt  }
0x5c: {  	_ =	shalt  }
0x5d: {  	_ =	shalt  }
0x5e: {  	_ =	shalt  }
0x5f: {  	_ =	shalt  }
0x60: {  	_ =	shalt  }
0x61: {  	_ =	shalt  }
0x62: {  	_ =	shalt  }
0x63: {  	_ =	shalt  }
0x64: {  	_ =	shalt  }
0x65: {  	_ =	shalt  }
0x66: {  	_ =	shalt  }
0x67: {  	_ =	shalt  }
0x68: {  	_ =	shalt  }
0x69: {  	_ =	shalt  }
0x6a: {  	_ =	shalt  }
0x6b: {  	_ =	shalt  }
0x6c: {  	_ =	shalt  }
0x6d: {  	_ =	shalt  }
0x6e: {  	_ =	shalt  }
0x6f: {  	_ =	shalt  }
0x70: {  	_ =	shalt  }
0x71: {  	_ =	shalt  }
0x72: {  	_ =	shalt  }
0x73: {  	_ =	shalt  }
0x74: {  	_ =	shalt  }
0x75: {  	_ =	shalt  }
0x76: {  	_ =	shalt  }
0x77: {  	_ =	shalt  }
0x78: {  	_ =	shalt  }
0x79: {  	_ =	shalt  }
0x7a: {  	_ =	shalt  }
0x7b: {  	_ =	shalt  }
0x7c: {  	_ =	shalt  }
0x7d: {  	_ =	shalt  }
0x7e: {  	_ =	shalt  }
0x7f: {  	_ =	shalt  }
0x80: {  	_ =	shalt  }
0x81: {  	_ =	shalt  }
0x82: {  	_ =	shalt  }
0x83: {  	_ =	shalt  }
0x84: {  	_ =	shalt  }
0x85: {  	_ =	shalt  }
0x86: {  	_ =	shalt  }
0x87: {  	_ =	shalt  }
.Lfunc_end0:
.L_simem_size_0:
called_computation.2_lowered:
.L_overlay_start_0:
0x88: {  	s2 =	sld [smem:$0x3FD9]  }
0x89: {  	s3 =	sld [smem:$0x3FFE];
	_ =	sdelay $0x1  }
0x8a: {  	s1 =	srdreg.scid  }
0x8b: {  	s0 =	sand.u32 $0x1, s1  }
0x8c: {  	s16 =	sshll.u32 s0, $0xA;
	s2 =	sadd.s32 s3, s2  }
0x8d: {  	s2 =	sadd.s32 s2, s16  }
0x8e: {  	[smem:$0x3FC5] =	sst s2  }
0x8f: {  	_ = 	snop  }
0x90: {  	(tm) =	ssettm $0x1  }
0x91: {  	s17 =	sld [smem:$0x3FFB];
	_ =	sdelay $0x3  }
0x92: {  	_ =	strace s17  }
0x93: {  	s2 =	sld [smem:$0x3FFC];
	_ =	sdelay $0x3  }
0x94: {  	_ =	strace s2  }
0x95: {  	s2 =	sld [smem:$0x3FFD];
	_ =	sdelay $0x3  }
0x96: {  	_ =	strace s2  }
0x97: {  	_ =	strace $0x8FFFFFFF  }
0x98: {  	s18 =	sld [smem:$0x3FDB];
	_ =	sdelay $0x1  }
0x99: {  	s19 =	simm.s32 $_scs_section_size  }
0x9a: {  	s4 =	simm.s32 $_size__tile_overlayer_lowered;
	s5 =	simm.s32 $_tile_overlayer_lowered  }
0x9b: {  	s22 =	simm.s32 $0x1BFF;
	s21 =	sshll.u32 s5, $0x1;
	s2 =	sadd.s32 s19, s18  }
0x9c: {  	s6 =	simm.s32 $0x0;
	s20 =	sshll.u32 s4, $0x1;
	s4 =	sadd.s32 s21, s2  }
0x9d: {  	[timem:s6], [sflag:s22] =	dma.local [hbm:s4], s20  }
0x9e: {  	_ =	swait.ge [sflag:s22], s20  }
0x9f: {  	s3 =	ssub.s32 $0x0, s20;
	[sflag:s22] =	ssyncset.done $0x0  }
0xa0: {  	[sflag:s22] =	ssyncadd.s32 s3;
	_ =	sdelay $0x1  }
0xa1: {  	s23 =	simm.s32 $0x1B8B  }
0xa2: {  	_ =	swait.ge [sflag:s23], $0x1  }
0xa3: {  	[sflag:s23] =	ssyncset.done $0x0  }
0xa4: {  	s25 =	simm.s32 $0x1B8E;
	s24 =	sld [smem:$0x3FFE];
	[sflag:s23] =	ssyncadd.s32 $0xFFFFFFFF  }
0xa5: {  	s26 =	simm.s32 $execute0_lowered;
	[smem:$0x3FD2] =	sst s25  }
0xa6: {  	s4 =	sshll.u32 s26, $0x1;
	_ =	strace $0x8000004C;
	[dreg:$0x1] =	wrdreg $0xFFFFFFFF  }
0xa7: {  	s28 =	simm.s32 $_size_execute0_lowered;
	s2 =	sadd.s32 s2, s4;
	[dreg:$0x0] =	wrdreg $0x0  }
0xa8: {  	s4 =	sshll.u32 s28, $0x1;
	[dreg:$0x2] =	wrdreg s2  }
0xa9: {  	[dreg:$0x3] =	wrdreg s4  }
0xaa: {  	[dreg:$0x4] =	wrdreg $0xC0  }
0xab: {  	_ =	task [dreg:s6], $0x5FFFF  }
0xac: {  	[dreg:$0x1] =	wrdreg $0xFFFFFFFF  }
0xad: {  	[dreg:$0x0] =	wrdreg $0x60  }
0xae: {  	[dreg:$0x2] =	wrdreg s24  }
0xaf: {  	[dreg:$0x3] =	wrdreg $0x9  }
0xb0: {  	_ =	task.clear_ibuf [dreg:s6], $0x4FFFF;
	_ =	strace $0x9000004C  }
0xb1: {  	s29 =	simm.s32 $0x9;
	_ =	strace $0x8000004E  }
0xb2: {  	_ =	swait.ge [sflag:s29], $0x1  }
0xb3: {  	[sflag:s29] =	ssyncadd.s32 $0xFFFFFFFF  }
0xb4: {  	_ =	strace $0x9000004E  }
0xb5: {  	_ =	sfence  }
0xb6: {  	s30 =	sld [smem:$0x0];
	_ =	sdelay $0x2  }
0xb7: {  	s31 =	sshll.u32 s1, $0xD;
	s1 =	sshrl.u32 s1, $0x2  }
0xb8: {  	s3 =	sand.u32 $0x4000, s31;
	s1 =	sadd.s32 s1, s30  }
0xb9: {  	s0 =	sor.u32 s3, s0;
	s1 =	sshll.u32 s1, $0x11  }
0xba: {  	s0 =	sor.u32 s1, s0  }
0xbb: {  	s0 =	sadd.s32 $0x8F2B, s0  }
0xbc: {  	[sflag:s0] =	ssyncadd.remote.s32 $0x1  }
0xbd: {  	_ =	sfence.sel $0xFFFF  }
0xbe: {  	[dreg:$0x0] =	wrdreg $0xFFFFFFFF;
	(pc) =	sbr.abs _section_cstart, $3  }
0xbf: {  	[dreg:$0x1] =	wrdreg $0xFFFFFFFF  }
0xc0: {  	_ =	task.clear_ibuf [dreg:s6], $0x2FFFF;
	_ =	strace $0x9FFFFFFF  }
0xc1: {  	(tm) =	ssettm $0x7FFFFFFF  }
tec
execute0_lowered:
.L_overlay_start_1:
0x0: {  	(tag) =	ssettag $0x1  }
0x1: {  	s0 =	rddreg [dreg:$0x0];
	s1 =	simm.s32 $0x0;
	s23 =	srdreg.scid  }
0x2: {  	s2 =	stileid.u32;
	s13 =	simm.s32 $0x40;
	s14 =	simm.s32 $0x40000  }
0x3: {  	s16 =	simm.s32 $0x80;
	s9 =	simm.s32 $0x1400;
	s10 =	simm.s32 $0x1  }
0x4: {  	s11 =	simm.s32 $0x4;
	s28 =	simm.s32 $0xF00;
	s29 =	simm.s32 $0xF800  }
0x5: {  	s30 =	simm.s32 $0xF80;
	s31 =	simm.s32 $0x10800;
	s12 =	simm.s32 $0x6  }
0x6: {  	s15 =	simm.s32 $0x8;
	s17 =	simm.s32 $0x12800;
	s18 =	simm.s32 $0x3  }
0x7: {  	[smem:$0x7FF] =	sst s1;
	s3 =	sadd.s32 $0x1C00, s0;
	s1 =	sand.u32 $0x1, s23  }
0x8: {  	s4 =	sadd.s32 $0x101C00, s0;
	s2 =	sshll.u32 s2, $0xE;
	s6 =	sshll.u32 s1, $0xD  }
0x9: {  	v14 =	vlaneseq.u32;
	s5 =	sadd.s32 $0x181C00, s0;
	s1 =	ssub.s32 $0x2, s1;
	s6 =	sor.u32 s6, s2  }
0xa: {  	v1 =	vimm.s32 $0x0;
	v2 =	vimm.s32 $0x1;
	v3 =	vimm.s32 $0x2;
	s7 =	sadd.s32 $0x201C00, s0;
	s24 =	sshrl.u32 s1, $0x1;
	s2 =	sshrl.u32 s6, $0x3  }
0xb: {  	v4 =	vimm.s32 $0x3;
	v5 =	vimm.s32 $0x4;
	v6 =	vimm.s32 $0x5;
	_ =	strace $0x8000004D;
	s0 =	ssub.s32 s1, s24;
	s25 =	sadd.s32 s4, s2  }
0xc: {  	v7 =	vimm.s32 $0x6;
	v8 =	vimm.s32 $0x7;
	v9 =	vimm.s32 $0x8;
	s26 =	sor.u32 $0x8, s2;
	s2 =	sadd.s32 s5, s2;
	[dreg:$0x2] =	wrdreg s25  }
0xd: {  	v10 =	vimm.s32 $0x9;
	v11 =	vimm.s32 $0xA;
	v12 =	vimm.s32 $0xB;
	s20 =	simm.s32 $0x0;
	s0 =	smax.u32 s0, $0x1;
	[dreg:$0x4] =	wrdreg s2  }
0xe: {  	v13 =	vimm.s32 $0xC;
	v0 =	vmul.u32 $0x40, v14;
	v14 =	vmul.u32 $0x80, v14;
	s8 =	sadd.s32 s4, s26;
	s1 =	sadd.s32 s5, s26;
	[dreg:$0x6] =	wrdreg s0  }
0xf: {  	v15 =	vimm.s32 $0xD;
	v16 =	vimm.s32 $0xE;
	v17 =	vimm.s32 $0xF;
	s0 =	simm.s32 $0x5;
	s2 =	simm.s32 $0x11800;
	[dreg:$0x3] =	wrdreg s8  }
0x10: {  	v18 =	vor.u32 $0x40, v14;
	v19 =	vor.u32 $0x800, v14;
	v20 =	vor.u32 $0x840, v14;
	[dreg:$0x5] =	wrdreg s1;
	s8 =	simm.s32 $0x1000;
	s1 =	simm.s32 $0x2  }
.LBB2_1:
0x11: {  	[dreg:$0x7] =	wrdreg s20  }
0x12: {  	s19 =	simm.s32 $0x0;
	s23 =	rddreg [dreg:$0x2];
	s24 =	simm.s32 $0x9  }
0x13: {  	[tilespmem:s19], [sflag:$0x9] =	stream.strided.gather [hbm4b:s23+s13], $0x400, s14, s13, $0x38;
	[tilespmem:$0x13800] =	vst v63  }
0x14: {  	_ =	swait.ge [sflag:s24], $0x400  }
0x15: {  	[sflag:s24] =	ssyncset.done $0x0  }
0x16: {  	[sflag:s24] =	ssyncadd.s32 $0xFFFFFC00  }
0x17: {  	v21 =	vld [tilespmem:$0x0]  }
0x18: {  	v22 =	vld [tilespmem:$0x10]  }
0x19: {  	v23 =	vld [tilespmem:$0x20]  }
0x1a: {  	v24 =	vld [tilespmem:$0x30]  }
0x1b: {  	v25 =	vld [tilespmem:$0x40]  }
0x1c: {  	v41 =	vld [tilespmem:$0x80];
	[tilespmem:$0x800] =	vst v21  }
0x1d: {  	v21 =	vld [tilespmem:$0x50];
	[tilespmem:$0x810] =	vst v22  }
0x1e: {  	v22 =	vld [tilespmem:$0x60];
	[tilespmem:$0x820] =	vst v23  }
0x1f: {  	v23 =	vld [tilespmem:$0x70];
	[tilespmem:$0x830] =	vst v24  }
0x20: {  	v42 =	vld [tilespmem:$0x90];
	[tilespmem:$0x840] =	vst v25  }
0x21: {  	v43 =	vld [tilespmem:$0xD0];
	[tilespmem:$0x880] =	vst v41  }
0x22: {  	[tilespmem:$0x850] =	vst v21;
	v21 =	vld [tilespmem:$0xA0]  }
0x23: {  	[tilespmem:$0x860] =	vst v22;
	v22 =	vld [tilespmem:$0xB0]  }
0x24: {  	[tilespmem:$0x870] =	vst v23;
	v23 =	vld [tilespmem:$0xC0]  }
0x25: {  	v44 =	vld [tilespmem:$0xE0];
	[tilespmem:$0x890] =	vst v42  }
0x26: {  	v45 =	vld [tilespmem:$0x120];
	[tilespmem:$0x8D0] =	vst v43  }
0x27: {  	[tilespmem:$0x8A0] =	vst v21;
	v21 =	vld [tilespmem:$0xF0]  }
0x28: {  	[tilespmem:$0x8B0] =	vst v22;
	v22 =	vld [tilespmem:$0x100]  }
0x29: {  	[tilespmem:$0x8C0] =	vst v23;
	v23 =	vld [tilespmem:$0x110]  }
0x2a: {  	v46 =	vld [tilespmem:$0x130];
	[tilespmem:$0x8E0] =	vst v44  }
0x2b: {  	v47 =	vld [tilespmem:$0x170];
	[tilespmem:$0x920] =	vst v45  }
0x2c: {  	[tilespmem:$0x8F0] =	vst v21;
	v21 =	vld [tilespmem:$0x140]  }
0x2d: {  	[tilespmem:$0x900] =	vst v22;
	v22 =	vld [tilespmem:$0x150]  }
0x2e: {  	[tilespmem:$0x910] =	vst v23;
	v23 =	vld [tilespmem:$0x160]  }
0x2f: {  	v48 =	vld [tilespmem:$0x180];
	[tilespmem:$0x930] =	vst v46  }
0x30: {  	v49 =	vld [tilespmem:$0x1C0];
	[tilespmem:$0x970] =	vst v47  }
0x31: {  	[tilespmem:$0x940] =	vst v21;
	v21 =	vld [tilespmem:$0x190]  }
0x32: {  	[tilespmem:$0x950] =	vst v22;
	v22 =	vld [tilespmem:$0x1A0]  }
0x33: {  	[tilespmem:$0x960] =	vst v23;
	v23 =	vld [tilespmem:$0x1B0]  }
0x34: {  	v50 =	vld [tilespmem:$0x1D0];
	[tilespmem:$0x980] =	vst v48  }
0x35: {  	v51 =	vld [tilespmem:$0x210];
	[tilespmem:$0x9C0] =	vst v49  }
0x36: {  	[tilespmem:$0x990] =	vst v21;
	v21 =	vld [tilespmem:$0x1E0]  }
0x37: {  	[tilespmem:$0x9A0] =	vst v22;
	v22 =	vld [tilespmem:$0x1F0]  }
0x38: {  	[tilespmem:$0x9B0] =	vst v23;
	v23 =	vld [tilespmem:$0x200]  }
0x39: {  	v52 =	vld [tilespmem:$0x220];
	[tilespmem:$0x9D0] =	vst v50  }
0x3a: {  	v53 =	vld [tilespmem:$0x260];
	[tilespmem:$0xA10] =	vst v51  }
0x3b: {  	[tilespmem:$0x9E0] =	vst v21;
	v21 =	vld [tilespmem:$0x230]  }
0x3c: {  	[tilespmem:$0x9F0] =	vst v22;
	v22 =	vld [tilespmem:$0x240]  }
0x3d: {  	[tilespmem:$0xA00] =	vst v23;
	v23 =	vld [tilespmem:$0x250]  }
0x3e: {  	v54 =	vld [tilespmem:$0x270];
	[tilespmem:$0xA20] =	vst v52  }
0x3f: {  	v55 =	vld [tilespmem:$0x2B0];
	[tilespmem:$0xA60] =	vst v53  }
0x40: {  	[tilespmem:$0xA30] =	vst v21;
	v21 =	vld [tilespmem:$0x280]  }
0x41: {  	[tilespmem:$0xA40] =	vst v22;
	v22 =	vld [tilespmem:$0x290]  }
0x42: {  	[tilespmem:$0xA50] =	vst v23;
	v23 =	vld [tilespmem:$0x2A0]  }
0x43: {  	v56 =	vld [tilespmem:$0x2C0];
	[tilespmem:$0xA70] =	vst v54  }
0x44: {  	v57 =	vld [tilespmem:$0x300];
	[tilespmem:$0xAB0] =	vst v55  }
0x45: {  	[tilespmem:$0xA80] =	vst v21;
	v21 =	vld [tilespmem:$0x2D0]  }
0x46: {  	[tilespmem:$0xA90] =	vst v22;
	v22 =	vld [tilespmem:$0x2E0]  }
0x47: {  	[tilespmem:$0xAA0] =	vst v23;
	v23 =	vld [tilespmem:$0x2F0]  }
0x48: {  	v58 =	vld [tilespmem:$0x310];
	[tilespmem:$0xAC0] =	vst v56  }
0x49: {  	v59 =	vld [tilespmem:$0x350];
	[tilespmem:$0xB00] =	vst v57  }
0x4a: {  	[tilespmem:$0xAD0] =	vst v21;
	v21 =	vld [tilespmem:$0x320]  }
0x4b: {  	[tilespmem:$0xAE0] =	vst v22;
	v22 =	vld [tilespmem:$0x330]  }
0x4c: {  	[tilespmem:$0xAF0] =	vst v23;
	v23 =	vld [tilespmem:$0x340]  }
0x4d: {  	v60 =	vld [tilespmem:$0x360];
	[tilespmem:$0xB10] =	vst v58  }
0x4e: {  	v61 =	vld [tilespmem:$0x3A0];
	[tilespmem:$0xB50] =	vst v59  }
0x4f: {  	[tilespmem:$0xB20] =	vst v21;
	v21 =	vld [tilespmem:$0x370]  }
0x50: {  	[tilespmem:$0xB30] =	vst v22;
	v22 =	vld [tilespmem:$0x380]  }
0x51: {  	[tilespmem:$0xB40] =	vst v23;
	v23 =	vld [tilespmem:$0x390]  }
0x52: {  	v62 =	vld [tilespmem:$0x3B0];
	[tilespmem:$0xB60] =	vst v60  }
0x53: {  	v63 =	vld [tilespmem:$0x3F0];
	[tilespmem:$0xBA0] =	vst v61  }
0x54: {  	[tilespmem:$0xB70] =	vst v21;
	v21 =	vld [tilespmem:$0x3C0]  }
0x55: {  	[tilespmem:$0xB80] =	vst v22;
	v22 =	vld [tilespmem:$0x3D0]  }
0x56: {  	[tilespmem:$0xB90] =	vst v23;
	v23 =	vld [tilespmem:$0x3E0]  }
0x57: {  	[tilespmem:$0xBB0] =	vst v62  }
0x58: {  	[tilespmem:$0xBF0] =	vst v63  }
0x59: {  	[tilespmem:$0xBC0] =	vst v21  }
0x5a: {  	[tilespmem:$0xBD0] =	vst v22  }
0x5b: {  	s25 =	simm.s32 $0x800;
	s26 =	simm.s32 $0x1800;
	[tilespmem:$0xBE0] =	vst v23  }
0x5c: {  	[tilespmem:s26], [sflag:$0x1] =	stream.indirect.gather [hbm4b:s3+s16], $0x20, s25, s16, $0xb8;
	[tilespmem:$0x13800] =	vst v63  }
0x5d: {  	s21 =	simm.s32 $0x880;
	s22 =	simm.s32 $0x2800  }
0x5e: {  	[tilespmem:s22], [sflag:$0x1] =	stream.indirect.gather [hbm4b:s3+s16], $0x20, s21, s16, $0xb8;
	[tilespmem:$0x13800] =	vst v63  }
0x5f: {  	s23 =	simm.s32 $0x900;
	s24 =	simm.s32 $0x3800  }
0x60: {  	[tilespmem:s24], [sflag:$0x1] =	stream.indirect.gather [hbm4b:s3+s16], $0x20, s23, s16, $0xb8;
	[tilespmem:$0x13800] =	vst v63  }
0x61: {  	s25 =	simm.s32 $0x980;
	s26 =	simm.s32 $0x4800  }
0x62: {  	[tilespmem:s26], [sflag:$0x1] =	stream.indirect.gather [hbm4b:s3+s16], $0x20, s25, s16, $0xb8;
	[tilespmem:$0x13800] =	vst v63  }
0x63: {  	s21 =	simm.s32 $0xA00;
	s22 =	simm.s32 $0x5800  }
0x64: {  	[tilespmem:s22], [sflag:$0x1] =	stream.indirect.gather [hbm4b:s3+s16], $0x20, s21, s16, $0xb8;
	[tilespmem:$0x13800] =	vst v63  }
0x65: {  	s23 =	simm.s32 $0xA80;
	s24 =	simm.s32 $0x6800  }
0x66: {  	[tilespmem:s24], [sflag:$0x1] =	stream.indirect.gather [hbm4b:s3+s16], $0x20, s23, s16, $0xb8;
	[tilespmem:$0x13800] =	vst v63  }
0x67: {  	s25 =	simm.s32 $0xB00;
	s26 =	simm.s32 $0x7800  }
0x68: {  	[tilespmem:s26], [sflag:$0x1] =	stream.indirect.gather [hbm4b:s3+s16], $0x20, s25, s16, $0xb8;
	[tilespmem:$0x13800] =	vst v63  }
0x69: {  	s21 =	simm.s32 $0xB80;
	s22 =	simm.s32 $0x8800  }
0x6a: {  	[tilespmem:s22], [sflag:$0x1] =	stream.indirect.gather [hbm4b:s3+s16], $0x20, s21, s16, $0xb8;
	[tilespmem:$0x13800] =	vst v63  }
0x6b: {  	s23 =	rddreg [dreg:$0x3];
	s24 =	simm.s32 $0x400  }
0x6c: {  	[tilespmem:s24], [sflag:$0x4] =	stream.strided.gather [hbm4b:s23+s13], $0x400, s14, s13, $0x38;
	[tilespmem:$0x13800] =	vst v63  }
0x6d: {  	s25 =	rddreg [dreg:$0x4]  }
0x6e: {  	[tilespmem:s8], [sflag:$0x5] =	stream.strided.gather [hbm4b:s25+s13], $0x400, s14, s13, $0x38;
	[tilespmem:$0x13800] =	vst v63  }
0x6f: {  	s19 =	simm.s32 $0x0;
	s26 =	rddreg [dreg:$0x5]  }
0x70: {  	[tilespmem:s9], [sflag:$0x6] =	stream.strided.gather [hbm4b:s26+s13], $0x400, s14, s13, $0x38;
	[tilespmem:$0x13800] =	vst v63  }
.LBB2_2:
0x71: {  	s21 =	sshll.u32 s19, $0x1  }
0x72: {  	p0 =	seq.s32 s19, $0x3F;
	s20 =	sadd.s32 $0x2, s21  }
0x73: {  	_ =	swait.ge [sflag:s10], $0x8000;
	s20 =	sshll.u32 @!p0 s20, $0x6  }
0x74: {  	[sflag:s10] =	ssyncset.done $0x0;
	s20 =	sadd.s32 @!p0 s6, s20  }
0x75: {  	s23 =	simm.s32 @!p0 $0x40;
	s24 =	simm.s32 @!p0 $0x40000;
	s20 =	sshrl.u32 @!p0 s20, $0x3  }
0x76: {  	s25 =	simm.s32 @!p0 $0x0;
	[sflag:s10] =	ssyncadd.s32 $0xFFFF8000;
	s22 =	sadd.s32 @!p0 s4, s20  }
0x77: {  	[tilespmem:s25], [sflag:$0x3] =	stream.strided.gather @!p0 [hbm4b:s22+s23], $0x400, s24, s23, $0x38;
	[tilespmem:$0x13800] =	vst v63  }
0x78: {  	_ =	swait.ge [sflag:s11], $0x400  }
0x79: {  	[sflag:s11] =	ssyncset.done $0x0  }
0x7a: {  	[sflag:s11] =	ssyncadd.s32 $0xFFFFFC00  }
0x7b: {  	v21 =	vld [tilespmem:$0x400]  }
0x7c: {  	v22 =	vld [tilespmem:$0x410]  }
0x7d: {  	v23 =	vld [tilespmem:$0x420]  }
0x7e: {  	v24 =	vld [tilespmem:$0x430]  }
0x7f: {  	v25 =	vld [tilespmem:$0x440]  }
0x80: {  	v41 =	vld [tilespmem:$0x480];
	[tilespmem:$0xC00] =	vst v21  }
0x81: {  	v21 =	vld [tilespmem:$0x450];
	[tilespmem:$0xC10] =	vst v22  }
0x82: {  	v22 =	vld [tilespmem:$0x460];
	[tilespmem:$0xC20] =	vst v23  }
0x83: {  	v23 =	vld [tilespmem:$0x470];
	[tilespmem:$0xC30] =	vst v24  }
0x84: {  	v42 =	vld [tilespmem:$0x490];
	[tilespmem:$0xC40] =	vst v25  }
0x85: {  	v43 =	vld [tilespmem:$0x4D0];
	[tilespmem:$0xC80] =	vst v41  }
0x86: {  	[tilespmem:$0xC50] =	vst v21;
	v21 =	vld [tilespmem:$0x4A0]  }
0x87: {  	[tilespmem:$0xC60] =	vst v22;
	v22 =	vld [tilespmem:$0x4B0]  }
0x88: {  	[tilespmem:$0xC70] =	vst v23;
	v23 =	vld [tilespmem:$0x4C0]  }
0x89: {  	v44 =	vld [tilespmem:$0x4E0];
	[tilespmem:$0xC90] =	vst v42  }
0x8a: {  	v45 =	vld [tilespmem:$0x520];
	[tilespmem:$0xCD0] =	vst v43  }
0x8b: {  	[tilespmem:$0xCA0] =	vst v21;
	v21 =	vld [tilespmem:$0x4F0]  }
0x8c: {  	[tilespmem:$0xCB0] =	vst v22;
	v22 =	vld [tilespmem:$0x500]  }
0x8d: {  	[tilespmem:$0xCC0] =	vst v23;
	v23 =	vld [tilespmem:$0x510]  }
0x8e: {  	v46 =	vld [tilespmem:$0x530];
	[tilespmem:$0xCE0] =	vst v44  }
0x8f: {  	v47 =	vld [tilespmem:$0x570];
	[tilespmem:$0xD20] =	vst v45  }
0x90: {  	[tilespmem:$0xCF0] =	vst v21;
	v21 =	vld [tilespmem:$0x540]  }
0x91: {  	[tilespmem:$0xD00] =	vst v22;
	v22 =	vld [tilespmem:$0x550]  }
0x92: {  	[tilespmem:$0xD10] =	vst v23;
	v23 =	vld [tilespmem:$0x560]  }
0x93: {  	v48 =	vld [tilespmem:$0x580];
	[tilespmem:$0xD30] =	vst v46  }
0x94: {  	v49 =	vld [tilespmem:$0x5C0];
	[tilespmem:$0xD70] =	vst v47  }
0x95: {  	[tilespmem:$0xD40] =	vst v21;
	v21 =	vld [tilespmem:$0x590]  }
0x96: {  	[tilespmem:$0xD50] =	vst v22;
	v22 =	vld [tilespmem:$0x5A0]  }
0x97: {  	[tilespmem:$0xD60] =	vst v23;
	v23 =	vld [tilespmem:$0x5B0]  }
0x98: {  	v50 =	vld [tilespmem:$0x5D0];
	[tilespmem:$0xD80] =	vst v48  }
0x99: {  	v51 =	vld [tilespmem:$0x610];
	[tilespmem:$0xDC0] =	vst v49  }
0x9a: {  	[tilespmem:$0xD90] =	vst v21;
	v21 =	vld [tilespmem:$0x5E0]  }
0x9b: {  	[tilespmem:$0xDA0] =	vst v22;
	v22 =	vld [tilespmem:$0x5F0]  }
0x9c: {  	[tilespmem:$0xDB0] =	vst v23;
	v23 =	vld [tilespmem:$0x600]  }
0x9d: {  	v52 =	vld [tilespmem:$0x620];
	[tilespmem:$0xDD0] =	vst v50  }
0x9e: {  	v53 =	vld [tilespmem:$0x660];
	[tilespmem:$0xE10] =	vst v51  }
0x9f: {  	[tilespmem:$0xDE0] =	vst v21;
	v21 =	vld [tilespmem:$0x630]  }
0xa0: {  	[tilespmem:$0xDF0] =	vst v22;
	v22 =	vld [tilespmem:$0x640]  }
0xa1: {  	[tilespmem:$0xE00] =	vst v23;
	v23 =	vld [tilespmem:$0x650]  }
0xa2: {  	v54 =	vld [tilespmem:$0x670];
	[tilespmem:$0xE20] =	vst v52  }
0xa3: {  	v55 =	vld [tilespmem:$0x6B0];
	[tilespmem:$0xE60] =	vst v53  }
0xa4: {  	[tilespmem:$0xE30] =	vst v21;
	v21 =	vld [tilespmem:$0x680]  }
0xa5: {  	[tilespmem:$0xE40] =	vst v22;
	v22 =	vld [tilespmem:$0x690]  }
0xa6: {  	[tilespmem:$0xE50] =	vst v23;
	v23 =	vld [tilespmem:$0x6A0]  }
0xa7: {  	v56 =	vld [tilespmem:$0x6C0];
	[tilespmem:$0xE70] =	vst v54  }
0xa8: {  	v57 =	vld [tilespmem:$0x700];
	[tilespmem:$0xEB0] =	vst v55  }
0xa9: {  	[tilespmem:$0xE80] =	vst v21;
	v21 =	vld [tilespmem:$0x6D0]  }
0xaa: {  	[tilespmem:$0xE90] =	vst v22;
	v22 =	vld [tilespmem:$0x6E0]  }
0xab: {  	[tilespmem:$0xEA0] =	vst v23;
	v23 =	vld [tilespmem:$0x6F0]  }
0xac: {  	v58 =	vld [tilespmem:$0x710];
	[tilespmem:$0xEC0] =	vst v56  }
0xad: {  	v59 =	vld [tilespmem:$0x750];
	[tilespmem:$0xF00] =	vst v57  }
0xae: {  	[tilespmem:$0xED0] =	vst v21;
	v21 =	vld [tilespmem:$0x720]  }
0xaf: {  	[tilespmem:$0xEE0] =	vst v22;
	v22 =	vld [tilespmem:$0x730]  }
0xb0: {  	[tilespmem:$0xEF0] =	vst v23;
	v23 =	vld [tilespmem:$0x740]  }
0xb1: {  	v60 =	vld [tilespmem:$0x760];
	[tilespmem:$0xF10] =	vst v58  }
0xb2: {  	v61 =	vld [tilespmem:$0x7A0];
	[tilespmem:$0xF50] =	vst v59  }
0xb3: {  	[tilespmem:$0xF20] =	vst v21;
	v21 =	vld [tilespmem:$0x770]  }
0xb4: {  	[tilespmem:$0xF30] =	vst v22;
	v22 =	vld [tilespmem:$0x780]  }
0xb5: {  	[tilespmem:$0xF40] =	vst v23;
	v23 =	vld [tilespmem:$0x790]  }
0xb6: {  	v62 =	vld [tilespmem:$0x7B0];
	[tilespmem:$0xF60] =	vst v60  }
0xb7: {  	v63 =	vld [tilespmem:$0x7F0];
	[tilespmem:$0xFA0] =	vst v61  }
0xb8: {  	[tilespmem:$0xF70] =	vst v21;
	v21 =	vld [tilespmem:$0x7C0]  }
0xb9: {  	[tilespmem:$0xF80] =	vst v22;
	v22 =	vld [tilespmem:$0x7D0]  }
0xba: {  	[tilespmem:$0xF90] =	vst v23;
	v23 =	vld [tilespmem:$0x7E0]  }
0xbb: {  	[tilespmem:$0xFB0] =	vst v62  }
0xbc: {  	[tilespmem:$0xFF0] =	vst v63  }
0xbd: {  	[tilespmem:$0xFC0] =	vst v21  }
0xbe: {  	[tilespmem:$0xFD0] =	vst v22  }
0xbf: {  	s26 =	simm.s32 $0x9800;
	s25 =	simm.s32 $0xC00;
	[tilespmem:$0xFE0] =	vst v23  }
0xc0: {  	[tilespmem:s26], [sflag:$0x2] =	stream.indirect.gather [hbm4b:s3+s16], $0x20, s25, s16, $0xb8;
	[tilespmem:$0x13800] =	vst v63  }
0xc1: {  	s23 =	simm.s32 $0xC80;
	s24 =	simm.s32 $0xA800  }
0xc2: {  	[tilespmem:s24], [sflag:$0x2] =	stream.indirect.gather [hbm4b:s3+s16], $0x20, s23, s16, $0xb8;
	[tilespmem:$0x13800] =	vst v63  }
0xc3: {  	s25 =	simm.s32 $0xD00;
	s26 =	simm.s32 $0xB800  }
0xc4: {  	[tilespmem:s26], [sflag:$0x2] =	stream.indirect.gather [hbm4b:s3+s16], $0x20, s25, s16, $0xb8;
	[tilespmem:$0x13800] =	vst v63  }
0xc5: {  	s23 =	simm.s32 $0xD80;
	s24 =	simm.s32 $0xC800  }
0xc6: {  	[tilespmem:s24], [sflag:$0x2] =	stream.indirect.gather [hbm4b:s3+s16], $0x20, s23, s16, $0xb8;
	[tilespmem:$0x13800] =	vst v63  }
0xc7: {  	s25 =	simm.s32 $0xE00;
	s26 =	simm.s32 $0xD800  }
0xc8: {  	[tilespmem:s26], [sflag:$0x2] =	stream.indirect.gather [hbm4b:s3+s16], $0x20, s25, s16, $0xb8;
	[tilespmem:$0x13800] =	vst v63  }
0xc9: {  	s24 =	simm.s32 $0xE80;
	s25 =	simm.s32 $0xE800  }
0xca: {  	[tilespmem:s25], [sflag:$0x2] =	stream.indirect.gather [hbm4b:s3+s16], $0x20, s24, s16, $0xb8;
	[tilespmem:$0x13800] =	vst v63  }
0xcb: {  	_ = 	snop  }
0xcc: {  	[tilespmem:s29], [sflag:$0x2] =	stream.indirect.gather [hbm4b:s3+s16], $0x20, s28, s16, $0xb8;
	[tilespmem:$0x13800] =	vst v63  }
0xcd: {  	_ = 	snop  }
0xce: {  	[tilespmem:s31], [sflag:$0x2] =	stream.indirect.gather [hbm4b:s3+s16], $0x20, s30, s16, $0xb8;
	[tilespmem:$0x13800] =	vst v63  }
0xcf: {  	_ =	swait.ge [sflag:s0], $0x400  }
0xd0: {  	p1 =	seq.s32 s19, $0x0;
	[sflag:s0] =	ssyncset.done $0x0  }
0xd1: {  	s23 =	simm.s32 @!p1 $0x7;
	[sflag:s0] =	ssyncadd.s32 $0xFFFFFC00  }
0xd2: {  	s26 =	sshll.u32 s19, $0x7;
	_ =	swait.ge @!p1 [sflag:s23], $0x1000  }
0xd3: {  	s22 =	sor.u32 s6, s26;
	[sflag:s23] =	ssyncset.done @!p1 $0x0  }
0xd4: {  	s24 =	simm.s32 $0x3;
	[sflag:s23] =	ssyncadd.s32 @!p1 $0xFFFFF000;
	s23 =	simm.s32 $0x0  }
.LBB2_3:
0xd5: {  	s25 =	sadd.s32 $0xFFFFFFFD, s24  }
0xd6: {  	v21 =	vmov s25  }
0xd7: {  	v21 =	vand.u32 $0x3C, v21  }
0xd8: {  	v22 =	vbroadcast v21, $0x0;
	_ =	sdelay $0x1  }
0xd9: {  	v21 =	vor.u32 v0, v22  }
0xda: {  	s25 =	sshra.s32 s23, $0x2  }
0xdb: {  	v23 =	vld [tilespmem:s25+$0x1800]  }
0xdc: {  	v24 =	vld [tilespmem:s25+$0x1810]  }
0xdd: {  	v25 =	vld [tilespmem:s25+$0x2000]  }
0xde: {  	v21 =	vld.idx.msk [tilespmem:v21+s8+$0x0], $0xffff  }
0xdf: {  	v26 =	vld [tilespmem:s25+$0x2010]  }
0xe0: {  	v27 =	vld [tilespmem:s25+$0x2800]  }
0xe1: {  	v28 =	vld [tilespmem:s25+$0x2810]  }
0xe2: {  	v31 =	vld [tilespmem:s25+$0x3000]  }
0xe3: {  	v32 =	vld [tilespmem:s25+$0x3010];
	v29 =	vperm.xlane v21, v1  }
0xe4: {  	v60 =	vld [tilespmem:s25+$0x4000];
	v30 =	vperm.xlane v21, v2;
	v33 =	vperm.xlane v21, v3  }
0xe5: {  	v63 =	vld [tilespmem:s25+$0x4010];
	v62 =	vperm.xlane v21, v4;
	v40 =	vperm.xlane v21, v5  }
0xe6: {  	v36 =	vld [tilespmem:s25+$0x4800];
	v42 =	vperm.xlane v21, v6;
	v48 =	vperm.xlane v21, v7  }
0xe7: {  	v37 =	vld [tilespmem:s25+$0x4810];
	v50 =	vperm.xlane v21, v8;
	v54 =	vperm.xlane v21, v9;
	v29 =	vpack.i.f32.bf16 v29, v29  }
0xe8: {  	v38 =	vld [tilespmem:s25+$0x5800];
	v55 =	vperm.xlane v21, v10;
	v30 =	vpack.i.f32.bf16 v30, v30;
	v23 =	vmul.bf16 v23, v29  }
0xe9: {  	v49 =	vld [tilespmem:s25+$0x5810];
	v59 =	vpack.i.f32.bf16 v33, v33;
	v25 =	vmul.bf16 v25, v30;
	v24 =	vmul.bf16 v24, v29  }
0xea: {  	v34 =	vld [tilespmem:s25+$0x3800];
	v41 =	vpack.i.f32.bf16 v62, v62;
	v26 =	vmul.bf16 v26, v30;
	v61 =	vmul.bf16 v27, v59  }
0xeb: {  	v51 =	vld [tilespmem:s25+$0x6000];
	v28 =	vmul.bf16 v28, v59;
	v43 =	vmul.bf16 v31, v41;
	v27 =	vpack.i.f32.bf16 v42, v42  }
0xec: {  	v35 =	vld [tilespmem:s25+$0x3810];
	v30 =	vpack.i.f32.bf16 v48, v48;
	v47 =	vmul.bf16 v60, v27;
	v27 =	vmul.bf16 v63, v27  }
0xed: {  	v44 =	vld [tilespmem:s25+$0x5000];
	v59 =	vpack.i.f32.bf16 v54, v54;
	v52 =	vmul.bf16 v36, v30;
	v30 =	vmul.bf16 v37, v30  }
0xee: {  	v46 =	vld [tilespmem:s25+$0x5010];
	v60 =	vpack.i.f32.bf16 v55, v55;
	v62 =	vmul.bf16 v38, v59;
	v29 =	vmul.bf16 v49, v59  }
0xef: {  	v49 =	vperm.xlane v21, v13;
	v23 =	vadd.bf16 v25, v23;
	v24 =	vadd.bf16 v26, v24  }
0xf0: {  	v53 =	vld [tilespmem:s25+$0x6010];
	v26 =	vpack.i.f32.bf16 v40, v40;
	v25 =	vmul.bf16 v32, v41;
	v33 =	vmul.bf16 v51, v60  }
0xf1: {  	v39 =	vld [tilespmem:s25+$0x6800];
	v32 =	vpack.i.f32.bf16 v50, v50;
	v50 =	vperm.xlane v21, v15;
	v41 =	vperm.xlane v21, v16  }
0xf2: {  	v48 =	vld [tilespmem:s25+$0x7810];
	v45 =	vmul.bf16 v34, v26;
	v26 =	vmul.bf16 v35, v26  }
0xf3: {  	v63 =	vld [tilespmem:s25+$0x7800];
	v56 =	vmul.bf16 v44, v32;
	v58 =	vmul.bf16 v46, v32;
	v34 =	vpack.i.f32.bf16 v49, v49  }
0xf4: {  	v57 =	vld [tilespmem:s25+$0x6810];
	v23 =	vadd.bf16 v61, v23;
	v24 =	vadd.bf16 v28, v24;
	v35 =	vpack.i.f32.bf16 v50, v50  }
0xf5: {  	v46 =	vld [tilespmem:s25+$0x8000];
	v41 =	vpack.i.f32.bf16 v41, v41;
	v28 =	vadd.bf16 v47, v45;
	v45 =	vperm.xlane v21, v11  }
0xf6: {  	v51 =	vld [tilespmem:s25+$0x8800];
	v26 =	vadd.bf16 v27, v26;
	v47 =	vmul.bf16 v53, v60;
	v53 =	vperm.xlane v21, v12  }
0xf7: {  	v40 =	vld [tilespmem:s25+$0x8010];
	v21 =	vperm.xlane v21, v17;
	v23 =	vadd.bf16 v43, v23;
	v24 =	vadd.bf16 v25, v24  }
0xf8: {  	v61 =	vld [tilespmem:s25+$0x7000];
	v25 =	vadd.bf16 v33, v62;
	v54 =	vmul.bf16 v63, v34;
	v33 =	vmul.bf16 v48, v34  }
0xf9: {  	v42 =	vld [tilespmem:s25+$0x9000];
	v27 =	vadd.bf16 v52, v28;
	v26 =	vadd.bf16 v30, v26;
	v28 =	vpack.i.f32.bf16 v45, v45  }
0xfa: {  	v55 =	vld [tilespmem:s25+$0x8810];
	v29 =	vadd.bf16 v47, v29;
	v52 =	vmul.bf16 v39, v28;
	v31 =	vmul.bf16 v46, v35  }
0xfb: {  	v28 =	vmul.bf16 v57, v28;
	v39 =	vpack.i.f32.bf16 v53, v53;
	v27 =	vadd.bf16 v56, v27;
	v56 =	vld [tilespmem:s25+$0x7010]  }
0xfc: {  	v57 =	vmul.bf16 v51, v41;
	v26 =	vadd.bf16 v58, v26;
	v58 =	vld [tilespmem:s25+$0x9010];
	v31 =	vadd.bf16 v31, v54  }
0xfd: {  	v59 =	vmul.bf16 v40, v35;
	v21 =	vpack.i.f32.bf16 v21, v21;
	v60 =	vmul.bf16 v61, v39  }
0xfe: {  	v61 =	vmul.bf16 v42, v21;
	v25 =	vadd.bf16 v52, v25;
	v31 =	vadd.bf16 v57, v31  }
0xff: {  	v63 =	vmul.bf16 v55, v41;
	v62 =	vadd.bf16 v59, v33;
	v28 =	vadd.bf16 v28, v29  }
0x100: {  	v37 =	vor.u32 v14, v22;
	v25 =	vadd.bf16 v60, v25;
	v31 =	vadd.bf16 v61, v31  }
0x101: {  	s26 =	sadd.s32 $0xFFFFFFFE, s24;
	v29 =	vadd.bf16 v63, v62;
	v30 =	vmul.bf16 v56, v39;
	v21 =	vmul.bf16 v58, v21  }
0x102: {  	v38 =	vmov s26;
	v23 =	vadd.bf16 v27, v23;
	v25 =	vadd.bf16 v31, v25  }
0x103: {  	v40 =	vand.u32 $0x3D, v38;
	v36 =	vadd.bf16 v30, v28;
	v21 =	vadd.bf16 v21, v29  }
0x104: {  	v41 =	vor.u32 v19, v22;
	v24 =	vadd.bf16 v26, v24;
	v39 =	vor.u32 v18, v22  }
0x105: {  	v23 =	vadd.bf16 v25, v23;
	v27 =	vadd.bf16 v21, v36;
	v21 =	vbroadcast v40, $0x0  }
0x106: {  	v22 =	vor.u32 v20, v22  }
0x107: {  	v42 =	vunpack.i.l.bf16.f32 v23;
	v24 =	vadd.bf16 v27, v24;
	v43 =	vor.u32 v0, v21  }
0x108: {  	v23 =	vunpack.i.u.bf16.f32 v23;
	[tilespmem:v37+s2+$0x0] =	vst.idx.msk $0xffff, v42  }
0x109: {  	[tilespmem:v39+s2+$0x0] =	vst.idx.msk $0xffff, v23;
	v23 =	vunpack.i.l.bf16.f32 v24  }
0x10a: {  	v24 =	vunpack.i.u.bf16.f32 v24;
	[tilespmem:v41+s2+$0x0] =	vst.idx.msk $0xffff, v23  }
0x10b: {  	[tilespmem:v22+s2+$0x0] =	vst.idx.msk $0xffff, v24  }
0x10c: {  	v22 =	vld.idx.msk [tilespmem:v43+s8+$0x0], $0xffff  }
0x10d: {  	v23 =	vld [tilespmem:s25+$0x1820]  }
0x10e: {  	v24 =	vld [tilespmem:s25+$0x1830]  }
0x10f: {  	v25 =	vld [tilespmem:s25+$0x2020]  }
0x110: {  	v26 =	vld [tilespmem:s25+$0x2030]  }
0x111: {  	v44 =	vld [tilespmem:s25+$0x2820]  }
0x112: {  	v28 =	vld [tilespmem:s25+$0x2830]  }
0x113: {  	v47 =	vld [tilespmem:s25+$0x3020]  }
0x114: {  	v48 =	vld [tilespmem:s25+$0x3030];
	v45 =	vperm.xlane v22, v1;
	v46 =	vperm.xlane v22, v2  }
0x115: {  	v53 =	vld [tilespmem:s25+$0x4020];
	v49 =	vperm.xlane v22, v3;
	v55 =	vperm.xlane v22, v4  }
0x116: {  	v56 =	vld [tilespmem:s25+$0x4030];
	v57 =	vperm.xlane v22, v5;
	v60 =	vperm.xlane v22, v6;
	v29 =	vpack.i.f32.bf16 v45, v45  }
0x117: {  	v50 =	vld [tilespmem:s25+$0x3820];
	v30 =	vpack.i.f32.bf16 v46, v46;
	v45 =	vperm.xlane v22, v7;
	v23 =	vmul.bf16 v23, v29  }
0x118: {  	v51 =	vld [tilespmem:s25+$0x3830];
	v52 =	vpack.i.f32.bf16 v49, v49;
	v25 =	vmul.bf16 v25, v30;
	v24 =	vmul.bf16 v24, v29  }
0x119: {  	v58 =	vld [tilespmem:s25+$0x4820];
	v59 =	vpack.i.f32.bf16 v55, v55;
	v26 =	vmul.bf16 v26, v30;
	v54 =	vmul.bf16 v44, v52  }
0x11a: {  	v61 =	vld [tilespmem:s25+$0x4830];
	v27 =	vpack.i.f32.bf16 v60, v60;
	v28 =	vmul.bf16 v28, v52;
	v62 =	vmul.bf16 v47, v59  }
0x11b: {  	v63 =	vld [tilespmem:s25+$0x5020];
	v44 =	vmul.bf16 v53, v27;
	v27 =	vmul.bf16 v56, v27  }
0x11c: {  	v37 =	vor.u32 v18, v21;
	v46 =	vld [tilespmem:s25+$0x5820];
	v52 =	vperm.xlane v22, v9;
	v53 =	vperm.xlane v22, v10  }
0x11d: {  	v49 =	vld [tilespmem:s25+$0x6020];
	v30 =	vpack.i.f32.bf16 v45, v45;
	v23 =	vadd.bf16 v25, v23;
	v24 =	vadd.bf16 v26, v24  }
0x11e: {  	v43 =	vld [tilespmem:s25+$0x5030];
	v26 =	vpack.i.f32.bf16 v57, v57;
	v25 =	vmul.bf16 v48, v59;
	v48 =	vperm.xlane v22, v8  }
0x11f: {  	v47 =	vld [tilespmem:s25+$0x5830];
	v59 =	vpack.i.f32.bf16 v53, v53;
	v42 =	vmul.bf16 v50, v26;
	v26 =	vmul.bf16 v51, v26  }
0x120: {  	v36 =	vld [tilespmem:s25+$0x7020];
	v50 =	vmul.bf16 v58, v30;
	v30 =	vmul.bf16 v61, v30;
	v58 =	vpack.i.f32.bf16 v52, v52  }
0x121: {  	v56 =	vld [tilespmem:s25+$0x6830];
	v52 =	vperm.xlane v22, v16;
	v23 =	vadd.bf16 v54, v23;
	v24 =	vadd.bf16 v28, v24  }
0x122: {  	v45 =	vld [tilespmem:s25+$0x7830];
	v32 =	vpack.i.f32.bf16 v48, v48;
	v60 =	vmul.bf16 v46, v58;
	v33 =	vmul.bf16 v49, v59  }
0x123: {  	v51 =	vld [tilespmem:s25+$0x6030];
	v46 =	vperm.xlane v22, v13;
	v28 =	vadd.bf16 v44, v42;
	v55 =	vmul.bf16 v63, v32  }
0x124: {  	v61 =	vld [tilespmem:s25+$0x7820];
	v26 =	vadd.bf16 v27, v26;
	v57 =	vmul.bf16 v43, v32;
	v29 =	vmul.bf16 v47, v58  }
0x125: {  	v54 =	vld [tilespmem:s25+$0x6820];
	v47 =	vperm.xlane v22, v15;
	v41 =	vpack.i.f32.bf16 v52, v52;
	v23 =	vadd.bf16 v62, v23  }
0x126: {  	v63 =	vld [tilespmem:s25+$0x8020];
	v24 =	vadd.bf16 v25, v24;
	v62 =	vperm.xlane v22, v11;
	v25 =	vadd.bf16 v33, v60  }
0x127: {  	v48 =	vld [tilespmem:s25+$0x8820];
	v34 =	vpack.i.f32.bf16 v46, v46;
	v27 =	vadd.bf16 v50, v28;
	v26 =	vadd.bf16 v30, v26  }
0x128: {  	v50 =	vperm.xlane v22, v12;
	v35 =	vpack.i.f32.bf16 v47, v47;
	v44 =	vmul.bf16 v51, v59;
	v51 =	vld [tilespmem:s25+$0x8030]  }
0x129: {  	v53 =	vld [tilespmem:s25+$0x9020];
	v22 =	vperm.xlane v22, v17;
	v33 =	vmul.bf16 v45, v34;
	v28 =	vpack.i.f32.bf16 v62, v62  }
0x12a: {  	v27 =	vadd.bf16 v55, v27;
	v49 =	vmul.bf16 v54, v28;
	v54 =	vmul.bf16 v61, v34;
	v55 =	vld [tilespmem:s25+$0x8830]  }
0x12b: {  	v26 =	vadd.bf16 v57, v26;
	v28 =	vmul.bf16 v56, v28;
	v56 =	vld [tilespmem:s25+$0x7030];
	v31 =	vmul.bf16 v63, v35  }
0x12c: {  	v58 =	vld [tilespmem:s25+$0x9030];
	v39 =	vpack.i.f32.bf16 v50, v50;
	v57 =	vmul.bf16 v48, v41;
	v22 =	vpack.i.f32.bf16 v22, v22  }
0x12d: {  	v29 =	vadd.bf16 v44, v29;
	v31 =	vadd.bf16 v31, v54;
	v59 =	vmul.bf16 v51, v35  }
0x12e: {  	v60 =	vmul.bf16 v36, v39;
	v61 =	vmul.bf16 v53, v22;
	v25 =	vadd.bf16 v49, v25  }
0x12f: {  	v31 =	vadd.bf16 v57, v31;
	v63 =	vmul.bf16 v55, v41;
	v62 =	vadd.bf16 v59, v33  }
0x130: {  	v28 =	vadd.bf16 v28, v29;
	v25 =	vadd.bf16 v60, v25;
	v30 =	vmul.bf16 v56, v39  }
0x131: {  	s26 =	sadd.s32 $0xFFFFFFFF, s24;
	v22 =	vmul.bf16 v58, v22;
	v31 =	vadd.bf16 v61, v31;
	v29 =	vadd.bf16 v63, v62  }
0x132: {  	v36 =	vmov s26;
	v23 =	vadd.bf16 v27, v23;
	v34 =	vadd.bf16 v30, v28  }
0x133: {  	v35 =	vor.u32 v14, v21;
	v25 =	vadd.bf16 v31, v25;
	v22 =	vadd.bf16 v22, v29  }
0x134: {  	v24 =	vadd.bf16 v26, v24;
	v38 =	vand.u32 $0x3E, v36;
	v39 =	vor.u32 v19, v21  }
0x135: {  	v23 =	vadd.bf16 v25, v23;
	v27 =	vadd.bf16 v22, v34;
	v22 =	vbroadcast v38, $0x0  }
0x136: {  	v21 =	vor.u32 v20, v21  }
0x137: {  	v40 =	vunpack.i.l.bf16.f32 v23;
	v24 =	vadd.bf16 v27, v24;
	v41 =	vor.u32 v0, v22  }
0x138: {  	v23 =	vunpack.i.u.bf16.f32 v23;
	[tilespmem:v35+s2+$0x0] =	vst.idx.msk $0xffff, v40  }
0x139: {  	[tilespmem:v37+s2+$0x0] =	vst.idx.msk $0xffff, v23;
	v23 =	vunpack.i.l.bf16.f32 v24  }
0x13a: {  	v24 =	vunpack.i.u.bf16.f32 v24;
	[tilespmem:v39+s2+$0x0] =	vst.idx.msk $0xffff, v23  }
0x13b: {  	[tilespmem:v21+s2+$0x0] =	vst.idx.msk $0xffff, v24  }
0x13c: {  	v21 =	vld.idx.msk [tilespmem:v41+s8+$0x0], $0xffff  }
0x13d: {  	v23 =	vld [tilespmem:s25+$0x1840]  }
0x13e: {  	v24 =	vld [tilespmem:s25+$0x1850]  }
0x13f: {  	v25 =	vld [tilespmem:s25+$0x2040]  }
0x140: {  	v26 =	vld [tilespmem:s25+$0x2050]  }
0x141: {  	v42 =	vld [tilespmem:s25+$0x2840]  }
0x142: {  	v28 =	vld [tilespmem:s25+$0x2850]  }
0x143: {  	v45 =	vld [tilespmem:s25+$0x3040]  }
0x144: {  	v46 =	vld [tilespmem:s25+$0x3050];
	v43 =	vperm.xlane v21, v1;
	v44 =	vperm.xlane v21, v2  }
0x145: {  	v51 =	vld [tilespmem:s25+$0x4040];
	v47 =	vperm.xlane v21, v3;
	v53 =	vperm.xlane v21, v4  }
0x146: {  	v54 =	vld [tilespmem:s25+$0x4050];
	v55 =	vperm.xlane v21, v5;
	v58 =	vperm.xlane v21, v6;
	v29 =	vpack.i.f32.bf16 v43, v43  }
0x147: {  	v48 =	vld [tilespmem:s25+$0x3840];
	v30 =	vpack.i.f32.bf16 v44, v44;
	v43 =	vperm.xlane v21, v7;
	v23 =	vmul.bf16 v23, v29  }
0x148: {  	v49 =	vld [tilespmem:s25+$0x3850];
	v50 =	vpack.i.f32.bf16 v47, v47;
	v25 =	vmul.bf16 v25, v30;
	v24 =	vmul.bf16 v24, v29  }
0x149: {  	v56 =	vld [tilespmem:s25+$0x4840];
	v57 =	vpack.i.f32.bf16 v53, v53;
	v26 =	vmul.bf16 v26, v30;
	v52 =	vmul.bf16 v42, v50  }
0x14a: {  	v59 =	vld [tilespmem:s25+$0x4850];
	v27 =	vpack.i.f32.bf16 v58, v58;
	v28 =	vmul.bf16 v28, v50;
	v60 =	vmul.bf16 v45, v57  }
0x14b: {  	v61 =	vld [tilespmem:s25+$0x5040];
	v42 =	vmul.bf16 v51, v27;
	v27 =	vmul.bf16 v54, v27  }
0x14c: {  	v44 =	vld [tilespmem:s25+$0x5840];
	v50 =	vperm.xlane v21, v9;
	v51 =	vperm.xlane v21, v10;
	v23 =	vadd.bf16 v25, v23  }
0x14d: {  	v47 =	vld [tilespmem:s25+$0x6040];
	v24 =	vadd.bf16 v26, v24;
	v26 =	vpack.i.f32.bf16 v55, v55;
	v25 =	vmul.bf16 v46, v57  }
0x14e: {  	v63 =	vld [tilespmem:s25+$0x5050];
	v30 =	vpack.i.f32.bf16 v43, v43;
	v46 =	vperm.xlane v21, v8;
	v62 =	vmul.bf16 v48, v26  }
0x14f: {  	v45 =	vld [tilespmem:s25+$0x5850];
	v57 =	vpack.i.f32.bf16 v51, v51;
	v26 =	vmul.bf16 v49, v26;
	v48 =	vmul.bf16 v56, v30  }
0x150: {  	v36 =	vld [tilespmem:s25+$0x7040];
	v30 =	vmul.bf16 v59, v30;
	v56 =	vpack.i.f32.bf16 v50, v50;
	v50 =	vperm.xlane v21, v16  }
0x151: {  	v54 =	vld [tilespmem:s25+$0x6850];
	v23 =	vadd.bf16 v52, v23;
	v24 =	vadd.bf16 v28, v24;
	v58 =	vmul.bf16 v44, v56  }
0x152: {  	v49 =	vld [tilespmem:s25+$0x6050];
	v32 =	vpack.i.f32.bf16 v46, v46;
	v33 =	vmul.bf16 v47, v57;
	v44 =	vperm.xlane v21, v13  }
0x153: {  	v59 =	vld [tilespmem:s25+$0x7840];
	v28 =	vadd.bf16 v42, v62;
	v53 =	vmul.bf16 v61, v32;
	v55 =	vmul.bf16 v63, v32  }
0x154: {  	v52 =	vld [tilespmem:s25+$0x6840];
	v26 =	vadd.bf16 v27, v26;
	v29 =	vmul.bf16 v45, v56;
	v45 =	vperm.xlane v21, v15  }
0x155: {  	v46 =	vld [tilespmem:s25+$0x8840];
	v41 =	vpack.i.f32.bf16 v50, v50;
	v32 =	vmov s24;
	v23 =	vadd.bf16 v60, v23  }
0x156: {  	v61 =	vld [tilespmem:s25+$0x8040];
	v24 =	vadd.bf16 v25, v24;
	v60 =	vperm.xlane v21, v11;
	v25 =	vadd.bf16 v33, v58  }
0x157: {  	v63 =	vld [tilespmem:s25+$0x7850];
	v34 =	vpack.i.f32.bf16 v44, v44;
	v27 =	vadd.bf16 v48, v28;
	v26 =	vadd.bf16 v30, v26  }
0x158: {  	v48 =	vperm.xlane v21, v12;
	v35 =	vpack.i.f32.bf16 v45, v45;
	v62 =	vmul.bf16 v49, v57;
	v49 =	vld [tilespmem:s25+$0x8050]  }
0x159: {  	v51 =	vld [tilespmem:s25+$0x9040];
	v21 =	vperm.xlane v21, v17;
	v28 =	vpack.i.f32.bf16 v60, v60;
	v27 =	vadd.bf16 v53, v27  }
0x15a: {  	v26 =	vadd.bf16 v55, v26;
	v47 =	vmul.bf16 v52, v28;
	v52 =	vmul.bf16 v59, v34;
	v53 =	vld [tilespmem:s25+$0x8850]  }
0x15b: {  	v28 =	vmul.bf16 v54, v28;
	v54 =	vld [tilespmem:s25+$0x7050];
	v39 =	vpack.i.f32.bf16 v48, v48;
	v31 =	vmul.bf16 v61, v35  }
0x15c: {  	v56 =	vld [tilespmem:s25+$0x9050];
	v55 =	vmul.bf16 v46, v41;
	v21 =	vpack.i.f32.bf16 v21, v21;
	v29 =	vadd.bf16 v62, v29  }
0x15d: {  	v33 =	vmul.bf16 v63, v34;
	v31 =	vadd.bf16 v31, v52;
	v57 =	vmul.bf16 v49, v35  }
0x15e: {  	v58 =	vmul.bf16 v36, v39;
	v59 =	vmul.bf16 v51, v21;
	v25 =	vadd.bf16 v47, v25  }
0x15f: {  	v31 =	vadd.bf16 v55, v31;
	v61 =	vmul.bf16 v53, v41;
	v60 =	vadd.bf16 v57, v33  }
0x160: {  	v28 =	vadd.bf16 v28, v29;
	v25 =	vadd.bf16 v58, v25;
	v30 =	vmul.bf16 v54, v39  }
0x161: {  	v21 =	vmul.bf16 v56, v21;
	v31 =	vadd.bf16 v59, v31;
	v29 =	vadd.bf16 v61, v60  }
0x162: {  	v63 =	vor.u32 v14, v22;
	v23 =	vadd.bf16 v27, v23;
	v62 =	vadd.bf16 v30, v28  }
0x163: {  	v34 =	vand.u32 $0x3F, v32;
	v25 =	vadd.bf16 v31, v25;
	v21 =	vadd.bf16 v21, v29  }
0x164: {  	v24 =	vadd.bf16 v26, v24;
	v35 =	vor.u32 v19, v22;
	v33 =	vor.u32 v18, v22  }
0x165: {  	v23 =	vadd.bf16 v25, v23;
	v27 =	vadd.bf16 v21, v62;
	v21 =	vbroadcast v34, $0x0  }
0x166: {  	v22 =	vor.u32 v20, v22  }
0x167: {  	v36 =	vunpack.i.l.bf16.f32 v23;
	v24 =	vadd.bf16 v27, v24;
	v37 =	vor.u32 v0, v21  }
0x168: {  	v23 =	vunpack.i.u.bf16.f32 v23;
	[tilespmem:v63+s2+$0x0] =	vst.idx.msk $0xffff, v36  }
0x169: {  	[tilespmem:v33+s2+$0x0] =	vst.idx.msk $0xffff, v23;
	v23 =	vunpack.i.l.bf16.f32 v24  }
0x16a: {  	v24 =	vunpack.i.u.bf16.f32 v24;
	[tilespmem:v35+s2+$0x0] =	vst.idx.msk $0xffff, v23  }
0x16b: {  	[tilespmem:v22+s2+$0x0] =	vst.idx.msk $0xffff, v24  }
0x16c: {  	v22 =	vld.idx.msk [tilespmem:v37+s8+$0x0], $0xffff  }
0x16d: {  	v23 =	vld [tilespmem:s25+$0x1860]  }
0x16e: {  	v24 =	vld [tilespmem:s25+$0x1870]  }
0x16f: {  	v25 =	vld [tilespmem:s25+$0x2060]  }
0x170: {  	v26 =	vld [tilespmem:s25+$0x2070]  }
0x171: {  	v38 =	vld [tilespmem:s25+$0x2860]  }
0x172: {  	v28 =	vld [tilespmem:s25+$0x2870]  }
0x173: {  	v41 =	vld [tilespmem:s25+$0x3060]  }
0x174: {  	v42 =	vld [tilespmem:s25+$0x3070];
	v39 =	vperm.xlane v22, v1;
	v40 =	vperm.xlane v22, v2  }
0x175: {  	v47 =	vld [tilespmem:s25+$0x4060];
	v43 =	vperm.xlane v22, v3;
	v49 =	vperm.xlane v22, v4  }
0x176: {  	v50 =	vld [tilespmem:s25+$0x4070];
	v51 =	vperm.xlane v22, v5;
	v54 =	vperm.xlane v22, v6;
	v29 =	vpack.i.f32.bf16 v39, v39  }
0x177: {  	v52 =	vld [tilespmem:s25+$0x4860];
	v61 =	vperm.xlane v22, v7;
	v30 =	vpack.i.f32.bf16 v40, v40;
	v23 =	vmul.bf16 v23, v29  }
0x178: {  	v55 =	vld [tilespmem:s25+$0x4870];
	v46 =	vpack.i.f32.bf16 v43, v43;
	v25 =	vmul.bf16 v25, v30;
	v24 =	vmul.bf16 v24, v29  }
0x179: {  	v44 =	vld [tilespmem:s25+$0x3860];
	v53 =	vpack.i.f32.bf16 v49, v49;
	v26 =	vmul.bf16 v26, v30;
	v48 =	vmul.bf16 v38, v46  }
0x17a: {  	v45 =	vld [tilespmem:s25+$0x3870];
	v27 =	vpack.i.f32.bf16 v54, v54;
	v28 =	vmul.bf16 v28, v46;
	v56 =	vmul.bf16 v41, v53  }
0x17b: {  	v57 =	vld [tilespmem:s25+$0x5060];
	v60 =	vmul.bf16 v47, v27;
	v27 =	vmul.bf16 v50, v27  }
0x17c: {  	v59 =	vld [tilespmem:s25+$0x5070];
	v30 =	vpack.i.f32.bf16 v61, v61;
	v41 =	vperm.xlane v22, v8;
	v46 =	vperm.xlane v22, v10  }
0x17d: {  	v62 =	vld [tilespmem:s25+$0x5860];
	v43 =	vmul.bf16 v52, v30;
	v30 =	vmul.bf16 v55, v30  }
0x17e: {  	v63 =	vld [tilespmem:s25+$0x5870];
	v55 =	vperm.xlane v22, v11;
	v24 =	vadd.bf16 v26, v24;
	v26 =	vpack.i.f32.bf16 v51, v51  }
0x17f: {  	v36 =	vld [tilespmem:s25+$0x7060];
	v23 =	vadd.bf16 v25, v23;
	v25 =	vmul.bf16 v42, v53;
	v58 =	vmul.bf16 v44, v26  }
0x180: {  	v49 =	vld [tilespmem:s25+$0x6870];
	v32 =	vpack.i.f32.bf16 v41, v41;
	v26 =	vmul.bf16 v45, v26;
	v45 =	vperm.xlane v22, v9  }
0x181: {  	v42 =	vld [tilespmem:s25+$0x6060];
	v52 =	vpack.i.f32.bf16 v46, v46;
	v50 =	vmul.bf16 v59, v32;
	v59 =	vperm.xlane v22, v13  }
0x182: {  	v44 =	vld [tilespmem:s25+$0x6070];
	v23 =	vadd.bf16 v48, v23;
	v24 =	vadd.bf16 v28, v24;
	v48 =	vmul.bf16 v57, v32  }
0x183: {  	v47 =	vld [tilespmem:s25+$0x6860];
	v28 =	vadd.bf16 v60, v58;
	v26 =	vadd.bf16 v27, v26;
	v51 =	vpack.i.f32.bf16 v45, v45  }
0x184: {  	v54 =	vld [tilespmem:s25+$0x7860];
	v60 =	vperm.xlane v22, v15;
	v34 =	vpack.i.f32.bf16 v59, v59;
	v45 =	vperm.xlane v22, v16  }
0x185: {  	v61 =	vld [tilespmem:s25+$0x8860];
	v23 =	vadd.bf16 v56, v23;
	v24 =	vadd.bf16 v25, v24;
	v53 =	vmul.bf16 v62, v51  }
0x186: {  	v56 =	vld [tilespmem:s25+$0x8060];
	v29 =	vmul.bf16 v63, v51;
	v27 =	vadd.bf16 v43, v28;
	v26 =	vadd.bf16 v30, v26  }
0x187: {  	v58 =	vld [tilespmem:s25+$0x7870];
	v33 =	vmul.bf16 v42, v52;
	v28 =	vpack.i.f32.bf16 v55, v55;
	v57 =	vmul.bf16 v44, v52  }
0x188: {  	v63 =	vld [tilespmem:s25+$0x8070];
	v35 =	vpack.i.f32.bf16 v60, v60;
	v62 =	vmul.bf16 v47, v28;
	v28 =	vmul.bf16 v49, v28  }
0x189: {  	v46 =	vld [tilespmem:s25+$0x9060];
	v39 =	vpack.i.f32.bf16 v45, v45;
	v47 =	vmul.bf16 v54, v34;
	v49 =	vperm.xlane v22, v12  }
0x18a: {  	v22 =	vperm.xlane v22, v17;
	v51 =	vmul.bf16 v61, v39;
	v27 =	vadd.bf16 v48, v27;
	v48 =	vld [tilespmem:s25+$0x8870]  }
0x18b: {  	v26 =	vadd.bf16 v50, v26;
	v25 =	vadd.bf16 v33, v53;
	v50 =	vld [tilespmem:s25+$0x7070];
	v31 =	vmul.bf16 v56, v35  }
0x18c: {  	v52 =	vld [tilespmem:s25+$0x9070];
	v29 =	vadd.bf16 v57, v29;
	v33 =	vmul.bf16 v58, v34;
	v53 =	vpack.i.f32.bf16 v49, v49  }
0x18d: {  	v22 =	vpack.i.f32.bf16 v22, v22;
	v30 =	vmul.bf16 v63, v35;
	v31 =	vadd.bf16 v31, v47  }
0x18e: {  	v25 =	vadd.bf16 v62, v25;
	v54 =	vmul.bf16 v36, v53;
	v55 =	vmul.bf16 v46, v22  }
0x18f: {  	v56 =	vadd.bf16 v30, v33;
	v57 =	vmul.bf16 v48, v39;
	v31 =	vadd.bf16 v51, v31  }
0x190: {  	v28 =	vadd.bf16 v28, v29;
	v25 =	vadd.bf16 v54, v25;
	v58 =	vmul.bf16 v50, v53  }
0x191: {  	v22 =	vmul.bf16 v52, v22;
	v29 =	vadd.bf16 v57, v56;
	v31 =	vadd.bf16 v55, v31  }
0x192: {  	v23 =	vadd.bf16 v27, v23;
	v59 =	vadd.bf16 v58, v28  }
0x193: {  	v60 =	vor.u32 v14, v21;
	v22 =	vadd.bf16 v22, v29;
	v25 =	vadd.bf16 v31, v25  }
0x194: {  	v61 =	vor.u32 v18, v21;
	v24 =	vadd.bf16 v26, v24  }
0x195: {  	v62 =	vor.u32 v19, v21;
	v22 =	vadd.bf16 v22, v59;
	v23 =	vadd.bf16 v25, v23  }
0x196: {  	p2 =	sne.s32 s23, $0x1E00;
	v21 =	vor.u32 v20, v21  }
.Ltmp0:
0x197: {  	v22 =	vadd.bf16 v22, v24;
	v63 =	vunpack.i.l.bf16.f32 v23;
	(pc) =	sbr.rel @p2 .LBB2_3-.Ltmp0, $4  }
0x198: {  	v23 =	vunpack.i.u.bf16.f32 v23;
	[tilespmem:v60+s2+$0x0] =	vst.idx.msk $0xffff, v63  }
0x199: {  	[tilespmem:v61+s2+$0x0] =	vst.idx.msk $0xffff, v23;
	v23 =	vunpack.i.l.bf16.f32 v22  }
0x19a: {  	v22 =	vunpack.i.u.bf16.f32 v22;
	[tilespmem:v62+s2+$0x0] =	vst.idx.msk $0xffff, v23  }
0x19b: {  	s23 =	sadd.s32 $0x200, s23;
	s24 =	sadd.s32 $0x4, s24;
	[tilespmem:v21+s2+$0x0] =	vst.idx.msk $0xffff, v22  }
0x19c: {  	s20 =	sadd.s32 @!p0 s5, s20  }
0x19d: {  	s23 =	simm.s32 @!p0 $0x40;
	s24 =	simm.s32 @!p0 $0x40000;
	s25 =	simm.s32 @!p0 $0x1000  }
0x19e: {  	[tilespmem:s25], [sflag:$0x5] =	stream.strided.gather @!p0 [hbm4b:s20+s23], $0x400, s24, s23, $0x38;
	[tilespmem:$0x13800] =	vst v63  }
0x19f: {  	p2 =	sne.s32 s19, $0x3F;
	s20 =	sshrl.u32 s22, $0x3  }
.Ltmp1:
0x1a0: {  	s22 =	sadd.s32 s7, s20;
	(pc) =	sbr.rel @p2 .LBB2_6-.Ltmp1, $4  }
0x1a1: {  	[hbm4b:s22+s13] =	stream.strided.scatter [tilespmem:s2], [sflag:$0x7], $0x1000, s14, s13, $0x38;
	[tilespmem:$0x13800] =	vst v63  }
0x1a2: {  	_ =	swait.ge [sflag:s1], $0x8000  }
0x1a3: {  	[sflag:s1] =	ssyncset.done $0x0  }
0x1a4: {  	s21 =	sadd.s32 $0x3, s21;
	[sflag:s1] =	ssyncadd.s32 $0xFFFF8000  }
.Ltmp2:
0x1a5: {  	(pc) =	sbr.rel .LBB2_7-.Ltmp2, $4  }
0x1a6: {  	_ = 	snop  }
0x1a7: {  	_ =	swait.ge [sflag:s12], $0x400  }
0x1a8: {  	[sflag:s12] =	ssyncset.done $0x0  }
0x1a9: {  	[sflag:s12] =	ssyncadd.s32 $0xFFFFFC00  }
.LBB2_6:
0x1aa: {  	s22 =	sshll.u32 s21, $0x6  }
0x1ab: {  	s22 =	sadd.s32 s6, s22  }
0x1ac: {  	s22 =	sshrl.u32 s22, $0x3  }
0x1ad: {  	s23 =	simm.s32 $0x400;
	s22 =	sadd.s32 s4, s22  }
0x1ae: {  	[tilespmem:s23], [sflag:$0x4] =	stream.strided.gather [hbm4b:s22+s13], $0x400, s14, s13, $0x38;
	[tilespmem:$0x13800] =	vst v63  }
0x1af: {  	_ =	swait.ge [sflag:s18], $0x400  }
0x1b0: {  	[sflag:s18] =	ssyncset.done $0x0  }
0x1b1: {  	[sflag:s18] =	ssyncadd.s32 $0xFFFFFC00  }
0x1b2: {  	v21 =	vld [tilespmem:$0x0]  }
0x1b3: {  	v22 =	vld [tilespmem:$0x10]  }
0x1b4: {  	v23 =	vld [tilespmem:$0x20]  }
0x1b5: {  	v24 =	vld [tilespmem:$0x30]  }
0x1b6: {  	v25 =	vld [tilespmem:$0x40]  }
0x1b7: {  	v41 =	vld [tilespmem:$0x80];
	[tilespmem:$0x800] =	vst v21  }
0x1b8: {  	v21 =	vld [tilespmem:$0x50];
	[tilespmem:$0x810] =	vst v22  }
0x1b9: {  	v22 =	vld [tilespmem:$0x60];
	[tilespmem:$0x820] =	vst v23  }
0x1ba: {  	v23 =	vld [tilespmem:$0x70];
	[tilespmem:$0x830] =	vst v24  }
0x1bb: {  	v42 =	vld [tilespmem:$0x90];
	[tilespmem:$0x840] =	vst v25  }
0x1bc: {  	v43 =	vld [tilespmem:$0xD0];
	[tilespmem:$0x880] =	vst v41  }
0x1bd: {  	[tilespmem:$0x850] =	vst v21;
	v21 =	vld [tilespmem:$0xA0]  }
0x1be: {  	[tilespmem:$0x860] =	vst v22;
	v22 =	vld [tilespmem:$0xB0]  }
0x1bf: {  	[tilespmem:$0x870] =	vst v23;
	v23 =	vld [tilespmem:$0xC0]  }
0x1c0: {  	v44 =	vld [tilespmem:$0xE0];
	[tilespmem:$0x890] =	vst v42  }
0x1c1: {  	v45 =	vld [tilespmem:$0x120];
	[tilespmem:$0x8D0] =	vst v43  }
0x1c2: {  	[tilespmem:$0x8A0] =	vst v21;
	v21 =	vld [tilespmem:$0xF0]  }
0x1c3: {  	[tilespmem:$0x8B0] =	vst v22;
	v22 =	vld [tilespmem:$0x100]  }
0x1c4: {  	[tilespmem:$0x8C0] =	vst v23;
	v23 =	vld [tilespmem:$0x110]  }
0x1c5: {  	v46 =	vld [tilespmem:$0x130];
	[tilespmem:$0x8E0] =	vst v44  }
0x1c6: {  	v47 =	vld [tilespmem:$0x170];
	[tilespmem:$0x920] =	vst v45  }
0x1c7: {  	[tilespmem:$0x8F0] =	vst v21;
	v21 =	vld [tilespmem:$0x140]  }
0x1c8: {  	[tilespmem:$0x900] =	vst v22;
	v22 =	vld [tilespmem:$0x150]  }
0x1c9: {  	[tilespmem:$0x910] =	vst v23;
	v23 =	vld [tilespmem:$0x160]  }
0x1ca: {  	v48 =	vld [tilespmem:$0x180];
	[tilespmem:$0x930] =	vst v46  }
0x1cb: {  	v49 =	vld [tilespmem:$0x1C0];
	[tilespmem:$0x970] =	vst v47  }
0x1cc: {  	[tilespmem:$0x940] =	vst v21;
	v21 =	vld [tilespmem:$0x190]  }
0x1cd: {  	[tilespmem:$0x950] =	vst v22;
	v22 =	vld [tilespmem:$0x1A0]  }
0x1ce: {  	[tilespmem:$0x960] =	vst v23;
	v23 =	vld [tilespmem:$0x1B0]  }
0x1cf: {  	v50 =	vld [tilespmem:$0x1D0];
	[tilespmem:$0x980] =	vst v48  }
0x1d0: {  	v51 =	vld [tilespmem:$0x210];
	[tilespmem:$0x9C0] =	vst v49  }
0x1d1: {  	[tilespmem:$0x990] =	vst v21;
	v21 =	vld [tilespmem:$0x1E0]  }
0x1d2: {  	[tilespmem:$0x9A0] =	vst v22;
	v22 =	vld [tilespmem:$0x1F0]  }
0x1d3: {  	[tilespmem:$0x9B0] =	vst v23;
	v23 =	vld [tilespmem:$0x200]  }
0x1d4: {  	v52 =	vld [tilespmem:$0x220];
	[tilespmem:$0x9D0] =	vst v50  }
0x1d5: {  	v53 =	vld [tilespmem:$0x260];
	[tilespmem:$0xA10] =	vst v51  }
0x1d6: {  	[tilespmem:$0x9E0] =	vst v21;
	v21 =	vld [tilespmem:$0x230]  }
0x1d7: {  	[tilespmem:$0x9F0] =	vst v22;
	v22 =	vld [tilespmem:$0x240]  }
0x1d8: {  	[tilespmem:$0xA00] =	vst v23;
	v23 =	vld [tilespmem:$0x250]  }
0x1d9: {  	v54 =	vld [tilespmem:$0x270];
	[tilespmem:$0xA20] =	vst v52  }
0x1da: {  	v55 =	vld [tilespmem:$0x2B0];
	[tilespmem:$0xA60] =	vst v53  }
0x1db: {  	[tilespmem:$0xA30] =	vst v21;
	v21 =	vld [tilespmem:$0x280]  }
0x1dc: {  	[tilespmem:$0xA40] =	vst v22;
	v22 =	vld [tilespmem:$0x290]  }
0x1dd: {  	[tilespmem:$0xA50] =	vst v23;
	v23 =	vld [tilespmem:$0x2A0]  }
0x1de: {  	v56 =	vld [tilespmem:$0x2C0];
	[tilespmem:$0xA70] =	vst v54  }
0x1df: {  	v57 =	vld [tilespmem:$0x300];
	[tilespmem:$0xAB0] =	vst v55  }
0x1e0: {  	[tilespmem:$0xA80] =	vst v21;
	v21 =	vld [tilespmem:$0x2D0]  }
0x1e1: {  	[tilespmem:$0xA90] =	vst v22;
	v22 =	vld [tilespmem:$0x2E0]  }
0x1e2: {  	[tilespmem:$0xAA0] =	vst v23;
	v23 =	vld [tilespmem:$0x2F0]  }
0x1e3: {  	v58 =	vld [tilespmem:$0x310];
	[tilespmem:$0xAC0] =	vst v56  }
0x1e4: {  	v59 =	vld [tilespmem:$0x350];
	[tilespmem:$0xB00] =	vst v57  }
0x1e5: {  	[tilespmem:$0xAD0] =	vst v21;
	v21 =	vld [tilespmem:$0x320]  }
0x1e6: {  	[tilespmem:$0xAE0] =	vst v22;
	v22 =	vld [tilespmem:$0x330]  }
0x1e7: {  	[tilespmem:$0xAF0] =	vst v23;
	v23 =	vld [tilespmem:$0x340]  }
0x1e8: {  	v60 =	vld [tilespmem:$0x360];
	[tilespmem:$0xB10] =	vst v58  }
0x1e9: {  	v61 =	vld [tilespmem:$0x3A0];
	[tilespmem:$0xB50] =	vst v59  }
0x1ea: {  	[tilespmem:$0xB20] =	vst v21;
	v21 =	vld [tilespmem:$0x370]  }
0x1eb: {  	[tilespmem:$0xB30] =	vst v22;
	v22 =	vld [tilespmem:$0x380]  }
0x1ec: {  	[tilespmem:$0xB40] =	vst v23;
	v23 =	vld [tilespmem:$0x390]  }
0x1ed: {  	v62 =	vld [tilespmem:$0x3B0];
	[tilespmem:$0xB60] =	vst v60  }
0x1ee: {  	v63 =	vld [tilespmem:$0x3F0];
	[tilespmem:$0xBA0] =	vst v61  }
0x1ef: {  	[tilespmem:$0xB70] =	vst v21;
	v21 =	vld [tilespmem:$0x3C0]  }
0x1f0: {  	[tilespmem:$0xB80] =	vst v22;
	v22 =	vld [tilespmem:$0x3D0]  }
0x1f1: {  	[tilespmem:$0xB90] =	vst v23;
	v23 =	vld [tilespmem:$0x3E0]  }
0x1f2: {  	[tilespmem:$0xBB0] =	vst v62  }
0x1f3: {  	[tilespmem:$0xBF0] =	vst v63  }
0x1f4: {  	[tilespmem:$0xBC0] =	vst v21  }
0x1f5: {  	[tilespmem:$0xBD0] =	vst v22  }
0x1f6: {  	s24 =	simm.s32 $0x1800;
	s23 =	simm.s32 $0x800;
	[tilespmem:$0xBE0] =	vst v23  }
0x1f7: {  	[tilespmem:s24], [sflag:$0x1] =	stream.indirect.gather [hbm4b:s3+s16], $0x20, s23, s16, $0xb8;
	[tilespmem:$0x13800] =	vst v63  }
0x1f8: {  	s25 =	simm.s32 $0x880;
	s26 =	simm.s32 $0x2800  }
0x1f9: {  	[tilespmem:s26], [sflag:$0x1] =	stream.indirect.gather [hbm4b:s3+s16], $0x20, s25, s16, $0xb8;
	[tilespmem:$0x13800] =	vst v63  }
0x1fa: {  	s23 =	simm.s32 $0x900;
	s24 =	simm.s32 $0x3800  }
0x1fb: {  	[tilespmem:s24], [sflag:$0x1] =	stream.indirect.gather [hbm4b:s3+s16], $0x20, s23, s16, $0xb8;
	[tilespmem:$0x13800] =	vst v63  }
0x1fc: {  	s25 =	simm.s32 $0x980;
	s26 =	simm.s32 $0x4800  }
0x1fd: {  	[tilespmem:s26], [sflag:$0x1] =	stream.indirect.gather [hbm4b:s3+s16], $0x20, s25, s16, $0xb8;
	[tilespmem:$0x13800] =	vst v63  }
0x1fe: {  	s23 =	simm.s32 $0xA00;
	s24 =	simm.s32 $0x5800  }
0x1ff: {  	[tilespmem:s24], [sflag:$0x1] =	stream.indirect.gather [hbm4b:s3+s16], $0x20, s23, s16, $0xb8;
	[tilespmem:$0x13800] =	vst v63  }
0x200: {  	s25 =	simm.s32 $0xA80;
	s26 =	simm.s32 $0x6800  }
0x201: {  	[tilespmem:s26], [sflag:$0x1] =	stream.indirect.gather [hbm4b:s3+s16], $0x20, s25, s16, $0xb8;
	[tilespmem:$0x13800] =	vst v63  }
0x202: {  	s23 =	simm.s32 $0xB00;
	s24 =	simm.s32 $0x7800  }
0x203: {  	[tilespmem:s24], [sflag:$0x1] =	stream.indirect.gather [hbm4b:s3+s16], $0x20, s23, s16, $0xb8;
	[tilespmem:$0x13800] =	vst v63  }
.Ltmp3:
0x204: {  	s25 =	simm.s32 $0xB80;
	s26 =	simm.s32 $0x8800;
	(pc) =	sbr.rel @p1 .LBB2_8-.Ltmp3, $4  }
0x205: {  	[tilespmem:s26], [sflag:$0x1] =	stream.indirect.gather [hbm4b:s3+s16], $0x20, s25, s16, $0xb8;
	[tilespmem:$0x13800] =	vst v63  }
0x206: {  	_ =	swait.ge [sflag:s12], $0x400  }
0x207: {  	[sflag:s12] =	ssyncset.done $0x0  }
0x208: {  	[sflag:s12] =	ssyncadd.s32 $0xFFFFFC00  }
.LBB2_7:
0x209: {  	_ =	swait.ge [sflag:s15], $0x1000  }
0x20a: {  	[sflag:s15] =	ssyncset.done $0x0  }
0x20b: {  	[sflag:s15] =	ssyncadd.s32 $0xFFFFF000  }
.LBB2_8:
0x20c: {  	s22 =	simm.s32 $0x0;
	s23 =	simm.s32 $0x3  }
.LBB2_9:
0x20d: {  	s24 =	sadd.s32 $0xFFFFFFFD, s23  }
0x20e: {  	v21 =	vmov s24  }
0x20f: {  	v21 =	vand.u32 $0x3C, v21  }
0x210: {  	v22 =	vbroadcast v21, $0x0;
	_ =	sdelay $0x1  }
0x211: {  	v21 =	vor.u32 v0, v22  }
0x212: {  	s24 =	sshra.s32 s22, $0x2  }
0x213: {  	v23 =	vld [tilespmem:s24+$0x9800]  }
0x214: {  	v24 =	vld [tilespmem:s24+$0x9810]  }
0x215: {  	v25 =	vld [tilespmem:s24+$0xA000]  }
0x216: {  	v21 =	vld.idx.msk [tilespmem:v21+s9+$0x0], $0xffff  }
0x217: {  	v26 =	vld [tilespmem:s24+$0xA010]  }
0x218: {  	v27 =	vld [tilespmem:s24+$0xA800]  }
0x219: {  	v28 =	vld [tilespmem:s24+$0xA810]  }
0x21a: {  	v31 =	vld [tilespmem:s24+$0xB000]  }
0x21b: {  	v32 =	vld [tilespmem:s24+$0xB010];
	v29 =	vperm.xlane v21, v1  }
0x21c: {  	v60 =	vld [tilespmem:s24+$0xC000];
	v30 =	vperm.xlane v21, v2;
	v33 =	vperm.xlane v21, v3  }
0x21d: {  	v63 =	vld [tilespmem:s24+$0xC010];
	v62 =	vperm.xlane v21, v4;
	v40 =	vperm.xlane v21, v5  }
0x21e: {  	v36 =	vld [tilespmem:s24+$0xC800];
	v42 =	vperm.xlane v21, v6;
	v48 =	vperm.xlane v21, v7  }
0x21f: {  	v37 =	vld [tilespmem:s24+$0xC810];
	v50 =	vperm.xlane v21, v8;
	v54 =	vperm.xlane v21, v9;
	v29 =	vpack.i.f32.bf16 v29, v29  }
0x220: {  	v38 =	vld [tilespmem:s24+$0xD800];
	v55 =	vperm.xlane v21, v10;
	v30 =	vpack.i.f32.bf16 v30, v30;
	v23 =	vmul.bf16 v23, v29  }
0x221: {  	v49 =	vld [tilespmem:s24+$0xD810];
	v59 =	vpack.i.f32.bf16 v33, v33;
	v25 =	vmul.bf16 v25, v30;
	v24 =	vmul.bf16 v24, v29  }
0x222: {  	v34 =	vld [tilespmem:s24+$0xB800];
	v41 =	vpack.i.f32.bf16 v62, v62;
	v26 =	vmul.bf16 v26, v30;
	v61 =	vmul.bf16 v27, v59  }
0x223: {  	v51 =	vld [tilespmem:s24+$0xE000];
	v28 =	vmul.bf16 v28, v59;
	v43 =	vmul.bf16 v31, v41;
	v27 =	vpack.i.f32.bf16 v42, v42  }
0x224: {  	v35 =	vld [tilespmem:s24+$0xB810];
	v30 =	vpack.i.f32.bf16 v48, v48;
	v47 =	vmul.bf16 v60, v27;
	v27 =	vmul.bf16 v63, v27  }
0x225: {  	v44 =	vld [tilespmem:s24+$0xD000];
	v59 =	vpack.i.f32.bf16 v54, v54;
	v52 =	vmul.bf16 v36, v30;
	v30 =	vmul.bf16 v37, v30  }
0x226: {  	v46 =	vld [tilespmem:s24+$0xD010];
	v60 =	vpack.i.f32.bf16 v55, v55;
	v62 =	vmul.bf16 v38, v59;
	v29 =	vmul.bf16 v49, v59  }
0x227: {  	v49 =	vperm.xlane v21, v13;
	v23 =	vadd.bf16 v25, v23;
	v24 =	vadd.bf16 v26, v24  }
0x228: {  	v53 =	vld [tilespmem:s24+$0xE010];
	v26 =	vpack.i.f32.bf16 v40, v40;
	v25 =	vmul.bf16 v32, v41;
	v33 =	vmul.bf16 v51, v60  }
0x229: {  	v39 =	vld [tilespmem:s24+$0xE800];
	v32 =	vpack.i.f32.bf16 v50, v50;
	v50 =	vperm.xlane v21, v15;
	v41 =	vperm.xlane v21, v16  }
0x22a: {  	v48 =	vld [tilespmem:s24+$0xF810];
	v45 =	vmul.bf16 v34, v26;
	v26 =	vmul.bf16 v35, v26  }
0x22b: {  	v63 =	vld [tilespmem:s24+$0xF800];
	v56 =	vmul.bf16 v44, v32;
	v58 =	vmul.bf16 v46, v32;
	v34 =	vpack.i.f32.bf16 v49, v49  }
0x22c: {  	v57 =	vld [tilespmem:s24+$0xE810];
	v23 =	vadd.bf16 v61, v23;
	v24 =	vadd.bf16 v28, v24;
	v35 =	vpack.i.f32.bf16 v50, v50  }
0x22d: {  	v46 =	vld [tilespmem:s24+$0x10000];
	v41 =	vpack.i.f32.bf16 v41, v41;
	v28 =	vadd.bf16 v47, v45;
	v45 =	vperm.xlane v21, v11  }
0x22e: {  	v51 =	vld [tilespmem:s24+$0x10800];
	v26 =	vadd.bf16 v27, v26;
	v47 =	vmul.bf16 v53, v60;
	v53 =	vperm.xlane v21, v12  }
0x22f: {  	v40 =	vld [tilespmem:s24+$0x10010];
	v21 =	vperm.xlane v21, v17;
	v23 =	vadd.bf16 v43, v23;
	v24 =	vadd.bf16 v25, v24  }
0x230: {  	v61 =	vld [tilespmem:s24+$0xF000];
	v25 =	vadd.bf16 v33, v62;
	v54 =	vmul.bf16 v63, v34;
	v33 =	vmul.bf16 v48, v34  }
0x231: {  	v42 =	vld [tilespmem:s24+$0x11000];
	v27 =	vadd.bf16 v52, v28;
	v26 =	vadd.bf16 v30, v26;
	v28 =	vpack.i.f32.bf16 v45, v45  }
0x232: {  	v55 =	vld [tilespmem:s24+$0x10810];
	v29 =	vadd.bf16 v47, v29;
	v52 =	vmul.bf16 v39, v28;
	v31 =	vmul.bf16 v46, v35  }
0x233: {  	v28 =	vmul.bf16 v57, v28;
	v39 =	vpack.i.f32.bf16 v53, v53;
	v27 =	vadd.bf16 v56, v27;
	v56 =	vld [tilespmem:s24+$0xF010]  }
0x234: {  	v57 =	vmul.bf16 v51, v41;
	v26 =	vadd.bf16 v58, v26;
	v58 =	vld [tilespmem:s24+$0x11010];
	v31 =	vadd.bf16 v31, v54  }
0x235: {  	v59 =	vmul.bf16 v40, v35;
	v21 =	vpack.i.f32.bf16 v21, v21;
	v60 =	vmul.bf16 v61, v39  }
0x236: {  	v61 =	vmul.bf16 v42, v21;
	v25 =	vadd.bf16 v52, v25;
	v31 =	vadd.bf16 v57, v31  }
0x237: {  	v63 =	vmul.bf16 v55, v41;
	v62 =	vadd.bf16 v59, v33;
	v28 =	vadd.bf16 v28, v29  }
0x238: {  	v37 =	vor.u32 v14, v22;
	v25 =	vadd.bf16 v60, v25;
	v31 =	vadd.bf16 v61, v31  }
0x239: {  	s25 =	sadd.s32 $0xFFFFFFFE, s23;
	v29 =	vadd.bf16 v63, v62;
	v30 =	vmul.bf16 v56, v39;
	v21 =	vmul.bf16 v58, v21  }
0x23a: {  	v38 =	vmov s25;
	v23 =	vadd.bf16 v27, v23;
	v25 =	vadd.bf16 v31, v25  }
0x23b: {  	v40 =	vand.u32 $0x3D, v38;
	v36 =	vadd.bf16 v30, v28;
	v21 =	vadd.bf16 v21, v29  }
0x23c: {  	v41 =	vor.u32 v19, v22;
	v24 =	vadd.bf16 v26, v24;
	v39 =	vor.u32 v18, v22  }
0x23d: {  	v23 =	vadd.bf16 v25, v23;
	v27 =	vadd.bf16 v21, v36;
	v21 =	vbroadcast v40, $0x0  }
0x23e: {  	v22 =	vor.u32 v20, v22  }
0x23f: {  	v42 =	vunpack.i.l.bf16.f32 v23;
	v24 =	vadd.bf16 v27, v24;
	v43 =	vor.u32 v0, v21  }
0x240: {  	v23 =	vunpack.i.u.bf16.f32 v23;
	[tilespmem:v37+s17+$0x0] =	vst.idx.msk $0xffff, v42  }
0x241: {  	[tilespmem:v39+s17+$0x0] =	vst.idx.msk $0xffff, v23;
	v23 =	vunpack.i.l.bf16.f32 v24  }
0x242: {  	v24 =	vunpack.i.u.bf16.f32 v24;
	[tilespmem:v41+s17+$0x0] =	vst.idx.msk $0xffff, v23  }
0x243: {  	[tilespmem:v22+s17+$0x0] =	vst.idx.msk $0xffff, v24  }
0x244: {  	v22 =	vld.idx.msk [tilespmem:v43+s9+$0x0], $0xffff  }
0x245: {  	v23 =	vld [tilespmem:s24+$0x9820]  }
0x246: {  	v24 =	vld [tilespmem:s24+$0x9830]  }
0x247: {  	v25 =	vld [tilespmem:s24+$0xA020]  }
0x248: {  	v26 =	vld [tilespmem:s24+$0xA030]  }
0x249: {  	v44 =	vld [tilespmem:s24+$0xA820]  }
0x24a: {  	v28 =	vld [tilespmem:s24+$0xA830]  }
0x24b: {  	v47 =	vld [tilespmem:s24+$0xB020]  }
0x24c: {  	v48 =	vld [tilespmem:s24+$0xB030];
	v45 =	vperm.xlane v22, v1;
	v46 =	vperm.xlane v22, v2  }
0x24d: {  	v53 =	vld [tilespmem:s24+$0xC020];
	v49 =	vperm.xlane v22, v3;
	v55 =	vperm.xlane v22, v4  }
0x24e: {  	v56 =	vld [tilespmem:s24+$0xC030];
	v57 =	vperm.xlane v22, v5;
	v60 =	vperm.xlane v22, v6;
	v29 =	vpack.i.f32.bf16 v45, v45  }
0x24f: {  	v50 =	vld [tilespmem:s24+$0xB820];
	v30 =	vpack.i.f32.bf16 v46, v46;
	v45 =	vperm.xlane v22, v7;
	v23 =	vmul.bf16 v23, v29  }
0x250: {  	v51 =	vld [tilespmem:s24+$0xB830];
	v52 =	vpack.i.f32.bf16 v49, v49;
	v25 =	vmul.bf16 v25, v30;
	v24 =	vmul.bf16 v24, v29  }
0x251: {  	v58 =	vld [tilespmem:s24+$0xC820];
	v59 =	vpack.i.f32.bf16 v55, v55;
	v26 =	vmul.bf16 v26, v30;
	v54 =	vmul.bf16 v44, v52  }
0x252: {  	v61 =	vld [tilespmem:s24+$0xC830];
	v27 =	vpack.i.f32.bf16 v60, v60;
	v28 =	vmul.bf16 v28, v52;
	v62 =	vmul.bf16 v47, v59  }
0x253: {  	v63 =	vld [tilespmem:s24+$0xD020];
	v44 =	vmul.bf16 v53, v27;
	v27 =	vmul.bf16 v56, v27  }
0x254: {  	v37 =	vor.u32 v18, v21;
	v46 =	vld [tilespmem:s24+$0xD820];
	v52 =	vperm.xlane v22, v9;
	v53 =	vperm.xlane v22, v10  }
0x255: {  	v49 =	vld [tilespmem:s24+$0xE020];
	v30 =	vpack.i.f32.bf16 v45, v45;
	v23 =	vadd.bf16 v25, v23;
	v24 =	vadd.bf16 v26, v24  }
0x256: {  	v43 =	vld [tilespmem:s24+$0xD030];
	v26 =	vpack.i.f32.bf16 v57, v57;
	v25 =	vmul.bf16 v48, v59;
	v48 =	vperm.xlane v22, v8  }
0x257: {  	v47 =	vld [tilespmem:s24+$0xD830];
	v59 =	vpack.i.f32.bf16 v53, v53;
	v42 =	vmul.bf16 v50, v26;
	v26 =	vmul.bf16 v51, v26  }
0x258: {  	v36 =	vld [tilespmem:s24+$0xF020];
	v50 =	vmul.bf16 v58, v30;
	v30 =	vmul.bf16 v61, v30;
	v58 =	vpack.i.f32.bf16 v52, v52  }
0x259: {  	v56 =	vld [tilespmem:s24+$0xE830];
	v52 =	vperm.xlane v22, v16;
	v23 =	vadd.bf16 v54, v23;
	v24 =	vadd.bf16 v28, v24  }
0x25a: {  	v45 =	vld [tilespmem:s24+$0xF830];
	v32 =	vpack.i.f32.bf16 v48, v48;
	v60 =	vmul.bf16 v46, v58;
	v33 =	vmul.bf16 v49, v59  }
0x25b: {  	v51 =	vld [tilespmem:s24+$0xE030];
	v46 =	vperm.xlane v22, v13;
	v28 =	vadd.bf16 v44, v42;
	v55 =	vmul.bf16 v63, v32  }
0x25c: {  	v61 =	vld [tilespmem:s24+$0xF820];
	v26 =	vadd.bf16 v27, v26;
	v57 =	vmul.bf16 v43, v32;
	v29 =	vmul.bf16 v47, v58  }
0x25d: {  	v54 =	vld [tilespmem:s24+$0xE820];
	v47 =	vperm.xlane v22, v15;
	v41 =	vpack.i.f32.bf16 v52, v52;
	v23 =	vadd.bf16 v62, v23  }
0x25e: {  	v63 =	vld [tilespmem:s24+$0x10020];
	v24 =	vadd.bf16 v25, v24;
	v62 =	vperm.xlane v22, v11;
	v25 =	vadd.bf16 v33, v60  }
0x25f: {  	v48 =	vld [tilespmem:s24+$0x10820];
	v34 =	vpack.i.f32.bf16 v46, v46;
	v27 =	vadd.bf16 v50, v28;
	v26 =	vadd.bf16 v30, v26  }
0x260: {  	v50 =	vperm.xlane v22, v12;
	v35 =	vpack.i.f32.bf16 v47, v47;
	v44 =	vmul.bf16 v51, v59;
	v51 =	vld [tilespmem:s24+$0x10030]  }
0x261: {  	v53 =	vld [tilespmem:s24+$0x11020];
	v22 =	vperm.xlane v22, v17;
	v33 =	vmul.bf16 v45, v34;
	v28 =	vpack.i.f32.bf16 v62, v62  }
0x262: {  	v27 =	vadd.bf16 v55, v27;
	v49 =	vmul.bf16 v54, v28;
	v54 =	vmul.bf16 v61, v34;
	v55 =	vld [tilespmem:s24+$0x10830]  }
0x263: {  	v26 =	vadd.bf16 v57, v26;
	v28 =	vmul.bf16 v56, v28;
	v56 =	vld [tilespmem:s24+$0xF030];
	v31 =	vmul.bf16 v63, v35  }
0x264: {  	v58 =	vld [tilespmem:s24+$0x11030];
	v39 =	vpack.i.f32.bf16 v50, v50;
	v57 =	vmul.bf16 v48, v41;
	v22 =	vpack.i.f32.bf16 v22, v22  }
0x265: {  	v29 =	vadd.bf16 v44, v29;
	v31 =	vadd.bf16 v31, v54;
	v59 =	vmul.bf16 v51, v35  }
0x266: {  	v60 =	vmul.bf16 v36, v39;
	v61 =	vmul.bf16 v53, v22;
	v25 =	vadd.bf16 v49, v25  }
0x267: {  	v31 =	vadd.bf16 v57, v31;
	v63 =	vmul.bf16 v55, v41;
	v62 =	vadd.bf16 v59, v33  }
0x268: {  	v28 =	vadd.bf16 v28, v29;
	v25 =	vadd.bf16 v60, v25;
	v30 =	vmul.bf16 v56, v39  }
0x269: {  	s26 =	sadd.s32 $0xFFFFFFFF, s23;
	v22 =	vmul.bf16 v58, v22;
	v31 =	vadd.bf16 v61, v31;
	v29 =	vadd.bf16 v63, v62  }
0x26a: {  	v36 =	vmov s26;
	v23 =	vadd.bf16 v27, v23;
	v34 =	vadd.bf16 v30, v28  }
0x26b: {  	v35 =	vor.u32 v14, v21;
	v25 =	vadd.bf16 v31, v25;
	v22 =	vadd.bf16 v22, v29  }
0x26c: {  	v24 =	vadd.bf16 v26, v24;
	v38 =	vand.u32 $0x3E, v36;
	v39 =	vor.u32 v19, v21  }
0x26d: {  	v23 =	vadd.bf16 v25, v23;
	v27 =	vadd.bf16 v22, v34;
	v22 =	vbroadcast v38, $0x0  }
0x26e: {  	v21 =	vor.u32 v20, v21  }
0x26f: {  	v40 =	vunpack.i.l.bf16.f32 v23;
	v24 =	vadd.bf16 v27, v24;
	v41 =	vor.u32 v0, v22  }
0x270: {  	v23 =	vunpack.i.u.bf16.f32 v23;
	[tilespmem:v35+s17+$0x0] =	vst.idx.msk $0xffff, v40  }
0x271: {  	[tilespmem:v37+s17+$0x0] =	vst.idx.msk $0xffff, v23;
	v23 =	vunpack.i.l.bf16.f32 v24  }
0x272: {  	v24 =	vunpack.i.u.bf16.f32 v24;
	[tilespmem:v39+s17+$0x0] =	vst.idx.msk $0xffff, v23  }
0x273: {  	[tilespmem:v21+s17+$0x0] =	vst.idx.msk $0xffff, v24  }
0x274: {  	v21 =	vld.idx.msk [tilespmem:v41+s9+$0x0], $0xffff  }
0x275: {  	v23 =	vld [tilespmem:s24+$0x9840]  }
0x276: {  	v24 =	vld [tilespmem:s24+$0x9850]  }
0x277: {  	v25 =	vld [tilespmem:s24+$0xA040]  }
0x278: {  	v26 =	vld [tilespmem:s24+$0xA050]  }
0x279: {  	v42 =	vld [tilespmem:s24+$0xA840]  }
0x27a: {  	v28 =	vld [tilespmem:s24+$0xA850]  }
0x27b: {  	v45 =	vld [tilespmem:s24+$0xB040]  }
0x27c: {  	v46 =	vld [tilespmem:s24+$0xB050];
	v43 =	vperm.xlane v21, v1;
	v44 =	vperm.xlane v21, v2  }
0x27d: {  	v51 =	vld [tilespmem:s24+$0xC040];
	v47 =	vperm.xlane v21, v3;
	v53 =	vperm.xlane v21, v4  }
0x27e: {  	v54 =	vld [tilespmem:s24+$0xC050];
	v55 =	vperm.xlane v21, v5;
	v58 =	vperm.xlane v21, v6;
	v29 =	vpack.i.f32.bf16 v43, v43  }
0x27f: {  	v48 =	vld [tilespmem:s24+$0xB840];
	v30 =	vpack.i.f32.bf16 v44, v44;
	v43 =	vperm.xlane v21, v7;
	v23 =	vmul.bf16 v23, v29  }
0x280: {  	v49 =	vld [tilespmem:s24+$0xB850];
	v50 =	vpack.i.f32.bf16 v47, v47;
	v25 =	vmul.bf16 v25, v30;
	v24 =	vmul.bf16 v24, v29  }
0x281: {  	v56 =	vld [tilespmem:s24+$0xC840];
	v57 =	vpack.i.f32.bf16 v53, v53;
	v26 =	vmul.bf16 v26, v30;
	v52 =	vmul.bf16 v42, v50  }
0x282: {  	v59 =	vld [tilespmem:s24+$0xC850];
	v27 =	vpack.i.f32.bf16 v58, v58;
	v28 =	vmul.bf16 v28, v50;
	v60 =	vmul.bf16 v45, v57  }
0x283: {  	v61 =	vld [tilespmem:s24+$0xD040];
	v42 =	vmul.bf16 v51, v27;
	v27 =	vmul.bf16 v54, v27  }
0x284: {  	v44 =	vld [tilespmem:s24+$0xD840];
	v50 =	vperm.xlane v21, v9;
	v51 =	vperm.xlane v21, v10;
	v23 =	vadd.bf16 v25, v23  }
0x285: {  	v47 =	vld [tilespmem:s24+$0xE040];
	v24 =	vadd.bf16 v26, v24;
	v26 =	vpack.i.f32.bf16 v55, v55;
	v25 =	vmul.bf16 v46, v57  }
0x286: {  	v63 =	vld [tilespmem:s24+$0xD050];
	v30 =	vpack.i.f32.bf16 v43, v43;
	v46 =	vperm.xlane v21, v8;
	v62 =	vmul.bf16 v48, v26  }
0x287: {  	v45 =	vld [tilespmem:s24+$0xD850];
	v57 =	vpack.i.f32.bf16 v51, v51;
	v26 =	vmul.bf16 v49, v26;
	v48 =	vmul.bf16 v56, v30  }
0x288: {  	v36 =	vld [tilespmem:s24+$0xF040];
	v30 =	vmul.bf16 v59, v30;
	v56 =	vpack.i.f32.bf16 v50, v50;
	v50 =	vperm.xlane v21, v16  }
0x289: {  	v54 =	vld [tilespmem:s24+$0xE850];
	v23 =	vadd.bf16 v52, v23;
	v24 =	vadd.bf16 v28, v24;
	v58 =	vmul.bf16 v44, v56  }
0x28a: {  	v49 =	vld [tilespmem:s24+$0xE050];
	v32 =	vpack.i.f32.bf16 v46, v46;
	v33 =	vmul.bf16 v47, v57;
	v44 =	vperm.xlane v21, v13  }
0x28b: {  	v59 =	vld [tilespmem:s24+$0xF840];
	v28 =	vadd.bf16 v42, v62;
	v53 =	vmul.bf16 v61, v32;
	v55 =	vmul.bf16 v63, v32  }
0x28c: {  	v52 =	vld [tilespmem:s24+$0xE840];
	v26 =	vadd.bf16 v27, v26;
	v29 =	vmul.bf16 v45, v56;
	v45 =	vperm.xlane v21, v15  }
0x28d: {  	v46 =	vld [tilespmem:s24+$0x10840];
	v41 =	vpack.i.f32.bf16 v50, v50;
	v32 =	vmov s23;
	v23 =	vadd.bf16 v60, v23  }
0x28e: {  	v61 =	vld [tilespmem:s24+$0x10040];
	v24 =	vadd.bf16 v25, v24;
	v60 =	vperm.xlane v21, v11;
	v25 =	vadd.bf16 v33, v58  }
0x28f: {  	v63 =	vld [tilespmem:s24+$0xF850];
	v34 =	vpack.i.f32.bf16 v44, v44;
	v27 =	vadd.bf16 v48, v28;
	v26 =	vadd.bf16 v30, v26  }
0x290: {  	v48 =	vperm.xlane v21, v12;
	v35 =	vpack.i.f32.bf16 v45, v45;
	v62 =	vmul.bf16 v49, v57;
	v49 =	vld [tilespmem:s24+$0x10050]  }
0x291: {  	v51 =	vld [tilespmem:s24+$0x11040];
	v21 =	vperm.xlane v21, v17;
	v28 =	vpack.i.f32.bf16 v60, v60;
	v27 =	vadd.bf16 v53, v27  }
0x292: {  	v26 =	vadd.bf16 v55, v26;
	v47 =	vmul.bf16 v52, v28;
	v52 =	vmul.bf16 v59, v34;
	v53 =	vld [tilespmem:s24+$0x10850]  }
0x293: {  	v28 =	vmul.bf16 v54, v28;
	v54 =	vld [tilespmem:s24+$0xF050];
	v39 =	vpack.i.f32.bf16 v48, v48;
	v31 =	vmul.bf16 v61, v35  }
0x294: {  	v56 =	vld [tilespmem:s24+$0x11050];
	v55 =	vmul.bf16 v46, v41;
	v21 =	vpack.i.f32.bf16 v21, v21;
	v29 =	vadd.bf16 v62, v29  }
0x295: {  	v33 =	vmul.bf16 v63, v34;
	v31 =	vadd.bf16 v31, v52;
	v57 =	vmul.bf16 v49, v35  }
0x296: {  	v58 =	vmul.bf16 v36, v39;
	v59 =	vmul.bf16 v51, v21;
	v25 =	vadd.bf16 v47, v25  }
0x297: {  	v31 =	vadd.bf16 v55, v31;
	v61 =	vmul.bf16 v53, v41;
	v60 =	vadd.bf16 v57, v33  }
0x298: {  	v28 =	vadd.bf16 v28, v29;
	v25 =	vadd.bf16 v58, v25;
	v30 =	vmul.bf16 v54, v39  }
0x299: {  	v21 =	vmul.bf16 v56, v21;
	v31 =	vadd.bf16 v59, v31;
	v29 =	vadd.bf16 v61, v60  }
0x29a: {  	v63 =	vor.u32 v14, v22;
	v23 =	vadd.bf16 v27, v23;
	v62 =	vadd.bf16 v30, v28  }
0x29b: {  	v34 =	vand.u32 $0x3F, v32;
	v25 =	vadd.bf16 v31, v25;
	v21 =	vadd.bf16 v21, v29  }
0x29c: {  	v24 =	vadd.bf16 v26, v24;
	v35 =	vor.u32 v19, v22;
	v33 =	vor.u32 v18, v22  }
0x29d: {  	v23 =	vadd.bf16 v25, v23;
	v27 =	vadd.bf16 v21, v62;
	v21 =	vbroadcast v34, $0x0  }
0x29e: {  	v22 =	vor.u32 v20, v22  }
0x29f: {  	v36 =	vunpack.i.l.bf16.f32 v23;
	v24 =	vadd.bf16 v27, v24;
	v37 =	vor.u32 v0, v21  }
0x2a0: {  	v23 =	vunpack.i.u.bf16.f32 v23;
	[tilespmem:v63+s17+$0x0] =	vst.idx.msk $0xffff, v36  }
0x2a1: {  	[tilespmem:v33+s17+$0x0] =	vst.idx.msk $0xffff, v23;
	v23 =	vunpack.i.l.bf16.f32 v24  }
0x2a2: {  	v24 =	vunpack.i.u.bf16.f32 v24;
	[tilespmem:v35+s17+$0x0] =	vst.idx.msk $0xffff, v23  }
0x2a3: {  	[tilespmem:v22+s17+$0x0] =	vst.idx.msk $0xffff, v24  }
0x2a4: {  	v22 =	vld.idx.msk [tilespmem:v37+s9+$0x0], $0xffff  }
0x2a5: {  	v23 =	vld [tilespmem:s24+$0x9860]  }
0x2a6: {  	v24 =	vld [tilespmem:s24+$0x9870]  }
0x2a7: {  	v25 =	vld [tilespmem:s24+$0xA060]  }
0x2a8: {  	v26 =	vld [tilespmem:s24+$0xA070]  }
0x2a9: {  	v38 =	vld [tilespmem:s24+$0xA860]  }
0x2aa: {  	v28 =	vld [tilespmem:s24+$0xA870]  }
0x2ab: {  	v41 =	vld [tilespmem:s24+$0xB060]  }
0x2ac: {  	v42 =	vld [tilespmem:s24+$0xB070];
	v39 =	vperm.xlane v22, v1;
	v40 =	vperm.xlane v22, v2  }
0x2ad: {  	v47 =	vld [tilespmem:s24+$0xC060];
	v43 =	vperm.xlane v22, v3;
	v49 =	vperm.xlane v22, v4  }
0x2ae: {  	v50 =	vld [tilespmem:s24+$0xC070];
	v51 =	vperm.xlane v22, v5;
	v54 =	vperm.xlane v22, v6;
	v29 =	vpack.i.f32.bf16 v39, v39  }
0x2af: {  	v52 =	vld [tilespmem:s24+$0xC860];
	v61 =	vperm.xlane v22, v7;
	v30 =	vpack.i.f32.bf16 v40, v40;
	v23 =	vmul.bf16 v23, v29  }
0x2b0: {  	v55 =	vld [tilespmem:s24+$0xC870];
	v46 =	vpack.i.f32.bf16 v43, v43;
	v25 =	vmul.bf16 v25, v30;
	v24 =	vmul.bf16 v24, v29  }
0x2b1: {  	v44 =	vld [tilespmem:s24+$0xB860];
	v53 =	vpack.i.f32.bf16 v49, v49;
	v26 =	vmul.bf16 v26, v30;
	v48 =	vmul.bf16 v38, v46  }
0x2b2: {  	v45 =	vld [tilespmem:s24+$0xB870];
	v27 =	vpack.i.f32.bf16 v54, v54;
	v28 =	vmul.bf16 v28, v46;
	v56 =	vmul.bf16 v41, v53  }
0x2b3: {  	v57 =	vld [tilespmem:s24+$0xD060];
	v60 =	vmul.bf16 v47, v27;
	v27 =	vmul.bf16 v50, v27  }
0x2b4: {  	v59 =	vld [tilespmem:s24+$0xD070];
	v30 =	vpack.i.f32.bf16 v61, v61;
	v41 =	vperm.xlane v22, v8;
	v46 =	vperm.xlane v22, v10  }
0x2b5: {  	v62 =	vld [tilespmem:s24+$0xD860];
	v43 =	vmul.bf16 v52, v30;
	v30 =	vmul.bf16 v55, v30  }
0x2b6: {  	v63 =	vld [tilespmem:s24+$0xD870];
	v55 =	vperm.xlane v22, v11;
	v24 =	vadd.bf16 v26, v24;
	v26 =	vpack.i.f32.bf16 v51, v51  }
0x2b7: {  	v36 =	vld [tilespmem:s24+$0xF060];
	v23 =	vadd.bf16 v25, v23;
	v25 =	vmul.bf16 v42, v53;
	v58 =	vmul.bf16 v44, v26  }
0x2b8: {  	v49 =	vld [tilespmem:s24+$0xE870];
	v32 =	vpack.i.f32.bf16 v41, v41;
	v26 =	vmul.bf16 v45, v26;
	v45 =	vperm.xlane v22, v9  }
0x2b9: {  	v42 =	vld [tilespmem:s24+$0xE060];
	v52 =	vpack.i.f32.bf16 v46, v46;
	v50 =	vmul.bf16 v59, v32;
	v59 =	vperm.xlane v22, v13  }
0x2ba: {  	v44 =	vld [tilespmem:s24+$0xE070];
	v23 =	vadd.bf16 v48, v23;
	v24 =	vadd.bf16 v28, v24;
	v48 =	vmul.bf16 v57, v32  }
0x2bb: {  	v47 =	vld [tilespmem:s24+$0xE860];
	v28 =	vadd.bf16 v60, v58;
	v26 =	vadd.bf16 v27, v26;
	v51 =	vpack.i.f32.bf16 v45, v45  }
0x2bc: {  	v54 =	vld [tilespmem:s24+$0xF860];
	v60 =	vperm.xlane v22, v15;
	v34 =	vpack.i.f32.bf16 v59, v59;
	v45 =	vperm.xlane v22, v16  }
0x2bd: {  	v61 =	vld [tilespmem:s24+$0x10860];
	v23 =	vadd.bf16 v56, v23;
	v24 =	vadd.bf16 v25, v24;
	v53 =	vmul.bf16 v62, v51  }
0x2be: {  	v56 =	vld [tilespmem:s24+$0x10060];
	v29 =	vmul.bf16 v63, v51;
	v27 =	vadd.bf16 v43, v28;
	v26 =	vadd.bf16 v30, v26  }
0x2bf: {  	v58 =	vld [tilespmem:s24+$0xF870];
	v33 =	vmul.bf16 v42, v52;
	v28 =	vpack.i.f32.bf16 v55, v55;
	v57 =	vmul.bf16 v44, v52  }
0x2c0: {  	v63 =	vld [tilespmem:s24+$0x10070];
	v35 =	vpack.i.f32.bf16 v60, v60;
	v62 =	vmul.bf16 v47, v28;
	v28 =	vmul.bf16 v49, v28  }
0x2c1: {  	v46 =	vld [tilespmem:s24+$0x11060];
	v39 =	vpack.i.f32.bf16 v45, v45;
	v47 =	vmul.bf16 v54, v34;
	v49 =	vperm.xlane v22, v12  }
0x2c2: {  	v22 =	vperm.xlane v22, v17;
	v51 =	vmul.bf16 v61, v39;
	v27 =	vadd.bf16 v48, v27;
	v48 =	vld [tilespmem:s24+$0x10870]  }
0x2c3: {  	v26 =	vadd.bf16 v50, v26;
	v25 =	vadd.bf16 v33, v53;
	v50 =	vld [tilespmem:s24+$0xF070];
	v31 =	vmul.bf16 v56, v35  }
0x2c4: {  	v52 =	vld [tilespmem:s24+$0x11070];
	v29 =	vadd.bf16 v57, v29;
	v33 =	vmul.bf16 v58, v34;
	v53 =	vpack.i.f32.bf16 v49, v49  }
0x2c5: {  	v22 =	vpack.i.f32.bf16 v22, v22;
	v30 =	vmul.bf16 v63, v35;
	v31 =	vadd.bf16 v31, v47  }
0x2c6: {  	v25 =	vadd.bf16 v62, v25;
	v54 =	vmul.bf16 v36, v53;
	v55 =	vmul.bf16 v46, v22  }
0x2c7: {  	v56 =	vadd.bf16 v30, v33;
	v57 =	vmul.bf16 v48, v39;
	v31 =	vadd.bf16 v51, v31  }
0x2c8: {  	v28 =	vadd.bf16 v28, v29;
	v25 =	vadd.bf16 v54, v25;
	v58 =	vmul.bf16 v50, v53  }
0x2c9: {  	v22 =	vmul.bf16 v52, v22;
	v29 =	vadd.bf16 v57, v56;
	v31 =	vadd.bf16 v55, v31  }
0x2ca: {  	v23 =	vadd.bf16 v27, v23;
	v59 =	vadd.bf16 v58, v28  }
0x2cb: {  	v60 =	vor.u32 v14, v21;
	v22 =	vadd.bf16 v22, v29;
	v25 =	vadd.bf16 v31, v25  }
0x2cc: {  	v61 =	vor.u32 v18, v21;
	v24 =	vadd.bf16 v26, v24  }
0x2cd: {  	v62 =	vor.u32 v19, v21;
	v22 =	vadd.bf16 v22, v59;
	v23 =	vadd.bf16 v25, v23  }
0x2ce: {  	p1 =	sne.s32 s22, $0x1E00;
	v21 =	vor.u32 v20, v21  }
.Ltmp4:
0x2cf: {  	v22 =	vadd.bf16 v22, v24;
	v63 =	vunpack.i.l.bf16.f32 v23;
	(pc) =	sbr.rel @p1 .LBB2_9-.Ltmp4, $4  }
0x2d0: {  	v23 =	vunpack.i.u.bf16.f32 v23;
	[tilespmem:v60+s17+$0x0] =	vst.idx.msk $0xffff, v63  }
0x2d1: {  	[tilespmem:v61+s17+$0x0] =	vst.idx.msk $0xffff, v23;
	v23 =	vunpack.i.l.bf16.f32 v22  }
0x2d2: {  	v22 =	vunpack.i.u.bf16.f32 v22;
	[tilespmem:v62+s17+$0x0] =	vst.idx.msk $0xffff, v23  }
0x2d3: {  	s22 =	sadd.s32 $0x200, s22;
	s23 =	sadd.s32 $0x4, s23;
	[tilespmem:v21+s17+$0x0] =	vst.idx.msk $0xffff, v22  }
0x2d4: {  	s21 =	sshll.u32 @!p0 s21, $0x6  }
0x2d5: {  	s21 =	sadd.s32 @!p0 s6, s21  }
0x2d6: {  	s22 =	simm.s32 @!p0 $0x40;
	s23 =	simm.s32 @!p0 $0x40000;
	s21 =	sshrl.u32 @!p0 s21, $0x3  }
0x2d7: {  	s24 =	simm.s32 @!p0 $0x1400;
	s19 =	sadd.s32 $0x1, s19;
	s21 =	sadd.s32 @!p0 s5, s21  }
0x2d8: {  	[tilespmem:s24], [sflag:$0x6] =	stream.strided.gather @!p0 [hbm4b:s21+s22], $0x400, s23, s22, $0x38;
	[tilespmem:$0x13800] =	vst v63  }
0x2d9: {  	p0 =	sne.s32 s19, $0x40  }
.Ltmp5:
0x2da: {  	_ = 	snop;
	(pc) =	sbr.rel @p0 .LBB2_2-.Ltmp5, $4  }
0x2db: {  	_ = 	snop  }
0x2dc: {  	s20 =	sadd.s32 s20, s7  }
0x2dd: {  	s20 =	sadd.s32 $0x8, s20  }
0x2de: {  	[hbm4b:s20+s13] =	stream.strided.scatter [tilespmem:s17], [sflag:$0x8], $0x1000, s14, s13, $0x38;
	[tilespmem:$0x13800] =	vst v63  }
0x2df: {  	s19 =	simm.s32 $0x7  }
0x2e0: {  	_ =	swait.ge [sflag:s19], $0x1000  }
0x2e1: {  	[sflag:s19] =	ssyncset.done $0x0  }
0x2e2: {  	[sflag:s19] =	ssyncadd.s32 $0xFFFFF000  }
0x2e3: {  	_ =	swait.ge [sflag:s15], $0x1000  }
0x2e4: {  	s20 =	rddreg [dreg:$0x7]  }
0x2e5: {  	s26 =	rddreg [dreg:$0x6];
	s20 =	sadd.s32 $0x1, s20  }
0x2e6: {  	p0 =	sne.s32 s20, s26  }
.Ltmp6:
0x2e7: {  	_ = 	snop;
	(pc) =	sbr.rel @p0 .LBB2_1-.Ltmp6, $3  }
0x2e8: {  	_ =	sdelay $0x1  }
0x2e9: {  	[sflag:s15] =	ssyncset.done $0x0  }
0x2ea: {  	[sflag:s15] =	ssyncadd.s32 $0xFFFFF000  }
0x2eb: {  	_ =	sfence.sel $0x180000  }
0x2ec: {  	[bflag:$0x0] =	sbarrier.arrive $0xFFFF  }
0x2ed: {  	_ =	strace $0x9000004D  }
0x2ee: {  	s0 =	stileid.u32;
	[bflag:$0x2] =	sbarrier.arrive $0xFFFF  }
0x2ef: {  	p0 =	sne.s32 s0, $0x0;
	s0 =	rddreg [dreg:$0x1]  }
0x2f0: {  	s0 =	sadd.s32 @!p0 $0x100000, s0  }
0x2f1: {  	[sflag:s0] =	ssyncadd.tile.s32 @!p0 $0x1;
	_ =	shalt  }
.Lfunc_end2:
_tile_overlayer_lowered:
.L_overlay_start_2:
0x2f2: {  	(tag) =	ssettag $0x2  }
0x2f3: {  	s0 =	rddreg [dreg:$0x0];
	s2 =	stileid.u32  }
0x2f4: {  	s1 =	rddreg [dreg:$0x1];
	p0 =	sne.s32 s2, $0x0  }
0x2f5: {  	s3 =	rddreg [dreg:$0x2];
	[bflag:$0x3] =	sbarrier.arrive $0xFFFF;
	s2 =	simm.s32 @!p0 $0x1C09  }
0x2f6: {  	[timem:s3], [sflag:s2] =	dma.local @!p0 [hbm:s0], s1  }
0x2f7: {  	s0 =	simm.s32 @!p0 $0x9  }
0x2f8: {  	_ =	swait.ge @!p0 [sflag:s0], s1  }
0x2f9: {  	s1 =	ssub.s32 @!p0 $0x0, s1;
	[sflag:s0] =	ssyncset.done @!p0 $0x0  }
0x2fa: {  	[sflag:s0] =	ssyncadd.s32 @!p0 s1  }
0x2fb: {  	[bflag:$0x3] =	sbarrier.arrive $0xFFFF  }
0x2fc: {  	_ =	shalt  }

// kernel: sparse-core-data-format-call.1.cloned.1.call-start
scs
called_computation.1_lowered:
.L_overlay_start_0:
0x0: {  	s2 =	sld [smem:$0x3FD9]  }
0x1: {  	s3 =	sld [smem:$0x3FFE];
	_ =	sdelay $0x1  }
0x2: {  	s1 =	srdreg.scid  }
0x3: {  	s0 =	sand.u32 $0x1, s1  }
0x4: {  	s18 =	sshll.u32 s0, $0xA;
	s2 =	sadd.s32 s3, s2  }
0x5: {  	s2 =	sadd.s32 s2, s18  }
0x6: {  	[smem:$0x3FC5] =	sst s2  }
0x7: {  	_ = 	snop  }
0x8: {  	s2 =	sld [smem:$0x3FD0];
	(tm) =	ssettm $0x1  }
0x9: {  	s19 =	sld [smem:$0x3FFB];
	_ =	sdelay $0x3  }
0xa: {  	_ =	strace s19  }
0xb: {  	s3 =	sld [smem:$0x3FFC];
	_ =	sdelay $0x3  }
0xc: {  	_ =	strace s3  }
0xd: {  	s3 =	sld [smem:$0x3FFD];
	_ =	sdelay $0x3  }
0xe: {  	_ =	strace s3  }
0xf: {  	_ =	strace $0x8FFFFFFF  }
0x10: {  	s20 =	sld [smem:$0x3FDB];
	_ =	sdelay $0x1  }
0x11: {  	s4 =	simm.s32 $_scs_section_size  }
0x12: {  	s5 =	simm.s32 $_size__tile_overlayer_lowered;
	s6 =	simm.s32 $_tile_overlayer_lowered  }
0x13: {  	s23 =	simm.s32 $0x1BFF;
	s22 =	sshll.u32 s6, $0x1;
	s3 =	sadd.s32 s4, s20  }
0x14: {  	s7 =	simm.s32 $0x0;
	s21 =	sshll.u32 s5, $0x1;
	s5 =	sadd.s32 s22, s3  }
0x15: {  	[timem:s7], [sflag:s23] =	dma.local [hbm:s5], s21  }
0x16: {  	_ =	swait.ge [sflag:s23], s21  }
0x17: {  	s4 =	ssub.s32 $0x0, s21;
	[sflag:s23] =	ssyncset.done $0x0  }
0x18: {  	[sflag:s23] =	ssyncadd.s32 s4;
	_ =	sdelay $0x1  }
0x19: {  	s24 =	simm.s32 $0x1B8B  }
0x1a: {  	_ =	swait.ge [sflag:s24], $0x1  }
0x1b: {  	[sflag:s24] =	ssyncset.done $0x0  }
0x1c: {  	s26 =	simm.s32 $0x1B8E;
	s25 =	sld [smem:$0x3FFE];
	[sflag:s24] =	ssyncadd.s32 $0xFFFFFFFF  }
0x1d: {  	s27 =	simm.s32 $execute0_lowered;
	[smem:$0x3FD2] =	sst s26  }
0x1e: {  	s5 =	sshll.u32 s27, $0x1;
	_ =	strace $0x80000046;
	[dreg:$0x1] =	wrdreg $0xFFFFFFFF  }
0x1f: {  	s28 =	simm.s32 $_size_execute0_lowered;
	s3 =	sadd.s32 s3, s5;
	[dreg:$0x0] =	wrdreg $0x0  }
0x20: {  	s5 =	sshll.u32 s28, $0x1;
	[dreg:$0x2] =	wrdreg s3  }
0x21: {  	[dreg:$0x3] =	wrdreg s5  }
0x22: {  	[dreg:$0x4] =	wrdreg $0xC0  }
0x23: {  	_ =	task [dreg:s7], $0x5FFFF  }
0x24: {  	[dreg:$0x1] =	wrdreg $0xFFFFFFFF  }
0x25: {  	[dreg:$0x0] =	wrdreg $0x60  }
0x26: {  	[dreg:$0x2] =	wrdreg s25  }
0x27: {  	[dreg:$0x3] =	wrdreg s2  }
0x28: {  	[dreg:$0x4] =	wrdreg $0x9  }
0x29: {  	_ =	task.clear_ibuf [dreg:s7], $0x5FFFF;
	_ =	strace $0x90000046  }
0x2a: {  	s29 =	simm.s32 $0x9;
	_ =	strace $0x80000048  }
0x2b: {  	_ =	swait.ge [sflag:s29], $0x1  }
0x2c: {  	[sflag:s29] =	ssyncadd.s32 $0xFFFFFFFF  }
0x2d: {  	_ =	strace $0x90000048  }
0x2e: {  	_ =	sfence  }
0x2f: {  	s30 =	sld [smem:$0x0];
	_ =	sdelay $0x2  }
0x30: {  	s31 =	sshll.u32 s1, $0xD;
	s1 =	sshrl.u32 s1, $0x2  }
0x31: {  	s3 =	sand.u32 $0x4000, s31;
	s1 =	sadd.s32 s1, s30  }
0x32: {  	s0 =	sor.u32 s3, s0;
	s1 =	sshll.u32 s1, $0x11  }
0x33: {  	s0 =	sor.u32 s1, s0  }
0x34: {  	s0 =	sadd.s32 $0x8F2B, s0  }
0x35: {  	[sflag:s0] =	ssyncadd.remote.s32 $0x1  }
0x36: {  	_ =	sfence.sel $0xFFFF  }
0x37: {  	[dreg:$0x0] =	wrdreg $0xFFFFFFFF;
	(pc) =	sbr.abs _section_cstart, $3  }
0x38: {  	[dreg:$0x1] =	wrdreg $0xFFFFFFFF  }
0x39: {  	_ =	task.clear_ibuf [dreg:s7], $0x2FFFF;
	_ =	strace $0x9FFFFFFF  }
0x3a: {  	(tm) =	ssettm $0x7FFFFFFF  }
0x3b: {  	_ =	shalt  }
tec
execute0_lowered:
.L_overlay_start_1:
0x0: {  	(tag) =	ssettag $0x1  }
0x1: {  	s5 =	rddreg [dreg:$0x0]  }
0x2: {  	s0 =	srdreg.scid;
	s2 =	rddreg [dreg:$0x1]  }
0x3: {  	s4 =	simm.s32 $0x1;
	s8 =	simm.s32 $0x2;
	s1 =	sshll.u32 s0, $0x4  }
0x4: {  	s18 =	simm.s32 $0x0;
	s0 =	stileid.u32;
	s1 =	sand.u32 $0x10, s1  }
0x5: {  	s11 =	simm.s32 $0x80;
	s16 =	simm.s32 $0x0;
	s1 =	sor.u32 s0, s1  }
0x6: {  	s17 =	simm.s32 $0x0;
	s12 =	simm.s32 $0x0;
	s3 =	sshll.u32 s1, $0x2  }
0x7: {  	s14 =	simm.s32 $0x0;
	s15 =	simm.s32 $0x0;
	s6 =	ssub.s32 $0x200, s3  }
0x8: {  	s5 =	sadd.s32 $0x1C00, s5;
	s1 =	rddreg [dreg:$0x2];
	s7 =	sand.u32 $0x7C, s6  }
.Ltmp0:
0x9: {  	p0 =	sne.s32 s7, $0x0;
	s7 =	simm.s32 $0x1;
	(pc) =	sbr.rel .LBB1_1-.Ltmp0, $4  }
0xa: {  	_ =	strace $0x80000047;
	s6 =	sshrl.u32 s6, $0x7;
	s7 =	simm.s32 @!p0 $0x0  }
0xb: {  	s9 =	sadd.s32 $0x3000, s2;
	[sflag:s4] =	ssyncpa.u1 $0x0;
	s6 =	sadd.s32 s7, s6  }
0xc: {  	s13 =	smov.u32 s3;
	[sflag:s8] =	ssyncpa.u1 $0x0;
	s6 =	sshll.u32 s6, $0x2  }
0xd: {  	s8 =	sadd.s32 $0x2000, s2;
	s7 =	sadd.s32 $0x1000, s2;
	s10 =	sor.u32 $0x1, s6  }
.LBB1_7:
0xe: {  	s19 =	sadd.s32 $0x80, s12  }
0xf: {  	s16 =	sadd.s32 $0x80, s13;
	s20 =	smov.u32 s13;
	p1 =	sgt.s32 s19, $0x1FF  }
0x10: {  	s20 =	smov.u32 @p1 s16  }
0x11: {  	s22 =	smov.u32 s14;
	s16 =	sadd.s32 $0x40, s14;
	p2 =	sgt.s32 s20, $0x1FF  }
0x12: {  	s22 =	smov.u32 @p2 s16  }
0x13: {  	s19 =	simm.s32 @p1 $0x0;
	p1 =	sgt.s32 s22, $0x3F  }
0x14: {  	p0 =	slt.u32 s15, $0x2;
	s22 =	simm.s32 @p1 $0x0;
	p1 =	sne.s32 s15, s10  }
.Ltmp1:
0x15: {  	s21 =	simm.s32 @!p0 $0x2;
	(pc) =	sbr.rel @!p1 .LBB1_8-.Ltmp1, $4  }
0x16: {  	s18 =	smov.u32 s12;
	_ =	swait.ge @!p0 [sflag:s21], $0x4000  }
0x17: {  	s17 =	smov.u32 s14;
	[sflag:s21] =	ssyncset.done @!p0 $0x0;
	s12 =	smov.u32 s19  }
0x18: {  	s20 =	smov.u32 @p2 s3;
	s16 =	smov.u32 s13;
	[sflag:s21] =	ssyncadd.s32 @!p0 $0xFFFFC000  }
0x19: {  	s13 =	smov.u32 s20;
	s15 =	sadd.s32 $0x1, s15;
	s14 =	smov.u32 s22  }
.LBB1_1:
0x1a: {  	p0 =	sge.u32 s15, s6  }
0x1b: {  	s31 =	sadd.s32 $0xFFFFFFFF, s15;
	s19 =	sshll.u32 @!p0 s13, $0x9;
	s20 =	sshll.u32 @!p0 s12, $0x4  }
0x1c: {  	s21 =	sshll.u32 @!p0 s13, $0x7;
	s19 =	sand.u32 @!p0 $0x3E000, s19;
	s20 =	sand.u32 @!p0 $0x3F800, s20  }
0x1d: {  	s22 =	sshll.u32 @!p0 s12, $0x1;
	s19 =	sadd.s32 @!p0 s19, s20;
	s20 =	sand.u32 @!p0 $0x600, s21  }
0x1e: {  	s21 =	sand.u32 @!p0 $0x100, s21;
	s19 =	sor.u32 @!p0 s20, s19;
	s20 =	sand.u32 @!p0 $0xF0, s22  }
0x1f: {  	s22 =	sxor.u32 @!p0 $0xFFFFFFFF, s15;
	s20 =	sor.u32 @!p0 s21, s20;
	s21 =	sshll.u32 @!p0 s14, $0xE  }
0x20: {  	s19 =	sshrl.u32 @!p0 s19, $0x4;
	s20 =	sshrl.u32 @!p0 s20, $0x4;
	s21 =	sadd.s32 @!p0 s5, s21  }
0x21: {  	s19 =	sand.u32 @!p0 $0x3FE0, s19;
	s20 =	sadd.s32 @!p0 s20, s21;
	s21 =	sand.u32 @!p0 $0x7, s12  }
0x22: {  	s19 =	sadd.s32 @!p0 s19, s20;
	s20 =	sshll.u32 @!p0 s22, $0xE;
	s21 =	sshll.u32 @!p0 s21, $0x12  }
0x23: {  	s22 =	simm.s32 @!p0 $0x20000;
	s20 =	sand.u32 @!p0 $0x4000, s20;
	s21 =	sor.u32 @!p0 $0x100, s21  }
0x24: {  	[tilespmem:s20], [sflag:$0x1] =	stream.strided.gather @!p0 [hbm4b:s19+s21], $0x4000, s22, s21, $0x38;
	[tilespmem:$0x10200] =	vst v63  }
0x25: {  	p0 =	sge.u32 s31, s6  }
.Ltmp2:
0x26: {  	_ = 	snop;
	(pc) =	sbr.rel @p0 .LBB1_7-.Ltmp2, $1  }
0x27: {  	_ =	sdelay $0x3  }
0x28: {  	s20 =	sand.u32 $0x1, s15  }
0x29: {  	s19 =	smul.u32 $0x10400, s20  }
0x2a: {  	_ =	swait.ge [sflag:s4], $0x4000  }
0x2b: {  	s22 =	simm.s32 $0x0;
	[sflag:s4] =	ssyncset.done $0x0;
	s19 =	sshrl.u32 s19, $0x2  }
0x2c: {  	s21 =	sshll.u32 s20, $0xE;
	[sflag:s4] =	ssyncadd.s32 $0xFFFFC000;
	s20 =	sor.u32 $0x8000, s19  }
.LBB1_3:
0x2d: {  	s23 =	sshll.u32 s22, $0x8  }
0x2e: {  	s23 =	sand.u32 $0x3FFFFF00, s23  }
0x2f: {  	s24 =	sadd.s32 s23, s21  }
0x30: {  	v0 =	vmov s24  }
0x31: {  	s31 =	sshll.u32 s22, $0x1  }
0x32: {  	p0 =	por $0x1, $0x1;
	s23 =	sshrl.u32 s31, $0x1;
	s24 =	simm.s32 $0x0  }
.LBB1_4:
0x33: {  	s25 =	sshll.u32 s24, $0x6  }
0x34: {  	s25 =	sand.u32 $0x3FFFFFC0, s25  }
0x35: {  	v1 =	vld.idx.msk [tilespmem:v0+s25+$0x0 ss:$0x1], $0xffff  }
0x36: {  	v2 =	vld.idx.msk [tilespmem:v0+s25+$0x10 ss:$0x1], $0xffff;
	_ =	sdelay $0x1  }
0x37: {  	v3 =	vld.idx.msk [tilespmem:v0+s25+$0x20 ss:$0x1], $0xffff  }
0x38: {  	v4 =	vld.idx.msk [tilespmem:v0+s25+$0x30 ss:$0x1], $0xffff  }
0x39: {  	v6 =	vld.idx.msk [tilespmem:v0+s25+$0x50 ss:$0x1], $0xffff  }
0x3a: {  	s31 =	smul.u32 $0x4100, s24;
	v5 =	vld.idx.msk [tilespmem:v0+s25+$0x40 ss:$0x1], $0xffff;
	v2 =	vperm.xlane.i2c.b16 v2;
	v1 =	vperm.xlane.i2c.b16 v1  }
0x3b: {  	v7 =	vld.idx.msk [tilespmem:v0+s25+$0x60 ss:$0x1], $0xffff  }
0x3c: {  	s24 =	sshra.s32 s31, $0x2;
	v8 =	vcombine.low v1, v2;
	v1 =	vcombine.high v1, v2;
	v2 =	vld.idx.msk [tilespmem:v0+s25+$0x70 ss:$0x1], $0xffff  }
0x3d: {  	s24 =	sadd.s32 s24, s20;
	v4 =	vperm.xlane.i2c.b16 v4;
	v3 =	vperm.xlane.i2c.b16 v3  }
0x3e: {  	s24 =	sadd.s32 s23, s24;
	v6 =	vperm.xlane.i2c.b16 v6  }
0x3f: {  	v5 =	vperm.xlane.i2c.b16 v5;
	v62 =	vcombine.low v3, v4;
	[tilespmem:s24+$0x0 ss:$0x41] =	vst.msk $0xffff, v8  }
0x40: {  	v63 =	vperm.xlane.i2c.b16 v7;
	[tilespmem:s24+$0x1040 ss:$0x41] =	vst.msk $0xffff, v1;
	v1 =	vcombine.high v3, v4  }
0x41: {  	p1 =	por p0, p0;
	[tilespmem:s24+$0x410 ss:$0x41] =	vst.msk $0xffff, v62;
	v3 =	vcombine.low v5, v6;
	v2 =	vperm.xlane.i2c.b16 v2  }
.Ltmp3:
0x42: {  	[tilespmem:s24+$0x1450 ss:$0x41] =	vst.msk $0xffff, v1;
	v1 =	vcombine.high v5, v6;
	(pc) =	sbr.rel @p1 .LBB1_4-.Ltmp3, $4  }
0x43: {  	[tilespmem:s24+$0x820 ss:$0x41] =	vst.msk $0xffff, v3;
	v3 =	vcombine.low v63, v2  }
0x44: {  	[tilespmem:s24+$0x1860 ss:$0x41] =	vst.msk $0xffff, v1;
	v1 =	vcombine.high v63, v2  }
0x45: {  	[tilespmem:s24+$0xC30 ss:$0x41] =	vst.msk $0xffff, v3  }
0x46: {  	p0 =	por $0x0, $0x0;
	[tilespmem:s24+$0x1C70 ss:$0x41] =	vst.msk $0xffff, v1;
	s24 =	simm.s32 $0x2  }
0x47: {  	s22 =	sadd.s32 $0x1, s22  }
0x48: {  	p0 =	sne.s32 s22, $0x40  }
.Ltmp4:
0x49: {  	_ = 	snop;
	(pc) =	sbr.rel @p0 .LBB1_3-.Ltmp4, $1  }
0x4a: {  	_ =	sdelay $0x3  }
0x4b: {  	s18 =	sshll.u32 s18, $0x7;
	s21 =	sshll.u32 s17, $0x4  }
0x4c: {  	s22 =	sand.u32 $0xF800, s18;
	s21 =	sand.u32 $0xF800, s21  }
0x4d: {  	s31 =	sshll.u32 s17, $0x1;
	s18 =	sand.u32 $0x700, s18;
	s21 =	sadd.s32 s21, s22  }
0x4e: {  	s23 =	sand.u32 $0x80, s31;
	s18 =	sor.u32 s18, s21  }
0x4f: {  	s18 =	sor.u32 s23, s18  }
0x50: {  	s24 =	sshrl.u32 s17, $0x3;
	s16 =	sshll.u32 s16, $0xC;
	s18 =	sshrl.u32 s18, $0x4  }
0x51: {  	s25 =	sand.u32 $0x7, s17;
	s21 =	sand.u32 $0x7, s24;
	s18 =	sand.u32 $0xFF8, s18  }
0x52: {  	s17 =	sshll.u32 s25, $0x12;
	s23 =	sadd.s32 s2, s21;
	s26 =	sor.u32 s18, s16  }
0x53: {  	s27 =	sadd.s32 s16, s7;
	s17 =	sor.u32 $0x40, s17;
	s22 =	sadd.s32 s26, s23  }
0x54: {  	[hbm4b:s22+s17] =	stream.strided.scatter [tilespmem:s20], [sflag:$0x2], $0x1000, s11, s17, $0x18;
	[tilespmem:$0x10200] =	vst v63  }
0x55: {  	s20 =	sadd.s32 s21, s27  }
0x56: {  	s28 =	sadd.s32 $0x9040, s19;
	s29 =	sadd.s32 s16, s8;
	s20 =	sadd.s32 s18, s20  }
0x57: {  	[hbm4b:s20+s17] =	stream.strided.scatter [tilespmem:s28], [sflag:$0x2], $0x1000, s11, s17, $0x18;
	[tilespmem:$0x10200] =	vst v63  }
.Ltmp5:
0x58: {  	s16 =	sadd.s32 s16, s9;
	s20 =	sadd.s32 s21, s29;
	(pc) =	sbr.rel .LBB1_7-.Ltmp5, $4  }
0x59: {  	s30 =	sadd.s32 $0xA080, s19;
	s16 =	sadd.s32 s21, s16;
	s20 =	sadd.s32 s18, s20  }
0x5a: {  	[hbm4b:s20+s17] =	stream.strided.scatter [tilespmem:s30], [sflag:$0x2], $0x1000, s11, s17, $0x18;
	[tilespmem:$0x10200] =	vst v63  }
0x5b: {  	s31 =	sadd.s32 $0xB0C0, s19;
	s16 =	sadd.s32 s18, s16  }
0x5c: {  	[hbm4b:s16+s17] =	stream.strided.scatter [tilespmem:s31], [sflag:$0x2], $0x1000, s11, s17, $0x18;
	[tilespmem:$0x10200] =	vst v63  }
.LBB1_8:
0x5d: {  	_ =	sfence.sel $0x180000  }
0x5e: {  	s2 =	simm.s32 $0x1;
	[bflag:$0x0] =	sbarrier.arrive $0xFFFF  }
0x5f: {  	s31 =	simm.s32 $0x2;
	[sflag:s2] =	ssyncpa.u1 $0x1  }
0x60: {  	[sflag:s31] =	ssyncpa.u1 $0x1  }
0x61: {  	p0 =	sne.s32 s0, $0x0;
	_ =	strace $0x90000047  }
0x62: {  	s0 =	sadd.s32 @!p0 $0x100000, s1;
	[bflag:$0x2] =	sbarrier.arrive $0xFFFF  }
0x63: {  	[sflag:s0] =	ssyncadd.tile.s32 @!p0 $0x1;
	_ =	shalt  }
.Lfunc_end1:
_tile_overlayer_lowered:
.L_overlay_start_2:
0x64: {  	(tag) =	ssettag $0x2  }
0x65: {  	s0 =	rddreg [dreg:$0x0];
	s2 =	stileid.u32  }
0x66: {  	s1 =	rddreg [dreg:$0x1];
	p0 =	sne.s32 s2, $0x0  }
0x67: {  	s3 =	rddreg [dreg:$0x2];
	[bflag:$0x3] =	sbarrier.arrive $0xFFFF;
	s2 =	simm.s32 @!p0 $0x1C01  }
0x68: {  	[timem:s3], [sflag:s2] =	dma.local @!p0 [hbm:s0], s1  }
0x69: {  	s0 =	simm.s32 @!p0 $0x1  }
0x6a: {  	_ =	swait.ge @!p0 [sflag:s0], s1  }
0x6b: {  	s1 =	ssub.s32 @!p0 $0x0, s1;
	[sflag:s0] =	ssyncset.done @!p0 $0x0  }
0x6c: {  	[sflag:s0] =	ssyncadd.s32 @!p0 s1  }
0x6d: {  	[bflag:$0x3] =	sbarrier.arrive $0xFFFF  }
0x6e: {  	_ =	shalt  }

// kernel: sparse-core-data-format-call.cloned.1.call-start
scs
called_computation_lowered:
.L_overlay_start_0:
0x0: {  	s2 =	sld [smem:$0x3FD9]  }
0x1: {  	s3 =	sld [smem:$0x3FFE];
	_ =	sdelay $0x1  }
0x2: {  	s1 =	srdreg.scid  }
0x3: {  	s0 =	sand.u32 $0x1, s1  }
0x4: {  	s18 =	sshll.u32 s0, $0xA;
	s2 =	sadd.s32 s3, s2  }
0x5: {  	s2 =	sadd.s32 s2, s18  }
0x6: {  	[smem:$0x3FC5] =	sst s2  }
0x7: {  	_ = 	snop  }
0x8: {  	s2 =	sld [smem:$0x3FD0];
	(tm) =	ssettm $0x1  }
0x9: {  	s19 =	sld [smem:$0x3FFB];
	_ =	sdelay $0x3  }
0xa: {  	_ =	strace s19  }
0xb: {  	s3 =	sld [smem:$0x3FFC];
	_ =	sdelay $0x3  }
0xc: {  	_ =	strace s3  }
0xd: {  	s3 =	sld [smem:$0x3FFD];
	_ =	sdelay $0x3  }
0xe: {  	_ =	strace s3  }
0xf: {  	_ =	strace $0x8FFFFFFF  }
0x10: {  	s20 =	sld [smem:$0x3FDB];
	_ =	sdelay $0x1  }
0x11: {  	s4 =	simm.s32 $_scs_section_size  }
0x12: {  	s5 =	simm.s32 $_size__tile_overlayer_lowered;
	s6 =	simm.s32 $_tile_overlayer_lowered  }
0x13: {  	s23 =	simm.s32 $0x1BFF;
	s22 =	sshll.u32 s6, $0x1;
	s3 =	sadd.s32 s4, s20  }
0x14: {  	s7 =	simm.s32 $0x0;
	s21 =	sshll.u32 s5, $0x1;
	s5 =	sadd.s32 s22, s3  }
0x15: {  	[timem:s7], [sflag:s23] =	dma.local [hbm:s5], s21  }
0x16: {  	_ =	swait.ge [sflag:s23], s21  }
0x17: {  	s4 =	ssub.s32 $0x0, s21;
	[sflag:s23] =	ssyncset.done $0x0  }
0x18: {  	[sflag:s23] =	ssyncadd.s32 s4;
	_ =	sdelay $0x1  }
0x19: {  	s24 =	simm.s32 $0x1B8B  }
0x1a: {  	_ =	swait.ge [sflag:s24], $0x1  }
0x1b: {  	[sflag:s24] =	ssyncset.done $0x0  }
0x1c: {  	s26 =	simm.s32 $0x1B8E;
	s25 =	sld [smem:$0x3FFE];
	[sflag:s24] =	ssyncadd.s32 $0xFFFFFFFF  }
0x1d: {  	s27 =	simm.s32 $execute0_lowered;
	[smem:$0x3FD2] =	sst s26  }
0x1e: {  	s5 =	sshll.u32 s27, $0x1;
	_ =	strace $0x80000049;
	[dreg:$0x1] =	wrdreg $0xFFFFFFFF  }
0x1f: {  	s28 =	simm.s32 $_size_execute0_lowered;
	s3 =	sadd.s32 s3, s5;
	[dreg:$0x0] =	wrdreg $0x0  }
0x20: {  	s5 =	sshll.u32 s28, $0x1;
	[dreg:$0x2] =	wrdreg s3  }
0x21: {  	[dreg:$0x3] =	wrdreg s5  }
0x22: {  	[dreg:$0x4] =	wrdreg $0xC0  }
0x23: {  	_ =	task [dreg:s7], $0x5FFFF  }
0x24: {  	[dreg:$0x1] =	wrdreg $0xFFFFFFFF  }
0x25: {  	[dreg:$0x0] =	wrdreg $0x60  }
0x26: {  	[dreg:$0x2] =	wrdreg s2  }
0x27: {  	[dreg:$0x3] =	wrdreg s25  }
0x28: {  	[dreg:$0x4] =	wrdreg $0x9  }
0x29: {  	_ =	task.clear_ibuf [dreg:s7], $0x5FFFF;
	_ =	strace $0x90000049  }
0x2a: {  	s29 =	simm.s32 $0x9;
	_ =	strace $0x8000004B  }
0x2b: {  	_ =	swait.ge [sflag:s29], $0x1  }
0x2c: {  	[sflag:s29] =	ssyncadd.s32 $0xFFFFFFFF  }
0x2d: {  	_ =	strace $0x9000004B  }
0x2e: {  	_ =	sfence  }
0x2f: {  	s30 =	sld [smem:$0x0];
	_ =	sdelay $0x2  }
0x30: {  	s31 =	sshll.u32 s1, $0xD;
	s1 =	sshrl.u32 s1, $0x2  }
0x31: {  	s3 =	sand.u32 $0x4000, s31;
	s1 =	sadd.s32 s1, s30  }
0x32: {  	s0 =	sor.u32 s3, s0;
	s1 =	sshll.u32 s1, $0x11  }
0x33: {  	s0 =	sor.u32 s1, s0  }
0x34: {  	s0 =	sadd.s32 $0x8F2B, s0  }
0x35: {  	[sflag:s0] =	ssyncadd.remote.s32 $0x1  }
0x36: {  	_ =	sfence.sel $0xFFFF  }
0x37: {  	[dreg:$0x0] =	wrdreg $0xFFFFFFFF;
	(pc) =	sbr.abs _section_cstart, $3  }
0x38: {  	[dreg:$0x1] =	wrdreg $0xFFFFFFFF  }
0x39: {  	_ =	task.clear_ibuf [dreg:s7], $0x2FFFF;
	_ =	strace $0x9FFFFFFF  }
0x3a: {  	(tm) =	ssettm $0x7FFFFFFF  }
0x3b: {  	_ =	shalt  }
tec
execute0_lowered:
.L_overlay_start_1:
0x0: {  	(tag) =	ssettag $0x1  }
0x1: {  	s0 =	srdreg.scid  }
0x2: {  	s1 =	sshll.u32 s0, $0x4  }
0x3: {  	s2 =	rddreg [dreg:$0x0];
	s0 =	stileid.u32;
	s1 =	sand.u32 $0x10, s1  }
0x4: {  	s4 =	rddreg [dreg:$0x1];
	s7 =	simm.s32 $0x1;
	s1 =	sor.u32 s0, s1  }
0x5: {  	s8 =	simm.s32 $0x2;
	s9 =	simm.s32 $0x0;
	s3 =	sshll.u32 s1, $0x4  }
0x6: {  	s12 =	simm.s32 $0x0;
	s11 =	simm.s32 $0x0;
	s6 =	ssub.s32 $0x2000, s3  }
.Ltmp0:
0x7: {  	s4 =	sadd.s32 $0x1C00, s4;
	s5 =	sand.u32 $0x1F0, s6;
	(pc) =	sbr.rel .LBB1_1-.Ltmp0, $4  }
0x8: {  	s1 =	rddreg [dreg:$0x2];
	_ =	strace $0x8000004A;
	p0 =	sne.s32 s5, $0x0  }
0x9: {  	s6 =	sshrl.u32 s6, $0x9;
	s5 =	simm.s32 $0x1;
	s7 =	simm.s32 @!p0 $0x0  }
0xa: {  	s10 =	smov.u32 s3;
	[sflag:s5] =	ssyncpa.u1 $0x0;
	s6 =	sadd.s32 s7, s6  }
0xb: {  	[sflag:s8] =	ssyncpa.u1 $0x0;
	s8 =	simm.s32 $0x0;
	s7 =	sadd.s32 $0x1, s6  }
.LBB1_7:
0xc: {  	s14 =	sadd.s32 $0x200, s10  }
0xd: {  	p1 =	sgt.s32 s14, $0x1FFF  }
0xe: {  	s14 =	smov.u32 @p1 s3;
	p1 =	sne.s32 s11, s7  }
.Ltmp1:
0xf: {  	p0 =	slt.u32 s11, $0x2;
	(pc) =	sbr.rel @!p1 .LBB1_8-.Ltmp1, $4  }
0x10: {  	s13 =	simm.s32 @!p0 $0x2  }
0x11: {  	s15 =	sadd.s32 $0x1, s11;
	_ =	swait.ge @!p0 [sflag:s13], $0x4000  }
0x12: {  	s12 =	smov.u32 s10;
	s9 =	sadd.s32 $0x8000, s9;
	[sflag:s13] =	ssyncset.done @!p0 $0x0  }
0x13: {  	s11 =	smov.u32 s15;
	s10 =	smov.u32 s14;
	[sflag:s13] =	ssyncadd.s32 @!p0 $0xFFFFC000  }
.LBB1_1:
0x14: {  	p0 =	sge.u32 s11, s6  }
0x15: {  	s13 =	sxor.u32 @!p0 $0xFFFFFFFF, s11  }
0x16: {  	s31 =	sadd.s32 $0xFFFFFFFF, s11;
	s14 =	sshll.u32 @!p0 s10, $0x7;
	s13 =	sshll.u32 @!p0 s13, $0xE  }
0x17: {  	s15 =	simm.s32 @!p0 $0x0;
	s14 =	sadd.s32 @!p0 s2, s14;
	s13 =	sand.u32 @!p0 $0x4000, s13  }
0x18: {  	[tilespmem:s13], [sflag:$0x1] =	stream.linear.gather @!p0 [hbm4b:s14+s15], $0x4000, $0x38;
	[tilespmem:$0x10000] =	vst v63  }
0x19: {  	p0 =	sge.u32 s31, s6  }
.Ltmp2:
0x1a: {  	_ = 	snop;
	(pc) =	sbr.rel @p0 .LBB1_7-.Ltmp2, $1  }
0x1b: {  	_ =	sdelay $0x3  }
0x1c: {  	s13 =	sshrl.u32 s9, $0x1;
	_ =	swait.ge [sflag:s5], $0x4000  }
0x1d: {  	s15 =	sshll.u32 s11, $0xE;
	s16 =	simm.s32 $0x0;
	s14 =	sand.u32 $0x4000, s13  }
0x1e: {  	[sflag:s5] =	ssyncset.done $0x0;
	s15 =	sand.u32 $0x4000, s15;
	s13 =	sor.u32 $0x200, s14  }
0x1f: {  	s14 =	sor.u32 $0x8080, s14;
	[sflag:s5] =	ssyncadd.s32 $0xFFFFC000;
	s15 =	sor.u32 $0x8000, s15  }
.LBB1_3:
0x20: {  	v0 =	vld [tilespmem:s13+$0xFFFFFE70]  }
0x21: {  	v1 =	vld [tilespmem:s13+$0x70]  }
0x22: {  	v2 =	vld [tilespmem:s13+$0x0]  }
0x23: {  	v3 =	vld [tilespmem:s13+$0xFFFFFE10]  }
0x24: {  	v4 =	vld [tilespmem:s13+$0x10]  }
0x25: {  	v5 =	vld [tilespmem:s13+$0xFFFFFE20]  }
0x26: {  	v7 =	vld [tilespmem:s13+$0x20]  }
0x27: {  	v11 =	vld [tilespmem:s13+$0x30];
	v6 =	vunpack.i.l.s16.s32 v0;
	v8 =	vunpack.i.u.s16.s32 v0;
	v9 =	vunpack.i.u.s16.s32 v1  }
0x28: {  	v10 =	vunpack.i.l.s16.s32 v1;
	v0 =	vunpack.i.u.s16.s32 v2;
	v1 =	vunpack.i.l.s16.s32 v2;
	v2 =	vld [tilespmem:s13+$0xFFFFFE30]  }
0x29: {  	v8 =	vpack.i.b32.b16 v9, v8;
	v9 =	vunpack.i.u.s16.s32 v3;
	v3 =	vunpack.i.l.s16.s32 v3  }
0x2a: {  	v12 =	vld [tilespmem:s13+$0xFFFFFE40];
	v6 =	vpack.i.b32.b16 v10, v6;
	[tilespmem:s14+$0x70] =	vst v8;
	v8 =	vunpack.i.u.s16.s32 v4;
	v4 =	vunpack.i.l.s16.s32 v4  }
0x2b: {  	v13 =	vld [tilespmem:s13+$0x40];
	v10 =	vunpack.i.u.s16.s32 v5;
	v5 =	vunpack.i.l.s16.s32 v5;
	[tilespmem:s14+$0xFFFFFFF0] =	vst v6;
	v3 =	vpack.i.b32.b16 v4, v3  }
0x2c: {  	v6 =	vunpack.i.l.s16.s32 v7;
	v4 =	vld [tilespmem:s13+$0xFFFFFE50];
	[tilespmem:s14+$0xFFFFFF90] =	vst v3;
	v3 =	vpack.i.b32.b16 v8, v9;
	v8 =	vunpack.i.u.s16.s32 v7  }
0x2d: {  	v7 =	vunpack.i.l.s16.s32 v11;
	[tilespmem:s14+$0x10] =	vst v3;
	v3 =	vpack.i.b32.b16 v6, v5;
	v9 =	vunpack.i.u.s16.s32 v2;
	v6 =	vld [tilespmem:s13+$0x50]  }
0x2e: {  	v5 =	vunpack.i.l.s16.s32 v2;
	v2 =	vld [tilespmem:s13+$0xFFFFFE60];
	[tilespmem:s14+$0xFFFFFFA0] =	vst v3;
	v3 =	vpack.i.b32.b16 v8, v10;
	v10 =	vunpack.i.u.s16.s32 v11  }
0x2f: {  	s19 =	simm.s32 $0x0;
	v11 =	vpack.i.b32.b16 v7, v5;
	v7 =	vunpack.i.u.s16.s32 v12;
	v8 =	vunpack.i.l.s16.s32 v12;
	[tilespmem:s14+$0x20] =	vst v3;
	v3 =	vld [tilespmem:s13+$0x60]  }
0x30: {  	s20 =	sadd.s32 $0x80, s13;
	s18 =	smov.u32 s14;
	s17 =	smov.u32 s14;
	v5 =	vld [tilespmem:s13+$0xFFFFFE00];
	[tilespmem:s14+$0xFFFFFFB0] =	vst v11;
	v10 =	vpack.i.b32.b16 v10, v9;
	v9 =	vunpack.i.u.s16.s32 v13;
	v11 =	vunpack.i.l.s16.s32 v13  }
.LBB1_4:
0x31: {  	v12 =	vld [tilespmem:s20+$0xFFFFFE70];
	[tilespmem:s18+$0x30] =	vst v10;
	v8 =	vpack.i.b32.b16 v11, v8;
	v10 =	vunpack.i.u.s16.s32 v4;
	v4 =	vunpack.i.l.s16.s32 v4  }
0x32: {  	s19 =	sadd.s32 $0x2, s19;
	v7 =	vpack.i.b32.b16 v9, v7;
	v11 =	vld [tilespmem:s20+$0x70];
	[tilespmem:s18+$0xFFFFFFC0] =	vst v8;
	v8 =	vunpack.i.u.s16.s32 v6;
	v6 =	vunpack.i.l.s16.s32 v6  }
0x33: {  	p0 =	slt.u32 s19, $0x6;
	v9 =	vld [tilespmem:s20+$0x0];
	[tilespmem:s18+$0x40] =	vst v7;
	v4 =	vpack.i.b32.b16 v6, v4;
	v6 =	vunpack.i.u.s16.s32 v2;
	v2 =	vunpack.i.l.s16.s32 v2  }
0x34: {  	v7 =	vld [tilespmem:s20+$0xFFFFFE10];
	[tilespmem:s18+$0xFFFFFFD0] =	vst v4;
	v4 =	vpack.i.b32.b16 v8, v10;
	v8 =	vunpack.i.u.s16.s32 v3;
	v3 =	vunpack.i.l.s16.s32 v3  }
0x35: {  	v10 =	vld [tilespmem:s20+$0x10];
	v13 =	vunpack.i.u.s16.s32 v5;
	v5 =	vunpack.i.l.s16.s32 v5;
	[tilespmem:s18+$0x50] =	vst v4;
	v2 =	vpack.i.b32.b16 v3, v2  }
0x36: {  	v3 =	vld [tilespmem:s20+$0xFFFFFE20];
	v4 =	vunpack.i.l.s16.s32 v12;
	v1 =	vpack.i.b32.b16 v1, v5;
	v5 =	vpack.i.b32.b16 v0, v13;
	[tilespmem:s18+$0xFFFFFFE0] =	vst v2  }
0x37: {  	v12 =	vunpack.i.u.s16.s32 v12;
	v2 =	vld [tilespmem:s20+$0x20];
	v13 =	vunpack.i.u.s16.s32 v11;
	v11 =	vunpack.i.l.s16.s32 v11;
	[tilespmem:s18+$0xFFFFFF80] =	vst v1  }
0x38: {  	s18 =	sadd.s32 $0x100, s18;
	v0 =	vunpack.i.u.s16.s32 v9;
	v1 =	vunpack.i.l.s16.s32 v9;
	v9 =	vld [tilespmem:s20+$0xFFFFFE30];
	v12 =	vpack.i.b32.b16 v13, v12;
	[tilespmem:s17+$0x0] =	vst v5  }
0x39: {  	v6 =	vpack.i.b32.b16 v8, v6;
	v5 =	vunpack.i.u.s16.s32 v7;
	v7 =	vunpack.i.l.s16.s32 v7;
	v13 =	vld [tilespmem:s20+$0x30];
	[tilespmem:s18+$0x70] =	vst v12  }
0x3a: {  	v4 =	vpack.i.b32.b16 v11, v4;
	v8 =	vunpack.i.u.s16.s32 v10;
	v10 =	vunpack.i.l.s16.s32 v10;
	v12 =	vld [tilespmem:s20+$0xFFFFFE40];
	[tilespmem:s17+$0x60] =	vst v6;
	s17 =	smov.u32 s18  }
0x3b: {  	v6 =	vpack.i.b32.b16 v10, v7;
	v7 =	vunpack.i.u.s16.s32 v3;
	v3 =	vunpack.i.l.s16.s32 v3;
	v11 =	vld [tilespmem:s20+$0x40];
	[tilespmem:s18+$0xFFFFFFF0] =	vst v4  }
.Ltmp3:
0x3c: {  	v5 =	vpack.i.b32.b16 v8, v5;
	[tilespmem:s18+$0xFFFFFF90] =	vst v6;
	v8 =	vunpack.i.u.s16.s32 v2;
	v2 =	vunpack.i.l.s16.s32 v2;
	v4 =	vld [tilespmem:s20+$0xFFFFFE50];
	(pc) =	sbr.rel @p0 .LBB1_4-.Ltmp3, $4  }
0x3d: {  	[tilespmem:s18+$0x10] =	vst v5;
	v2 =	vpack.i.b32.b16 v2, v3;
	v10 =	vunpack.i.u.s16.s32 v9;
	v3 =	vunpack.i.l.s16.s32 v9;
	v6 =	vld [tilespmem:s20+$0x50]  }
0x3e: {  	v5 =	vpack.i.b32.b16 v8, v7;
	[tilespmem:s18+$0xFFFFFFA0] =	vst v2;
	v9 =	vunpack.i.u.s16.s32 v13;
	v7 =	vunpack.i.l.s16.s32 v13;
	v2 =	vld [tilespmem:s20+$0xFFFFFE60]  }
0x3f: {  	[tilespmem:s18+$0x20] =	vst v5;
	v13 =	vpack.i.b32.b16 v7, v3;
	v7 =	vunpack.i.u.s16.s32 v12;
	v8 =	vunpack.i.l.s16.s32 v12;
	v3 =	vld [tilespmem:s20+$0x60]  }
0x40: {  	v10 =	vpack.i.b32.b16 v9, v10;
	v5 =	vld [tilespmem:s20+$0xFFFFFE00];
	[tilespmem:s18+$0xFFFFFFB0] =	vst v13;
	v9 =	vunpack.i.u.s16.s32 v11;
	v11 =	vunpack.i.l.s16.s32 v11;
	s20 =	sadd.s32 $0x80, s20  }
0x41: {  	[tilespmem:s18+$0x30] =	vst v10;
	v8 =	vpack.i.b32.b16 v11, v8  }
0x42: {  	v51 =	vunpack.i.l.s16.s32 v4;
	v7 =	vpack.i.b32.b16 v9, v7;
	[tilespmem:s18+$0xFFFFFFC0] =	vst v8;
	v52 =	vunpack.i.l.s16.s32 v6  }
0x43: {  	v53 =	vunpack.i.u.s16.s32 v4;
	s16 =	sadd.s32 $0x1, s16;
	v54 =	vunpack.i.u.s16.s32 v6;
	[tilespmem:s18+$0x40] =	vst v7;
	v55 =	vpack.i.b32.b16 v52, v51  }
0x44: {  	p0 =	sne.s32 s16, $0x10;
	v56 =	vunpack.i.l.s16.s32 v2;
	v4 =	vpack.i.b32.b16 v54, v53;
	[tilespmem:s18+$0xFFFFFFD0] =	vst v55;
	v57 =	vunpack.i.l.s16.s32 v3  }
.Ltmp4:
0x45: {  	[tilespmem:s18+$0x50] =	vst v4;
	v58 =	vunpack.i.l.s16.s32 v5;
	v59 =	vpack.i.b32.b16 v57, v56;
	(pc) =	sbr.rel @p0 .LBB1_3-.Ltmp4, $4  }
0x46: {  	v61 =	vunpack.i.u.s16.s32 v2;
	v62 =	vunpack.i.u.s16.s32 v3;
	v1 =	vpack.i.b32.b16 v1, v58;
	[tilespmem:s18+$0xFFFFFFE0] =	vst v59  }
0x47: {  	v60 =	vunpack.i.u.s16.s32 v5;
	v63 =	vpack.i.b32.b16 v62, v61;
	[tilespmem:s18+$0xFFFFFF80] =	vst v1  }
0x48: {  	v0 =	vpack.i.b32.b16 v0, v60;
	[tilespmem:s17+$0x60] =	vst v63  }
0x49: {  	s13 =	sadd.s32 $0x400, s13;
	s14 =	sadd.s32 $0x400, s14;
	[tilespmem:s17+$0x0] =	vst v0  }
.Ltmp5:
0x4a: {  	(pc) =	sbr.rel .LBB1_7-.Ltmp5, $4  }
0x4b: {  	_ = 	snop  }
0x4c: {  	s12 =	sshll.u32 s12, $0x7  }
0x4d: {  	s12 =	sadd.s32 s4, s12  }
0x4e: {  	[hbm4b:s12+s8] =	stream.linear.scatter [tilespmem:s15], [sflag:$0x2], $0x4000, $0x38;
	[tilespmem:$0x10000] =	vst v63  }
.LBB1_8:
0x4f: {  	_ =	sfence.sel $0x180000  }
0x50: {  	s2 =	simm.s32 $0x1;
	[bflag:$0x0] =	sbarrier.arrive $0xFFFF  }
0x51: {  	s31 =	simm.s32 $0x2;
	[sflag:s2] =	ssyncpa.u1 $0x1  }
0x52: {  	[sflag:s31] =	ssyncpa.u1 $0x1  }
0x53: {  	p0 =	sne.s32 s0, $0x0;
	_ =	strace $0x9000004A  }
0x54: {  	s0 =	sadd.s32 @!p0 $0x100000, s1;
	[bflag:$0x2] =	sbarrier.arrive $0xFFFF  }
0x55: {  	[sflag:s0] =	ssyncadd.tile.s32 @!p0 $0x1;
	_ =	shalt  }
.Lfunc_end1:
_tile_overlayer_lowered:
.L_overlay_start_2:
0x56: {  	(tag) =	ssettag $0x2  }
0x57: {  	s0 =	rddreg [dreg:$0x0];
	s2 =	stileid.u32  }
0x58: {  	s1 =	rddreg [dreg:$0x1];
	p0 =	sne.s32 s2, $0x0  }
0x59: {  	s3 =	rddreg [dreg:$0x2];
	[bflag:$0x3] =	sbarrier.arrive $0xFFFF;
	s2 =	simm.s32 @!p0 $0x1C01  }
0x5a: {  	[timem:s3], [sflag:s2] =	dma.local @!p0 [hbm:s0], s1  }
0x5b: {  	s0 =	simm.s32 @!p0 $0x1  }
0x5c: {  	_ =	swait.ge @!p0 [sflag:s0], s1  }
0x5d: {  	s1 =	ssub.s32 @!p0 $0x0, s1;
	[sflag:s0] =	ssyncset.done @!p0 $0x0  }
0x5e: {  	[sflag:s0] =	ssyncadd.s32 @!p0 s1  }
0x5f: {  	[bflag:$0x3] =	sbarrier.arrive $0xFFFF  }
0x60: {  	_ =	shalt  }

</sc_bundles>
